<compile_context>
chip_gen: v7x
topology: tpu7x:2x2x1
jax: 0.10.2.dev20260603
libtpu: 0.0.44.dev20260713+nightly
codegen_flags: <defaults>
</compile_context>

<pallas_src>
import functools

import jax
import jax.numpy as jnp
from jax import lax
from jax.experimental import pallas as pl
from jax.experimental.pallas import tpu as pltpu
from jax.experimental.pallas import tpu_sc as plsc

_NF = 26
_V = 1000000
_B = 16384
_NW = 32
_BPW = _B // _NW
_L = 16
_CH = 128
_NCH = _BPW // _CH
_NC = _BPW // _L


def _tanh16(x):
    e = jnp.exp(2.0 * x)
    return (e - 1.0) / (e + 1.0)


_mesh = plsc.VectorSubcoreMesh(core_axis_name="c", subcore_axis_name="s")


@functools.partial(
    pl.kernel,
    mesh=_mesh,
    compiler_params=pltpu.CompilerParams(use_tc_tiling_on_sc=False),
    out_type=jax.ShapeDtypeStruct((_B,), jnp.float32),
    scratch_types=[
        pltpu.VMEM((_NF, _L), jnp.float32),
        pltpu.VMEM((_NF * _BPW,), jnp.int32),
        pltpu.VMEM((_NF * _BPW,), jnp.float32),
        pltpu.VMEM((_BPW,), jnp.float32),
        pltpu.SemaphoreType.DMA,
        pltpu.SemaphoreType.DMA,
        pltpu.SemaphoreType.DMA,
    ],
)
def _sc_linear(xt_hbm, *rest):
    tabs = rest[:_NF]
    a_hbm = rest[_NF]
    out_hbm = rest[_NF + 1]
    wv, iv, vv, acc, sem, g0, g1 = rest[_NF + 2:]
    cid = lax.axis_index("c")
    sid = lax.axis_index("s")
    wid = sid * 2 + cid
    base = wid * _BPW
    gsems = (g0, g1)

    stage = []
    for f in range(_NF):
        stage.append(
            pltpu.async_copy(xt_hbm.at[f, wid], iv.at[pl.ds(f * _BPW, _BPW)], sem)
        )
    pltpu.sync_copy(a_hbm, wv)
    for f in range(_NF):
        wv[f] = _tanh16(wv[f])

    def _fire(f):
        cps = []
        for j in range(_NCH):
            s = pl.ds(f * _BPW + j * _CH, _CH)
            cps.append(pltpu.async_copy(tabs[f].at[iv.at[s]], vv.at[s], gsems[f % 2]))
        return cps

    def _accum(f):
        wf = wv[f]
        if f == 0:
            def body0(c, _):
                s = pl.ds(c * _L, _L)
                acc[s] = vv[s] * wf
                return 0

            lax.fori_loop(0, _NC, body0, 0)
        else:
            def body(c, _):
                s = pl.ds(c * _L, _L)
                acc[s] = acc[s] + vv[pl.ds(f * _BPW + c * _L, _L)] * wf
                return 0

            lax.fori_loop(0, _NC, body, 0)

    gcps = None
    for f in range(_NF):
        stage[f].wait()
        nxt = _fire(f)
        if gcps is not None:
            for cp in gcps:
                cp.wait()
            _accum(f - 1)
        gcps = nxt
    for cp in gcps:
        cp.wait()
    _accum(_NF - 1)

    pltpu.sync_copy(acc, out_hbm.at[pl.ds(base, _BPW)])


def kernel(X, tables, alpha):
    xt = X.T.reshape(_NF, _NW, _BPW)
    a_b = jnp.broadcast_to(alpha[:, None], (_NF, _L))
    tabs = [tables[f, :, 0] for f in range(_NF)]
    out = _sc_linear(xt, *tabs, a_b)
    return out.reshape(_B, 1)

# --- scband reference (transcript-rebuilt; emitter-appended) ---
"""Pipeline reference for scband-normalized-weighted-linear-layer-65438121722099 (READ-ONLY COPY).

The authoritative reference and input builder live on the scoring server;
editing this copy changes nothing except your own understanding.
"""

import jax, jax.numpy as jnp
import numpy as np

N_FIELDS = 26
VOCAB = 1000000
BATCH = 16384

def setup_inputs(seed: int = 0) -> dict:
    key = jax.random.key(seed)
    k1, k2, k3 = jax.random.split(key, 3)
    X = jax.random.randint(k1, (BATCH, N_FIELDS), 0, VOCAB, dtype=jnp.int32)
    # one embedding table per field, embedding_dim=1, init_std=0.001 (stacked: [n_fields, vocab, 1])
    tables = jax.random.normal(k2, (N_FIELDS, VOCAB, 1), dtype=jnp.float32) * 0.001
    # structure param alpha: uniform(0.5 - 0.001, 0.5 + 0.001), length n_fields
    alpha = jax.random.uniform(k3, (N_FIELDS,), dtype=jnp.float32, minval=0.499, maxval=0.501)
    return {"X": X, "tables": tables, "alpha": alpha}

def reference(X, tables, alpha):
    # per-field embedding lookup: emulate dict of per-field tables via offset gather into flattened table
    flat = tables.reshape(N_FIELDS * VOCAB, 1)
    offsets = jnp.arange(N_FIELDS, dtype=X.dtype) * VOCAB
    idx = X + offsets[None, :]
    emb = jnp.take(flat, idx, axis=0)            # [B, n_fields, 1] == torch.cat(embedding_list, dim=1)
    emb = jnp.squeeze(emb, axis=-1)              # [B, n_fields]
    linear_logit = jnp.sum(emb * jnp.tanh(alpha), axis=-1, keepdims=True)  # [B, 1]
    return linear_logit

if __name__ == "__main__":
    import jax
    _d = setup_inputs()
    print(jax.jit(kernel)(*tuple(_d.values())))

</pallas_src>

<mosaic_0001>
#map = affine_map<(d0, d1) -> (0, 0, 0)>
#map1 = affine_map<(d0, d1) -> (0)>
#map2 = affine_map<(d0, d1) -> (0, 0)>
module attributes {stable_mosaic.version = 14 : i64} {
  func.func @_sc_linear(%arg0: i32, %arg1: i32, %arg2: memref<26x32x512xi32, #tpu.memory_space<hbm>>, %arg3: memref<1000000xf32, #tpu.memory_space<hbm>>, %arg4: memref<1000000xf32, #tpu.memory_space<hbm>>, %arg5: memref<1000000xf32, #tpu.memory_space<hbm>>, %arg6: memref<1000000xf32, #tpu.memory_space<hbm>>, %arg7: memref<1000000xf32, #tpu.memory_space<hbm>>, %arg8: memref<1000000xf32, #tpu.memory_space<hbm>>, %arg9: memref<1000000xf32, #tpu.memory_space<hbm>>, %arg10: memref<1000000xf32, #tpu.memory_space<hbm>>, %arg11: memref<1000000xf32, #tpu.memory_space<hbm>>, %arg12: memref<1000000xf32, #tpu.memory_space<hbm>>, %arg13: memref<1000000xf32, #tpu.memory_space<hbm>>, %arg14: memref<1000000xf32, #tpu.memory_space<hbm>>, %arg15: memref<1000000xf32, #tpu.memory_space<hbm>>, %arg16: memref<1000000xf32, #tpu.memory_space<hbm>>, %arg17: memref<1000000xf32, #tpu.memory_space<hbm>>, %arg18: memref<1000000xf32, #tpu.memory_space<hbm>>, %arg19: memref<1000000xf32, #tpu.memory_space<hbm>>, %arg20: memref<1000000xf32, #tpu.memory_space<hbm>>, %arg21: memref<1000000xf32, #tpu.memory_space<hbm>>, %arg22: memref<1000000xf32, #tpu.memory_space<hbm>>, %arg23: memref<1000000xf32, #tpu.memory_space<hbm>>, %arg24: memref<1000000xf32, #tpu.memory_space<hbm>>, %arg25: memref<1000000xf32, #tpu.memory_space<hbm>>, %arg26: memref<1000000xf32, #tpu.memory_space<hbm>>, %arg27: memref<1000000xf32, #tpu.memory_space<hbm>>, %arg28: memref<1000000xf32, #tpu.memory_space<hbm>>, %arg29: memref<26x16xf32, #tpu.memory_space<hbm>>, %arg30: memref<16384xf32, #tpu.memory_space<hbm>>, %arg31: memref<26x16xf32, #tpu.memory_space<vmem>>, %arg32: memref<13312xi32, #tpu.memory_space<vmem>>, %arg33: memref<13312xf32, #tpu.memory_space<vmem>>, %arg34: memref<512xf32, #tpu.memory_space<vmem>>, %arg35: memref<!tpu.dma_semaphore, #tpu.memory_space<semaphore_mem>>, %arg36: memref<!tpu.dma_semaphore, #tpu.memory_space<semaphore_mem>>, %arg37: memref<!tpu.dma_semaphore, #tpu.memory_space<semaphore_mem>>) attributes {dimension_semantics = [#tpu.dimension_semantics<core_parallel>, #tpu.dimension_semantics<subcore_parallel>], iteration_bounds = array<i64: 2, 16>, scalar_prefetch = 0 : i64, scratch_operands = 7 : i64, tpu.core_type = #tpu.core_type<sc_vector_subcore>, window_params = [{transform_indices = #map}, {transform_indices = #map1}, {transform_indices = #map1}, {transform_indices = #map1}, {transform_indices = #map1}, {transform_indices = #map1}, {transform_indices = #map1}, {transform_indices = #map1}, {transform_indices = #map1}, {transform_indices = #map1}, {transform_indices = #map1}, {transform_indices = #map1}, {transform_indices = #map1}, {transform_indices = #map1}, {transform_indices = #map1}, {transform_indices = #map1}, {transform_indices = #map1}, {transform_indices = #map1}, {transform_indices = #map1}, {transform_indices = #map1}, {transform_indices = #map1}, {transform_indices = #map1}, {transform_indices = #map1}, {transform_indices = #map1}, {transform_indices = #map1}, {transform_indices = #map1}, {transform_indices = #map1}, {transform_indices = #map2}, {transform_indices = #map1}]} {
    %mul3A = arith.constant 2 : i32
    %mul3A_0 = arith.muli %arg1, %mul3A : i32
    %add3A = arith.addi %mul3A_0, %arg0 : i32
    %mul3A_1 = arith.constant 512 : i32
    %mul3A_2 = arith.muli %add3A, %mul3A_1 : i32
    %dma_start3A = arith.constant 0 : i32
    %dma_start3A_3 = arith.constant 0 : i32
    %dma_start3A_4 = tpu.memref_slice %arg32[%dma_start3A_3] : memref<13312xi32, #tpu.memory_space<vmem>> -> memref<512xi32, #tpu.memory_space<vmem>>
    %dma_start3A_5 = arith.constant 0 : i32
    %dma_start3A_6 = tpu.memref_slice %arg2[%dma_start3A, %add3A, %dma_start3A_5] : memref<26x32x512xi32, #tpu.memory_space<hbm>> -> memref<1x1x512xi32, #tpu.memory_space<hbm>>
    %dma_start3A_7 = tpu.memref_squeeze %dma_start3A_6 : memref<1x1x512xi32, #tpu.memory_space<hbm>> -> memref<512xi32, #tpu.memory_space<hbm>>
    %dma_start3A_8 = arith.constant 0 : i32
    %dma_start3A_9 = tpu.memref_slice %arg32[%dma_start3A_8] : memref<13312xi32, #tpu.memory_space<vmem>> -> memref<512xi32, #tpu.memory_space<vmem>>
    %dma_start3A_10 = arith.constant 0 : i32
    %dma_start3A_11 = tpu.memref_slice %arg2[%dma_start3A, %add3A, %dma_start3A_10] : memref<26x32x512xi32, #tpu.memory_space<hbm>> -> memref<1x1x512xi32, #tpu.memory_space<hbm>>
    %dma_start3A_12 = tpu.memref_squeeze %dma_start3A_11 : memref<1x1x512xi32, #tpu.memory_space<hbm>> -> memref<512xi32, #tpu.memory_space<hbm>>
    tpu.enqueue_dma source(%dma_start3A_12 : memref<512xi32, #tpu.memory_space<hbm>>) target(%dma_start3A_9 : memref<512xi32, #tpu.memory_space<vmem>>) target_semaphore(%arg35 : memref<!tpu.dma_semaphore, #tpu.memory_space<semaphore_mem>>)
    %dma_start3A_13 = arith.constant 1 : i32
    %dma_start3A_14 = arith.constant 512 : i32
    %dma_start3A_15 = tpu.memref_slice %arg32[%dma_start3A_14] : memref<13312xi32, #tpu.memory_space<vmem>> -> memref<512xi32, #tpu.memory_space<vmem>>
    %dma_start3A_16 = arith.constant 0 : i32
    %dma_start3A_17 = tpu.memref_slice %arg2[%dma_start3A_13, %add3A, %dma_start3A_16] : memref<26x32x512xi32, #tpu.memory_space<hbm>> -> memref<1x1x512xi32, #tpu.memory_space<hbm>>
    %dma_start3A_18 = tpu.memref_squeeze %dma_start3A_17 : memref<1x1x512xi32, #tpu.memory_space<hbm>> -> memref<512xi32, #tpu.memory_space<hbm>>
    %dma_start3A_19 = arith.constant 512 : i32
    %dma_start3A_20 = tpu.memref_slice %arg32[%dma_start3A_19] : memref<13312xi32, #tpu.memory_space<vmem>> -> memref<512xi32, #tpu.memory_space<vmem>>
    %dma_start3A_21 = arith.constant 0 : i32
    %dma_start3A_22 = tpu.memref_slice %arg2[%dma_start3A_13, %add3A, %dma_start3A_21] : memref<26x32x512xi32, #tpu.memory_space<hbm>> -> memref<1x1x512xi32, #tpu.memory_space<hbm>>
    %dma_start3A_23 = tpu.memref_squeeze %dma_start3A_22 : memref<1x1x512xi32, #tpu.memory_space<hbm>> -> memref<512xi32, #tpu.memory_space<hbm>>
    tpu.enqueue_dma source(%dma_start3A_23 : memref<512xi32, #tpu.memory_space<hbm>>) target(%dma_start3A_20 : memref<512xi32, #tpu.memory_space<vmem>>) target_semaphore(%arg35 : memref<!tpu.dma_semaphore, #tpu.memory_space<semaphore_mem>>)
    %dma_start3A_24 = arith.constant 2 : i32
    %dma_start3A_25 = arith.constant 1024 : i32
    %dma_start3A_26 = tpu.memref_slice %arg32[%dma_start3A_25] : memref<13312xi32, #tpu.memory_space<vmem>> -> memref<512xi32, #tpu.memory_space<vmem>>
    %dma_start3A_27 = arith.constant 0 : i32
    %dma_start3A_28 = tpu.memref_slice %arg2[%dma_start3A_24, %add3A, %dma_start3A_27] : memref<26x32x512xi32, #tpu.memory_space<hbm>> -> memref<1x1x512xi32, #tpu.memory_space<hbm>>
    %dma_start3A_29 = tpu.memref_squeeze %dma_start3A_28 : memref<1x1x512xi32, #tpu.memory_space<hbm>> -> memref<512xi32, #tpu.memory_space<hbm>>
    %dma_start3A_30 = arith.constant 1024 : i32
    %dma_start3A_31 = tpu.memref_slice %arg32[%dma_start3A_30] : memref<13312xi32, #tpu.memory_space<vmem>> -> memref<512xi32, #tpu.memory_space<vmem>>
    %dma_start3A_32 = arith.constant 0 : i32
    %dma_start3A_33 = tpu.memref_slice %arg2[%dma_start3A_24, %add3A, %dma_start3A_32] : memref<26x32x512xi32, #tpu.memory_space<hbm>> -> memref<1x1x512xi32, #tpu.memory_space<hbm>>
    %dma_start3A_34 = tpu.memref_squeeze %dma_start3A_33 : memref<1x1x512xi32, #tpu.memory_space<hbm>> -> memref<512xi32, #tpu.memory_space<hbm>>
    tpu.enqueue_dma source(%dma_start3A_34 : memref<512xi32, #tpu.memory_space<hbm>>) target(%dma_start3A_31 : memref<512xi32, #tpu.memory_space<vmem>>) target_semaphore(%arg35 : memref<!tpu.dma_semaphore, #tpu.memory_space<semaphore_mem>>)
    %dma_start3A_35 = arith.constant 3 : i32
    %dma_start3A_36 = arith.constant 1536 : i32
    %dma_start3A_37 = tpu.memref_slice %arg32[%dma_start3A_36] : memref<13312xi32, #tpu.memory_space<vmem>> -> memref<512xi32, #tpu.memory_space<vmem>>
    %dma_start3A_38 = arith.constant 0 : i32
    %dma_start3A_39 = tpu.memref_slice %arg2[%dma_start3A_35, %add3A, %dma_start3A_38] : memref<26x32x512xi32, #tpu.memory_space<hbm>> -> memref<1x1x512xi32, #tpu.memory_space<hbm>>
    %dma_start3A_40 = tpu.memref_squeeze %dma_start3A_39 : memref<1x1x512xi32, #tpu.memory_space<hbm>> -> memref<512xi32, #tpu.memory_space<hbm>>
    %dma_start3A_41 = arith.constant 1536 : i32
    %dma_start3A_42 = tpu.memref_slice %arg32[%dma_start3A_41] : memref<13312xi32, #tpu.memory_space<vmem>> -> memref<512xi32, #tpu.memory_space<vmem>>
    %dma_start3A_43 = arith.constant 0 : i32
    %dma_start3A_44 = tpu.memref_slice %arg2[%dma_start3A_35, %add3A, %dma_start3A_43] : memref<26x32x512xi32, #tpu.memory_space<hbm>> -> memref<1x1x512xi32, #tpu.memory_space<hbm>>
    %dma_start3A_45 = tpu.memref_squeeze %dma_start3A_44 : memref<1x1x512xi32, #tpu.memory_space<hbm>> -> memref<512xi32, #tpu.memory_space<hbm>>
    tpu.enqueue_dma source(%dma_start3A_45 : memref<512xi32, #tpu.memory_space<hbm>>) target(%dma_start3A_42 : memref<512xi32, #tpu.memory_space<vmem>>) target_semaphore(%arg35 : memref<!tpu.dma_semaphore, #tpu.memory_space<semaphore_mem>>)
    %dma_start3A_46 = arith.constant 4 : i32
    %dma_start3A_47 = arith.constant 2048 : i32
    %dma_start3A_48 = tpu.memref_slice %arg32[%dma_start3A_47] : memref<13312xi32, #tpu.memory_space<vmem>> -> memref<512xi32, #tpu.memory_space<vmem>>
    %dma_start3A_49 = arith.constant 0 : i32
    %dma_start3A_50 = tpu.memref_slice %arg2[%dma_start3A_46, %add3A, %dma_start3A_49] : memref<26x32x512xi32, #tpu.memory_space<hbm>> -> memref<1x1x512xi32, #tpu.memory_space<hbm>>
    %dma_start3A_51 = tpu.memref_squeeze %dma_start3A_50 : memref<1x1x512xi32, #tpu.memory_space<hbm>> -> memref<512xi32, #tpu.memory_space<hbm>>
    %dma_start3A_52 = arith.constant 2048 : i32
    %dma_start3A_53 = tpu.memref_slice %arg32[%dma_start3A_52] : memref<13312xi32, #tpu.memory_space<vmem>> -> memref<512xi32, #tpu.memory_space<vmem>>
    %dma_start3A_54 = arith.constant 0 : i32
    %dma_start3A_55 = tpu.memref_slice %arg2[%dma_start3A_46, %add3A, %dma_start3A_54] : memref<26x32x512xi32, #tpu.memory_space<hbm>> -> memref<1x1x512xi32, #tpu.memory_space<hbm>>
    %dma_start3A_56 = tpu.memref_squeeze %dma_start3A_55 : memref<1x1x512xi32, #tpu.memory_space<hbm>> -> memref<512xi32, #tpu.memory_space<hbm>>
    tpu.enqueue_dma source(%dma_start3A_56 : memref<512xi32, #tpu.memory_space<hbm>>) target(%dma_start3A_53 : memref<512xi32, #tpu.memory_space<vmem>>) target_semaphore(%arg35 : memref<!tpu.dma_semaphore, #tpu.memory_space<semaphore_mem>>)
    %dma_start3A_57 = arith.constant 5 : i32
    %dma_start3A_58 = arith.constant 2560 : i32
    %dma_start3A_59 = tpu.memref_slice %arg32[%dma_start3A_58] : memref<13312xi32, #tpu.memory_space<vmem>> -> memref<512xi32, #tpu.memory_space<vmem>>
    %dma_start3A_60 = arith.constant 0 : i32
    %dma_start3A_61 = tpu.memref_slice %arg2[%dma_start3A_57, %add3A, %dma_start3A_60] : memref<26x32x512xi32, #tpu.memory_space<hbm>> -> memref<1x1x512xi32, #tpu.memory_space<hbm>>
    %dma_start3A_62 = tpu.memref_squeeze %dma_start3A_61 : memref<1x1x512xi32, #tpu.memory_space<hbm>> -> memref<512xi32, #tpu.memory_space<hbm>>
    %dma_start3A_63 = arith.constant 2560 : i32
    %dma_start3A_64 = tpu.memref_slice %arg32[%dma_start3A_63] : memref<13312xi32, #tpu.memory_space<vmem>> -> memref<512xi32, #tpu.memory_space<vmem>>
    %dma_start3A_65 = arith.constant 0 : i32
    %dma_start3A_66 = tpu.memref_slice %arg2[%dma_start3A_57, %add3A, %dma_start3A_65] : memref<26x32x512xi32, #tpu.memory_space<hbm>> -> memref<1x1x512xi32, #tpu.memory_space<hbm>>
    %dma_start3A_67 = tpu.memref_squeeze %dma_start3A_66 : memref<1x1x512xi32, #tpu.memory_space<hbm>> -> memref<512xi32, #tpu.memory_space<hbm>>
    tpu.enqueue_dma source(%dma_start3A_67 : memref<512xi32, #tpu.memory_space<hbm>>) target(%dma_start3A_64 : memref<512xi32, #tpu.memory_space<vmem>>) target_semaphore(%arg35 : memref<!tpu.dma_semaphore, #tpu.memory_space<semaphore_mem>>)
    %dma_start3A_68 = arith.constant 6 : i32
    %dma_start3A_69 = arith.constant 3072 : i32
    %dma_start3A_70 = tpu.memref_slice %arg32[%dma_start3A_69] : memref<13312xi32, #tpu.memory_space<vmem>> -> memref<512xi32, #tpu.memory_space<vmem>>
    %dma_start3A_71 = arith.constant 0 : i32
    %dma_start3A_72 = tpu.memref_slice %arg2[%dma_start3A_68, %add3A, %dma_start3A_71] : memref<26x32x512xi32, #tpu.memory_space<hbm>> -> memref<1x1x512xi32, #tpu.memory_space<hbm>>
    %dma_start3A_73 = tpu.memref_squeeze %dma_start3A_72 : memref<1x1x512xi32, #tpu.memory_space<hbm>> -> memref<512xi32, #tpu.memory_space<hbm>>
    %dma_start3A_74 = arith.constant 3072 : i32
    %dma_start3A_75 = tpu.memref_slice %arg32[%dma_start3A_74] : memref<13312xi32, #tpu.memory_space<vmem>> -> memref<512xi32, #tpu.memory_space<vmem>>
    %dma_start3A_76 = arith.constant 0 : i32
    %dma_start3A_77 = tpu.memref_slice %arg2[%dma_start3A_68, %add3A, %dma_start3A_76] : memref<26x32x512xi32, #tpu.memory_space<hbm>> -> memref<1x1x512xi32, #tpu.memory_space<hbm>>
    %dma_start3A_78 = tpu.memref_squeeze %dma_start3A_77 : memref<1x1x512xi32, #tpu.memory_space<hbm>> -> memref<512xi32, #tpu.memory_space<hbm>>
    tpu.enqueue_dma source(%dma_start3A_78 : memref<512xi32, #tpu.memory_space<hbm>>) target(%dma_start3A_75 : memref<512xi32, #tpu.memory_space<vmem>>) target_semaphore(%arg35 : memref<!tpu.dma_semaphore, #tpu.memory_space<semaphore_mem>>)
    %dma_start3A_79 = arith.constant 7 : i32
    %dma_start3A_80 = arith.constant 3584 : i32
    %dma_start3A_81 = tpu.memref_slice %arg32[%dma_start3A_80] : memref<13312xi32, #tpu.memory_space<vmem>> -> memref<512xi32, #tpu.memory_space<vmem>>
    %dma_start3A_82 = arith.constant 0 : i32
    %dma_start3A_83 = tpu.memref_slice %arg2[%dma_start3A_79, %add3A, %dma_start3A_82] : memref<26x32x512xi32, #tpu.memory_space<hbm>> -> memref<1x1x512xi32, #tpu.memory_space<hbm>>
    %dma_start3A_84 = tpu.memref_squeeze %dma_start3A_83 : memref<1x1x512xi32, #tpu.memory_space<hbm>> -> memref<512xi32, #tpu.memory_space<hbm>>
    %dma_start3A_85 = arith.constant 3584 : i32
    %dma_start3A_86 = tpu.memref_slice %arg32[%dma_start3A_85] : memref<13312xi32, #tpu.memory_space<vmem>> -> memref<512xi32, #tpu.memory_space<vmem>>
    %dma_start3A_87 = arith.constant 0 : i32
    %dma_start3A_88 = tpu.memref_slice %arg2[%dma_start3A_79, %add3A, %dma_start3A_87] : memref<26x32x512xi32, #tpu.memory_space<hbm>> -> memref<1x1x512xi32, #tpu.memory_space<hbm>>
    %dma_start3A_89 = tpu.memref_squeeze %dma_start3A_88 : memref<1x1x512xi32, #tpu.memory_space<hbm>> -> memref<512xi32, #tpu.memory_space<hbm>>
    tpu.enqueue_dma source(%dma_start3A_89 : memref<512xi32, #tpu.memory_space<hbm>>) target(%dma_start3A_86 : memref<512xi32, #tpu.memory_space<vmem>>) target_semaphore(%arg35 : memref<!tpu.dma_semaphore, #tpu.memory_space<semaphore_mem>>)
    %dma_start3A_90 = arith.constant 8 : i32
    %dma_start3A_91 = arith.constant 4096 : i32
    %dma_start3A_92 = tpu.memref_slice %arg32[%dma_start3A_91] : memref<13312xi32, #tpu.memory_space<vmem>> -> memref<512xi32, #tpu.memory_space<vmem>>
    %dma_start3A_93 = arith.constant 0 : i32
    %dma_start3A_94 = tpu.memref_slice %arg2[%dma_start3A_90, %add3A, %dma_start3A_93] : memref<26x32x512xi32, #tpu.memory_space<hbm>> -> memref<1x1x512xi32, #tpu.memory_space<hbm>>
    %dma_start3A_95 = tpu.memref_squeeze %dma_start3A_94 : memref<1x1x512xi32, #tpu.memory_space<hbm>> -> memref<512xi32, #tpu.memory_space<hbm>>
    %dma_start3A_96 = arith.constant 4096 : i32
    %dma_start3A_97 = tpu.memref_slice %arg32[%dma_start3A_96] : memref<13312xi32, #tpu.memory_space<vmem>> -> memref<512xi32, #tpu.memory_space<vmem>>
    %dma_start3A_98 = arith.constant 0 : i32
    %dma_start3A_99 = tpu.memref_slice %arg2[%dma_start3A_90, %add3A, %dma_start3A_98] : memref<26x32x512xi32, #tpu.memory_space<hbm>> -> memref<1x1x512xi32, #tpu.memory_space<hbm>>
    %dma_start3A_100 = tpu.memref_squeeze %dma_start3A_99 : memref<1x1x512xi32, #tpu.memory_space<hbm>> -> memref<512xi32, #tpu.memory_space<hbm>>
    tpu.enqueue_dma source(%dma_start3A_100 : memref<512xi32, #tpu.memory_space<hbm>>) target(%dma_start3A_97 : memref<512xi32, #tpu.memory_space<vmem>>) target_semaphore(%arg35 : memref<!tpu.dma_semaphore, #tpu.memory_space<semaphore_mem>>)
    %dma_start3A_101 = arith.constant 9 : i32
    %dma_start3A_102 = arith.constant 4608 : i32
    %dma_start3A_103 = tpu.memref_slice %arg32[%dma_start3A_102] : memref<13312xi32, #tpu.memory_space<vmem>> -> memref<512xi32, #tpu.memory_space<vmem>>
    %dma_start3A_104 = arith.constant 0 : i32
    %dma_start3A_105 = tpu.memref_slice %arg2[%dma_start3A_101, %add3A, %dma_start3A_104] : memref<26x32x512xi32, #tpu.memory_space<hbm>> -> memref<1x1x512xi32, #tpu.memory_space<hbm>>
    %dma_start3A_106 = tpu.memref_squeeze %dma_start3A_105 : memref<1x1x512xi32, #tpu.memory_space<hbm>> -> memref<512xi32, #tpu.memory_space<hbm>>
    %dma_start3A_107 = arith.constant 4608 : i32
    %dma_start3A_108 = tpu.memref_slice %arg32[%dma_start3A_107] : memref<13312xi32, #tpu.memory_space<vmem>> -> memref<512xi32, #tpu.memory_space<vmem>>
    %dma_start3A_109 = arith.constant 0 : i32
    %dma_start3A_110 = tpu.memref_slice %arg2[%dma_start3A_101, %add3A, %dma_start3A_109] : memref<26x32x512xi32, #tpu.memory_space<hbm>> -> memref<1x1x512xi32, #tpu.memory_space<hbm>>
    %dma_start3A_111 = tpu.memref_squeeze %dma_start3A_110 : memref<1x1x512xi32, #tpu.memory_space<hbm>> -> memref<512xi32, #tpu.memory_space<hbm>>
    tpu.enqueue_dma source(%dma_start3A_111 : memref<512xi32, #tpu.memory_space<hbm>>) target(%dma_start3A_108 : memref<512xi32, #tpu.memory_space<vmem>>) target_semaphore(%arg35 : memref<!tpu.dma_semaphore, #tpu.memory_space<semaphore_mem>>)
    %dma_start3A_112 = arith.constant 10 : i32
    %dma_start3A_113 = arith.constant 5120 : i32
    %dma_start3A_114 = tpu.memref_slice %arg32[%dma_start3A_113] : memref<13312xi32, #tpu.memory_space<vmem>> -> memref<512xi32, #tpu.memory_space<vmem>>
    %dma_start3A_115 = arith.constant 0 : i32
    %dma_start3A_116 = tpu.memref_slice %arg2[%dma_start3A_112, %add3A, %dma_start3A_115] : memref<26x32x512xi32, #tpu.memory_space<hbm>> -> memref<1x1x512xi32, #tpu.memory_space<hbm>>
    %dma_start3A_117 = tpu.memref_squeeze %dma_start3A_116 : memref<1x1x512xi32, #tpu.memory_space<hbm>> -> memref<512xi32, #tpu.memory_space<hbm>>
    %dma_start3A_118 = arith.constant 5120 : i32
    %dma_start3A_119 = tpu.memref_slice %arg32[%dma_start3A_118] : memref<13312xi32, #tpu.memory_space<vmem>> -> memref<512xi32, #tpu.memory_space<vmem>>
    %dma_start3A_120 = arith.constant 0 : i32
    %dma_start3A_121 = tpu.memref_slice %arg2[%dma_start3A_112, %add3A, %dma_start3A_120] : memref<26x32x512xi32, #tpu.memory_space<hbm>> -> memref<1x1x512xi32, #tpu.memory_space<hbm>>
    %dma_start3A_122 = tpu.memref_squeeze %dma_start3A_121 : memref<1x1x512xi32, #tpu.memory_space<hbm>> -> memref<512xi32, #tpu.memory_space<hbm>>
    tpu.enqueue_dma source(%dma_start3A_122 : memref<512xi32, #tpu.memory_space<hbm>>) target(%dma_start3A_119 : memref<512xi32, #tpu.memory_space<vmem>>) target_semaphore(%arg35 : memref<!tpu.dma_semaphore, #tpu.memory_space<semaphore_mem>>)
    %dma_start3A_123 = arith.constant 11 : i32
    %dma_start3A_124 = arith.constant 5632 : i32
    %dma_start3A_125 = tpu.memref_slice %arg32[%dma_start3A_124] : memref<13312xi32, #tpu.memory_space<vmem>> -> memref<512xi32, #tpu.memory_space<vmem>>
    %dma_start3A_126 = arith.constant 0 : i32
    %dma_start3A_127 = tpu.memref_slice %arg2[%dma_start3A_123, %add3A, %dma_start3A_126] : memref<26x32x512xi32, #tpu.memory_space<hbm>> -> memref<1x1x512xi32, #tpu.memory_space<hbm>>
    %dma_start3A_128 = tpu.memref_squeeze %dma_start3A_127 : memref<1x1x512xi32, #tpu.memory_space<hbm>> -> memref<512xi32, #tpu.memory_space<hbm>>
    %dma_start3A_129 = arith.constant 5632 : i32
    %dma_start3A_130 = tpu.memref_slice %arg32[%dma_start3A_129] : memref<13312xi32, #tpu.memory_space<vmem>> -> memref<512xi32, #tpu.memory_space<vmem>>
    %dma_start3A_131 = arith.constant 0 : i32
    %dma_start3A_132 = tpu.memref_slice %arg2[%dma_start3A_123, %add3A, %dma_start3A_131] : memref<26x32x512xi32, #tpu.memory_space<hbm>> -> memref<1x1x512xi32, #tpu.memory_space<hbm>>
    %dma_start3A_133 = tpu.memref_squeeze %dma_start3A_132 : memref<1x1x512xi32, #tpu.memory_space<hbm>> -> memref<512xi32, #tpu.memory_space<hbm>>
    tpu.enqueue_dma source(%dma_start3A_133 : memref<512xi32, #tpu.memory_space<hbm>>) target(%dma_start3A_130 : memref<512xi32, #tpu.memory_space<vmem>>) target_semaphore(%arg35 : memref<!tpu.dma_semaphore, #tpu.memory_space<semaphore_mem>>)
    %dma_start3A_134 = arith.constant 12 : i32
    %dma_start3A_135 = arith.constant 6144 : i32
    %dma_start3A_136 = tpu.memref_slice %arg32[%dma_start3A_135] : memref<13312xi32, #tpu.memory_space<vmem>> -> memref<512xi32, #tpu.memory_space<vmem>>
    %dma_start3A_137 = arith.constant 0 : i32
    %dma_start3A_138 = tpu.memref_slice %arg2[%dma_start3A_134, %add3A, %dma_start3A_137] : memref<26x32x512xi32, #tpu.memory_space<hbm>> -> memref<1x1x512xi32, #tpu.memory_space<hbm>>
    %dma_start3A_139 = tpu.memref_squeeze %dma_start3A_138 : memref<1x1x512xi32, #tpu.memory_space<hbm>> -> memref<512xi32, #tpu.memory_space<hbm>>
    %dma_start3A_140 = arith.constant 6144 : i32
    %dma_start3A_141 = tpu.memref_slice %arg32[%dma_start3A_140] : memref<13312xi32, #tpu.memory_space<vmem>> -> memref<512xi32, #tpu.memory_space<vmem>>
    %dma_start3A_142 = arith.constant 0 : i32
    %dma_start3A_143 = tpu.memref_slice %arg2[%dma_start3A_134, %add3A, %dma_start3A_142] : memref<26x32x512xi32, #tpu.memory_space<hbm>> -> memref<1x1x512xi32, #tpu.memory_space<hbm>>
    %dma_start3A_144 = tpu.memref_squeeze %dma_start3A_143 : memref<1x1x512xi32, #tpu.memory_space<hbm>> -> memref<512xi32, #tpu.memory_space<hbm>>
    tpu.enqueue_dma source(%dma_start3A_144 : memref<512xi32, #tpu.memory_space<hbm>>) target(%dma_start3A_141 : memref<512xi32, #tpu.memory_space<vmem>>) target_semaphore(%arg35 : memref<!tpu.dma_semaphore, #tpu.memory_space<semaphore_mem>>)
    %dma_start3A_145 = arith.constant 13 : i32
    %dma_start3A_146 = arith.constant 6656 : i32
    %dma_start3A_147 = tpu.memref_slice %arg32[%dma_start3A_146] : memref<13312xi32, #tpu.memory_space<vmem>> -> memref<512xi32, #tpu.memory_space<vmem>>
    %dma_start3A_148 = arith.constant 0 : i32
    %dma_start3A_149 = tpu.memref_slice %arg2[%dma_start3A_145, %add3A, %dma_start3A_148] : memref<26x32x512xi32, #tpu.memory_space<hbm>> -> memref<1x1x512xi32, #tpu.memory_space<hbm>>
    %dma_start3A_150 = tpu.memref_squeeze %dma_start3A_149 : memref<1x1x512xi32, #tpu.memory_space<hbm>> -> memref<512xi32, #tpu.memory_space<hbm>>
    %dma_start3A_151 = arith.constant 6656 : i32
    %dma_start3A_152 = tpu.memref_slice %arg32[%dma_start3A_151] : memref<13312xi32, #tpu.memory_space<vmem>> -> memref<512xi32, #tpu.memory_space<vmem>>
    %dma_start3A_153 = arith.constant 0 : i32
    %dma_start3A_154 = tpu.memref_slice %arg2[%dma_start3A_145, %add3A, %dma_start3A_153] : memref<26x32x512xi32, #tpu.memory_space<hbm>> -> memref<1x1x512xi32, #tpu.memory_space<hbm>>
    %dma_start3A_155 = tpu.memref_squeeze %dma_start3A_154 : memref<1x1x512xi32, #tpu.memory_space<hbm>> -> memref<512xi32, #tpu.memory_space<hbm>>
    tpu.enqueue_dma source(%dma_start3A_155 : memref<512xi32, #tpu.memory_space<hbm>>) target(%dma_start3A_152 : memref<512xi32, #tpu.memory_space<vmem>>) target_semaphore(%arg35 : memref<!tpu.dma_semaphore, #tpu.memory_space<semaphore_mem>>)
    %dma_start3A_156 = arith.constant 14 : i32
    %dma_start3A_157 = arith.constant 7168 : i32
    %dma_start3A_158 = tpu.memref_slice %arg32[%dma_start3A_157] : memref<13312xi32, #tpu.memory_space<vmem>> -> memref<512xi32, #tpu.memory_space<vmem>>
    %dma_start3A_159 = arith.constant 0 : i32
    %dma_start3A_160 = tpu.memref_slice %arg2[%dma_start3A_156, %add3A, %dma_start3A_159] : memref<26x32x512xi32, #tpu.memory_space<hbm>> -> memref<1x1x512xi32, #tpu.memory_space<hbm>>
    %dma_start3A_161 = tpu.memref_squeeze %dma_start3A_160 : memref<1x1x512xi32, #tpu.memory_space<hbm>> -> memref<512xi32, #tpu.memory_space<hbm>>
    %dma_start3A_162 = arith.constant 7168 : i32
    %dma_start3A_163 = tpu.memref_slice %arg32[%dma_start3A_162] : memref<13312xi32, #tpu.memory_space<vmem>> -> memref<512xi32, #tpu.memory_space<vmem>>
    %dma_start3A_164 = arith.constant 0 : i32
    %dma_start3A_165 = tpu.memref_slice %arg2[%dma_start3A_156, %add3A, %dma_start3A_164] : memref<26x32x512xi32, #tpu.memory_space<hbm>> -> memref<1x1x512xi32, #tpu.memory_space<hbm>>
    %dma_start3A_166 = tpu.memref_squeeze %dma_start3A_165 : memref<1x1x512xi32, #tpu.memory_space<hbm>> -> memref<512xi32, #tpu.memory_space<hbm>>
    tpu.enqueue_dma source(%dma_start3A_166 : memref<512xi32, #tpu.memory_space<hbm>>) target(%dma_start3A_163 : memref<512xi32, #tpu.memory_space<vmem>>) target_semaphore(%arg35 : memref<!tpu.dma_semaphore, #tpu.memory_space<semaphore_mem>>)
    %dma_start3A_167 = arith.constant 15 : i32
    %dma_start3A_168 = arith.constant 7680 : i32
    %dma_start3A_169 = tpu.memref_slice %arg32[%dma_start3A_168] : memref<13312xi32, #tpu.memory_space<vmem>> -> memref<512xi32, #tpu.memory_space<vmem>>
    %dma_start3A_170 = arith.constant 0 : i32
    %dma_start3A_171 = tpu.memref_slice %arg2[%dma_start3A_167, %add3A, %dma_start3A_170] : memref<26x32x512xi32, #tpu.memory_space<hbm>> -> memref<1x1x512xi32, #tpu.memory_space<hbm>>
    %dma_start3A_172 = tpu.memref_squeeze %dma_start3A_171 : memref<1x1x512xi32, #tpu.memory_space<hbm>> -> memref<512xi32, #tpu.memory_space<hbm>>
    %dma_start3A_173 = arith.constant 7680 : i32
    %dma_start3A_174 = tpu.memref_slice %arg32[%dma_start3A_173] : memref<13312xi32, #tpu.memory_space<vmem>> -> memref<512xi32, #tpu.memory_space<vmem>>
    %dma_start3A_175 = arith.constant 0 : i32
    %dma_start3A_176 = tpu.memref_slice %arg2[%dma_start3A_167, %add3A, %dma_start3A_175] : memref<26x32x512xi32, #tpu.memory_space<hbm>> -> memref<1x1x512xi32, #tpu.memory_space<hbm>>
    %dma_start3A_177 = tpu.memref_squeeze %dma_start3A_176 : memref<1x1x512xi32, #tpu.memory_space<hbm>> -> memref<512xi32, #tpu.memory_space<hbm>>
    tpu.enqueue_dma source(%dma_start3A_177 : memref<512xi32, #tpu.memory_space<hbm>>) target(%dma_start3A_174 : memref<512xi32, #tpu.memory_space<vmem>>) target_semaphore(%arg35 : memref<!tpu.dma_semaphore, #tpu.memory_space<semaphore_mem>>)
    %dma_start3A_178 = arith.constant 16 : i32
    %dma_start3A_179 = arith.constant 8192 : i32
    %dma_start3A_180 = tpu.memref_slice %arg32[%dma_start3A_179] : memref<13312xi32, #tpu.memory_space<vmem>> -> memref<512xi32, #tpu.memory_space<vmem>>
    %dma_start3A_181 = arith.constant 0 : i32
    %dma_start3A_182 = tpu.memref_slice %arg2[%dma_start3A_178, %add3A, %dma_start3A_181] : memref<26x32x512xi32, #tpu.memory_space<hbm>> -> memref<1x1x512xi32, #tpu.memory_space<hbm>>
    %dma_start3A_183 = tpu.memref_squeeze %dma_start3A_182 : memref<1x1x512xi32, #tpu.memory_space<hbm>> -> memref<512xi32, #tpu.memory_space<hbm>>
    %dma_start3A_184 = arith.constant 8192 : i32
    %dma_start3A_185 = tpu.memref_slice %arg32[%dma_start3A_184] : memref<13312xi32, #tpu.memory_space<vmem>> -> memref<512xi32, #tpu.memory_space<vmem>>
    %dma_start3A_186 = arith.constant 0 : i32
    %dma_start3A_187 = tpu.memref_slice %arg2[%dma_start3A_178, %add3A, %dma_start3A_186] : memref<26x32x512xi32, #tpu.memory_space<hbm>> -> memref<1x1x512xi32, #tpu.memory_space<hbm>>
    %dma_start3A_188 = tpu.memref_squeeze %dma_start3A_187 : memref<1x1x512xi32, #tpu.memory_space<hbm>> -> memref<512xi32, #tpu.memory_space<hbm>>
    tpu.enqueue_dma source(%dma_start3A_188 : memref<512xi32, #tpu.memory_space<hbm>>) target(%dma_start3A_185 : memref<512xi32, #tpu.memory_space<vmem>>) target_semaphore(%arg35 : memref<!tpu.dma_semaphore, #tpu.memory_space<semaphore_mem>>)
    %dma_start3A_189 = arith.constant 17 : i32
    %dma_start3A_190 = arith.constant 8704 : i32
    %dma_start3A_191 = tpu.memref_slice %arg32[%dma_start3A_190] : memref<13312xi32, #tpu.memory_space<vmem>> -> memref<512xi32, #tpu.memory_space<vmem>>
    %dma_start3A_192 = arith.constant 0 : i32
    %dma_start3A_193 = tpu.memref_slice %arg2[%dma_start3A_189, %add3A, %dma_start3A_192] : memref<26x32x512xi32, #tpu.memory_space<hbm>> -> memref<1x1x512xi32, #tpu.memory_space<hbm>>
    %dma_start3A_194 = tpu.memref_squeeze %dma_start3A_193 : memref<1x1x512xi32, #tpu.memory_space<hbm>> -> memref<512xi32, #tpu.memory_space<hbm>>
    %dma_start3A_195 = arith.constant 8704 : i32
    %dma_start3A_196 = tpu.memref_slice %arg32[%dma_start3A_195] : memref<13312xi32, #tpu.memory_space<vmem>> -> memref<512xi32, #tpu.memory_space<vmem>>
    %dma_start3A_197 = arith.constant 0 : i32
    %dma_start3A_198 = tpu.memref_slice %arg2[%dma_start3A_189, %add3A, %dma_start3A_197] : memref<26x32x512xi32, #tpu.memory_space<hbm>> -> memref<1x1x512xi32, #tpu.memory_space<hbm>>
    %dma_start3A_199 = tpu.memref_squeeze %dma_start3A_198 : memref<1x1x512xi32, #tpu.memory_space<hbm>> -> memref<512xi32, #tpu.memory_space<hbm>>
    tpu.enqueue_dma source(%dma_start3A_199 : memref<512xi32, #tpu.memory_space<hbm>>) target(%dma_start3A_196 : memref<512xi32, #tpu.memory_space<vmem>>) target_semaphore(%arg35 : memref<!tpu.dma_semaphore, #tpu.memory_space<semaphore_mem>>)
    %dma_start3A_200 = arith.constant 18 : i32
    %dma_start3A_201 = arith.constant 9216 : i32
    %dma_start3A_202 = tpu.memref_slice %arg32[%dma_start3A_201] : memref<13312xi32, #tpu.memory_space<vmem>> -> memref<512xi32, #tpu.memory_space<vmem>>
    %dma_start3A_203 = arith.constant 0 : i32
    %dma_start3A_204 = tpu.memref_slice %arg2[%dma_start3A_200, %add3A, %dma_start3A_203] : memref<26x32x512xi32, #tpu.memory_space<hbm>> -> memref<1x1x512xi32, #tpu.memory_space<hbm>>
    %dma_start3A_205 = tpu.memref_squeeze %dma_start3A_204 : memref<1x1x512xi32, #tpu.memory_space<hbm>> -> memref<512xi32, #tpu.memory_space<hbm>>
    %dma_start3A_206 = arith.constant 9216 : i32
    %dma_start3A_207 = tpu.memref_slice %arg32[%dma_start3A_206] : memref<13312xi32, #tpu.memory_space<vmem>> -> memref<512xi32, #tpu.memory_space<vmem>>
    %dma_start3A_208 = arith.constant 0 : i32
    %dma_start3A_209 = tpu.memref_slice %arg2[%dma_start3A_200, %add3A, %dma_start3A_208] : memref<26x32x512xi32, #tpu.memory_space<hbm>> -> memref<1x1x512xi32, #tpu.memory_space<hbm>>
    %dma_start3A_210 = tpu.memref_squeeze %dma_start3A_209 : memref<1x1x512xi32, #tpu.memory_space<hbm>> -> memref<512xi32, #tpu.memory_space<hbm>>
    tpu.enqueue_dma source(%dma_start3A_210 : memref<512xi32, #tpu.memory_space<hbm>>) target(%dma_start3A_207 : memref<512xi32, #tpu.memory_space<vmem>>) target_semaphore(%arg35 : memref<!tpu.dma_semaphore, #tpu.memory_space<semaphore_mem>>)
    %dma_start3A_211 = arith.constant 19 : i32
    %dma_start3A_212 = arith.constant 9728 : i32
    %dma_start3A_213 = tpu.memref_slice %arg32[%dma_start3A_212] : memref<13312xi32, #tpu.memory_space<vmem>> -> memref<512xi32, #tpu.memory_space<vmem>>
    %dma_start3A_214 = arith.constant 0 : i32
    %dma_start3A_215 = tpu.memref_slice %arg2[%dma_start3A_211, %add3A, %dma_start3A_214] : memref<26x32x512xi32, #tpu.memory_space<hbm>> -> memref<1x1x512xi32, #tpu.memory_space<hbm>>
    %dma_start3A_216 = tpu.memref_squeeze %dma_start3A_215 : memref<1x1x512xi32, #tpu.memory_space<hbm>> -> memref<512xi32, #tpu.memory_space<hbm>>
    %dma_start3A_217 = arith.constant 9728 : i32
    %dma_start3A_218 = tpu.memref_slice %arg32[%dma_start3A_217] : memref<13312xi32, #tpu.memory_space<vmem>> -> memref<512xi32, #tpu.memory_space<vmem>>
    %dma_start3A_219 = arith.constant 0 : i32
    %dma_start3A_220 = tpu.memref_slice %arg2[%dma_start3A_211, %add3A, %dma_start3A_219] : memref<26x32x512xi32, #tpu.memory_space<hbm>> -> memref<1x1x512xi32, #tpu.memory_space<hbm>>
    %dma_start3A_221 = tpu.memref_squeeze %dma_start3A_220 : memref<1x1x512xi32, #tpu.memory_space<hbm>> -> memref<512xi32, #tpu.memory_space<hbm>>
    tpu.enqueue_dma source(%dma_start3A_221 : memref<512xi32, #tpu.memory_space<hbm>>) target(%dma_start3A_218 : memref<512xi32, #tpu.memory_space<vmem>>) target_semaphore(%arg35 : memref<!tpu.dma_semaphore, #tpu.memory_space<semaphore_mem>>)
    %dma_start3A_222 = arith.constant 20 : i32
    %dma_start3A_223 = arith.constant 10240 : i32
    %dma_start3A_224 = tpu.memref_slice %arg32[%dma_start3A_223] : memref<13312xi32, #tpu.memory_space<vmem>> -> memref<512xi32, #tpu.memory_space<vmem>>
    %dma_start3A_225 = arith.constant 0 : i32
    %dma_start3A_226 = tpu.memref_slice %arg2[%dma_start3A_222, %add3A, %dma_start3A_225] : memref<26x32x512xi32, #tpu.memory_space<hbm>> -> memref<1x1x512xi32, #tpu.memory_space<hbm>>
    %dma_start3A_227 = tpu.memref_squeeze %dma_start3A_226 : memref<1x1x512xi32, #tpu.memory_space<hbm>> -> memref<512xi32, #tpu.memory_space<hbm>>
    %dma_start3A_228 = arith.constant 10240 : i32
    %dma_start3A_229 = tpu.memref_slice %arg32[%dma_start3A_228] : memref<13312xi32, #tpu.memory_space<vmem>> -> memref<512xi32, #tpu.memory_space<vmem>>
    %dma_start3A_230 = arith.constant 0 : i32
    %dma_start3A_231 = tpu.memref_slice %arg2[%dma_start3A_222, %add3A, %dma_start3A_230] : memref<26x32x512xi32, #tpu.memory_space<hbm>> -> memref<1x1x512xi32, #tpu.memory_space<hbm>>
    %dma_start3A_232 = tpu.memref_squeeze %dma_start3A_231 : memref<1x1x512xi32, #tpu.memory_space<hbm>> -> memref<512xi32, #tpu.memory_space<hbm>>
    tpu.enqueue_dma source(%dma_start3A_232 : memref<512xi32, #tpu.memory_space<hbm>>) target(%dma_start3A_229 : memref<512xi32, #tpu.memory_space<vmem>>) target_semaphore(%arg35 : memref<!tpu.dma_semaphore, #tpu.memory_space<semaphore_mem>>)
    %dma_start3A_233 = arith.constant 21 : i32
    %dma_start3A_234 = arith.constant 10752 : i32
    %dma_start3A_235 = tpu.memref_slice %arg32[%dma_start3A_234] : memref<13312xi32, #tpu.memory_space<vmem>> -> memref<512xi32, #tpu.memory_space<vmem>>
    %dma_start3A_236 = arith.constant 0 : i32
    %dma_start3A_237 = tpu.memref_slice %arg2[%dma_start3A_233, %add3A, %dma_start3A_236] : memref<26x32x512xi32, #tpu.memory_space<hbm>> -> memref<1x1x512xi32, #tpu.memory_space<hbm>>
    %dma_start3A_238 = tpu.memref_squeeze %dma_start3A_237 : memref<1x1x512xi32, #tpu.memory_space<hbm>> -> memref<512xi32, #tpu.memory_space<hbm>>
    %dma_start3A_239 = arith.constant 10752 : i32
    %dma_start3A_240 = tpu.memref_slice %arg32[%dma_start3A_239] : memref<13312xi32, #tpu.memory_space<vmem>> -> memref<512xi32, #tpu.memory_space<vmem>>
    %dma_start3A_241 = arith.constant 0 : i32
    %dma_start3A_242 = tpu.memref_slice %arg2[%dma_start3A_233, %add3A, %dma_start3A_241] : memref<26x32x512xi32, #tpu.memory_space<hbm>> -> memref<1x1x512xi32, #tpu.memory_space<hbm>>
    %dma_start3A_243 = tpu.memref_squeeze %dma_start3A_242 : memref<1x1x512xi32, #tpu.memory_space<hbm>> -> memref<512xi32, #tpu.memory_space<hbm>>
    tpu.enqueue_dma source(%dma_start3A_243 : memref<512xi32, #tpu.memory_space<hbm>>) target(%dma_start3A_240 : memref<512xi32, #tpu.memory_space<vmem>>) target_semaphore(%arg35 : memref<!tpu.dma_semaphore, #tpu.memory_space<semaphore_mem>>)
    %dma_start3A_244 = arith.constant 22 : i32
    %dma_start3A_245 = arith.constant 11264 : i32
    %dma_start3A_246 = tpu.memref_slice %arg32[%dma_start3A_245] : memref<13312xi32, #tpu.memory_space<vmem>> -> memref<512xi32, #tpu.memory_space<vmem>>
    %dma_start3A_247 = arith.constant 0 : i32
    %dma_start3A_248 = tpu.memref_slice %arg2[%dma_start3A_244, %add3A, %dma_start3A_247] : memref<26x32x512xi32, #tpu.memory_space<hbm>> -> memref<1x1x512xi32, #tpu.memory_space<hbm>>
    %dma_start3A_249 = tpu.memref_squeeze %dma_start3A_248 : memref<1x1x512xi32, #tpu.memory_space<hbm>> -> memref<512xi32, #tpu.memory_space<hbm>>
    %dma_start3A_250 = arith.constant 11264 : i32
    %dma_start3A_251 = tpu.memref_slice %arg32[%dma_start3A_250] : memref<13312xi32, #tpu.memory_space<vmem>> -> memref<512xi32, #tpu.memory_space<vmem>>
    %dma_start3A_252 = arith.constant 0 : i32
    %dma_start3A_253 = tpu.memref_slice %arg2[%dma_start3A_244, %add3A, %dma_start3A_252] : memref<26x32x512xi32, #tpu.memory_space<hbm>> -> memref<1x1x512xi32, #tpu.memory_space<hbm>>
    %dma_start3A_254 = tpu.memref_squeeze %dma_start3A_253 : memref<1x1x512xi32, #tpu.memory_space<hbm>> -> memref<512xi32, #tpu.memory_space<hbm>>
    tpu.enqueue_dma source(%dma_start3A_254 : memref<512xi32, #tpu.memory_space<hbm>>) target(%dma_start3A_251 : memref<512xi32, #tpu.memory_space<vmem>>) target_semaphore(%arg35 : memref<!tpu.dma_semaphore, #tpu.memory_space<semaphore_mem>>)
    %dma_start3A_255 = arith.constant 23 : i32
    %dma_start3A_256 = arith.constant 11776 : i32
    %dma_start3A_257 = tpu.memref_slice %arg32[%dma_start3A_256] : memref<13312xi32, #tpu.memory_space<vmem>> -> memref<512xi32, #tpu.memory_space<vmem>>
    %dma_start3A_258 = arith.constant 0 : i32
    %dma_start3A_259 = tpu.memref_slice %arg2[%dma_start3A_255, %add3A, %dma_start3A_258] : memref<26x32x512xi32, #tpu.memory_space<hbm>> -> memref<1x1x512xi32, #tpu.memory_space<hbm>>
    %dma_start3A_260 = tpu.memref_squeeze %dma_start3A_259 : memref<1x1x512xi32, #tpu.memory_space<hbm>> -> memref<512xi32, #tpu.memory_space<hbm>>
    %dma_start3A_261 = arith.constant 11776 : i32
    %dma_start3A_262 = tpu.memref_slice %arg32[%dma_start3A_261] : memref<13312xi32, #tpu.memory_space<vmem>> -> memref<512xi32, #tpu.memory_space<vmem>>
    %dma_start3A_263 = arith.constant 0 : i32
    %dma_start3A_264 = tpu.memref_slice %arg2[%dma_start3A_255, %add3A, %dma_start3A_263] : memref<26x32x512xi32, #tpu.memory_space<hbm>> -> memref<1x1x512xi32, #tpu.memory_space<hbm>>
    %dma_start3A_265 = tpu.memref_squeeze %dma_start3A_264 : memref<1x1x512xi32, #tpu.memory_space<hbm>> -> memref<512xi32, #tpu.memory_space<hbm>>
    tpu.enqueue_dma source(%dma_start3A_265 : memref<512xi32, #tpu.memory_space<hbm>>) target(%dma_start3A_262 : memref<512xi32, #tpu.memory_space<vmem>>) target_semaphore(%arg35 : memref<!tpu.dma_semaphore, #tpu.memory_space<semaphore_mem>>)
    %dma_start3A_266 = arith.constant 24 : i32
    %dma_start3A_267 = arith.constant 12288 : i32
    %dma_start3A_268 = tpu.memref_slice %arg32[%dma_start3A_267] : memref<13312xi32, #tpu.memory_space<vmem>> -> memref<512xi32, #tpu.memory_space<vmem>>
    %dma_start3A_269 = arith.constant 0 : i32
    %dma_start3A_270 = tpu.memref_slice %arg2[%dma_start3A_266, %add3A, %dma_start3A_269] : memref<26x32x512xi32, #tpu.memory_space<hbm>> -> memref<1x1x512xi32, #tpu.memory_space<hbm>>
    %dma_start3A_271 = tpu.memref_squeeze %dma_start3A_270 : memref<1x1x512xi32, #tpu.memory_space<hbm>> -> memref<512xi32, #tpu.memory_space<hbm>>
    %dma_start3A_272 = arith.constant 12288 : i32
    %dma_start3A_273 = tpu.memref_slice %arg32[%dma_start3A_272] : memref<13312xi32, #tpu.memory_space<vmem>> -> memref<512xi32, #tpu.memory_space<vmem>>
    %dma_start3A_274 = arith.constant 0 : i32
    %dma_start3A_275 = tpu.memref_slice %arg2[%dma_start3A_266, %add3A, %dma_start3A_274] : memref<26x32x512xi32, #tpu.memory_space<hbm>> -> memref<1x1x512xi32, #tpu.memory_space<hbm>>
    %dma_start3A_276 = tpu.memref_squeeze %dma_start3A_275 : memref<1x1x512xi32, #tpu.memory_space<hbm>> -> memref<512xi32, #tpu.memory_space<hbm>>
    tpu.enqueue_dma source(%dma_start3A_276 : memref<512xi32, #tpu.memory_space<hbm>>) target(%dma_start3A_273 : memref<512xi32, #tpu.memory_space<vmem>>) target_semaphore(%arg35 : memref<!tpu.dma_semaphore, #tpu.memory_space<semaphore_mem>>)
    %dma_start3A_277 = arith.constant 25 : i32
    %dma_start3A_278 = arith.constant 12800 : i32
    %dma_start3A_279 = tpu.memref_slice %arg32[%dma_start3A_278] : memref<13312xi32, #tpu.memory_space<vmem>> -> memref<512xi32, #tpu.memory_space<vmem>>
    %dma_start3A_280 = arith.constant 0 : i32
    %dma_start3A_281 = tpu.memref_slice %arg2[%dma_start3A_277, %add3A, %dma_start3A_280] : memref<26x32x512xi32, #tpu.memory_space<hbm>> -> memref<1x1x512xi32, #tpu.memory_space<hbm>>
    %dma_start3A_282 = tpu.memref_squeeze %dma_start3A_281 : memref<1x1x512xi32, #tpu.memory_space<hbm>> -> memref<512xi32, #tpu.memory_space<hbm>>
    %dma_start3A_283 = arith.constant 12800 : i32
    %dma_start3A_284 = tpu.memref_slice %arg32[%dma_start3A_283] : memref<13312xi32, #tpu.memory_space<vmem>> -> memref<512xi32, #tpu.memory_space<vmem>>
    %dma_start3A_285 = arith.constant 0 : i32
    %dma_start3A_286 = tpu.memref_slice %arg2[%dma_start3A_277, %add3A, %dma_start3A_285] : memref<26x32x512xi32, #tpu.memory_space<hbm>> -> memref<1x1x512xi32, #tpu.memory_space<hbm>>
    %dma_start3A_287 = tpu.memref_squeeze %dma_start3A_286 : memref<1x1x512xi32, #tpu.memory_space<hbm>> -> memref<512xi32, #tpu.memory_space<hbm>>
    tpu.enqueue_dma source(%dma_start3A_287 : memref<512xi32, #tpu.memory_space<hbm>>) target(%dma_start3A_284 : memref<512xi32, #tpu.memory_space<vmem>>) target_semaphore(%arg35 : memref<!tpu.dma_semaphore, #tpu.memory_space<semaphore_mem>>)
    "tpu.region"() ({
      %run_scoped3A = tpu.sem_alloc : memref<!tpu.dma_semaphore, #tpu.memory_space<semaphore_mem>>
      tpu.enqueue_dma source(%arg29 : memref<26x16xf32, #tpu.memory_space<hbm>>) target(%arg31 : memref<26x16xf32, #tpu.memory_space<vmem>>) target_semaphore(%run_scoped3A : memref<!tpu.dma_semaphore, #tpu.memory_space<semaphore_mem>>)
      tpu.wait_dma2 semaphore(%run_scoped3A : memref<!tpu.dma_semaphore, #tpu.memory_space<semaphore_mem>>) src(%arg29 : memref<26x16xf32, #tpu.memory_space<hbm>>) dst(%arg31 : memref<26x16xf32, #tpu.memory_space<vmem>>)
      tpu.yield
    }) : () -> ()
    %get3A = arith.constant 0 : i32
    %get3A_288 = arith.index_cast %get3A : i32 to index
    %get3A_289 = arith.constant 0 : index
    %get3A_290 = tpu.vector_load %arg31[%get3A_288, %get3A_289] {strides = array<i32>} : memref<26x16xf32, #tpu.memory_space<vmem>>, vector<1x16xf32>,
    %get3A_291 = vector.shape_cast %get3A_290 : vector<1x16xf32> to vector<16xf32>
    %mul3A_292 = arith.constant 2.000000e+00 : f32
    %mul3A_293 = vector.broadcast %mul3A_292 : f32 to vector<16xf32>
    %mul3A_294 = arith.mulf %mul3A_293, %get3A_291 : vector<16xf32>
    %exp3A = math.exp %mul3A_294 : vector<16xf32>
    %sub3A = arith.constant 1.000000e+00 : f32
    %sub3A_295 = vector.broadcast %sub3A : f32 to vector<16xf32>
    %sub3A_296 = arith.subf %exp3A, %sub3A_295 : vector<16xf32>
    %add3A_297 = arith.constant 1.000000e+00 : f32
    %add3A_298 = vector.broadcast %add3A_297 : f32 to vector<16xf32>
    %add3A_299 = arith.addf %exp3A, %add3A_298 : vector<16xf32>
    %div3A = arith.divf %sub3A_296, %add3A_299 : vector<16xf32>
    %swap3A = arith.constant 0 : i32
    %swap3A_300 = arith.index_cast %swap3A : i32 to index
    %swap3A_301 = arith.constant 0 : index
    %swap3A_302 = tpu.vector_load %arg31[%swap3A_300, %swap3A_301] {strides = array<i32>} : memref<26x16xf32, #tpu.memory_space<vmem>>, vector<1x16xf32>,
    %swap3A_303 = vector.shape_cast %swap3A_302 : vector<1x16xf32> to vector<16xf32>
    %swap3A_304 = vector.shape_cast %div3A : vector<16xf32> to vector<1x16xf32>
    tpu.vector_store %arg31[%swap3A_300, %swap3A_301], %swap3A_304 {strides = array<i32>} : memref<26x16xf32, #tpu.memory_space<vmem>>, vector<1x16xf32>,
    %get3A_305 = arith.constant 1 : i32
    %get3A_306 = arith.index_cast %get3A_305 : i32 to index
    %get3A_307 = arith.constant 0 : index
    %get3A_308 = tpu.vector_load %arg31[%get3A_306, %get3A_307] {strides = array<i32>} : memref<26x16xf32, #tpu.memory_space<vmem>>, vector<1x16xf32>,
    %get3A_309 = vector.shape_cast %get3A_308 : vector<1x16xf32> to vector<16xf32>
    %mul3A_310 = arith.constant 2.000000e+00 : f32
    %mul3A_311 = vector.broadcast %mul3A_310 : f32 to vector<16xf32>
    %mul3A_312 = arith.mulf %mul3A_311, %get3A_309 : vector<16xf32>
    %exp3A_313 = math.exp %mul3A_312 : vector<16xf32>
    %sub3A_314 = arith.constant 1.000000e+00 : f32
    %sub3A_315 = vector.broadcast %sub3A_314 : f32 to vector<16xf32>
    %sub3A_316 = arith.subf %exp3A_313, %sub3A_315 : vector<16xf32>
    %add3A_317 = arith.constant 1.000000e+00 : f32
    %add3A_318 = vector.broadcast %add3A_317 : f32 to vector<16xf32>
    %add3A_319 = arith.addf %exp3A_313, %add3A_318 : vector<16xf32>
    %div3A_320 = arith.divf %sub3A_316, %add3A_319 : vector<16xf32>
    %swap3A_321 = arith.constant 1 : i32
    %swap3A_322 = arith.index_cast %swap3A_321 : i32 to index
    %swap3A_323 = arith.constant 0 : index
    %swap3A_324 = tpu.vector_load %arg31[%swap3A_322, %swap3A_323] {strides = array<i32>} : memref<26x16xf32, #tpu.memory_space<vmem>>, vector<1x16xf32>,
    %swap3A_325 = vector.shape_cast %swap3A_324 : vector<1x16xf32> to vector<16xf32>
    %swap3A_326 = vector.shape_cast %div3A_320 : vector<16xf32> to vector<1x16xf32>
    tpu.vector_store %arg31[%swap3A_322, %swap3A_323], %swap3A_326 {strides = array<i32>} : memref<26x16xf32, #tpu.memory_space<vmem>>, vector<1x16xf32>,
    %get3A_327 = arith.constant 2 : i32
    %get3A_328 = arith.index_cast %get3A_327 : i32 to index
    %get3A_329 = arith.constant 0 : index
    %get3A_330 = tpu.vector_load %arg31[%get3A_328, %get3A_329] {strides = array<i32>} : memref<26x16xf32, #tpu.memory_space<vmem>>, vector<1x16xf32>,
    %get3A_331 = vector.shape_cast %get3A_330 : vector<1x16xf32> to vector<16xf32>
    %mul3A_332 = arith.constant 2.000000e+00 : f32
    %mul3A_333 = vector.broadcast %mul3A_332 : f32 to vector<16xf32>
    %mul3A_334 = arith.mulf %mul3A_333, %get3A_331 : vector<16xf32>
    %exp3A_335 = math.exp %mul3A_334 : vector<16xf32>
    %sub3A_336 = arith.constant 1.000000e+00 : f32
    %sub3A_337 = vector.broadcast %sub3A_336 : f32 to vector<16xf32>
    %sub3A_338 = arith.subf %exp3A_335, %sub3A_337 : vector<16xf32>
    %add3A_339 = arith.constant 1.000000e+00 : f32
    %add3A_340 = vector.broadcast %add3A_339 : f32 to vector<16xf32>
    %add3A_341 = arith.addf %exp3A_335, %add3A_340 : vector<16xf32>
    %div3A_342 = arith.divf %sub3A_338, %add3A_341 : vector<16xf32>
    %swap3A_343 = arith.constant 2 : i32
    %swap3A_344 = arith.index_cast %swap3A_343 : i32 to index
    %swap3A_345 = arith.constant 0 : index
    %swap3A_346 = tpu.vector_load %arg31[%swap3A_344, %swap3A_345] {strides = array<i32>} : memref<26x16xf32, #tpu.memory_space<vmem>>, vector<1x16xf32>,
    %swap3A_347 = vector.shape_cast %swap3A_346 : vector<1x16xf32> to vector<16xf32>
    %swap3A_348 = vector.shape_cast %div3A_342 : vector<16xf32> to vector<1x16xf32>
    tpu.vector_store %arg31[%swap3A_344, %swap3A_345], %swap3A_348 {strides = array<i32>} : memref<26x16xf32, #tpu.memory_space<vmem>>, vector<1x16xf32>,
    %get3A_349 = arith.constant 3 : i32
    %get3A_350 = arith.index_cast %get3A_349 : i32 to index
    %get3A_351 = arith.constant 0 : index
    %get3A_352 = tpu.vector_load %arg31[%get3A_350, %get3A_351] {strides = array<i32>} : memref<26x16xf32, #tpu.memory_space<vmem>>, vector<1x16xf32>,
    %get3A_353 = vector.shape_cast %get3A_352 : vector<1x16xf32> to vector<16xf32>
    %mul3A_354 = arith.constant 2.000000e+00 : f32
    %mul3A_355 = vector.broadcast %mul3A_354 : f32 to vector<16xf32>
    %mul3A_356 = arith.mulf %mul3A_355, %get3A_353 : vector<16xf32>
    %exp3A_357 = math.exp %mul3A_356 : vector<16xf32>
    %sub3A_358 = arith.constant 1.000000e+00 : f32
    %sub3A_359 = vector.broadcast %sub3A_358 : f32 to vector<16xf32>
    %sub3A_360 = arith.subf %exp3A_357, %sub3A_359 : vector<16xf32>
    %add3A_361 = arith.constant 1.000000e+00 : f32
    %add3A_362 = vector.broadcast %add3A_361 : f32 to vector<16xf32>
    %add3A_363 = arith.addf %exp3A_357, %add3A_362 : vector<16xf32>
    %div3A_364 = arith.divf %sub3A_360, %add3A_363 : vector<16xf32>
    %swap3A_365 = arith.constant 3 : i32
    %swap3A_366 = arith.index_cast %swap3A_365 : i32 to index
    %swap3A_367 = arith.constant 0 : index
    %swap3A_368 = tpu.vector_load %arg31[%swap3A_366, %swap3A_367] {strides = array<i32>} : memref<26x16xf32, #tpu.memory_space<vmem>>, vector<1x16xf32>,
    %swap3A_369 = vector.shape_cast %swap3A_368 : vector<1x16xf32> to vector<16xf32>
    %swap3A_370 = vector.shape_cast %div3A_364 : vector<16xf32> to vector<1x16xf32>
    tpu.vector_store %arg31[%swap3A_366, %swap3A_367], %swap3A_370 {strides = array<i32>} : memref<26x16xf32, #tpu.memory_space<vmem>>, vector<1x16xf32>,
    %get3A_371 = arith.constant 4 : i32
    %get3A_372 = arith.index_cast %get3A_371 : i32 to index
    %get3A_373 = arith.constant 0 : index
    %get3A_374 = tpu.vector_load %arg31[%get3A_372, %get3A_373] {strides = array<i32>} : memref<26x16xf32, #tpu.memory_space<vmem>>, vector<1x16xf32>,
    %get3A_375 = vector.shape_cast %get3A_374 : vector<1x16xf32> to vector<16xf32>
    %mul3A_376 = arith.constant 2.000000e+00 : f32
    %mul3A_377 = vector.broadcast %mul3A_376 : f32 to vector<16xf32>
    %mul3A_378 = arith.mulf %mul3A_377, %get3A_375 : vector<16xf32>
    %exp3A_379 = math.exp %mul3A_378 : vector<16xf32>
    %sub3A_380 = arith.constant 1.000000e+00 : f32
    %sub3A_381 = vector.broadcast %sub3A_380 : f32 to vector<16xf32>
    %sub3A_382 = arith.subf %exp3A_379, %sub3A_381 : vector<16xf32>
    %add3A_383 = arith.constant 1.000000e+00 : f32
    %add3A_384 = vector.broadcast %add3A_383 : f32 to vector<16xf32>
    %add3A_385 = arith.addf %exp3A_379, %add3A_384 : vector<16xf32>
    %div3A_386 = arith.divf %sub3A_382, %add3A_385 : vector<16xf32>
    %swap3A_387 = arith.constant 4 : i32
    %swap3A_388 = arith.index_cast %swap3A_387 : i32 to index
    %swap3A_389 = arith.constant 0 : index
    %swap3A_390 = tpu.vector_load %arg31[%swap3A_388, %swap3A_389] {strides = array<i32>} : memref<26x16xf32, #tpu.memory_space<vmem>>, vector<1x16xf32>,
    %swap3A_391 = vector.shape_cast %swap3A_390 : vector<1x16xf32> to vector<16xf32>
    %swap3A_392 = vector.shape_cast %div3A_386 : vector<16xf32> to vector<1x16xf32>
    tpu.vector_store %arg31[%swap3A_388, %swap3A_389], %swap3A_392 {strides = array<i32>} : memref<26x16xf32, #tpu.memory_space<vmem>>, vector<1x16xf32>,
    %get3A_393 = arith.constant 5 : i32
    %get3A_394 = arith.index_cast %get3A_393 : i32 to index
    %get3A_395 = arith.constant 0 : index
    %get3A_396 = tpu.vector_load %arg31[%get3A_394, %get3A_395] {strides = array<i32>} : memref<26x16xf32, #tpu.memory_space<vmem>>, vector<1x16xf32>,
    %get3A_397 = vector.shape_cast %get3A_396 : vector<1x16xf32> to vector<16xf32>
    %mul3A_398 = arith.constant 2.000000e+00 : f32
    %mul3A_399 = vector.broadcast %mul3A_398 : f32 to vector<16xf32>
    %mul3A_400 = arith.mulf %mul3A_399, %get3A_397 : vector<16xf32>
    %exp3A_401 = math.exp %mul3A_400 : vector<16xf32>
    %sub3A_402 = arith.constant 1.000000e+00 : f32
    %sub3A_403 = vector.broadcast %sub3A_402 : f32 to vector<16xf32>
    %sub3A_404 = arith.subf %exp3A_401, %sub3A_403 : vector<16xf32>
    %add3A_405 = arith.constant 1.000000e+00 : f32
    %add3A_406 = vector.broadcast %add3A_405 : f32 to vector<16xf32>
    %add3A_407 = arith.addf %exp3A_401, %add3A_406 : vector<16xf32>
    %div3A_408 = arith.divf %sub3A_404, %add3A_407 : vector<16xf32>
    %swap3A_409 = arith.constant 5 : i32
    %swap3A_410 = arith.index_cast %swap3A_409 : i32 to index
    %swap3A_411 = arith.constant 0 : index
    %swap3A_412 = tpu.vector_load %arg31[%swap3A_410, %swap3A_411] {strides = array<i32>} : memref<26x16xf32, #tpu.memory_space<vmem>>, vector<1x16xf32>,
    %swap3A_413 = vector.shape_cast %swap3A_412 : vector<1x16xf32> to vector<16xf32>
    %swap3A_414 = vector.shape_cast %div3A_408 : vector<16xf32> to vector<1x16xf32>
    tpu.vector_store %arg31[%swap3A_410, %swap3A_411], %swap3A_414 {strides = array<i32>} : memref<26x16xf32, #tpu.memory_space<vmem>>, vector<1x16xf32>,
    %get3A_415 = arith.constant 6 : i32
    %get3A_416 = arith.index_cast %get3A_415 : i32 to index
    %get3A_417 = arith.constant 0 : index
    %get3A_418 = tpu.vector_load %arg31[%get3A_416, %get3A_417] {strides = array<i32>} : memref<26x16xf32, #tpu.memory_space<vmem>>, vector<1x16xf32>,
    %get3A_419 = vector.shape_cast %get3A_418 : vector<1x16xf32> to vector<16xf32>
    %mul3A_420 = arith.constant 2.000000e+00 : f32
    %mul3A_421 = vector.broadcast %mul3A_420 : f32 to vector<16xf32>
    %mul3A_422 = arith.mulf %mul3A_421, %get3A_419 : vector<16xf32>
    %exp3A_423 = math.exp %mul3A_422 : vector<16xf32>
    %sub3A_424 = arith.constant 1.000000e+00 : f32
    %sub3A_425 = vector.broadcast %sub3A_424 : f32 to vector<16xf32>
    %sub3A_426 = arith.subf %exp3A_423, %sub3A_425 : vector<16xf32>
    %add3A_427 = arith.constant 1.000000e+00 : f32
    %add3A_428 = vector.broadcast %add3A_427 : f32 to vector<16xf32>
    %add3A_429 = arith.addf %exp3A_423, %add3A_428 : vector<16xf32>
    %div3A_430 = arith.divf %sub3A_426, %add3A_429 : vector<16xf32>
    %swap3A_431 = arith.constant 6 : i32
    %swap3A_432 = arith.index_cast %swap3A_431 : i32 to index
    %swap3A_433 = arith.constant 0 : index
    %swap3A_434 = tpu.vector_load %arg31[%swap3A_432, %swap3A_433] {strides = array<i32>} : memref<26x16xf32, #tpu.memory_space<vmem>>, vector<1x16xf32>,
    %swap3A_435 = vector.shape_cast %swap3A_434 : vector<1x16xf32> to vector<16xf32>
    %swap3A_436 = vector.shape_cast %div3A_430 : vector<16xf32> to vector<1x16xf32>
    tpu.vector_store %arg31[%swap3A_432, %swap3A_433], %swap3A_436 {strides = array<i32>} : memref<26x16xf32, #tpu.memory_space<vmem>>, vector<1x16xf32>,
    %get3A_437 = arith.constant 7 : i32
    %get3A_438 = arith.index_cast %get3A_437 : i32 to index
    %get3A_439 = arith.constant 0 : index
    %get3A_440 = tpu.vector_load %arg31[%get3A_438, %get3A_439] {strides = array<i32>} : memref<26x16xf32, #tpu.memory_space<vmem>>, vector<1x16xf32>,
    %get3A_441 = vector.shape_cast %get3A_440 : vector<1x16xf32> to vector<16xf32>
    %mul3A_442 = arith.constant 2.000000e+00 : f32
    %mul3A_443 = vector.broadcast %mul3A_442 : f32 to vector<16xf32>
    %mul3A_444 = arith.mulf %mul3A_443, %get3A_441 : vector<16xf32>
    %exp3A_445 = math.exp %mul3A_444 : vector<16xf32>
    %sub3A_446 = arith.constant 1.000000e+00 : f32
    %sub3A_447 = vector.broadcast %sub3A_446 : f32 to vector<16xf32>
    %sub3A_448 = arith.subf %exp3A_445, %sub3A_447 : vector<16xf32>
    %add3A_449 = arith.constant 1.000000e+00 : f32
    %add3A_450 = vector.broadcast %add3A_449 : f32 to vector<16xf32>
    %add3A_451 = arith.addf %exp3A_445, %add3A_450 : vector<16xf32>
    %div3A_452 = arith.divf %sub3A_448, %add3A_451 : vector<16xf32>
    %swap3A_453 = arith.constant 7 : i32
    %swap3A_454 = arith.index_cast %swap3A_453 : i32 to index
    %swap3A_455 = arith.constant 0 : index
    %swap3A_456 = tpu.vector_load %arg31[%swap3A_454, %swap3A_455] {strides = array<i32>} : memref<26x16xf32, #tpu.memory_space<vmem>>, vector<1x16xf32>,
    %swap3A_457 = vector.shape_cast %swap3A_456 : vector<1x16xf32> to vector<16xf32>
    %swap3A_458 = vector.shape_cast %div3A_452 : vector<16xf32> to vector<1x16xf32>
    tpu.vector_store %arg31[%swap3A_454, %swap3A_455], %swap3A_458 {strides = array<i32>} : memref<26x16xf32, #tpu.memory_space<vmem>>, vector<1x16xf32>,
    %get3A_459 = arith.constant 8 : i32
    %get3A_460 = arith.index_cast %get3A_459 : i32 to index
    %get3A_461 = arith.constant 0 : index
    %get3A_462 = tpu.vector_load %arg31[%get3A_460, %get3A_461] {strides = array<i32>} : memref<26x16xf32, #tpu.memory_space<vmem>>, vector<1x16xf32>,
    %get3A_463 = vector.shape_cast %get3A_462 : vector<1x16xf32> to vector<16xf32>
    %mul3A_464 = arith.constant 2.000000e+00 : f32
    %mul3A_465 = vector.broadcast %mul3A_464 : f32 to vector<16xf32>
    %mul3A_466 = arith.mulf %mul3A_465, %get3A_463 : vector<16xf32>
    %exp3A_467 = math.exp %mul3A_466 : vector<16xf32>
    %sub3A_468 = arith.constant 1.000000e+00 : f32
    %sub3A_469 = vector.broadcast %sub3A_468 : f32 to vector<16xf32>
    %sub3A_470 = arith.subf %exp3A_467, %sub3A_469 : vector<16xf32>
    %add3A_471 = arith.constant 1.000000e+00 : f32
    %add3A_472 = vector.broadcast %add3A_471 : f32 to vector<16xf32>
    %add3A_473 = arith.addf %exp3A_467, %add3A_472 : vector<16xf32>
    %div3A_474 = arith.divf %sub3A_470, %add3A_473 : vector<16xf32>
    %swap3A_475 = arith.constant 8 : i32
    %swap3A_476 = arith.index_cast %swap3A_475 : i32 to index
    %swap3A_477 = arith.constant 0 : index
    %swap3A_478 = tpu.vector_load %arg31[%swap3A_476, %swap3A_477] {strides = array<i32>} : memref<26x16xf32, #tpu.memory_space<vmem>>, vector<1x16xf32>,
    %swap3A_479 = vector.shape_cast %swap3A_478 : vector<1x16xf32> to vector<16xf32>
    %swap3A_480 = vector.shape_cast %div3A_474 : vector<16xf32> to vector<1x16xf32>
    tpu.vector_store %arg31[%swap3A_476, %swap3A_477], %swap3A_480 {strides = array<i32>} : memref<26x16xf32, #tpu.memory_space<vmem>>, vector<1x16xf32>,
    %get3A_481 = arith.constant 9 : i32
    %get3A_482 = arith.index_cast %get3A_481 : i32 to index
    %get3A_483 = arith.constant 0 : index
    %get3A_484 = tpu.vector_load %arg31[%get3A_482, %get3A_483] {strides = array<i32>} : memref<26x16xf32, #tpu.memory_space<vmem>>, vector<1x16xf32>,
    %get3A_485 = vector.shape_cast %get3A_484 : vector<1x16xf32> to vector<16xf32>
    %mul3A_486 = arith.constant 2.000000e+00 : f32
    %mul3A_487 = vector.broadcast %mul3A_486 : f32 to vector<16xf32>
    %mul3A_488 = arith.mulf %mul3A_487, %get3A_485 : vector<16xf32>
    %exp3A_489 = math.exp %mul3A_488 : vector<16xf32>
    %sub3A_490 = arith.constant 1.000000e+00 : f32
    %sub3A_491 = vector.broadcast %sub3A_490 : f32 to vector<16xf32>
    %sub3A_492 = arith.subf %exp3A_489, %sub3A_491 : vector<16xf32>
    %add3A_493 = arith.constant 1.000000e+00 : f32
    %add3A_494 = vector.broadcast %add3A_493 : f32 to vector<16xf32>
    %add3A_495 = arith.addf %exp3A_489, %add3A_494 : vector<16xf32>
    %div3A_496 = arith.divf %sub3A_492, %add3A_495 : vector<16xf32>
    %swap3A_497 = arith.constant 9 : i32
    %swap3A_498 = arith.index_cast %swap3A_497 : i32 to index
    %swap3A_499 = arith.constant 0 : index
    %swap3A_500 = tpu.vector_load %arg31[%swap3A_498, %swap3A_499] {strides = array<i32>} : memref<26x16xf32, #tpu.memory_space<vmem>>, vector<1x16xf32>,
    %swap3A_501 = vector.shape_cast %swap3A_500 : vector<1x16xf32> to vector<16xf32>
    %swap3A_502 = vector.shape_cast %div3A_496 : vector<16xf32> to vector<1x16xf32>
    tpu.vector_store %arg31[%swap3A_498, %swap3A_499], %swap3A_502 {strides = array<i32>} : memref<26x16xf32, #tpu.memory_space<vmem>>, vector<1x16xf32>,
    %get3A_503 = arith.constant 10 : i32
    %get3A_504 = arith.index_cast %get3A_503 : i32 to index
    %get3A_505 = arith.constant 0 : index
    %get3A_506 = tpu.vector_load %arg31[%get3A_504, %get3A_505] {strides = array<i32>} : memref<26x16xf32, #tpu.memory_space<vmem>>, vector<1x16xf32>,
    %get3A_507 = vector.shape_cast %get3A_506 : vector<1x16xf32> to vector<16xf32>
    %mul3A_508 = arith.constant 2.000000e+00 : f32
    %mul3A_509 = vector.broadcast %mul3A_508 : f32 to vector<16xf32>
    %mul3A_510 = arith.mulf %mul3A_509, %get3A_507 : vector<16xf32>
    %exp3A_511 = math.exp %mul3A_510 : vector<16xf32>
    %sub3A_512 = arith.constant 1.000000e+00 : f32
    %sub3A_513 = vector.broadcast %sub3A_512 : f32 to vector<16xf32>
    %sub3A_514 = arith.subf %exp3A_511, %sub3A_513 : vector<16xf32>
    %add3A_515 = arith.constant 1.000000e+00 : f32
    %add3A_516 = vector.broadcast %add3A_515 : f32 to vector<16xf32>
    %add3A_517 = arith.addf %exp3A_511, %add3A_516 : vector<16xf32>
    %div3A_518 = arith.divf %sub3A_514, %add3A_517 : vector<16xf32>
    %swap3A_519 = arith.constant 10 : i32
    %swap3A_520 = arith.index_cast %swap3A_519 : i32 to index
    %swap3A_521 = arith.constant 0 : index
    %swap3A_522 = tpu.vector_load %arg31[%swap3A_520, %swap3A_521] {strides = array<i32>} : memref<26x16xf32, #tpu.memory_space<vmem>>, vector<1x16xf32>,
    %swap3A_523 = vector.shape_cast %swap3A_522 : vector<1x16xf32> to vector<16xf32>
    %swap3A_524 = vector.shape_cast %div3A_518 : vector<16xf32> to vector<1x16xf32>
    tpu.vector_store %arg31[%swap3A_520, %swap3A_521], %swap3A_524 {strides = array<i32>} : memref<26x16xf32, #tpu.memory_space<vmem>>, vector<1x16xf32>,
    %get3A_525 = arith.constant 11 : i32
    %get3A_526 = arith.index_cast %get3A_525 : i32 to index
    %get3A_527 = arith.constant 0 : index
    %get3A_528 = tpu.vector_load %arg31[%get3A_526, %get3A_527] {strides = array<i32>} : memref<26x16xf32, #tpu.memory_space<vmem>>, vector<1x16xf32>,
    %get3A_529 = vector.shape_cast %get3A_528 : vector<1x16xf32> to vector<16xf32>
    %mul3A_530 = arith.constant 2.000000e+00 : f32
    %mul3A_531 = vector.broadcast %mul3A_530 : f32 to vector<16xf32>
    %mul3A_532 = arith.mulf %mul3A_531, %get3A_529 : vector<16xf32>
    %exp3A_533 = math.exp %mul3A_532 : vector<16xf32>
    %sub3A_534 = arith.constant 1.000000e+00 : f32
    %sub3A_535 = vector.broadcast %sub3A_534 : f32 to vector<16xf32>
    %sub3A_536 = arith.subf %exp3A_533, %sub3A_535 : vector<16xf32>
    %add3A_537 = arith.constant 1.000000e+00 : f32
    %add3A_538 = vector.broadcast %add3A_537 : f32 to vector<16xf32>
    %add3A_539 = arith.addf %exp3A_533, %add3A_538 : vector<16xf32>
    %div3A_540 = arith.divf %sub3A_536, %add3A_539 : vector<16xf32>
    %swap3A_541 = arith.constant 11 : i32
    %swap3A_542 = arith.index_cast %swap3A_541 : i32 to index
    %swap3A_543 = arith.constant 0 : index
    %swap3A_544 = tpu.vector_load %arg31[%swap3A_542, %swap3A_543] {strides = array<i32>} : memref<26x16xf32, #tpu.memory_space<vmem>>, vector<1x16xf32>,
    %swap3A_545 = vector.shape_cast %swap3A_544 : vector<1x16xf32> to vector<16xf32>
    %swap3A_546 = vector.shape_cast %div3A_540 : vector<16xf32> to vector<1x16xf32>
    tpu.vector_store %arg31[%swap3A_542, %swap3A_543], %swap3A_546 {strides = array<i32>} : memref<26x16xf32, #tpu.memory_space<vmem>>, vector<1x16xf32>,
    %get3A_547 = arith.constant 12 : i32
    %get3A_548 = arith.index_cast %get3A_547 : i32 to index
    %get3A_549 = arith.constant 0 : index
    %get3A_550 = tpu.vector_load %arg31[%get3A_548, %get3A_549] {strides = array<i32>} : memref<26x16xf32, #tpu.memory_space<vmem>>, vector<1x16xf32>,
    %get3A_551 = vector.shape_cast %get3A_550 : vector<1x16xf32> to vector<16xf32>
    %mul3A_552 = arith.constant 2.000000e+00 : f32
    %mul3A_553 = vector.broadcast %mul3A_552 : f32 to vector<16xf32>
    %mul3A_554 = arith.mulf %mul3A_553, %get3A_551 : vector<16xf32>
    %exp3A_555 = math.exp %mul3A_554 : vector<16xf32>
    %sub3A_556 = arith.constant 1.000000e+00 : f32
    %sub3A_557 = vector.broadcast %sub3A_556 : f32 to vector<16xf32>
    %sub3A_558 = arith.subf %exp3A_555, %sub3A_557 : vector<16xf32>
    %add3A_559 = arith.constant 1.000000e+00 : f32
    %add3A_560 = vector.broadcast %add3A_559 : f32 to vector<16xf32>
    %add3A_561 = arith.addf %exp3A_555, %add3A_560 : vector<16xf32>
    %div3A_562 = arith.divf %sub3A_558, %add3A_561 : vector<16xf32>
    %swap3A_563 = arith.constant 12 : i32
    %swap3A_564 = arith.index_cast %swap3A_563 : i32 to index
    %swap3A_565 = arith.constant 0 : index
    %swap3A_566 = tpu.vector_load %arg31[%swap3A_564, %swap3A_565] {strides = array<i32>} : memref<26x16xf32, #tpu.memory_space<vmem>>, vector<1x16xf32>,
    %swap3A_567 = vector.shape_cast %swap3A_566 : vector<1x16xf32> to vector<16xf32>
    %swap3A_568 = vector.shape_cast %div3A_562 : vector<16xf32> to vector<1x16xf32>
    tpu.vector_store %arg31[%swap3A_564, %swap3A_565], %swap3A_568 {strides = array<i32>} : memref<26x16xf32, #tpu.memory_space<vmem>>, vector<1x16xf32>,
    %get3A_569 = arith.constant 13 : i32
    %get3A_570 = arith.index_cast %get3A_569 : i32 to index
    %get3A_571 = arith.constant 0 : index
    %get3A_572 = tpu.vector_load %arg31[%get3A_570, %get3A_571] {strides = array<i32>} : memref<26x16xf32, #tpu.memory_space<vmem>>, vector<1x16xf32>,
    %get3A_573 = vector.shape_cast %get3A_572 : vector<1x16xf32> to vector<16xf32>
    %mul3A_574 = arith.constant 2.000000e+00 : f32
    %mul3A_575 = vector.broadcast %mul3A_574 : f32 to vector<16xf32>
    %mul3A_576 = arith.mulf %mul3A_575, %get3A_573 : vector<16xf32>
    %exp3A_577 = math.exp %mul3A_576 : vector<16xf32>
    %sub3A_578 = arith.constant 1.000000e+00 : f32
    %sub3A_579 = vector.broadcast %sub3A_578 : f32 to vector<16xf32>
    %sub3A_580 = arith.subf %exp3A_577, %sub3A_579 : vector<16xf32>
    %add3A_581 = arith.constant 1.000000e+00 : f32
    %add3A_582 = vector.broadcast %add3A_581 : f32 to vector<16xf32>
    %add3A_583 = arith.addf %exp3A_577, %add3A_582 : vector<16xf32>
    %div3A_584 = arith.divf %sub3A_580, %add3A_583 : vector<16xf32>
    %swap3A_585 = arith.constant 13 : i32
    %swap3A_586 = arith.index_cast %swap3A_585 : i32 to index
    %swap3A_587 = arith.constant 0 : index
    %swap3A_588 = tpu.vector_load %arg31[%swap3A_586, %swap3A_587] {strides = array<i32>} : memref<26x16xf32, #tpu.memory_space<vmem>>, vector<1x16xf32>,
    %swap3A_589 = vector.shape_cast %swap3A_588 : vector<1x16xf32> to vector<16xf32>
    %swap3A_590 = vector.shape_cast %div3A_584 : vector<16xf32> to vector<1x16xf32>
    tpu.vector_store %arg31[%swap3A_586, %swap3A_587], %swap3A_590 {strides = array<i32>} : memref<26x16xf32, #tpu.memory_space<vmem>>, vector<1x16xf32>,
    %get3A_591 = arith.constant 14 : i32
    %get3A_592 = arith.index_cast %get3A_591 : i32 to index
    %get3A_593 = arith.constant 0 : index
    %get3A_594 = tpu.vector_load %arg31[%get3A_592, %get3A_593] {strides = array<i32>} : memref<26x16xf32, #tpu.memory_space<vmem>>, vector<1x16xf32>,
    %get3A_595 = vector.shape_cast %get3A_594 : vector<1x16xf32> to vector<16xf32>
    %mul3A_596 = arith.constant 2.000000e+00 : f32
    %mul3A_597 = vector.broadcast %mul3A_596 : f32 to vector<16xf32>
    %mul3A_598 = arith.mulf %mul3A_597, %get3A_595 : vector<16xf32>
    %exp3A_599 = math.exp %mul3A_598 : vector<16xf32>
    %sub3A_600 = arith.constant 1.000000e+00 : f32
    %sub3A_601 = vector.broadcast %sub3A_600 : f32 to vector<16xf32>
    %sub3A_602 = arith.subf %exp3A_599, %sub3A_601 : vector<16xf32>
    %add3A_603 = arith.constant 1.000000e+00 : f32
    %add3A_604 = vector.broadcast %add3A_603 : f32 to vector<16xf32>
    %add3A_605 = arith.addf %exp3A_599, %add3A_604 : vector<16xf32>
    %div3A_606 = arith.divf %sub3A_602, %add3A_605 : vector<16xf32>
    %swap3A_607 = arith.constant 14 : i32
    %swap3A_608 = arith.index_cast %swap3A_607 : i32 to index
    %swap3A_609 = arith.constant 0 : index
    %swap3A_610 = tpu.vector_load %arg31[%swap3A_608, %swap3A_609] {strides = array<i32>} : memref<26x16xf32, #tpu.memory_space<vmem>>, vector<1x16xf32>,
    %swap3A_611 = vector.shape_cast %swap3A_610 : vector<1x16xf32> to vector<16xf32>
    %swap3A_612 = vector.shape_cast %div3A_606 : vector<16xf32> to vector<1x16xf32>
    tpu.vector_store %arg31[%swap3A_608, %swap3A_609], %swap3A_612 {strides = array<i32>} : memref<26x16xf32, #tpu.memory_space<vmem>>, vector<1x16xf32>,
    %get3A_613 = arith.constant 15 : i32
    %get3A_614 = arith.index_cast %get3A_613 : i32 to index
    %get3A_615 = arith.constant 0 : index
    %get3A_616 = tpu.vector_load %arg31[%get3A_614, %get3A_615] {strides = array<i32>} : memref<26x16xf32, #tpu.memory_space<vmem>>, vector<1x16xf32>,
    %get3A_617 = vector.shape_cast %get3A_616 : vector<1x16xf32> to vector<16xf32>
    %mul3A_618 = arith.constant 2.000000e+00 : f32
    %mul3A_619 = vector.broadcast %mul3A_618 : f32 to vector<16xf32>
    %mul3A_620 = arith.mulf %mul3A_619, %get3A_617 : vector<16xf32>
    %exp3A_621 = math.exp %mul3A_620 : vector<16xf32>
    %sub3A_622 = arith.constant 1.000000e+00 : f32
    %sub3A_623 = vector.broadcast %sub3A_622 : f32 to vector<16xf32>
    %sub3A_624 = arith.subf %exp3A_621, %sub3A_623 : vector<16xf32>
    %add3A_625 = arith.constant 1.000000e+00 : f32
    %add3A_626 = vector.broadcast %add3A_625 : f32 to vector<16xf32>
    %add3A_627 = arith.addf %exp3A_621, %add3A_626 : vector<16xf32>
    %div3A_628 = arith.divf %sub3A_624, %add3A_627 : vector<16xf32>
    %swap3A_629 = arith.constant 15 : i32
    %swap3A_630 = arith.index_cast %swap3A_629 : i32 to index
    %swap3A_631 = arith.constant 0 : index
    %swap3A_632 = tpu.vector_load %arg31[%swap3A_630, %swap3A_631] {strides = array<i32>} : memref<26x16xf32, #tpu.memory_space<vmem>>, vector<1x16xf32>,
    %swap3A_633 = vector.shape_cast %swap3A_632 : vector<1x16xf32> to vector<16xf32>
    %swap3A_634 = vector.shape_cast %div3A_628 : vector<16xf32> to vector<1x16xf32>
    tpu.vector_store %arg31[%swap3A_630, %swap3A_631], %swap3A_634 {strides = array<i32>} : memref<26x16xf32, #tpu.memory_space<vmem>>, vector<1x16xf32>,
    %get3A_635 = arith.constant 16 : i32
    %get3A_636 = arith.index_cast %get3A_635 : i32 to index
    %get3A_637 = arith.constant 0 : index
    %get3A_638 = tpu.vector_load %arg31[%get3A_636, %get3A_637] {strides = array<i32>} : memref<26x16xf32, #tpu.memory_space<vmem>>, vector<1x16xf32>,
    %get3A_639 = vector.shape_cast %get3A_638 : vector<1x16xf32> to vector<16xf32>
    %mul3A_640 = arith.constant 2.000000e+00 : f32
    %mul3A_641 = vector.broadcast %mul3A_640 : f32 to vector<16xf32>
    %mul3A_642 = arith.mulf %mul3A_641, %get3A_639 : vector<16xf32>
    %exp3A_643 = math.exp %mul3A_642 : vector<16xf32>
    %sub3A_644 = arith.constant 1.000000e+00 : f32
    %sub3A_645 = vector.broadcast %sub3A_644 : f32 to vector<16xf32>
    %sub3A_646 = arith.subf %exp3A_643, %sub3A_645 : vector<16xf32>
    %add3A_647 = arith.constant 1.000000e+00 : f32
    %add3A_648 = vector.broadcast %add3A_647 : f32 to vector<16xf32>
    %add3A_649 = arith.addf %exp3A_643, %add3A_648 : vector<16xf32>
    %div3A_650 = arith.divf %sub3A_646, %add3A_649 : vector<16xf32>
    %swap3A_651 = arith.constant 16 : i32
    %swap3A_652 = arith.index_cast %swap3A_651 : i32 to index
    %swap3A_653 = arith.constant 0 : index
    %swap3A_654 = tpu.vector_load %arg31[%swap3A_652, %swap3A_653] {strides = array<i32>} : memref<26x16xf32, #tpu.memory_space<vmem>>, vector<1x16xf32>,
    %swap3A_655 = vector.shape_cast %swap3A_654 : vector<1x16xf32> to vector<16xf32>
    %swap3A_656 = vector.shape_cast %div3A_650 : vector<16xf32> to vector<1x16xf32>
    tpu.vector_store %arg31[%swap3A_652, %swap3A_653], %swap3A_656 {strides = array<i32>} : memref<26x16xf32, #tpu.memory_space<vmem>>, vector<1x16xf32>,
    %get3A_657 = arith.constant 17 : i32
    %get3A_658 = arith.index_cast %get3A_657 : i32 to index
    %get3A_659 = arith.constant 0 : index
    %get3A_660 = tpu.vector_load %arg31[%get3A_658, %get3A_659] {strides = array<i32>} : memref<26x16xf32, #tpu.memory_space<vmem>>, vector<1x16xf32>,
    %get3A_661 = vector.shape_cast %get3A_660 : vector<1x16xf32> to vector<16xf32>
    %mul3A_662 = arith.constant 2.000000e+00 : f32
    %mul3A_663 = vector.broadcast %mul3A_662 : f32 to vector<16xf32>
    %mul3A_664 = arith.mulf %mul3A_663, %get3A_661 : vector<16xf32>
    %exp3A_665 = math.exp %mul3A_664 : vector<16xf32>
    %sub3A_666 = arith.constant 1.000000e+00 : f32
    %sub3A_667 = vector.broadcast %sub3A_666 : f32 to vector<16xf32>
    %sub3A_668 = arith.subf %exp3A_665, %sub3A_667 : vector<16xf32>
    %add3A_669 = arith.constant 1.000000e+00 : f32
    %add3A_670 = vector.broadcast %add3A_669 : f32 to vector<16xf32>
    %add3A_671 = arith.addf %exp3A_665, %add3A_670 : vector<16xf32>
    %div3A_672 = arith.divf %sub3A_668, %add3A_671 : vector<16xf32>
    %swap3A_673 = arith.constant 17 : i32
    %swap3A_674 = arith.index_cast %swap3A_673 : i32 to index
    %swap3A_675 = arith.constant 0 : index
    %swap3A_676 = tpu.vector_load %arg31[%swap3A_674, %swap3A_675] {strides = array<i32>} : memref<26x16xf32, #tpu.memory_space<vmem>>, vector<1x16xf32>,
    %swap3A_677 = vector.shape_cast %swap3A_676 : vector<1x16xf32> to vector<16xf32>
    %swap3A_678 = vector.shape_cast %div3A_672 : vector<16xf32> to vector<1x16xf32>
    tpu.vector_store %arg31[%swap3A_674, %swap3A_675], %swap3A_678 {strides = array<i32>} : memref<26x16xf32, #tpu.memory_space<vmem>>, vector<1x16xf32>,
    %get3A_679 = arith.constant 18 : i32
    %get3A_680 = arith.index_cast %get3A_679 : i32 to index
    %get3A_681 = arith.constant 0 : index
    %get3A_682 = tpu.vector_load %arg31[%get3A_680, %get3A_681] {strides = array<i32>} : memref<26x16xf32, #tpu.memory_space<vmem>>, vector<1x16xf32>,
    %get3A_683 = vector.shape_cast %get3A_682 : vector<1x16xf32> to vector<16xf32>
    %mul3A_684 = arith.constant 2.000000e+00 : f32
    %mul3A_685 = vector.broadcast %mul3A_684 : f32 to vector<16xf32>
    %mul3A_686 = arith.mulf %mul3A_685, %get3A_683 : vector<16xf32>
    %exp3A_687 = math.exp %mul3A_686 : vector<16xf32>
    %sub3A_688 = arith.constant 1.000000e+00 : f32
    %sub3A_689 = vector.broadcast %sub3A_688 : f32 to vector<16xf32>
    %sub3A_690 = arith.subf %exp3A_687, %sub3A_689 : vector<16xf32>
    %add3A_691 = arith.constant 1.000000e+00 : f32
    %add3A_692 = vector.broadcast %add3A_691 : f32 to vector<16xf32>
    %add3A_693 = arith.addf %exp3A_687, %add3A_692 : vector<16xf32>
    %div3A_694 = arith.divf %sub3A_690, %add3A_693 : vector<16xf32>
    %swap3A_695 = arith.constant 18 : i32
    %swap3A_696 = arith.index_cast %swap3A_695 : i32 to index
    %swap3A_697 = arith.constant 0 : index
    %swap3A_698 = tpu.vector_load %arg31[%swap3A_696, %swap3A_697] {strides = array<i32>} : memref<26x16xf32, #tpu.memory_space<vmem>>, vector<1x16xf32>,
    %swap3A_699 = vector.shape_cast %swap3A_698 : vector<1x16xf32> to vector<16xf32>
    %swap3A_700 = vector.shape_cast %div3A_694 : vector<16xf32> to vector<1x16xf32>
    tpu.vector_store %arg31[%swap3A_696, %swap3A_697], %swap3A_700 {strides = array<i32>} : memref<26x16xf32, #tpu.memory_space<vmem>>, vector<1x16xf32>,
    %get3A_701 = arith.constant 19 : i32
    %get3A_702 = arith.index_cast %get3A_701 : i32 to index
    %get3A_703 = arith.constant 0 : index
    %get3A_704 = tpu.vector_load %arg31[%get3A_702, %get3A_703] {strides = array<i32>} : memref<26x16xf32, #tpu.memory_space<vmem>>, vector<1x16xf32>,
    %get3A_705 = vector.shape_cast %get3A_704 : vector<1x16xf32> to vector<16xf32>
    %mul3A_706 = arith.constant 2.000000e+00 : f32
    %mul3A_707 = vector.broadcast %mul3A_706 : f32 to vector<16xf32>
    %mul3A_708 = arith.mulf %mul3A_707, %get3A_705 : vector<16xf32>
    %exp3A_709 = math.exp %mul3A_708 : vector<16xf32>
    %sub3A_710 = arith.constant 1.000000e+00 : f32
    %sub3A_711 = vector.broadcast %sub3A_710 : f32 to vector<16xf32>
    %sub3A_712 = arith.subf %exp3A_709, %sub3A_711 : vector<16xf32>
    %add3A_713 = arith.constant 1.000000e+00 : f32
    %add3A_714 = vector.broadcast %add3A_713 : f32 to vector<16xf32>
    %add3A_715 = arith.addf %exp3A_709, %add3A_714 : vector<16xf32>
    %div3A_716 = arith.divf %sub3A_712, %add3A_715 : vector<16xf32>
    %swap3A_717 = arith.constant 19 : i32
    %swap3A_718 = arith.index_cast %swap3A_717 : i32 to index
    %swap3A_719 = arith.constant 0 : index
    %swap3A_720 = tpu.vector_load %arg31[%swap3A_718, %swap3A_719] {strides = array<i32>} : memref<26x16xf32, #tpu.memory_space<vmem>>, vector<1x16xf32>,
    %swap3A_721 = vector.shape_cast %swap3A_720 : vector<1x16xf32> to vector<16xf32>
    %swap3A_722 = vector.shape_cast %div3A_716 : vector<16xf32> to vector<1x16xf32>
    tpu.vector_store %arg31[%swap3A_718, %swap3A_719], %swap3A_722 {strides = array<i32>} : memref<26x16xf32, #tpu.memory_space<vmem>>, vector<1x16xf32>,
    %get3A_723 = arith.constant 20 : i32
    %get3A_724 = arith.index_cast %get3A_723 : i32 to index
    %get3A_725 = arith.constant 0 : index
    %get3A_726 = tpu.vector_load %arg31[%get3A_724, %get3A_725] {strides = array<i32>} : memref<26x16xf32, #tpu.memory_space<vmem>>, vector<1x16xf32>,
    %get3A_727 = vector.shape_cast %get3A_726 : vector<1x16xf32> to vector<16xf32>
    %mul3A_728 = arith.constant 2.000000e+00 : f32
    %mul3A_729 = vector.broadcast %mul3A_728 : f32 to vector<16xf32>
    %mul3A_730 = arith.mulf %mul3A_729, %get3A_727 : vector<16xf32>
    %exp3A_731 = math.exp %mul3A_730 : vector<16xf32>
    %sub3A_732 = arith.constant 1.000000e+00 : f32
    %sub3A_733 = vector.broadcast %sub3A_732 : f32 to vector<16xf32>
    %sub3A_734 = arith.subf %exp3A_731, %sub3A_733 : vector<16xf32>
    %add3A_735 = arith.constant 1.000000e+00 : f32
    %add3A_736 = vector.broadcast %add3A_735 : f32 to vector<16xf32>
    %add3A_737 = arith.addf %exp3A_731, %add3A_736 : vector<16xf32>
    %div3A_738 = arith.divf %sub3A_734, %add3A_737 : vector<16xf32>
    %swap3A_739 = arith.constant 20 : i32
    %swap3A_740 = arith.index_cast %swap3A_739 : i32 to index
    %swap3A_741 = arith.constant 0 : index
    %swap3A_742 = tpu.vector_load %arg31[%swap3A_740, %swap3A_741] {strides = array<i32>} : memref<26x16xf32, #tpu.memory_space<vmem>>, vector<1x16xf32>,
    %swap3A_743 = vector.shape_cast %swap3A_742 : vector<1x16xf32> to vector<16xf32>
    %swap3A_744 = vector.shape_cast %div3A_738 : vector<16xf32> to vector<1x16xf32>
    tpu.vector_store %arg31[%swap3A_740, %swap3A_741], %swap3A_744 {strides = array<i32>} : memref<26x16xf32, #tpu.memory_space<vmem>>, vector<1x16xf32>,
    %get3A_745 = arith.constant 21 : i32
    %get3A_746 = arith.index_cast %get3A_745 : i32 to index
    %get3A_747 = arith.constant 0 : index
    %get3A_748 = tpu.vector_load %arg31[%get3A_746, %get3A_747] {strides = array<i32>} : memref<26x16xf32, #tpu.memory_space<vmem>>, vector<1x16xf32>,
    %get3A_749 = vector.shape_cast %get3A_748 : vector<1x16xf32> to vector<16xf32>
    %mul3A_750 = arith.constant 2.000000e+00 : f32
    %mul3A_751 = vector.broadcast %mul3A_750 : f32 to vector<16xf32>
    %mul3A_752 = arith.mulf %mul3A_751, %get3A_749 : vector<16xf32>
    %exp3A_753 = math.exp %mul3A_752 : vector<16xf32>
    %sub3A_754 = arith.constant 1.000000e+00 : f32
    %sub3A_755 = vector.broadcast %sub3A_754 : f32 to vector<16xf32>
    %sub3A_756 = arith.subf %exp3A_753, %sub3A_755 : vector<16xf32>
    %add3A_757 = arith.constant 1.000000e+00 : f32
    %add3A_758 = vector.broadcast %add3A_757 : f32 to vector<16xf32>
    %add3A_759 = arith.addf %exp3A_753, %add3A_758 : vector<16xf32>
    %div3A_760 = arith.divf %sub3A_756, %add3A_759 : vector<16xf32>
    %swap3A_761 = arith.constant 21 : i32
    %swap3A_762 = arith.index_cast %swap3A_761 : i32 to index
    %swap3A_763 = arith.constant 0 : index
    %swap3A_764 = tpu.vector_load %arg31[%swap3A_762, %swap3A_763] {strides = array<i32>} : memref<26x16xf32, #tpu.memory_space<vmem>>, vector<1x16xf32>,
    %swap3A_765 = vector.shape_cast %swap3A_764 : vector<1x16xf32> to vector<16xf32>
    %swap3A_766 = vector.shape_cast %div3A_760 : vector<16xf32> to vector<1x16xf32>
    tpu.vector_store %arg31[%swap3A_762, %swap3A_763], %swap3A_766 {strides = array<i32>} : memref<26x16xf32, #tpu.memory_space<vmem>>, vector<1x16xf32>,
    %get3A_767 = arith.constant 22 : i32
    %get3A_768 = arith.index_cast %get3A_767 : i32 to index
    %get3A_769 = arith.constant 0 : index
    %get3A_770 = tpu.vector_load %arg31[%get3A_768, %get3A_769] {strides = array<i32>} : memref<26x16xf32, #tpu.memory_space<vmem>>, vector<1x16xf32>,
    %get3A_771 = vector.shape_cast %get3A_770 : vector<1x16xf32> to vector<16xf32>
    %mul3A_772 = arith.constant 2.000000e+00 : f32
    %mul3A_773 = vector.broadcast %mul3A_772 : f32 to vector<16xf32>
    %mul3A_774 = arith.mulf %mul3A_773, %get3A_771 : vector<16xf32>
    %exp3A_775 = math.exp %mul3A_774 : vector<16xf32>
    %sub3A_776 = arith.constant 1.000000e+00 : f32
    %sub3A_777 = vector.broadcast %sub3A_776 : f32 to vector<16xf32>
    %sub3A_778 = arith.subf %exp3A_775, %sub3A_777 : vector<16xf32>
    %add3A_779 = arith.constant 1.000000e+00 : f32
    %add3A_780 = vector.broadcast %add3A_779 : f32 to vector<16xf32>
    %add3A_781 = arith.addf %exp3A_775, %add3A_780 : vector<16xf32>
    %div3A_782 = arith.divf %sub3A_778, %add3A_781 : vector<16xf32>
    %swap3A_783 = arith.constant 22 : i32
    %swap3A_784 = arith.index_cast %swap3A_783 : i32 to index
    %swap3A_785 = arith.constant 0 : index
    %swap3A_786 = tpu.vector_load %arg31[%swap3A_784, %swap3A_785] {strides = array<i32>} : memref<26x16xf32, #tpu.memory_space<vmem>>, vector<1x16xf32>,
    %swap3A_787 = vector.shape_cast %swap3A_786 : vector<1x16xf32> to vector<16xf32>
    %swap3A_788 = vector.shape_cast %div3A_782 : vector<16xf32> to vector<1x16xf32>
    tpu.vector_store %arg31[%swap3A_784, %swap3A_785], %swap3A_788 {strides = array<i32>} : memref<26x16xf32, #tpu.memory_space<vmem>>, vector<1x16xf32>,
    %get3A_789 = arith.constant 23 : i32
    %get3A_790 = arith.index_cast %get3A_789 : i32 to index
    %get3A_791 = arith.constant 0 : index
    %get3A_792 = tpu.vector_load %arg31[%get3A_790, %get3A_791] {strides = array<i32>} : memref<26x16xf32, #tpu.memory_space<vmem>>, vector<1x16xf32>,
    %get3A_793 = vector.shape_cast %get3A_792 : vector<1x16xf32> to vector<16xf32>
    %mul3A_794 = arith.constant 2.000000e+00 : f32
    %mul3A_795 = vector.broadcast %mul3A_794 : f32 to vector<16xf32>
    %mul3A_796 = arith.mulf %mul3A_795, %get3A_793 : vector<16xf32>
    %exp3A_797 = math.exp %mul3A_796 : vector<16xf32>
    %sub3A_798 = arith.constant 1.000000e+00 : f32
    %sub3A_799 = vector.broadcast %sub3A_798 : f32 to vector<16xf32>
    %sub3A_800 = arith.subf %exp3A_797, %sub3A_799 : vector<16xf32>
    %add3A_801 = arith.constant 1.000000e+00 : f32
    %add3A_802 = vector.broadcast %add3A_801 : f32 to vector<16xf32>
    %add3A_803 = arith.addf %exp3A_797, %add3A_802 : vector<16xf32>
    %div3A_804 = arith.divf %sub3A_800, %add3A_803 : vector<16xf32>
    %swap3A_805 = arith.constant 23 : i32
    %swap3A_806 = arith.index_cast %swap3A_805 : i32 to index
    %swap3A_807 = arith.constant 0 : index
    %swap3A_808 = tpu.vector_load %arg31[%swap3A_806, %swap3A_807] {strides = array<i32>} : memref<26x16xf32, #tpu.memory_space<vmem>>, vector<1x16xf32>,
    %swap3A_809 = vector.shape_cast %swap3A_808 : vector<1x16xf32> to vector<16xf32>
    %swap3A_810 = vector.shape_cast %div3A_804 : vector<16xf32> to vector<1x16xf32>
    tpu.vector_store %arg31[%swap3A_806, %swap3A_807], %swap3A_810 {strides = array<i32>} : memref<26x16xf32, #tpu.memory_space<vmem>>, vector<1x16xf32>,
    %get3A_811 = arith.constant 24 : i32
    %get3A_812 = arith.index_cast %get3A_811 : i32 to index
    %get3A_813 = arith.constant 0 : index
    %get3A_814 = tpu.vector_load %arg31[%get3A_812, %get3A_813] {strides = array<i32>} : memref<26x16xf32, #tpu.memory_space<vmem>>, vector<1x16xf32>,
    %get3A_815 = vector.shape_cast %get3A_814 : vector<1x16xf32> to vector<16xf32>
    %mul3A_816 = arith.constant 2.000000e+00 : f32
    %mul3A_817 = vector.broadcast %mul3A_816 : f32 to vector<16xf32>
    %mul3A_818 = arith.mulf %mul3A_817, %get3A_815 : vector<16xf32>
    %exp3A_819 = math.exp %mul3A_818 : vector<16xf32>
    %sub3A_820 = arith.constant 1.000000e+00 : f32
    %sub3A_821 = vector.broadcast %sub3A_820 : f32 to vector<16xf32>
    %sub3A_822 = arith.subf %exp3A_819, %sub3A_821 : vector<16xf32>
    %add3A_823 = arith.constant 1.000000e+00 : f32
    %add3A_824 = vector.broadcast %add3A_823 : f32 to vector<16xf32>
    %add3A_825 = arith.addf %exp3A_819, %add3A_824 : vector<16xf32>
    %div3A_826 = arith.divf %sub3A_822, %add3A_825 : vector<16xf32>
    %swap3A_827 = arith.constant 24 : i32
    %swap3A_828 = arith.index_cast %swap3A_827 : i32 to index
    %swap3A_829 = arith.constant 0 : index
    %swap3A_830 = tpu.vector_load %arg31[%swap3A_828, %swap3A_829] {strides = array<i32>} : memref<26x16xf32, #tpu.memory_space<vmem>>, vector<1x16xf32>,
    %swap3A_831 = vector.shape_cast %swap3A_830 : vector<1x16xf32> to vector<16xf32>
    %swap3A_832 = vector.shape_cast %div3A_826 : vector<16xf32> to vector<1x16xf32>
    tpu.vector_store %arg31[%swap3A_828, %swap3A_829], %swap3A_832 {strides = array<i32>} : memref<26x16xf32, #tpu.memory_space<vmem>>, vector<1x16xf32>,
    %get3A_833 = arith.constant 25 : i32
    %get3A_834 = arith.index_cast %get3A_833 : i32 to index
    %get3A_835 = arith.constant 0 : index
    %get3A_836 = tpu.vector_load %arg31[%get3A_834, %get3A_835] {strides = array<i32>} : memref<26x16xf32, #tpu.memory_space<vmem>>, vector<1x16xf32>,
    %get3A_837 = vector.shape_cast %get3A_836 : vector<1x16xf32> to vector<16xf32>
    %mul3A_838 = arith.constant 2.000000e+00 : f32
    %mul3A_839 = vector.broadcast %mul3A_838 : f32 to vector<16xf32>
    %mul3A_840 = arith.mulf %mul3A_839, %get3A_837 : vector<16xf32>
    %exp3A_841 = math.exp %mul3A_840 : vector<16xf32>
    %sub3A_842 = arith.constant 1.000000e+00 : f32
    %sub3A_843 = vector.broadcast %sub3A_842 : f32 to vector<16xf32>
    %sub3A_844 = arith.subf %exp3A_841, %sub3A_843 : vector<16xf32>
    %add3A_845 = arith.constant 1.000000e+00 : f32
    %add3A_846 = vector.broadcast %add3A_845 : f32 to vector<16xf32>
    %add3A_847 = arith.addf %exp3A_841, %add3A_846 : vector<16xf32>
    %div3A_848 = arith.divf %sub3A_844, %add3A_847 : vector<16xf32>
    %swap3A_849 = arith.constant 25 : i32
    %swap3A_850 = arith.index_cast %swap3A_849 : i32 to index
    %swap3A_851 = arith.constant 0 : index
    %swap3A_852 = tpu.vector_load %arg31[%swap3A_850, %swap3A_851] {strides = array<i32>} : memref<26x16xf32, #tpu.memory_space<vmem>>, vector<1x16xf32>,
    %swap3A_853 = vector.shape_cast %swap3A_852 : vector<1x16xf32> to vector<16xf32>
    %swap3A_854 = vector.shape_cast %div3A_848 : vector<16xf32> to vector<1x16xf32>
    tpu.vector_store %arg31[%swap3A_850, %swap3A_851], %swap3A_854 {strides = array<i32>} : memref<26x16xf32, #tpu.memory_space<vmem>>, vector<1x16xf32>,
    %dma_wait3A = arith.constant 0 : i32
    %dma_wait3A_855 = arith.constant 0 : i32
    %dma_wait3A_856 = tpu.memref_slice %arg32[%dma_wait3A_855] : memref<13312xi32, #tpu.memory_space<vmem>> -> memref<512xi32, #tpu.memory_space<vmem>>
    %dma_wait3A_857 = arith.constant 0 : i32
    %dma_wait3A_858 = tpu.memref_slice %arg2[%dma_wait3A, %add3A, %dma_wait3A_857] : memref<26x32x512xi32, #tpu.memory_space<hbm>> -> memref<1x1x512xi32, #tpu.memory_space<hbm>>
    %dma_wait3A_859 = tpu.memref_squeeze %dma_wait3A_858 : memref<1x1x512xi32, #tpu.memory_space<hbm>> -> memref<512xi32, #tpu.memory_space<hbm>>
    %dma_wait3A_860 = arith.constant 0 : i32
    %dma_wait3A_861 = tpu.memref_slice %arg32[%dma_wait3A_860] : memref<13312xi32, #tpu.memory_space<vmem>> -> memref<512xi32, #tpu.memory_space<vmem>>
    %dma_wait3A_862 = arith.constant 0 : i32
    %dma_wait3A_863 = tpu.memref_slice %arg2[%dma_wait3A, %add3A, %dma_wait3A_862] : memref<26x32x512xi32, #tpu.memory_space<hbm>> -> memref<1x1x512xi32, #tpu.memory_space<hbm>>
    %dma_wait3A_864 = tpu.memref_squeeze %dma_wait3A_863 : memref<1x1x512xi32, #tpu.memory_space<hbm>> -> memref<512xi32, #tpu.memory_space<hbm>>
    tpu.wait_dma2 semaphore(%arg35 : memref<!tpu.dma_semaphore, #tpu.memory_space<semaphore_mem>>) src(%dma_wait3A_864 : memref<512xi32, #tpu.memory_space<hbm>>) dst(%dma_wait3A_861 : memref<512xi32, #tpu.memory_space<vmem>>)
    %dma_start3A_865 = arith.constant 0 : i32
    %dma_start3A_866 = tpu.memref_slice %arg33[%dma_start3A_865] : memref<13312xf32, #tpu.memory_space<vmem>> -> memref<128xf32, #tpu.memory_space<vmem>>
    %dma_start3A_867 = arith.constant 0 : i32
    %dma_start3A_868 = tpu.memref_slice %arg32[%dma_start3A_867] : memref<13312xi32, #tpu.memory_space<vmem>> -> memref<128xi32, #tpu.memory_space<vmem>>
    %dma_start3A_869 = arith.constant 0 : i32
    %dma_start3A_870 = tpu.memref_slice %arg3[%dma_start3A_869] : memref<1000000xf32, #tpu.memory_space<hbm>> -> memref<1000000xf32, #tpu.memory_space<hbm>>
    tpu.enqueue_indirect_dma source(%dma_start3A_870 : memref<1000000xf32, #tpu.memory_space<hbm>>) target(%dma_start3A_866 : memref<128xf32, #tpu.memory_space<vmem>>) offsets(%dma_start3A_868 : memref<128xi32, #tpu.memory_space<vmem>>) semaphore(%arg36 : memref<!tpu.dma_semaphore, #tpu.memory_space<semaphore_mem>>)
    %dma_start3A_871 = arith.constant 128 : i32
    %dma_start3A_872 = tpu.memref_slice %arg33[%dma_start3A_871] : memref<13312xf32, #tpu.memory_space<vmem>> -> memref<128xf32, #tpu.memory_space<vmem>>
    %dma_start3A_873 = arith.constant 128 : i32
    %dma_start3A_874 = tpu.memref_slice %arg32[%dma_start3A_873] : memref<13312xi32, #tpu.memory_space<vmem>> -> memref<128xi32, #tpu.memory_space<vmem>>
    %dma_start3A_875 = arith.constant 0 : i32
    %dma_start3A_876 = tpu.memref_slice %arg3[%dma_start3A_875] : memref<1000000xf32, #tpu.memory_space<hbm>> -> memref<1000000xf32, #tpu.memory_space<hbm>>
    tpu.enqueue_indirect_dma source(%dma_start3A_876 : memref<1000000xf32, #tpu.memory_space<hbm>>) target(%dma_start3A_872 : memref<128xf32, #tpu.memory_space<vmem>>) offsets(%dma_start3A_874 : memref<128xi32, #tpu.memory_space<vmem>>) semaphore(%arg36 : memref<!tpu.dma_semaphore, #tpu.memory_space<semaphore_mem>>)
    %dma_start3A_877 = arith.constant 256 : i32
    %dma_start3A_878 = tpu.memref_slice %arg33[%dma_start3A_877] : memref<13312xf32, #tpu.memory_space<vmem>> -> memref<128xf32, #tpu.memory_space<vmem>>
    %dma_start3A_879 = arith.constant 256 : i32
    %dma_start3A_880 = tpu.memref_slice %arg32[%dma_start3A_879] : memref<13312xi32, #tpu.memory_space<vmem>> -> memref<128xi32, #tpu.memory_space<vmem>>
    %dma_start3A_881 = arith.constant 0 : i32
    %dma_start3A_882 = tpu.memref_slice %arg3[%dma_start3A_881] : memref<1000000xf32, #tpu.memory_space<hbm>> -> memref<1000000xf32, #tpu.memory_space<hbm>>
    tpu.enqueue_indirect_dma source(%dma_start3A_882 : memref<1000000xf32, #tpu.memory_space<hbm>>) target(%dma_start3A_878 : memref<128xf32, #tpu.memory_space<vmem>>) offsets(%dma_start3A_880 : memref<128xi32, #tpu.memory_space<vmem>>) semaphore(%arg36 : memref<!tpu.dma_semaphore, #tpu.memory_space<semaphore_mem>>)
    %dma_start3A_883 = arith.constant 384 : i32
    %dma_start3A_884 = tpu.memref_slice %arg33[%dma_start3A_883] : memref<13312xf32, #tpu.memory_space<vmem>> -> memref<128xf32, #tpu.memory_space<vmem>>
    %dma_start3A_885 = arith.constant 384 : i32
    %dma_start3A_886 = tpu.memref_slice %arg32[%dma_start3A_885] : memref<13312xi32, #tpu.memory_space<vmem>> -> memref<128xi32, #tpu.memory_space<vmem>>
    %dma_start3A_887 = arith.constant 0 : i32
    %dma_start3A_888 = tpu.memref_slice %arg3[%dma_start3A_887] : memref<1000000xf32, #tpu.memory_space<hbm>> -> memref<1000000xf32, #tpu.memory_space<hbm>>
    tpu.enqueue_indirect_dma source(%dma_start3A_888 : memref<1000000xf32, #tpu.memory_space<hbm>>) target(%dma_start3A_884 : memref<128xf32, #tpu.memory_space<vmem>>) offsets(%dma_start3A_886 : memref<128xi32, #tpu.memory_space<vmem>>) semaphore(%arg36 : memref<!tpu.dma_semaphore, #tpu.memory_space<semaphore_mem>>)
    %dma_wait3A_889 = arith.constant 1 : i32
    %dma_wait3A_890 = arith.constant 512 : i32
    %dma_wait3A_891 = tpu.memref_slice %arg32[%dma_wait3A_890] : memref<13312xi32, #tpu.memory_space<vmem>> -> memref<512xi32, #tpu.memory_space<vmem>>
    %dma_wait3A_892 = arith.constant 0 : i32
    %dma_wait3A_893 = tpu.memref_slice %arg2[%dma_wait3A_889, %add3A, %dma_wait3A_892] : memref<26x32x512xi32, #tpu.memory_space<hbm>> -> memref<1x1x512xi32, #tpu.memory_space<hbm>>
    %dma_wait3A_894 = tpu.memref_squeeze %dma_wait3A_893 : memref<1x1x512xi32, #tpu.memory_space<hbm>> -> memref<512xi32, #tpu.memory_space<hbm>>
    %dma_wait3A_895 = arith.constant 512 : i32
    %dma_wait3A_896 = tpu.memref_slice %arg32[%dma_wait3A_895] : memref<13312xi32, #tpu.memory_space<vmem>> -> memref<512xi32, #tpu.memory_space<vmem>>
    %dma_wait3A_897 = arith.constant 0 : i32
    %dma_wait3A_898 = tpu.memref_slice %arg2[%dma_wait3A_889, %add3A, %dma_wait3A_897] : memref<26x32x512xi32, #tpu.memory_space<hbm>> -> memref<1x1x512xi32, #tpu.memory_space<hbm>>
    %dma_wait3A_899 = tpu.memref_squeeze %dma_wait3A_898 : memref<1x1x512xi32, #tpu.memory_space<hbm>> -> memref<512xi32, #tpu.memory_space<hbm>>
    tpu.wait_dma2 semaphore(%arg35 : memref<!tpu.dma_semaphore, #tpu.memory_space<semaphore_mem>>) src(%dma_wait3A_899 : memref<512xi32, #tpu.memory_space<hbm>>) dst(%dma_wait3A_896 : memref<512xi32, #tpu.memory_space<vmem>>)
    %dma_start3A_900 = arith.constant 512 : i32
    %dma_start3A_901 = tpu.memref_slice %arg33[%dma_start3A_900] : memref<13312xf32, #tpu.memory_space<vmem>> -> memref<128xf32, #tpu.memory_space<vmem>>
    %dma_start3A_902 = arith.constant 512 : i32
    %dma_start3A_903 = tpu.memref_slice %arg32[%dma_start3A_902] : memref<13312xi32, #tpu.memory_space<vmem>> -> memref<128xi32, #tpu.memory_space<vmem>>
    %dma_start3A_904 = arith.constant 0 : i32
    %dma_start3A_905 = tpu.memref_slice %arg4[%dma_start3A_904] : memref<1000000xf32, #tpu.memory_space<hbm>> -> memref<1000000xf32, #tpu.memory_space<hbm>>
    tpu.enqueue_indirect_dma source(%dma_start3A_905 : memref<1000000xf32, #tpu.memory_space<hbm>>) target(%dma_start3A_901 : memref<128xf32, #tpu.memory_space<vmem>>) offsets(%dma_start3A_903 : memref<128xi32, #tpu.memory_space<vmem>>) semaphore(%arg37 : memref<!tpu.dma_semaphore, #tpu.memory_space<semaphore_mem>>)
    %dma_start3A_906 = arith.constant 640 : i32
    %dma_start3A_907 = tpu.memref_slice %arg33[%dma_start3A_906] : memref<13312xf32, #tpu.memory_space<vmem>> -> memref<128xf32, #tpu.memory_space<vmem>>
    %dma_start3A_908 = arith.constant 640 : i32
    %dma_start3A_909 = tpu.memref_slice %arg32[%dma_start3A_908] : memref<13312xi32, #tpu.memory_space<vmem>> -> memref<128xi32, #tpu.memory_space<vmem>>
    %dma_start3A_910 = arith.constant 0 : i32
    %dma_start3A_911 = tpu.memref_slice %arg4[%dma_start3A_910] : memref<1000000xf32, #tpu.memory_space<hbm>> -> memref<1000000xf32, #tpu.memory_space<hbm>>
    tpu.enqueue_indirect_dma source(%dma_start3A_911 : memref<1000000xf32, #tpu.memory_space<hbm>>) target(%dma_start3A_907 : memref<128xf32, #tpu.memory_space<vmem>>) offsets(%dma_start3A_909 : memref<128xi32, #tpu.memory_space<vmem>>) semaphore(%arg37 : memref<!tpu.dma_semaphore, #tpu.memory_space<semaphore_mem>>)
    %dma_start3A_912 = arith.constant 768 : i32
    %dma_start3A_913 = tpu.memref_slice %arg33[%dma_start3A_912] : memref<13312xf32, #tpu.memory_space<vmem>> -> memref<128xf32, #tpu.memory_space<vmem>>
    %dma_start3A_914 = arith.constant 768 : i32
    %dma_start3A_915 = tpu.memref_slice %arg32[%dma_start3A_914] : memref<13312xi32, #tpu.memory_space<vmem>> -> memref<128xi32, #tpu.memory_space<vmem>>
    %dma_start3A_916 = arith.constant 0 : i32
    %dma_start3A_917 = tpu.memref_slice %arg4[%dma_start3A_916] : memref<1000000xf32, #tpu.memory_space<hbm>> -> memref<1000000xf32, #tpu.memory_space<hbm>>
    tpu.enqueue_indirect_dma source(%dma_start3A_917 : memref<1000000xf32, #tpu.memory_space<hbm>>) target(%dma_start3A_913 : memref<128xf32, #tpu.memory_space<vmem>>) offsets(%dma_start3A_915 : memref<128xi32, #tpu.memory_space<vmem>>) semaphore(%arg37 : memref<!tpu.dma_semaphore, #tpu.memory_space<semaphore_mem>>)
    %dma_start3A_918 = arith.constant 896 : i32
    %dma_start3A_919 = tpu.memref_slice %arg33[%dma_start3A_918] : memref<13312xf32, #tpu.memory_space<vmem>> -> memref<128xf32, #tpu.memory_space<vmem>>
    %dma_start3A_920 = arith.constant 896 : i32
    %dma_start3A_921 = tpu.memref_slice %arg32[%dma_start3A_920] : memref<13312xi32, #tpu.memory_space<vmem>> -> memref<128xi32, #tpu.memory_space<vmem>>
    %dma_start3A_922 = arith.constant 0 : i32
    %dma_start3A_923 = tpu.memref_slice %arg4[%dma_start3A_922] : memref<1000000xf32, #tpu.memory_space<hbm>> -> memref<1000000xf32, #tpu.memory_space<hbm>>
    tpu.enqueue_indirect_dma source(%dma_start3A_923 : memref<1000000xf32, #tpu.memory_space<hbm>>) target(%dma_start3A_919 : memref<128xf32, #tpu.memory_space<vmem>>) offsets(%dma_start3A_921 : memref<128xi32, #tpu.memory_space<vmem>>) semaphore(%arg37 : memref<!tpu.dma_semaphore, #tpu.memory_space<semaphore_mem>>)
    %dma_wait3A_924 = arith.constant 0 : i32
    %dma_wait3A_925 = tpu.memref_slice %arg33[%dma_wait3A_924] : memref<13312xf32, #tpu.memory_space<vmem>> -> memref<128xf32, #tpu.memory_space<vmem>>
    %dma_wait3A_926 = arith.constant 0 : i32
    %dma_wait3A_927 = tpu.memref_slice %arg32[%dma_wait3A_926] : memref<13312xi32, #tpu.memory_space<vmem>> -> memref<128xi32, #tpu.memory_space<vmem>>
    %dma_wait3A_928 = arith.constant 0 : i32
    %dma_wait3A_929 = tpu.memref_slice %arg3[%dma_wait3A_928] : memref<1000000xf32, #tpu.memory_space<hbm>> -> memref<1000000xf32, #tpu.memory_space<hbm>>
    tpu.wait_indirect_dma semaphore(%arg36 : memref<!tpu.dma_semaphore, #tpu.memory_space<semaphore_mem>>) src(%dma_wait3A_929 : memref<1000000xf32, #tpu.memory_space<hbm>>) dst(%dma_wait3A_925 : memref<128xf32, #tpu.memory_space<vmem>>)
    %dma_wait3A_930 = arith.constant 128 : i32
    %dma_wait3A_931 = tpu.memref_slice %arg33[%dma_wait3A_930] : memref<13312xf32, #tpu.memory_space<vmem>> -> memref<128xf32, #tpu.memory_space<vmem>>
    %dma_wait3A_932 = arith.constant 128 : i32
    %dma_wait3A_933 = tpu.memref_slice %arg32[%dma_wait3A_932] : memref<13312xi32, #tpu.memory_space<vmem>> -> memref<128xi32, #tpu.memory_space<vmem>>
    %dma_wait3A_934 = arith.constant 0 : i32
    %dma_wait3A_935 = tpu.memref_slice %arg3[%dma_wait3A_934] : memref<1000000xf32, #tpu.memory_space<hbm>> -> memref<1000000xf32, #tpu.memory_space<hbm>>
    tpu.wait_indirect_dma semaphore(%arg36 : memref<!tpu.dma_semaphore, #tpu.memory_space<semaphore_mem>>) src(%dma_wait3A_935 : memref<1000000xf32, #tpu.memory_space<hbm>>) dst(%dma_wait3A_931 : memref<128xf32, #tpu.memory_space<vmem>>)
    %dma_wait3A_936 = arith.constant 256 : i32
    %dma_wait3A_937 = tpu.memref_slice %arg33[%dma_wait3A_936] : memref<13312xf32, #tpu.memory_space<vmem>> -> memref<128xf32, #tpu.memory_space<vmem>>
    %dma_wait3A_938 = arith.constant 256 : i32
    %dma_wait3A_939 = tpu.memref_slice %arg32[%dma_wait3A_938] : memref<13312xi32, #tpu.memory_space<vmem>> -> memref<128xi32, #tpu.memory_space<vmem>>
    %dma_wait3A_940 = arith.constant 0 : i32
    %dma_wait3A_941 = tpu.memref_slice %arg3[%dma_wait3A_940] : memref<1000000xf32, #tpu.memory_space<hbm>> -> memref<1000000xf32, #tpu.memory_space<hbm>>
    tpu.wait_indirect_dma semaphore(%arg36 : memref<!tpu.dma_semaphore, #tpu.memory_space<semaphore_mem>>) src(%dma_wait3A_941 : memref<1000000xf32, #tpu.memory_space<hbm>>) dst(%dma_wait3A_937 : memref<128xf32, #tpu.memory_space<vmem>>)
    %dma_wait3A_942 = arith.constant 384 : i32
    %dma_wait3A_943 = tpu.memref_slice %arg33[%dma_wait3A_942] : memref<13312xf32, #tpu.memory_space<vmem>> -> memref<128xf32, #tpu.memory_space<vmem>>
    %dma_wait3A_944 = arith.constant 384 : i32
    %dma_wait3A_945 = tpu.memref_slice %arg32[%dma_wait3A_944] : memref<13312xi32, #tpu.memory_space<vmem>> -> memref<128xi32, #tpu.memory_space<vmem>>
    %dma_wait3A_946 = arith.constant 0 : i32
    %dma_wait3A_947 = tpu.memref_slice %arg3[%dma_wait3A_946] : memref<1000000xf32, #tpu.memory_space<hbm>> -> memref<1000000xf32, #tpu.memory_space<hbm>>
    tpu.wait_indirect_dma semaphore(%arg36 : memref<!tpu.dma_semaphore, #tpu.memory_space<semaphore_mem>>) src(%dma_wait3A_947 : memref<1000000xf32, #tpu.memory_space<hbm>>) dst(%dma_wait3A_943 : memref<128xf32, #tpu.memory_space<vmem>>)
    %get3A_948 = arith.constant 0 : i32
    %get3A_949 = arith.index_cast %get3A_948 : i32 to index
    %get3A_950 = arith.constant 0 : index
    %get3A_951 = tpu.vector_load %arg31[%get3A_949, %get3A_950] {strides = array<i32>} : memref<26x16xf32, #tpu.memory_space<vmem>>, vector<1x16xf32>,
    %get3A_952 = vector.shape_cast %get3A_951 : vector<1x16xf32> to vector<16xf32>
    %scan3A = arith.constant 0 : i32
    %scan3A_953 = arith.constant 0 : i32
    %scan3A_954 = arith.constant 32 : i32
    %scan3A_955 = arith.addi %scan3A_953, %scan3A_954 : i32
    %scan3A_956 = arith.constant 1 : i32
    %scan3A_957 = scf.for %scan3A_2699 = %scan3A_953 to %scan3A_955 step %scan3A_956 iter_args(%scan3A_2700 = %scan3A) -> (i32)  : i32 {
      %mul3A_2701 = arith.constant 16 : i32
      %mul3A_2702 = arith.muli %scan3A_2699, %mul3A_2701 : i32
      %get3A_2703 = arith.index_cast %mul3A_2702 : i32 to index
      %get3A_2704 = tpu.vector_load %arg33[%get3A_2703] {strides = array<i32>} : memref<13312xf32, #tpu.memory_space<vmem>>, vector<16xf32>,
      %get3A_2705 = vector.shape_cast %get3A_2704 : vector<16xf32> to vector<16xf32>
      %mul3A_2706 = arith.mulf %get3A_2705, %get3A_952 : vector<16xf32>
      %swap3A_2707 = arith.index_cast %mul3A_2702 : i32 to index
      %swap3A_2708 = tpu.vector_load %arg34[%swap3A_2707] {strides = array<i32>} : memref<512xf32, #tpu.memory_space<vmem>>, vector<16xf32>,
      %swap3A_2709 = vector.shape_cast %swap3A_2708 : vector<16xf32> to vector<16xf32>
      %swap3A_2710 = vector.shape_cast %mul3A_2706 : vector<16xf32> to vector<16xf32>
      tpu.vector_store %arg34[%swap3A_2707], %swap3A_2710 {strides = array<i32>} : memref<512xf32, #tpu.memory_space<vmem>>, vector<16xf32>,
      %scan3A_2711 = arith.constant 0 : i32
      scf.yield %scan3A_2711 : i32
    }
    %scan3A_958 = arith.constant 32 : i32
    %dma_wait3A_959 = arith.constant 2 : i32
    %dma_wait3A_960 = arith.constant 1024 : i32
    %dma_wait3A_961 = tpu.memref_slice %arg32[%dma_wait3A_960] : memref<13312xi32, #tpu.memory_space<vmem>> -> memref<512xi32, #tpu.memory_space<vmem>>
    %dma_wait3A_962 = arith.constant 0 : i32
    %dma_wait3A_963 = tpu.memref_slice %arg2[%dma_wait3A_959, %add3A, %dma_wait3A_962] : memref<26x32x512xi32, #tpu.memory_space<hbm>> -> memref<1x1x512xi32, #tpu.memory_space<hbm>>
    %dma_wait3A_964 = tpu.memref_squeeze %dma_wait3A_963 : memref<1x1x512xi32, #tpu.memory_space<hbm>> -> memref<512xi32, #tpu.memory_space<hbm>>
    %dma_wait3A_965 = arith.constant 1024 : i32
    %dma_wait3A_966 = tpu.memref_slice %arg32[%dma_wait3A_965] : memref<13312xi32, #tpu.memory_space<vmem>> -> memref<512xi32, #tpu.memory_space<vmem>>
    %dma_wait3A_967 = arith.constant 0 : i32
    %dma_wait3A_968 = tpu.memref_slice %arg2[%dma_wait3A_959, %add3A, %dma_wait3A_967] : memref<26x32x512xi32, #tpu.memory_space<hbm>> -> memref<1x1x512xi32, #tpu.memory_space<hbm>>
    %dma_wait3A_969 = tpu.memref_squeeze %dma_wait3A_968 : memref<1x1x512xi32, #tpu.memory_space<hbm>> -> memref<512xi32, #tpu.memory_space<hbm>>
    tpu.wait_dma2 semaphore(%arg35 : memref<!tpu.dma_semaphore, #tpu.memory_space<semaphore_mem>>) src(%dma_wait3A_969 : memref<512xi32, #tpu.memory_space<hbm>>) dst(%dma_wait3A_966 : memref<512xi32, #tpu.memory_space<vmem>>)
    %dma_start3A_970 = arith.constant 1024 : i32
    %dma_start3A_971 = tpu.memref_slice %arg33[%dma_start3A_970] : memref<13312xf32, #tpu.memory_space<vmem>> -> memref<128xf32, #tpu.memory_space<vmem>>
    %dma_start3A_972 = arith.constant 1024 : i32
    %dma_start3A_973 = tpu.memref_slice %arg32[%dma_start3A_972] : memref<13312xi32, #tpu.memory_space<vmem>> -> memref<128xi32, #tpu.memory_space<vmem>>
    %dma_start3A_974 = arith.constant 0 : i32
    %dma_start3A_975 = tpu.memref_slice %arg5[%dma_start3A_974] : memref<1000000xf32, #tpu.memory_space<hbm>> -> memref<1000000xf32, #tpu.memory_space<hbm>>
    tpu.enqueue_indirect_dma source(%dma_start3A_975 : memref<1000000xf32, #tpu.memory_space<hbm>>) target(%dma_start3A_971 : memref<128xf32, #tpu.memory_space<vmem>>) offsets(%dma_start3A_973 : memref<128xi32, #tpu.memory_space<vmem>>) semaphore(%arg36 : memref<!tpu.dma_semaphore, #tpu.memory_space<semaphore_mem>>)
    %dma_start3A_976 = arith.constant 1152 : i32
    %dma_start3A_977 = tpu.memref_slice %arg33[%dma_start3A_976] : memref<13312xf32, #tpu.memory_space<vmem>> -> memref<128xf32, #tpu.memory_space<vmem>>
    %dma_start3A_978 = arith.constant 1152 : i32
    %dma_start3A_979 = tpu.memref_slice %arg32[%dma_start3A_978] : memref<13312xi32, #tpu.memory_space<vmem>> -> memref<128xi32, #tpu.memory_space<vmem>>
    %dma_start3A_980 = arith.constant 0 : i32
    %dma_start3A_981 = tpu.memref_slice %arg5[%dma_start3A_980] : memref<1000000xf32, #tpu.memory_space<hbm>> -> memref<1000000xf32, #tpu.memory_space<hbm>>
    tpu.enqueue_indirect_dma source(%dma_start3A_981 : memref<1000000xf32, #tpu.memory_space<hbm>>) target(%dma_start3A_977 : memref<128xf32, #tpu.memory_space<vmem>>) offsets(%dma_start3A_979 : memref<128xi32, #tpu.memory_space<vmem>>) semaphore(%arg36 : memref<!tpu.dma_semaphore, #tpu.memory_space<semaphore_mem>>)
    %dma_start3A_982 = arith.constant 1280 : i32
    %dma_start3A_983 = tpu.memref_slice %arg33[%dma_start3A_982] : memref<13312xf32, #tpu.memory_space<vmem>> -> memref<128xf32, #tpu.memory_space<vmem>>
    %dma_start3A_984 = arith.constant 1280 : i32
    %dma_start3A_985 = tpu.memref_slice %arg32[%dma_start3A_984] : memref<13312xi32, #tpu.memory_space<vmem>> -> memref<128xi32, #tpu.memory_space<vmem>>
    %dma_start3A_986 = arith.constant 0 : i32
    %dma_start3A_987 = tpu.memref_slice %arg5[%dma_start3A_986] : memref<1000000xf32, #tpu.memory_space<hbm>> -> memref<1000000xf32, #tpu.memory_space<hbm>>
    tpu.enqueue_indirect_dma source(%dma_start3A_987 : memref<1000000xf32, #tpu.memory_space<hbm>>) target(%dma_start3A_983 : memref<128xf32, #tpu.memory_space<vmem>>) offsets(%dma_start3A_985 : memref<128xi32, #tpu.memory_space<vmem>>) semaphore(%arg36 : memref<!tpu.dma_semaphore, #tpu.memory_space<semaphore_mem>>)
    %dma_start3A_988 = arith.constant 1408 : i32
    %dma_start3A_989 = tpu.memref_slice %arg33[%dma_start3A_988] : memref<13312xf32, #tpu.memory_space<vmem>> -> memref<128xf32, #tpu.memory_space<vmem>>
    %dma_start3A_990 = arith.constant 1408 : i32
    %dma_start3A_991 = tpu.memref_slice %arg32[%dma_start3A_990] : memref<13312xi32, #tpu.memory_space<vmem>> -> memref<128xi32, #tpu.memory_space<vmem>>
    %dma_start3A_992 = arith.constant 0 : i32
    %dma_start3A_993 = tpu.memref_slice %arg5[%dma_start3A_992] : memref<1000000xf32, #tpu.memory_space<hbm>> -> memref<1000000xf32, #tpu.memory_space<hbm>>
    tpu.enqueue_indirect_dma source(%dma_start3A_993 : memref<1000000xf32, #tpu.memory_space<hbm>>) target(%dma_start3A_989 : memref<128xf32, #tpu.memory_space<vmem>>) offsets(%dma_start3A_991 : memref<128xi32, #tpu.memory_space<vmem>>) semaphore(%arg36 : memref<!tpu.dma_semaphore, #tpu.memory_space<semaphore_mem>>)
    %dma_wait3A_994 = arith.constant 512 : i32
    %dma_wait3A_995 = tpu.memref_slice %arg33[%dma_wait3A_994] : memref<13312xf32, #tpu.memory_space<vmem>> -> memref<128xf32, #tpu.memory_space<vmem>>
    %dma_wait3A_996 = arith.constant 512 : i32
    %dma_wait3A_997 = tpu.memref_slice %arg32[%dma_wait3A_996] : memref<13312xi32, #tpu.memory_space<vmem>> -> memref<128xi32, #tpu.memory_space<vmem>>
    %dma_wait3A_998 = arith.constant 0 : i32
    %dma_wait3A_999 = tpu.memref_slice %arg4[%dma_wait3A_998] : memref<1000000xf32, #tpu.memory_space<hbm>> -> memref<1000000xf32, #tpu.memory_space<hbm>>
    tpu.wait_indirect_dma semaphore(%arg37 : memref<!tpu.dma_semaphore, #tpu.memory_space<semaphore_mem>>) src(%dma_wait3A_999 : memref<1000000xf32, #tpu.memory_space<hbm>>) dst(%dma_wait3A_995 : memref<128xf32, #tpu.memory_space<vmem>>)
    %dma_wait3A_1000 = arith.constant 640 : i32
    %dma_wait3A_1001 = tpu.memref_slice %arg33[%dma_wait3A_1000] : memref<13312xf32, #tpu.memory_space<vmem>> -> memref<128xf32, #tpu.memory_space<vmem>>
    %dma_wait3A_1002 = arith.constant 640 : i32
    %dma_wait3A_1003 = tpu.memref_slice %arg32[%dma_wait3A_1002] : memref<13312xi32, #tpu.memory_space<vmem>> -> memref<128xi32, #tpu.memory_space<vmem>>
    %dma_wait3A_1004 = arith.constant 0 : i32
    %dma_wait3A_1005 = tpu.memref_slice %arg4[%dma_wait3A_1004] : memref<1000000xf32, #tpu.memory_space<hbm>> -> memref<1000000xf32, #tpu.memory_space<hbm>>
    tpu.wait_indirect_dma semaphore(%arg37 : memref<!tpu.dma_semaphore, #tpu.memory_space<semaphore_mem>>) src(%dma_wait3A_1005 : memref<1000000xf32, #tpu.memory_space<hbm>>) dst(%dma_wait3A_1001 : memref<128xf32, #tpu.memory_space<vmem>>)
    %dma_wait3A_1006 = arith.constant 768 : i32
    %dma_wait3A_1007 = tpu.memref_slice %arg33[%dma_wait3A_1006] : memref<13312xf32, #tpu.memory_space<vmem>> -> memref<128xf32, #tpu.memory_space<vmem>>
    %dma_wait3A_1008 = arith.constant 768 : i32
    %dma_wait3A_1009 = tpu.memref_slice %arg32[%dma_wait3A_1008] : memref<13312xi32, #tpu.memory_space<vmem>> -> memref<128xi32, #tpu.memory_space<vmem>>
    %dma_wait3A_1010 = arith.constant 0 : i32
    %dma_wait3A_1011 = tpu.memref_slice %arg4[%dma_wait3A_1010] : memref<1000000xf32, #tpu.memory_space<hbm>> -> memref<1000000xf32, #tpu.memory_space<hbm>>
    tpu.wait_indirect_dma semaphore(%arg37 : memref<!tpu.dma_semaphore, #tpu.memory_space<semaphore_mem>>) src(%dma_wait3A_1011 : memref<1000000xf32, #tpu.memory_space<hbm>>) dst(%dma_wait3A_1007 : memref<128xf32, #tpu.memory_space<vmem>>)
    %dma_wait3A_1012 = arith.constant 896 : i32
    %dma_wait3A_1013 = tpu.memref_slice %arg33[%dma_wait3A_1012] : memref<13312xf32, #tpu.memory_space<vmem>> -> memref<128xf32, #tpu.memory_space<vmem>>
    %dma_wait3A_1014 = arith.constant 896 : i32
    %dma_wait3A_1015 = tpu.memref_slice %arg32[%dma_wait3A_1014] : memref<13312xi32, #tpu.memory_space<vmem>> -> memref<128xi32, #tpu.memory_space<vmem>>
    %dma_wait3A_1016 = arith.constant 0 : i32
    %dma_wait3A_1017 = tpu.memref_slice %arg4[%dma_wait3A_1016] : memref<1000000xf32, #tpu.memory_space<hbm>> -> memref<1000000xf32, #tpu.memory_space<hbm>>
    tpu.wait_indirect_dma semaphore(%arg37 : memref<!tpu.dma_semaphore, #tpu.memory_space<semaphore_mem>>) src(%dma_wait3A_1017 : memref<1000000xf32, #tpu.memory_space<hbm>>) dst(%dma_wait3A_1013 : memref<128xf32, #tpu.memory_space<vmem>>)
    %get3A_1018 = arith.constant 1 : i32
    %get3A_1019 = arith.index_cast %get3A_1018 : i32 to index
    %get3A_1020 = arith.constant 0 : index
    %get3A_1021 = tpu.vector_load %arg31[%get3A_1019, %get3A_1020] {strides = array<i32>} : memref<26x16xf32, #tpu.memory_space<vmem>>, vector<1x16xf32>,
    %get3A_1022 = vector.shape_cast %get3A_1021 : vector<1x16xf32> to vector<16xf32>
    %scan3A_1023 = arith.constant 0 : i32
    %scan3A_1024 = arith.constant 0 : i32
    %scan3A_1025 = arith.constant 32 : i32
    %scan3A_1026 = arith.addi %scan3A_1024, %scan3A_1025 : i32
    %scan3A_1027 = arith.constant 1 : i32
    %scan3A_1028 = scf.for %scan3A_2699 = %scan3A_1024 to %scan3A_1026 step %scan3A_1027 iter_args(%scan3A_2700 = %scan3A_1023) -> (i32)  : i32 {
      %mul3A_2701 = arith.constant 16 : i32
      %mul3A_2702 = arith.muli %scan3A_2699, %mul3A_2701 : i32
      %get3A_2703 = arith.index_cast %mul3A_2702 : i32 to index
      %get3A_2704 = tpu.vector_load %arg34[%get3A_2703] {strides = array<i32>} : memref<512xf32, #tpu.memory_space<vmem>>, vector<16xf32>,
      %get3A_2705 = vector.shape_cast %get3A_2704 : vector<16xf32> to vector<16xf32>
      %mul3A_2706 = arith.constant 16 : i32
      %mul3A_2707 = arith.muli %scan3A_2699, %mul3A_2706 : i32
      %add3A_2708 = arith.constant 512 : i32
      %add3A_2709 = arith.addi %add3A_2708, %mul3A_2707 : i32
      %get3A_2710 = arith.index_cast %add3A_2709 : i32 to index
      %get3A_2711 = tpu.vector_load %arg33[%get3A_2710] {strides = array<i32>} : memref<13312xf32, #tpu.memory_space<vmem>>, vector<16xf32>,
      %get3A_2712 = vector.shape_cast %get3A_2711 : vector<16xf32> to vector<16xf32>
      %mul3A_2713 = arith.mulf %get3A_2712, %get3A_1022 : vector<16xf32>
      %add3A_2714 = arith.addf %get3A_2705, %mul3A_2713 : vector<16xf32>
      %swap3A_2715 = arith.index_cast %mul3A_2702 : i32 to index
      %swap3A_2716 = tpu.vector_load %arg34[%swap3A_2715] {strides = array<i32>} : memref<512xf32, #tpu.memory_space<vmem>>, vector<16xf32>,
      %swap3A_2717 = vector.shape_cast %swap3A_2716 : vector<16xf32> to vector<16xf32>
      %swap3A_2718 = vector.shape_cast %add3A_2714 : vector<16xf32> to vector<16xf32>
      tpu.vector_store %arg34[%swap3A_2715], %swap3A_2718 {strides = array<i32>} : memref<512xf32, #tpu.memory_space<vmem>>, vector<16xf32>,
      %scan3A_2719 = arith.constant 0 : i32
      scf.yield %scan3A_2719 : i32
    }
    %scan3A_1029 = arith.constant 32 : i32
    %dma_wait3A_1030 = arith.constant 3 : i32
    %dma_wait3A_1031 = arith.constant 1536 : i32
    %dma_wait3A_1032 = tpu.memref_slice %arg32[%dma_wait3A_1031] : memref<13312xi32, #tpu.memory_space<vmem>> -> memref<512xi32, #tpu.memory_space<vmem>>
    %dma_wait3A_1033 = arith.constant 0 : i32
    %dma_wait3A_1034 = tpu.memref_slice %arg2[%dma_wait3A_1030, %add3A, %dma_wait3A_1033] : memref<26x32x512xi32, #tpu.memory_space<hbm>> -> memref<1x1x512xi32, #tpu.memory_space<hbm>>
    %dma_wait3A_1035 = tpu.memref_squeeze %dma_wait3A_1034 : memref<1x1x512xi32, #tpu.memory_space<hbm>> -> memref<512xi32, #tpu.memory_space<hbm>>
    %dma_wait3A_1036 = arith.constant 1536 : i32
    %dma_wait3A_1037 = tpu.memref_slice %arg32[%dma_wait3A_1036] : memref<13312xi32, #tpu.memory_space<vmem>> -> memref<512xi32, #tpu.memory_space<vmem>>
    %dma_wait3A_1038 = arith.constant 0 : i32
    %dma_wait3A_1039 = tpu.memref_slice %arg2[%dma_wait3A_1030, %add3A, %dma_wait3A_1038] : memref<26x32x512xi32, #tpu.memory_space<hbm>> -> memref<1x1x512xi32, #tpu.memory_space<hbm>>
    %dma_wait3A_1040 = tpu.memref_squeeze %dma_wait3A_1039 : memref<1x1x512xi32, #tpu.memory_space<hbm>> -> memref<512xi32, #tpu.memory_space<hbm>>
    tpu.wait_dma2 semaphore(%arg35 : memref<!tpu.dma_semaphore, #tpu.memory_space<semaphore_mem>>) src(%dma_wait3A_1040 : memref<512xi32, #tpu.memory_space<hbm>>) dst(%dma_wait3A_1037 : memref<512xi32, #tpu.memory_space<vmem>>)
    %dma_start3A_1041 = arith.constant 1536 : i32
    %dma_start3A_1042 = tpu.memref_slice %arg33[%dma_start3A_1041] : memref<13312xf32, #tpu.memory_space<vmem>> -> memref<128xf32, #tpu.memory_space<vmem>>
    %dma_start3A_1043 = arith.constant 1536 : i32
    %dma_start3A_1044 = tpu.memref_slice %arg32[%dma_start3A_1043] : memref<13312xi32, #tpu.memory_space<vmem>> -> memref<128xi32, #tpu.memory_space<vmem>>
    %dma_start3A_1045 = arith.constant 0 : i32
    %dma_start3A_1046 = tpu.memref_slice %arg6[%dma_start3A_1045] : memref<1000000xf32, #tpu.memory_space<hbm>> -> memref<1000000xf32, #tpu.memory_space<hbm>>
    tpu.enqueue_indirect_dma source(%dma_start3A_1046 : memref<1000000xf32, #tpu.memory_space<hbm>>) target(%dma_start3A_1042 : memref<128xf32, #tpu.memory_space<vmem>>) offsets(%dma_start3A_1044 : memref<128xi32, #tpu.memory_space<vmem>>) semaphore(%arg37 : memref<!tpu.dma_semaphore, #tpu.memory_space<semaphore_mem>>)
    %dma_start3A_1047 = arith.constant 1664 : i32
    %dma_start3A_1048 = tpu.memref_slice %arg33[%dma_start3A_1047] : memref<13312xf32, #tpu.memory_space<vmem>> -> memref<128xf32, #tpu.memory_space<vmem>>
    %dma_start3A_1049 = arith.constant 1664 : i32
    %dma_start3A_1050 = tpu.memref_slice %arg32[%dma_start3A_1049] : memref<13312xi32, #tpu.memory_space<vmem>> -> memref<128xi32, #tpu.memory_space<vmem>>
    %dma_start3A_1051 = arith.constant 0 : i32
    %dma_start3A_1052 = tpu.memref_slice %arg6[%dma_start3A_1051] : memref<1000000xf32, #tpu.memory_space<hbm>> -> memref<1000000xf32, #tpu.memory_space<hbm>>
    tpu.enqueue_indirect_dma source(%dma_start3A_1052 : memref<1000000xf32, #tpu.memory_space<hbm>>) target(%dma_start3A_1048 : memref<128xf32, #tpu.memory_space<vmem>>) offsets(%dma_start3A_1050 : memref<128xi32, #tpu.memory_space<vmem>>) semaphore(%arg37 : memref<!tpu.dma_semaphore, #tpu.memory_space<semaphore_mem>>)
    %dma_start3A_1053 = arith.constant 1792 : i32
    %dma_start3A_1054 = tpu.memref_slice %arg33[%dma_start3A_1053] : memref<13312xf32, #tpu.memory_space<vmem>> -> memref<128xf32, #tpu.memory_space<vmem>>
    %dma_start3A_1055 = arith.constant 1792 : i32
    %dma_start3A_1056 = tpu.memref_slice %arg32[%dma_start3A_1055] : memref<13312xi32, #tpu.memory_space<vmem>> -> memref<128xi32, #tpu.memory_space<vmem>>
    %dma_start3A_1057 = arith.constant 0 : i32
    %dma_start3A_1058 = tpu.memref_slice %arg6[%dma_start3A_1057] : memref<1000000xf32, #tpu.memory_space<hbm>> -> memref<1000000xf32, #tpu.memory_space<hbm>>
    tpu.enqueue_indirect_dma source(%dma_start3A_1058 : memref<1000000xf32, #tpu.memory_space<hbm>>) target(%dma_start3A_1054 : memref<128xf32, #tpu.memory_space<vmem>>) offsets(%dma_start3A_1056 : memref<128xi32, #tpu.memory_space<vmem>>) semaphore(%arg37 : memref<!tpu.dma_semaphore, #tpu.memory_space<semaphore_mem>>)
    %dma_start3A_1059 = arith.constant 1920 : i32
    %dma_start3A_1060 = tpu.memref_slice %arg33[%dma_start3A_1059] : memref<13312xf32, #tpu.memory_space<vmem>> -> memref<128xf32, #tpu.memory_space<vmem>>
    %dma_start3A_1061 = arith.constant 1920 : i32
    %dma_start3A_1062 = tpu.memref_slice %arg32[%dma_start3A_1061] : memref<13312xi32, #tpu.memory_space<vmem>> -> memref<128xi32, #tpu.memory_space<vmem>>
    %dma_start3A_1063 = arith.constant 0 : i32
    %dma_start3A_1064 = tpu.memref_slice %arg6[%dma_start3A_1063] : memref<1000000xf32, #tpu.memory_space<hbm>> -> memref<1000000xf32, #tpu.memory_space<hbm>>
    tpu.enqueue_indirect_dma source(%dma_start3A_1064 : memref<1000000xf32, #tpu.memory_space<hbm>>) target(%dma_start3A_1060 : memref<128xf32, #tpu.memory_space<vmem>>) offsets(%dma_start3A_1062 : memref<128xi32, #tpu.memory_space<vmem>>) semaphore(%arg37 : memref<!tpu.dma_semaphore, #tpu.memory_space<semaphore_mem>>)
    %dma_wait3A_1065 = arith.constant 1024 : i32
    %dma_wait3A_1066 = tpu.memref_slice %arg33[%dma_wait3A_1065] : memref<13312xf32, #tpu.memory_space<vmem>> -> memref<128xf32, #tpu.memory_space<vmem>>
    %dma_wait3A_1067 = arith.constant 1024 : i32
    %dma_wait3A_1068 = tpu.memref_slice %arg32[%dma_wait3A_1067] : memref<13312xi32, #tpu.memory_space<vmem>> -> memref<128xi32, #tpu.memory_space<vmem>>
    %dma_wait3A_1069 = arith.constant 0 : i32
    %dma_wait3A_1070 = tpu.memref_slice %arg5[%dma_wait3A_1069] : memref<1000000xf32, #tpu.memory_space<hbm>> -> memref<1000000xf32, #tpu.memory_space<hbm>>
    tpu.wait_indirect_dma semaphore(%arg36 : memref<!tpu.dma_semaphore, #tpu.memory_space<semaphore_mem>>) src(%dma_wait3A_1070 : memref<1000000xf32, #tpu.memory_space<hbm>>) dst(%dma_wait3A_1066 : memref<128xf32, #tpu.memory_space<vmem>>)
    %dma_wait3A_1071 = arith.constant 1152 : i32
    %dma_wait3A_1072 = tpu.memref_slice %arg33[%dma_wait3A_1071] : memref<13312xf32, #tpu.memory_space<vmem>> -> memref<128xf32, #tpu.memory_space<vmem>>
    %dma_wait3A_1073 = arith.constant 1152 : i32
    %dma_wait3A_1074 = tpu.memref_slice %arg32[%dma_wait3A_1073] : memref<13312xi32, #tpu.memory_space<vmem>> -> memref<128xi32, #tpu.memory_space<vmem>>
    %dma_wait3A_1075 = arith.constant 0 : i32
    %dma_wait3A_1076 = tpu.memref_slice %arg5[%dma_wait3A_1075] : memref<1000000xf32, #tpu.memory_space<hbm>> -> memref<1000000xf32, #tpu.memory_space<hbm>>
    tpu.wait_indirect_dma semaphore(%arg36 : memref<!tpu.dma_semaphore, #tpu.memory_space<semaphore_mem>>) src(%dma_wait3A_1076 : memref<1000000xf32, #tpu.memory_space<hbm>>) dst(%dma_wait3A_1072 : memref<128xf32, #tpu.memory_space<vmem>>)
    %dma_wait3A_1077 = arith.constant 1280 : i32
    %dma_wait3A_1078 = tpu.memref_slice %arg33[%dma_wait3A_1077] : memref<13312xf32, #tpu.memory_space<vmem>> -> memref<128xf32, #tpu.memory_space<vmem>>
    %dma_wait3A_1079 = arith.constant 1280 : i32
    %dma_wait3A_1080 = tpu.memref_slice %arg32[%dma_wait3A_1079] : memref<13312xi32, #tpu.memory_space<vmem>> -> memref<128xi32, #tpu.memory_space<vmem>>
    %dma_wait3A_1081 = arith.constant 0 : i32
    %dma_wait3A_1082 = tpu.memref_slice %arg5[%dma_wait3A_1081] : memref<1000000xf32, #tpu.memory_space<hbm>> -> memref<1000000xf32, #tpu.memory_space<hbm>>
    tpu.wait_indirect_dma semaphore(%arg36 : memref<!tpu.dma_semaphore, #tpu.memory_space<semaphore_mem>>) src(%dma_wait3A_1082 : memref<1000000xf32, #tpu.memory_space<hbm>>) dst(%dma_wait3A_1078 : memref<128xf32, #tpu.memory_space<vmem>>)
    %dma_wait3A_1083 = arith.constant 1408 : i32
    %dma_wait3A_1084 = tpu.memref_slice %arg33[%dma_wait3A_1083] : memref<13312xf32, #tpu.memory_space<vmem>> -> memref<128xf32, #tpu.memory_space<vmem>>
    %dma_wait3A_1085 = arith.constant 1408 : i32
    %dma_wait3A_1086 = tpu.memref_slice %arg32[%dma_wait3A_1085] : memref<13312xi32, #tpu.memory_space<vmem>> -> memref<128xi32, #tpu.memory_space<vmem>>
    %dma_wait3A_1087 = arith.constant 0 : i32
    %dma_wait3A_1088 = tpu.memref_slice %arg5[%dma_wait3A_1087] : memref<1000000xf32, #tpu.memory_space<hbm>> -> memref<1000000xf32, #tpu.memory_space<hbm>>
    tpu.wait_indirect_dma semaphore(%arg36 : memref<!tpu.dma_semaphore, #tpu.memory_space<semaphore_mem>>) src(%dma_wait3A_1088 : memref<1000000xf32, #tpu.memory_space<hbm>>) dst(%dma_wait3A_1084 : memref<128xf32, #tpu.memory_space<vmem>>)
    %get3A_1089 = arith.constant 2 : i32
    %get3A_1090 = arith.index_cast %get3A_1089 : i32 to index
    %get3A_1091 = arith.constant 0 : index
    %get3A_1092 = tpu.vector_load %arg31[%get3A_1090, %get3A_1091] {strides = array<i32>} : memref<26x16xf32, #tpu.memory_space<vmem>>, vector<1x16xf32>,
    %get3A_1093 = vector.shape_cast %get3A_1092 : vector<1x16xf32> to vector<16xf32>
    %scan3A_1094 = arith.constant 0 : i32
    %scan3A_1095 = arith.constant 0 : i32
    %scan3A_1096 = arith.constant 32 : i32
    %scan3A_1097 = arith.addi %scan3A_1095, %scan3A_1096 : i32
    %scan3A_1098 = arith.constant 1 : i32
    %scan3A_1099 = scf.for %scan3A_2699 = %scan3A_1095 to %scan3A_1097 step %scan3A_1098 iter_args(%scan3A_2700 = %scan3A_1094) -> (i32)  : i32 {
      %mul3A_2701 = arith.constant 16 : i32
      %mul3A_2702 = arith.muli %scan3A_2699, %mul3A_2701 : i32
      %get3A_2703 = arith.index_cast %mul3A_2702 : i32 to index
      %get3A_2704 = tpu.vector_load %arg34[%get3A_2703] {strides = array<i32>} : memref<512xf32, #tpu.memory_space<vmem>>, vector<16xf32>,
      %get3A_2705 = vector.shape_cast %get3A_2704 : vector<16xf32> to vector<16xf32>
      %mul3A_2706 = arith.constant 16 : i32
      %mul3A_2707 = arith.muli %scan3A_2699, %mul3A_2706 : i32
      %add3A_2708 = arith.constant 1024 : i32
      %add3A_2709 = arith.addi %add3A_2708, %mul3A_2707 : i32
      %get3A_2710 = arith.index_cast %add3A_2709 : i32 to index
      %get3A_2711 = tpu.vector_load %arg33[%get3A_2710] {strides = array<i32>} : memref<13312xf32, #tpu.memory_space<vmem>>, vector<16xf32>,
      %get3A_2712 = vector.shape_cast %get3A_2711 : vector<16xf32> to vector<16xf32>
      %mul3A_2713 = arith.mulf %get3A_2712, %get3A_1093 : vector<16xf32>
      %add3A_2714 = arith.addf %get3A_2705, %mul3A_2713 : vector<16xf32>
      %swap3A_2715 = arith.index_cast %mul3A_2702 : i32 to index
      %swap3A_2716 = tpu.vector_load %arg34[%swap3A_2715] {strides = array<i32>} : memref<512xf32, #tpu.memory_space<vmem>>, vector<16xf32>,
      %swap3A_2717 = vector.shape_cast %swap3A_2716 : vector<16xf32> to vector<16xf32>
      %swap3A_2718 = vector.shape_cast %add3A_2714 : vector<16xf32> to vector<16xf32>
      tpu.vector_store %arg34[%swap3A_2715], %swap3A_2718 {strides = array<i32>} : memref<512xf32, #tpu.memory_space<vmem>>, vector<16xf32>,
      %scan3A_2719 = arith.constant 0 : i32
      scf.yield %scan3A_2719 : i32
    }
    %scan3A_1100 = arith.constant 32 : i32
    %dma_wait3A_1101 = arith.constant 4 : i32
    %dma_wait3A_1102 = arith.constant 2048 : i32
    %dma_wait3A_1103 = tpu.memref_slice %arg32[%dma_wait3A_1102] : memref<13312xi32, #tpu.memory_space<vmem>> -> memref<512xi32, #tpu.memory_space<vmem>>
    %dma_wait3A_1104 = arith.constant 0 : i32
    %dma_wait3A_1105 = tpu.memref_slice %arg2[%dma_wait3A_1101, %add3A, %dma_wait3A_1104] : memref<26x32x512xi32, #tpu.memory_space<hbm>> -> memref<1x1x512xi32, #tpu.memory_space<hbm>>
    %dma_wait3A_1106 = tpu.memref_squeeze %dma_wait3A_1105 : memref<1x1x512xi32, #tpu.memory_space<hbm>> -> memref<512xi32, #tpu.memory_space<hbm>>
    %dma_wait3A_1107 = arith.constant 2048 : i32
    %dma_wait3A_1108 = tpu.memref_slice %arg32[%dma_wait3A_1107] : memref<13312xi32, #tpu.memory_space<vmem>> -> memref<512xi32, #tpu.memory_space<vmem>>
    %dma_wait3A_1109 = arith.constant 0 : i32
    %dma_wait3A_1110 = tpu.memref_slice %arg2[%dma_wait3A_1101, %add3A, %dma_wait3A_1109] : memref<26x32x512xi32, #tpu.memory_space<hbm>> -> memref<1x1x512xi32, #tpu.memory_space<hbm>>
    %dma_wait3A_1111 = tpu.memref_squeeze %dma_wait3A_1110 : memref<1x1x512xi32, #tpu.memory_space<hbm>> -> memref<512xi32, #tpu.memory_space<hbm>>
    tpu.wait_dma2 semaphore(%arg35 : memref<!tpu.dma_semaphore, #tpu.memory_space<semaphore_mem>>) src(%dma_wait3A_1111 : memref<512xi32, #tpu.memory_space<hbm>>) dst(%dma_wait3A_1108 : memref<512xi32, #tpu.memory_space<vmem>>)
    %dma_start3A_1112 = arith.constant 2048 : i32
    %dma_start3A_1113 = tpu.memref_slice %arg33[%dma_start3A_1112] : memref<13312xf32, #tpu.memory_space<vmem>> -> memref<128xf32, #tpu.memory_space<vmem>>
    %dma_start3A_1114 = arith.constant 2048 : i32
    %dma_start3A_1115 = tpu.memref_slice %arg32[%dma_start3A_1114] : memref<13312xi32, #tpu.memory_space<vmem>> -> memref<128xi32, #tpu.memory_space<vmem>>
    %dma_start3A_1116 = arith.constant 0 : i32
    %dma_start3A_1117 = tpu.memref_slice %arg7[%dma_start3A_1116] : memref<1000000xf32, #tpu.memory_space<hbm>> -> memref<1000000xf32, #tpu.memory_space<hbm>>
    tpu.enqueue_indirect_dma source(%dma_start3A_1117 : memref<1000000xf32, #tpu.memory_space<hbm>>) target(%dma_start3A_1113 : memref<128xf32, #tpu.memory_space<vmem>>) offsets(%dma_start3A_1115 : memref<128xi32, #tpu.memory_space<vmem>>) semaphore(%arg36 : memref<!tpu.dma_semaphore, #tpu.memory_space<semaphore_mem>>)
    %dma_start3A_1118 = arith.constant 2176 : i32
    %dma_start3A_1119 = tpu.memref_slice %arg33[%dma_start3A_1118] : memref<13312xf32, #tpu.memory_space<vmem>> -> memref<128xf32, #tpu.memory_space<vmem>>
    %dma_start3A_1120 = arith.constant 2176 : i32
    %dma_start3A_1121 = tpu.memref_slice %arg32[%dma_start3A_1120] : memref<13312xi32, #tpu.memory_space<vmem>> -> memref<128xi32, #tpu.memory_space<vmem>>
    %dma_start3A_1122 = arith.constant 0 : i32
    %dma_start3A_1123 = tpu.memref_slice %arg7[%dma_start3A_1122] : memref<1000000xf32, #tpu.memory_space<hbm>> -> memref<1000000xf32, #tpu.memory_space<hbm>>
    tpu.enqueue_indirect_dma source(%dma_start3A_1123 : memref<1000000xf32, #tpu.memory_space<hbm>>) target(%dma_start3A_1119 : memref<128xf32, #tpu.memory_space<vmem>>) offsets(%dma_start3A_1121 : memref<128xi32, #tpu.memory_space<vmem>>) semaphore(%arg36 : memref<!tpu.dma_semaphore, #tpu.memory_space<semaphore_mem>>)
    %dma_start3A_1124 = arith.constant 2304 : i32
    %dma_start3A_1125 = tpu.memref_slice %arg33[%dma_start3A_1124] : memref<13312xf32, #tpu.memory_space<vmem>> -> memref<128xf32, #tpu.memory_space<vmem>>
    %dma_start3A_1126 = arith.constant 2304 : i32
    %dma_start3A_1127 = tpu.memref_slice %arg32[%dma_start3A_1126] : memref<13312xi32, #tpu.memory_space<vmem>> -> memref<128xi32, #tpu.memory_space<vmem>>
    %dma_start3A_1128 = arith.constant 0 : i32
    %dma_start3A_1129 = tpu.memref_slice %arg7[%dma_start3A_1128] : memref<1000000xf32, #tpu.memory_space<hbm>> -> memref<1000000xf32, #tpu.memory_space<hbm>>
    tpu.enqueue_indirect_dma source(%dma_start3A_1129 : memref<1000000xf32, #tpu.memory_space<hbm>>) target(%dma_start3A_1125 : memref<128xf32, #tpu.memory_space<vmem>>) offsets(%dma_start3A_1127 : memref<128xi32, #tpu.memory_space<vmem>>) semaphore(%arg36 : memref<!tpu.dma_semaphore, #tpu.memory_space<semaphore_mem>>)
    %dma_start3A_1130 = arith.constant 2432 : i32
    %dma_start3A_1131 = tpu.memref_slice %arg33[%dma_start3A_1130] : memref<13312xf32, #tpu.memory_space<vmem>> -> memref<128xf32, #tpu.memory_space<vmem>>
    %dma_start3A_1132 = arith.constant 2432 : i32
    %dma_start3A_1133 = tpu.memref_slice %arg32[%dma_start3A_1132] : memref<13312xi32, #tpu.memory_space<vmem>> -> memref<128xi32, #tpu.memory_space<vmem>>
    %dma_start3A_1134 = arith.constant 0 : i32
    %dma_start3A_1135 = tpu.memref_slice %arg7[%dma_start3A_1134] : memref<1000000xf32, #tpu.memory_space<hbm>> -> memref<1000000xf32, #tpu.memory_space<hbm>>
    tpu.enqueue_indirect_dma source(%dma_start3A_1135 : memref<1000000xf32, #tpu.memory_space<hbm>>) target(%dma_start3A_1131 : memref<128xf32, #tpu.memory_space<vmem>>) offsets(%dma_start3A_1133 : memref<128xi32, #tpu.memory_space<vmem>>) semaphore(%arg36 : memref<!tpu.dma_semaphore, #tpu.memory_space<semaphore_mem>>)
    %dma_wait3A_1136 = arith.constant 1536 : i32
    %dma_wait3A_1137 = tpu.memref_slice %arg33[%dma_wait3A_1136] : memref<13312xf32, #tpu.memory_space<vmem>> -> memref<128xf32, #tpu.memory_space<vmem>>
    %dma_wait3A_1138 = arith.constant 1536 : i32
    %dma_wait3A_1139 = tpu.memref_slice %arg32[%dma_wait3A_1138] : memref<13312xi32, #tpu.memory_space<vmem>> -> memref<128xi32, #tpu.memory_space<vmem>>
    %dma_wait3A_1140 = arith.constant 0 : i32
    %dma_wait3A_1141 = tpu.memref_slice %arg6[%dma_wait3A_1140] : memref<1000000xf32, #tpu.memory_space<hbm>> -> memref<1000000xf32, #tpu.memory_space<hbm>>
    tpu.wait_indirect_dma semaphore(%arg37 : memref<!tpu.dma_semaphore, #tpu.memory_space<semaphore_mem>>) src(%dma_wait3A_1141 : memref<1000000xf32, #tpu.memory_space<hbm>>) dst(%dma_wait3A_1137 : memref<128xf32, #tpu.memory_space<vmem>>)
    %dma_wait3A_1142 = arith.constant 1664 : i32
    %dma_wait3A_1143 = tpu.memref_slice %arg33[%dma_wait3A_1142] : memref<13312xf32, #tpu.memory_space<vmem>> -> memref<128xf32, #tpu.memory_space<vmem>>
    %dma_wait3A_1144 = arith.constant 1664 : i32
    %dma_wait3A_1145 = tpu.memref_slice %arg32[%dma_wait3A_1144] : memref<13312xi32, #tpu.memory_space<vmem>> -> memref<128xi32, #tpu.memory_space<vmem>>
    %dma_wait3A_1146 = arith.constant 0 : i32
    %dma_wait3A_1147 = tpu.memref_slice %arg6[%dma_wait3A_1146] : memref<1000000xf32, #tpu.memory_space<hbm>> -> memref<1000000xf32, #tpu.memory_space<hbm>>
    tpu.wait_indirect_dma semaphore(%arg37 : memref<!tpu.dma_semaphore, #tpu.memory_space<semaphore_mem>>) src(%dma_wait3A_1147 : memref<1000000xf32, #tpu.memory_space<hbm>>) dst(%dma_wait3A_1143 : memref<128xf32, #tpu.memory_space<vmem>>)
    %dma_wait3A_1148 = arith.constant 1792 : i32
    %dma_wait3A_1149 = tpu.memref_slice %arg33[%dma_wait3A_1148] : memref<13312xf32, #tpu.memory_space<vmem>> -> memref<128xf32, #tpu.memory_space<vmem>>
    %dma_wait3A_1150 = arith.constant 1792 : i32
    %dma_wait3A_1151 = tpu.memref_slice %arg32[%dma_wait3A_1150] : memref<13312xi32, #tpu.memory_space<vmem>> -> memref<128xi32, #tpu.memory_space<vmem>>
    %dma_wait3A_1152 = arith.constant 0 : i32
    %dma_wait3A_1153 = tpu.memref_slice %arg6[%dma_wait3A_1152] : memref<1000000xf32, #tpu.memory_space<hbm>> -> memref<1000000xf32, #tpu.memory_space<hbm>>
    tpu.wait_indirect_dma semaphore(%arg37 : memref<!tpu.dma_semaphore, #tpu.memory_space<semaphore_mem>>) src(%dma_wait3A_1153 : memref<1000000xf32, #tpu.memory_space<hbm>>) dst(%dma_wait3A_1149 : memref<128xf32, #tpu.memory_space<vmem>>)
    %dma_wait3A_1154 = arith.constant 1920 : i32
    %dma_wait3A_1155 = tpu.memref_slice %arg33[%dma_wait3A_1154] : memref<13312xf32, #tpu.memory_space<vmem>> -> memref<128xf32, #tpu.memory_space<vmem>>
    %dma_wait3A_1156 = arith.constant 1920 : i32
    %dma_wait3A_1157 = tpu.memref_slice %arg32[%dma_wait3A_1156] : memref<13312xi32, #tpu.memory_space<vmem>> -> memref<128xi32, #tpu.memory_space<vmem>>
    %dma_wait3A_1158 = arith.constant 0 : i32
    %dma_wait3A_1159 = tpu.memref_slice %arg6[%dma_wait3A_1158] : memref<1000000xf32, #tpu.memory_space<hbm>> -> memref<1000000xf32, #tpu.memory_space<hbm>>
    tpu.wait_indirect_dma semaphore(%arg37 : memref<!tpu.dma_semaphore, #tpu.memory_space<semaphore_mem>>) src(%dma_wait3A_1159 : memref<1000000xf32, #tpu.memory_space<hbm>>) dst(%dma_wait3A_1155 : memref<128xf32, #tpu.memory_space<vmem>>)
    %get3A_1160 = arith.constant 3 : i32
    %get3A_1161 = arith.index_cast %get3A_1160 : i32 to index
    %get3A_1162 = arith.constant 0 : index
    %get3A_1163 = tpu.vector_load %arg31[%get3A_1161, %get3A_1162] {strides = array<i32>} : memref<26x16xf32, #tpu.memory_space<vmem>>, vector<1x16xf32>,
    %get3A_1164 = vector.shape_cast %get3A_1163 : vector<1x16xf32> to vector<16xf32>
    %scan3A_1165 = arith.constant 0 : i32
    %scan3A_1166 = arith.constant 0 : i32
    %scan3A_1167 = arith.constant 32 : i32
    %scan3A_1168 = arith.addi %scan3A_1166, %scan3A_1167 : i32
    %scan3A_1169 = arith.constant 1 : i32
    %scan3A_1170 = scf.for %scan3A_2699 = %scan3A_1166 to %scan3A_1168 step %scan3A_1169 iter_args(%scan3A_2700 = %scan3A_1165) -> (i32)  : i32 {
      %mul3A_2701 = arith.constant 16 : i32
      %mul3A_2702 = arith.muli %scan3A_2699, %mul3A_2701 : i32
      %get3A_2703 = arith.index_cast %mul3A_2702 : i32 to index
      %get3A_2704 = tpu.vector_load %arg34[%get3A_2703] {strides = array<i32>} : memref<512xf32, #tpu.memory_space<vmem>>, vector<16xf32>,
      %get3A_2705 = vector.shape_cast %get3A_2704 : vector<16xf32> to vector<16xf32>
      %mul3A_2706 = arith.constant 16 : i32
      %mul3A_2707 = arith.muli %scan3A_2699, %mul3A_2706 : i32
      %add3A_2708 = arith.constant 1536 : i32
      %add3A_2709 = arith.addi %add3A_2708, %mul3A_2707 : i32
      %get3A_2710 = arith.index_cast %add3A_2709 : i32 to index
      %get3A_2711 = tpu.vector_load %arg33[%get3A_2710] {strides = array<i32>} : memref<13312xf32, #tpu.memory_space<vmem>>, vector<16xf32>,
      %get3A_2712 = vector.shape_cast %get3A_2711 : vector<16xf32> to vector<16xf32>
      %mul3A_2713 = arith.mulf %get3A_2712, %get3A_1164 : vector<16xf32>
      %add3A_2714 = arith.addf %get3A_2705, %mul3A_2713 : vector<16xf32>
      %swap3A_2715 = arith.index_cast %mul3A_2702 : i32 to index
      %swap3A_2716 = tpu.vector_load %arg34[%swap3A_2715] {strides = array<i32>} : memref<512xf32, #tpu.memory_space<vmem>>, vector<16xf32>,
      %swap3A_2717 = vector.shape_cast %swap3A_2716 : vector<16xf32> to vector<16xf32>
      %swap3A_2718 = vector.shape_cast %add3A_2714 : vector<16xf32> to vector<16xf32>
      tpu.vector_store %arg34[%swap3A_2715], %swap3A_2718 {strides = array<i32>} : memref<512xf32, #tpu.memory_space<vmem>>, vector<16xf32>,
      %scan3A_2719 = arith.constant 0 : i32
      scf.yield %scan3A_2719 : i32
    }
    %scan3A_1171 = arith.constant 32 : i32
    %dma_wait3A_1172 = arith.constant 5 : i32
    %dma_wait3A_1173 = arith.constant 2560 : i32
    %dma_wait3A_1174 = tpu.memref_slice %arg32[%dma_wait3A_1173] : memref<13312xi32, #tpu.memory_space<vmem>> -> memref<512xi32, #tpu.memory_space<vmem>>
    %dma_wait3A_1175 = arith.constant 0 : i32
    %dma_wait3A_1176 = tpu.memref_slice %arg2[%dma_wait3A_1172, %add3A, %dma_wait3A_1175] : memref<26x32x512xi32, #tpu.memory_space<hbm>> -> memref<1x1x512xi32, #tpu.memory_space<hbm>>
    %dma_wait3A_1177 = tpu.memref_squeeze %dma_wait3A_1176 : memref<1x1x512xi32, #tpu.memory_space<hbm>> -> memref<512xi32, #tpu.memory_space<hbm>>
    %dma_wait3A_1178 = arith.constant 2560 : i32
    %dma_wait3A_1179 = tpu.memref_slice %arg32[%dma_wait3A_1178] : memref<13312xi32, #tpu.memory_space<vmem>> -> memref<512xi32, #tpu.memory_space<vmem>>
    %dma_wait3A_1180 = arith.constant 0 : i32
    %dma_wait3A_1181 = tpu.memref_slice %arg2[%dma_wait3A_1172, %add3A, %dma_wait3A_1180] : memref<26x32x512xi32, #tpu.memory_space<hbm>> -> memref<1x1x512xi32, #tpu.memory_space<hbm>>
    %dma_wait3A_1182 = tpu.memref_squeeze %dma_wait3A_1181 : memref<1x1x512xi32, #tpu.memory_space<hbm>> -> memref<512xi32, #tpu.memory_space<hbm>>
    tpu.wait_dma2 semaphore(%arg35 : memref<!tpu.dma_semaphore, #tpu.memory_space<semaphore_mem>>) src(%dma_wait3A_1182 : memref<512xi32, #tpu.memory_space<hbm>>) dst(%dma_wait3A_1179 : memref<512xi32, #tpu.memory_space<vmem>>)
    %dma_start3A_1183 = arith.constant 2560 : i32
    %dma_start3A_1184 = tpu.memref_slice %arg33[%dma_start3A_1183] : memref<13312xf32, #tpu.memory_space<vmem>> -> memref<128xf32, #tpu.memory_space<vmem>>
    %dma_start3A_1185 = arith.constant 2560 : i32
    %dma_start3A_1186 = tpu.memref_slice %arg32[%dma_start3A_1185] : memref<13312xi32, #tpu.memory_space<vmem>> -> memref<128xi32, #tpu.memory_space<vmem>>
    %dma_start3A_1187 = arith.constant 0 : i32
    %dma_start3A_1188 = tpu.memref_slice %arg8[%dma_start3A_1187] : memref<1000000xf32, #tpu.memory_space<hbm>> -> memref<1000000xf32, #tpu.memory_space<hbm>>
    tpu.enqueue_indirect_dma source(%dma_start3A_1188 : memref<1000000xf32, #tpu.memory_space<hbm>>) target(%dma_start3A_1184 : memref<128xf32, #tpu.memory_space<vmem>>) offsets(%dma_start3A_1186 : memref<128xi32, #tpu.memory_space<vmem>>) semaphore(%arg37 : memref<!tpu.dma_semaphore, #tpu.memory_space<semaphore_mem>>)
    %dma_start3A_1189 = arith.constant 2688 : i32
    %dma_start3A_1190 = tpu.memref_slice %arg33[%dma_start3A_1189] : memref<13312xf32, #tpu.memory_space<vmem>> -> memref<128xf32, #tpu.memory_space<vmem>>
    %dma_start3A_1191 = arith.constant 2688 : i32
    %dma_start3A_1192 = tpu.memref_slice %arg32[%dma_start3A_1191] : memref<13312xi32, #tpu.memory_space<vmem>> -> memref<128xi32, #tpu.memory_space<vmem>>
    %dma_start3A_1193 = arith.constant 0 : i32
    %dma_start3A_1194 = tpu.memref_slice %arg8[%dma_start3A_1193] : memref<1000000xf32, #tpu.memory_space<hbm>> -> memref<1000000xf32, #tpu.memory_space<hbm>>
    tpu.enqueue_indirect_dma source(%dma_start3A_1194 : memref<1000000xf32, #tpu.memory_space<hbm>>) target(%dma_start3A_1190 : memref<128xf32, #tpu.memory_space<vmem>>) offsets(%dma_start3A_1192 : memref<128xi32, #tpu.memory_space<vmem>>) semaphore(%arg37 : memref<!tpu.dma_semaphore, #tpu.memory_space<semaphore_mem>>)
    %dma_start3A_1195 = arith.constant 2816 : i32
    %dma_start3A_1196 = tpu.memref_slice %arg33[%dma_start3A_1195] : memref<13312xf32, #tpu.memory_space<vmem>> -> memref<128xf32, #tpu.memory_space<vmem>>
    %dma_start3A_1197 = arith.constant 2816 : i32
    %dma_start3A_1198 = tpu.memref_slice %arg32[%dma_start3A_1197] : memref<13312xi32, #tpu.memory_space<vmem>> -> memref<128xi32, #tpu.memory_space<vmem>>
    %dma_start3A_1199 = arith.constant 0 : i32
    %dma_start3A_1200 = tpu.memref_slice %arg8[%dma_start3A_1199] : memref<1000000xf32, #tpu.memory_space<hbm>> -> memref<1000000xf32, #tpu.memory_space<hbm>>
    tpu.enqueue_indirect_dma source(%dma_start3A_1200 : memref<1000000xf32, #tpu.memory_space<hbm>>) target(%dma_start3A_1196 : memref<128xf32, #tpu.memory_space<vmem>>) offsets(%dma_start3A_1198 : memref<128xi32, #tpu.memory_space<vmem>>) semaphore(%arg37 : memref<!tpu.dma_semaphore, #tpu.memory_space<semaphore_mem>>)
    %dma_start3A_1201 = arith.constant 2944 : i32
    %dma_start3A_1202 = tpu.memref_slice %arg33[%dma_start3A_1201] : memref<13312xf32, #tpu.memory_space<vmem>> -> memref<128xf32, #tpu.memory_space<vmem>>
    %dma_start3A_1203 = arith.constant 2944 : i32
    %dma_start3A_1204 = tpu.memref_slice %arg32[%dma_start3A_1203] : memref<13312xi32, #tpu.memory_space<vmem>> -> memref<128xi32, #tpu.memory_space<vmem>>
    %dma_start3A_1205 = arith.constant 0 : i32
    %dma_start3A_1206 = tpu.memref_slice %arg8[%dma_start3A_1205] : memref<1000000xf32, #tpu.memory_space<hbm>> -> memref<1000000xf32, #tpu.memory_space<hbm>>
    tpu.enqueue_indirect_dma source(%dma_start3A_1206 : memref<1000000xf32, #tpu.memory_space<hbm>>) target(%dma_start3A_1202 : memref<128xf32, #tpu.memory_space<vmem>>) offsets(%dma_start3A_1204 : memref<128xi32, #tpu.memory_space<vmem>>) semaphore(%arg37 : memref<!tpu.dma_semaphore, #tpu.memory_space<semaphore_mem>>)
    %dma_wait3A_1207 = arith.constant 2048 : i32
    %dma_wait3A_1208 = tpu.memref_slice %arg33[%dma_wait3A_1207] : memref<13312xf32, #tpu.memory_space<vmem>> -> memref<128xf32, #tpu.memory_space<vmem>>
    %dma_wait3A_1209 = arith.constant 2048 : i32
    %dma_wait3A_1210 = tpu.memref_slice %arg32[%dma_wait3A_1209] : memref<13312xi32, #tpu.memory_space<vmem>> -> memref<128xi32, #tpu.memory_space<vmem>>
    %dma_wait3A_1211 = arith.constant 0 : i32
    %dma_wait3A_1212 = tpu.memref_slice %arg7[%dma_wait3A_1211] : memref<1000000xf32, #tpu.memory_space<hbm>> -> memref<1000000xf32, #tpu.memory_space<hbm>>
    tpu.wait_indirect_dma semaphore(%arg36 : memref<!tpu.dma_semaphore, #tpu.memory_space<semaphore_mem>>) src(%dma_wait3A_1212 : memref<1000000xf32, #tpu.memory_space<hbm>>) dst(%dma_wait3A_1208 : memref<128xf32, #tpu.memory_space<vmem>>)
    %dma_wait3A_1213 = arith.constant 2176 : i32
    %dma_wait3A_1214 = tpu.memref_slice %arg33[%dma_wait3A_1213] : memref<13312xf32, #tpu.memory_space<vmem>> -> memref<128xf32, #tpu.memory_space<vmem>>
    %dma_wait3A_1215 = arith.constant 2176 : i32
    %dma_wait3A_1216 = tpu.memref_slice %arg32[%dma_wait3A_1215] : memref<13312xi32, #tpu.memory_space<vmem>> -> memref<128xi32, #tpu.memory_space<vmem>>
    %dma_wait3A_1217 = arith.constant 0 : i32
    %dma_wait3A_1218 = tpu.memref_slice %arg7[%dma_wait3A_1217] : memref<1000000xf32, #tpu.memory_space<hbm>> -> memref<1000000xf32, #tpu.memory_space<hbm>>
    tpu.wait_indirect_dma semaphore(%arg36 : memref<!tpu.dma_semaphore, #tpu.memory_space<semaphore_mem>>) src(%dma_wait3A_1218 : memref<1000000xf32, #tpu.memory_space<hbm>>) dst(%dma_wait3A_1214 : memref<128xf32, #tpu.memory_space<vmem>>)
    %dma_wait3A_1219 = arith.constant 2304 : i32
    %dma_wait3A_1220 = tpu.memref_slice %arg33[%dma_wait3A_1219] : memref<13312xf32, #tpu.memory_space<vmem>> -> memref<128xf32, #tpu.memory_space<vmem>>
    %dma_wait3A_1221 = arith.constant 2304 : i32
    %dma_wait3A_1222 = tpu.memref_slice %arg32[%dma_wait3A_1221] : memref<13312xi32, #tpu.memory_space<vmem>> -> memref<128xi32, #tpu.memory_space<vmem>>
    %dma_wait3A_1223 = arith.constant 0 : i32
    %dma_wait3A_1224 = tpu.memref_slice %arg7[%dma_wait3A_1223] : memref<1000000xf32, #tpu.memory_space<hbm>> -> memref<1000000xf32, #tpu.memory_space<hbm>>
    tpu.wait_indirect_dma semaphore(%arg36 : memref<!tpu.dma_semaphore, #tpu.memory_space<semaphore_mem>>) src(%dma_wait3A_1224 : memref<1000000xf32, #tpu.memory_space<hbm>>) dst(%dma_wait3A_1220 : memref<128xf32, #tpu.memory_space<vmem>>)
    %dma_wait3A_1225 = arith.constant 2432 : i32
    %dma_wait3A_1226 = tpu.memref_slice %arg33[%dma_wait3A_1225] : memref<13312xf32, #tpu.memory_space<vmem>> -> memref<128xf32, #tpu.memory_space<vmem>>
    %dma_wait3A_1227 = arith.constant 2432 : i32
    %dma_wait3A_1228 = tpu.memref_slice %arg32[%dma_wait3A_1227] : memref<13312xi32, #tpu.memory_space<vmem>> -> memref<128xi32, #tpu.memory_space<vmem>>
    %dma_wait3A_1229 = arith.constant 0 : i32
    %dma_wait3A_1230 = tpu.memref_slice %arg7[%dma_wait3A_1229] : memref<1000000xf32, #tpu.memory_space<hbm>> -> memref<1000000xf32, #tpu.memory_space<hbm>>
    tpu.wait_indirect_dma semaphore(%arg36 : memref<!tpu.dma_semaphore, #tpu.memory_space<semaphore_mem>>) src(%dma_wait3A_1230 : memref<1000000xf32, #tpu.memory_space<hbm>>) dst(%dma_wait3A_1226 : memref<128xf32, #tpu.memory_space<vmem>>)
    %get3A_1231 = arith.constant 4 : i32
    %get3A_1232 = arith.index_cast %get3A_1231 : i32 to index
    %get3A_1233 = arith.constant 0 : index
    %get3A_1234 = tpu.vector_load %arg31[%get3A_1232, %get3A_1233] {strides = array<i32>} : memref<26x16xf32, #tpu.memory_space<vmem>>, vector<1x16xf32>,
    %get3A_1235 = vector.shape_cast %get3A_1234 : vector<1x16xf32> to vector<16xf32>
    %scan3A_1236 = arith.constant 0 : i32
    %scan3A_1237 = arith.constant 0 : i32
    %scan3A_1238 = arith.constant 32 : i32
    %scan3A_1239 = arith.addi %scan3A_1237, %scan3A_1238 : i32
    %scan3A_1240 = arith.constant 1 : i32
    %scan3A_1241 = scf.for %scan3A_2699 = %scan3A_1237 to %scan3A_1239 step %scan3A_1240 iter_args(%scan3A_2700 = %scan3A_1236) -> (i32)  : i32 {
      %mul3A_2701 = arith.constant 16 : i32
      %mul3A_2702 = arith.muli %scan3A_2699, %mul3A_2701 : i32
      %get3A_2703 = arith.index_cast %mul3A_2702 : i32 to index
      %get3A_2704 = tpu.vector_load %arg34[%get3A_2703] {strides = array<i32>} : memref<512xf32, #tpu.memory_space<vmem>>, vector<16xf32>,
      %get3A_2705 = vector.shape_cast %get3A_2704 : vector<16xf32> to vector<16xf32>
      %mul3A_2706 = arith.constant 16 : i32
      %mul3A_2707 = arith.muli %scan3A_2699, %mul3A_2706 : i32
      %add3A_2708 = arith.constant 2048 : i32
      %add3A_2709 = arith.addi %add3A_2708, %mul3A_2707 : i32
      %get3A_2710 = arith.index_cast %add3A_2709 : i32 to index
      %get3A_2711 = tpu.vector_load %arg33[%get3A_2710] {strides = array<i32>} : memref<13312xf32, #tpu.memory_space<vmem>>, vector<16xf32>,
      %get3A_2712 = vector.shape_cast %get3A_2711 : vector<16xf32> to vector<16xf32>
      %mul3A_2713 = arith.mulf %get3A_2712, %get3A_1235 : vector<16xf32>
      %add3A_2714 = arith.addf %get3A_2705, %mul3A_2713 : vector<16xf32>
      %swap3A_2715 = arith.index_cast %mul3A_2702 : i32 to index
      %swap3A_2716 = tpu.vector_load %arg34[%swap3A_2715] {strides = array<i32>} : memref<512xf32, #tpu.memory_space<vmem>>, vector<16xf32>,
      %swap3A_2717 = vector.shape_cast %swap3A_2716 : vector<16xf32> to vector<16xf32>
      %swap3A_2718 = vector.shape_cast %add3A_2714 : vector<16xf32> to vector<16xf32>
      tpu.vector_store %arg34[%swap3A_2715], %swap3A_2718 {strides = array<i32>} : memref<512xf32, #tpu.memory_space<vmem>>, vector<16xf32>,
      %scan3A_2719 = arith.constant 0 : i32
      scf.yield %scan3A_2719 : i32
    }
    %scan3A_1242 = arith.constant 32 : i32
    %dma_wait3A_1243 = arith.constant 6 : i32
    %dma_wait3A_1244 = arith.constant 3072 : i32
    %dma_wait3A_1245 = tpu.memref_slice %arg32[%dma_wait3A_1244] : memref<13312xi32, #tpu.memory_space<vmem>> -> memref<512xi32, #tpu.memory_space<vmem>>
    %dma_wait3A_1246 = arith.constant 0 : i32
    %dma_wait3A_1247 = tpu.memref_slice %arg2[%dma_wait3A_1243, %add3A, %dma_wait3A_1246] : memref<26x32x512xi32, #tpu.memory_space<hbm>> -> memref<1x1x512xi32, #tpu.memory_space<hbm>>
    %dma_wait3A_1248 = tpu.memref_squeeze %dma_wait3A_1247 : memref<1x1x512xi32, #tpu.memory_space<hbm>> -> memref<512xi32, #tpu.memory_space<hbm>>
    %dma_wait3A_1249 = arith.constant 3072 : i32
    %dma_wait3A_1250 = tpu.memref_slice %arg32[%dma_wait3A_1249] : memref<13312xi32, #tpu.memory_space<vmem>> -> memref<512xi32, #tpu.memory_space<vmem>>
    %dma_wait3A_1251 = arith.constant 0 : i32
    %dma_wait3A_1252 = tpu.memref_slice %arg2[%dma_wait3A_1243, %add3A, %dma_wait3A_1251] : memref<26x32x512xi32, #tpu.memory_space<hbm>> -> memref<1x1x512xi32, #tpu.memory_space<hbm>>
    %dma_wait3A_1253 = tpu.memref_squeeze %dma_wait3A_1252 : memref<1x1x512xi32, #tpu.memory_space<hbm>> -> memref<512xi32, #tpu.memory_space<hbm>>
    tpu.wait_dma2 semaphore(%arg35 : memref<!tpu.dma_semaphore, #tpu.memory_space<semaphore_mem>>) src(%dma_wait3A_1253 : memref<512xi32, #tpu.memory_space<hbm>>) dst(%dma_wait3A_1250 : memref<512xi32, #tpu.memory_space<vmem>>)
    %dma_start3A_1254 = arith.constant 3072 : i32
    %dma_start3A_1255 = tpu.memref_slice %arg33[%dma_start3A_1254] : memref<13312xf32, #tpu.memory_space<vmem>> -> memref<128xf32, #tpu.memory_space<vmem>>
    %dma_start3A_1256 = arith.constant 3072 : i32
    %dma_start3A_1257 = tpu.memref_slice %arg32[%dma_start3A_1256] : memref<13312xi32, #tpu.memory_space<vmem>> -> memref<128xi32, #tpu.memory_space<vmem>>
    %dma_start3A_1258 = arith.constant 0 : i32
    %dma_start3A_1259 = tpu.memref_slice %arg9[%dma_start3A_1258] : memref<1000000xf32, #tpu.memory_space<hbm>> -> memref<1000000xf32, #tpu.memory_space<hbm>>
    tpu.enqueue_indirect_dma source(%dma_start3A_1259 : memref<1000000xf32, #tpu.memory_space<hbm>>) target(%dma_start3A_1255 : memref<128xf32, #tpu.memory_space<vmem>>) offsets(%dma_start3A_1257 : memref<128xi32, #tpu.memory_space<vmem>>) semaphore(%arg36 : memref<!tpu.dma_semaphore, #tpu.memory_space<semaphore_mem>>)
    %dma_start3A_1260 = arith.constant 3200 : i32
    %dma_start3A_1261 = tpu.memref_slice %arg33[%dma_start3A_1260] : memref<13312xf32, #tpu.memory_space<vmem>> -> memref<128xf32, #tpu.memory_space<vmem>>
    %dma_start3A_1262 = arith.constant 3200 : i32
    %dma_start3A_1263 = tpu.memref_slice %arg32[%dma_start3A_1262] : memref<13312xi32, #tpu.memory_space<vmem>> -> memref<128xi32, #tpu.memory_space<vmem>>
    %dma_start3A_1264 = arith.constant 0 : i32
    %dma_start3A_1265 = tpu.memref_slice %arg9[%dma_start3A_1264] : memref<1000000xf32, #tpu.memory_space<hbm>> -> memref<1000000xf32, #tpu.memory_space<hbm>>
    tpu.enqueue_indirect_dma source(%dma_start3A_1265 : memref<1000000xf32, #tpu.memory_space<hbm>>) target(%dma_start3A_1261 : memref<128xf32, #tpu.memory_space<vmem>>) offsets(%dma_start3A_1263 : memref<128xi32, #tpu.memory_space<vmem>>) semaphore(%arg36 : memref<!tpu.dma_semaphore, #tpu.memory_space<semaphore_mem>>)
    %dma_start3A_1266 = arith.constant 3328 : i32
    %dma_start3A_1267 = tpu.memref_slice %arg33[%dma_start3A_1266] : memref<13312xf32, #tpu.memory_space<vmem>> -> memref<128xf32, #tpu.memory_space<vmem>>
    %dma_start3A_1268 = arith.constant 3328 : i32
    %dma_start3A_1269 = tpu.memref_slice %arg32[%dma_start3A_1268] : memref<13312xi32, #tpu.memory_space<vmem>> -> memref<128xi32, #tpu.memory_space<vmem>>
    %dma_start3A_1270 = arith.constant 0 : i32
    %dma_start3A_1271 = tpu.memref_slice %arg9[%dma_start3A_1270] : memref<1000000xf32, #tpu.memory_space<hbm>> -> memref<1000000xf32, #tpu.memory_space<hbm>>
    tpu.enqueue_indirect_dma source(%dma_start3A_1271 : memref<1000000xf32, #tpu.memory_space<hbm>>) target(%dma_start3A_1267 : memref<128xf32, #tpu.memory_space<vmem>>) offsets(%dma_start3A_1269 : memref<128xi32, #tpu.memory_space<vmem>>) semaphore(%arg36 : memref<!tpu.dma_semaphore, #tpu.memory_space<semaphore_mem>>)
    %dma_start3A_1272 = arith.constant 3456 : i32
    %dma_start3A_1273 = tpu.memref_slice %arg33[%dma_start3A_1272] : memref<13312xf32, #tpu.memory_space<vmem>> -> memref<128xf32, #tpu.memory_space<vmem>>
    %dma_start3A_1274 = arith.constant 3456 : i32
    %dma_start3A_1275 = tpu.memref_slice %arg32[%dma_start3A_1274] : memref<13312xi32, #tpu.memory_space<vmem>> -> memref<128xi32, #tpu.memory_space<vmem>>
    %dma_start3A_1276 = arith.constant 0 : i32
    %dma_start3A_1277 = tpu.memref_slice %arg9[%dma_start3A_1276] : memref<1000000xf32, #tpu.memory_space<hbm>> -> memref<1000000xf32, #tpu.memory_space<hbm>>
    tpu.enqueue_indirect_dma source(%dma_start3A_1277 : memref<1000000xf32, #tpu.memory_space<hbm>>) target(%dma_start3A_1273 : memref<128xf32, #tpu.memory_space<vmem>>) offsets(%dma_start3A_1275 : memref<128xi32, #tpu.memory_space<vmem>>) semaphore(%arg36 : memref<!tpu.dma_semaphore, #tpu.memory_space<semaphore_mem>>)
    %dma_wait3A_1278 = arith.constant 2560 : i32
    %dma_wait3A_1279 = tpu.memref_slice %arg33[%dma_wait3A_1278] : memref<13312xf32, #tpu.memory_space<vmem>> -> memref<128xf32, #tpu.memory_space<vmem>>
    %dma_wait3A_1280 = arith.constant 2560 : i32
    %dma_wait3A_1281 = tpu.memref_slice %arg32[%dma_wait3A_1280] : memref<13312xi32, #tpu.memory_space<vmem>> -> memref<128xi32, #tpu.memory_space<vmem>>
    %dma_wait3A_1282 = arith.constant 0 : i32
    %dma_wait3A_1283 = tpu.memref_slice %arg8[%dma_wait3A_1282] : memref<1000000xf32, #tpu.memory_space<hbm>> -> memref<1000000xf32, #tpu.memory_space<hbm>>
    tpu.wait_indirect_dma semaphore(%arg37 : memref<!tpu.dma_semaphore, #tpu.memory_space<semaphore_mem>>) src(%dma_wait3A_1283 : memref<1000000xf32, #tpu.memory_space<hbm>>) dst(%dma_wait3A_1279 : memref<128xf32, #tpu.memory_space<vmem>>)
    %dma_wait3A_1284 = arith.constant 2688 : i32
    %dma_wait3A_1285 = tpu.memref_slice %arg33[%dma_wait3A_1284] : memref<13312xf32, #tpu.memory_space<vmem>> -> memref<128xf32, #tpu.memory_space<vmem>>
    %dma_wait3A_1286 = arith.constant 2688 : i32
    %dma_wait3A_1287 = tpu.memref_slice %arg32[%dma_wait3A_1286] : memref<13312xi32, #tpu.memory_space<vmem>> -> memref<128xi32, #tpu.memory_space<vmem>>
    %dma_wait3A_1288 = arith.constant 0 : i32
    %dma_wait3A_1289 = tpu.memref_slice %arg8[%dma_wait3A_1288] : memref<1000000xf32, #tpu.memory_space<hbm>> -> memref<1000000xf32, #tpu.memory_space<hbm>>
    tpu.wait_indirect_dma semaphore(%arg37 : memref<!tpu.dma_semaphore, #tpu.memory_space<semaphore_mem>>) src(%dma_wait3A_1289 : memref<1000000xf32, #tpu.memory_space<hbm>>) dst(%dma_wait3A_1285 : memref<128xf32, #tpu.memory_space<vmem>>)
    %dma_wait3A_1290 = arith.constant 2816 : i32
    %dma_wait3A_1291 = tpu.memref_slice %arg33[%dma_wait3A_1290] : memref<13312xf32, #tpu.memory_space<vmem>> -> memref<128xf32, #tpu.memory_space<vmem>>
    %dma_wait3A_1292 = arith.constant 2816 : i32
    %dma_wait3A_1293 = tpu.memref_slice %arg32[%dma_wait3A_1292] : memref<13312xi32, #tpu.memory_space<vmem>> -> memref<128xi32, #tpu.memory_space<vmem>>
    %dma_wait3A_1294 = arith.constant 0 : i32
    %dma_wait3A_1295 = tpu.memref_slice %arg8[%dma_wait3A_1294] : memref<1000000xf32, #tpu.memory_space<hbm>> -> memref<1000000xf32, #tpu.memory_space<hbm>>
    tpu.wait_indirect_dma semaphore(%arg37 : memref<!tpu.dma_semaphore, #tpu.memory_space<semaphore_mem>>) src(%dma_wait3A_1295 : memref<1000000xf32, #tpu.memory_space<hbm>>) dst(%dma_wait3A_1291 : memref<128xf32, #tpu.memory_space<vmem>>)
    %dma_wait3A_1296 = arith.constant 2944 : i32
    %dma_wait3A_1297 = tpu.memref_slice %arg33[%dma_wait3A_1296] : memref<13312xf32, #tpu.memory_space<vmem>> -> memref<128xf32, #tpu.memory_space<vmem>>
    %dma_wait3A_1298 = arith.constant 2944 : i32
    %dma_wait3A_1299 = tpu.memref_slice %arg32[%dma_wait3A_1298] : memref<13312xi32, #tpu.memory_space<vmem>> -> memref<128xi32, #tpu.memory_space<vmem>>
    %dma_wait3A_1300 = arith.constant 0 : i32
    %dma_wait3A_1301 = tpu.memref_slice %arg8[%dma_wait3A_1300] : memref<1000000xf32, #tpu.memory_space<hbm>> -> memref<1000000xf32, #tpu.memory_space<hbm>>
    tpu.wait_indirect_dma semaphore(%arg37 : memref<!tpu.dma_semaphore, #tpu.memory_space<semaphore_mem>>) src(%dma_wait3A_1301 : memref<1000000xf32, #tpu.memory_space<hbm>>) dst(%dma_wait3A_1297 : memref<128xf32, #tpu.memory_space<vmem>>)
    %get3A_1302 = arith.constant 5 : i32
    %get3A_1303 = arith.index_cast %get3A_1302 : i32 to index
    %get3A_1304 = arith.constant 0 : index
    %get3A_1305 = tpu.vector_load %arg31[%get3A_1303, %get3A_1304] {strides = array<i32>} : memref<26x16xf32, #tpu.memory_space<vmem>>, vector<1x16xf32>,
    %get3A_1306 = vector.shape_cast %get3A_1305 : vector<1x16xf32> to vector<16xf32>
    %scan3A_1307 = arith.constant 0 : i32
    %scan3A_1308 = arith.constant 0 : i32
    %scan3A_1309 = arith.constant 32 : i32
    %scan3A_1310 = arith.addi %scan3A_1308, %scan3A_1309 : i32
    %scan3A_1311 = arith.constant 1 : i32
    %scan3A_1312 = scf.for %scan3A_2699 = %scan3A_1308 to %scan3A_1310 step %scan3A_1311 iter_args(%scan3A_2700 = %scan3A_1307) -> (i32)  : i32 {
      %mul3A_2701 = arith.constant 16 : i32
      %mul3A_2702 = arith.muli %scan3A_2699, %mul3A_2701 : i32
      %get3A_2703 = arith.index_cast %mul3A_2702 : i32 to index
      %get3A_2704 = tpu.vector_load %arg34[%get3A_2703] {strides = array<i32>} : memref<512xf32, #tpu.memory_space<vmem>>, vector<16xf32>,
      %get3A_2705 = vector.shape_cast %get3A_2704 : vector<16xf32> to vector<16xf32>
      %mul3A_2706 = arith.constant 16 : i32
      %mul3A_2707 = arith.muli %scan3A_2699, %mul3A_2706 : i32
      %add3A_2708 = arith.constant 2560 : i32
      %add3A_2709 = arith.addi %add3A_2708, %mul3A_2707 : i32
      %get3A_2710 = arith.index_cast %add3A_2709 : i32 to index
      %get3A_2711 = tpu.vector_load %arg33[%get3A_2710] {strides = array<i32>} : memref<13312xf32, #tpu.memory_space<vmem>>, vector<16xf32>,
      %get3A_2712 = vector.shape_cast %get3A_2711 : vector<16xf32> to vector<16xf32>
      %mul3A_2713 = arith.mulf %get3A_2712, %get3A_1306 : vector<16xf32>
      %add3A_2714 = arith.addf %get3A_2705, %mul3A_2713 : vector<16xf32>
      %swap3A_2715 = arith.index_cast %mul3A_2702 : i32 to index
      %swap3A_2716 = tpu.vector_load %arg34[%swap3A_2715] {strides = array<i32>} : memref<512xf32, #tpu.memory_space<vmem>>, vector<16xf32>,
      %swap3A_2717 = vector.shape_cast %swap3A_2716 : vector<16xf32> to vector<16xf32>
      %swap3A_2718 = vector.shape_cast %add3A_2714 : vector<16xf32> to vector<16xf32>
      tpu.vector_store %arg34[%swap3A_2715], %swap3A_2718 {strides = array<i32>} : memref<512xf32, #tpu.memory_space<vmem>>, vector<16xf32>,
      %scan3A_2719 = arith.constant 0 : i32
      scf.yield %scan3A_2719 : i32
    }
    %scan3A_1313 = arith.constant 32 : i32
    %dma_wait3A_1314 = arith.constant 7 : i32
    %dma_wait3A_1315 = arith.constant 3584 : i32
    %dma_wait3A_1316 = tpu.memref_slice %arg32[%dma_wait3A_1315] : memref<13312xi32, #tpu.memory_space<vmem>> -> memref<512xi32, #tpu.memory_space<vmem>>
    %dma_wait3A_1317 = arith.constant 0 : i32
    %dma_wait3A_1318 = tpu.memref_slice %arg2[%dma_wait3A_1314, %add3A, %dma_wait3A_1317] : memref<26x32x512xi32, #tpu.memory_space<hbm>> -> memref<1x1x512xi32, #tpu.memory_space<hbm>>
    %dma_wait3A_1319 = tpu.memref_squeeze %dma_wait3A_1318 : memref<1x1x512xi32, #tpu.memory_space<hbm>> -> memref<512xi32, #tpu.memory_space<hbm>>
    %dma_wait3A_1320 = arith.constant 3584 : i32
    %dma_wait3A_1321 = tpu.memref_slice %arg32[%dma_wait3A_1320] : memref<13312xi32, #tpu.memory_space<vmem>> -> memref<512xi32, #tpu.memory_space<vmem>>
    %dma_wait3A_1322 = arith.constant 0 : i32
    %dma_wait3A_1323 = tpu.memref_slice %arg2[%dma_wait3A_1314, %add3A, %dma_wait3A_1322] : memref<26x32x512xi32, #tpu.memory_space<hbm>> -> memref<1x1x512xi32, #tpu.memory_space<hbm>>
    %dma_wait3A_1324 = tpu.memref_squeeze %dma_wait3A_1323 : memref<1x1x512xi32, #tpu.memory_space<hbm>> -> memref<512xi32, #tpu.memory_space<hbm>>
    tpu.wait_dma2 semaphore(%arg35 : memref<!tpu.dma_semaphore, #tpu.memory_space<semaphore_mem>>) src(%dma_wait3A_1324 : memref<512xi32, #tpu.memory_space<hbm>>) dst(%dma_wait3A_1321 : memref<512xi32, #tpu.memory_space<vmem>>)
    %dma_start3A_1325 = arith.constant 3584 : i32
    %dma_start3A_1326 = tpu.memref_slice %arg33[%dma_start3A_1325] : memref<13312xf32, #tpu.memory_space<vmem>> -> memref<128xf32, #tpu.memory_space<vmem>>
    %dma_start3A_1327 = arith.constant 3584 : i32
    %dma_start3A_1328 = tpu.memref_slice %arg32[%dma_start3A_1327] : memref<13312xi32, #tpu.memory_space<vmem>> -> memref<128xi32, #tpu.memory_space<vmem>>
    %dma_start3A_1329 = arith.constant 0 : i32
    %dma_start3A_1330 = tpu.memref_slice %arg10[%dma_start3A_1329] : memref<1000000xf32, #tpu.memory_space<hbm>> -> memref<1000000xf32, #tpu.memory_space<hbm>>
    tpu.enqueue_indirect_dma source(%dma_start3A_1330 : memref<1000000xf32, #tpu.memory_space<hbm>>) target(%dma_start3A_1326 : memref<128xf32, #tpu.memory_space<vmem>>) offsets(%dma_start3A_1328 : memref<128xi32, #tpu.memory_space<vmem>>) semaphore(%arg37 : memref<!tpu.dma_semaphore, #tpu.memory_space<semaphore_mem>>)
    %dma_start3A_1331 = arith.constant 3712 : i32
    %dma_start3A_1332 = tpu.memref_slice %arg33[%dma_start3A_1331] : memref<13312xf32, #tpu.memory_space<vmem>> -> memref<128xf32, #tpu.memory_space<vmem>>
    %dma_start3A_1333 = arith.constant 3712 : i32
    %dma_start3A_1334 = tpu.memref_slice %arg32[%dma_start3A_1333] : memref<13312xi32, #tpu.memory_space<vmem>> -> memref<128xi32, #tpu.memory_space<vmem>>
    %dma_start3A_1335 = arith.constant 0 : i32
    %dma_start3A_1336 = tpu.memref_slice %arg10[%dma_start3A_1335] : memref<1000000xf32, #tpu.memory_space<hbm>> -> memref<1000000xf32, #tpu.memory_space<hbm>>
    tpu.enqueue_indirect_dma source(%dma_start3A_1336 : memref<1000000xf32, #tpu.memory_space<hbm>>) target(%dma_start3A_1332 : memref<128xf32, #tpu.memory_space<vmem>>) offsets(%dma_start3A_1334 : memref<128xi32, #tpu.memory_space<vmem>>) semaphore(%arg37 : memref<!tpu.dma_semaphore, #tpu.memory_space<semaphore_mem>>)
    %dma_start3A_1337 = arith.constant 3840 : i32
    %dma_start3A_1338 = tpu.memref_slice %arg33[%dma_start3A_1337] : memref<13312xf32, #tpu.memory_space<vmem>> -> memref<128xf32, #tpu.memory_space<vmem>>
    %dma_start3A_1339 = arith.constant 3840 : i32
    %dma_start3A_1340 = tpu.memref_slice %arg32[%dma_start3A_1339] : memref<13312xi32, #tpu.memory_space<vmem>> -> memref<128xi32, #tpu.memory_space<vmem>>
    %dma_start3A_1341 = arith.constant 0 : i32
    %dma_start3A_1342 = tpu.memref_slice %arg10[%dma_start3A_1341] : memref<1000000xf32, #tpu.memory_space<hbm>> -> memref<1000000xf32, #tpu.memory_space<hbm>>
    tpu.enqueue_indirect_dma source(%dma_start3A_1342 : memref<1000000xf32, #tpu.memory_space<hbm>>) target(%dma_start3A_1338 : memref<128xf32, #tpu.memory_space<vmem>>) offsets(%dma_start3A_1340 : memref<128xi32, #tpu.memory_space<vmem>>) semaphore(%arg37 : memref<!tpu.dma_semaphore, #tpu.memory_space<semaphore_mem>>)
    %dma_start3A_1343 = arith.constant 3968 : i32
    %dma_start3A_1344 = tpu.memref_slice %arg33[%dma_start3A_1343] : memref<13312xf32, #tpu.memory_space<vmem>> -> memref<128xf32, #tpu.memory_space<vmem>>
    %dma_start3A_1345 = arith.constant 3968 : i32
    %dma_start3A_1346 = tpu.memref_slice %arg32[%dma_start3A_1345] : memref<13312xi32, #tpu.memory_space<vmem>> -> memref<128xi32, #tpu.memory_space<vmem>>
    %dma_start3A_1347 = arith.constant 0 : i32
    %dma_start3A_1348 = tpu.memref_slice %arg10[%dma_start3A_1347] : memref<1000000xf32, #tpu.memory_space<hbm>> -> memref<1000000xf32, #tpu.memory_space<hbm>>
    tpu.enqueue_indirect_dma source(%dma_start3A_1348 : memref<1000000xf32, #tpu.memory_space<hbm>>) target(%dma_start3A_1344 : memref<128xf32, #tpu.memory_space<vmem>>) offsets(%dma_start3A_1346 : memref<128xi32, #tpu.memory_space<vmem>>) semaphore(%arg37 : memref<!tpu.dma_semaphore, #tpu.memory_space<semaphore_mem>>)
    %dma_wait3A_1349 = arith.constant 3072 : i32
    %dma_wait3A_1350 = tpu.memref_slice %arg33[%dma_wait3A_1349] : memref<13312xf32, #tpu.memory_space<vmem>> -> memref<128xf32, #tpu.memory_space<vmem>>
    %dma_wait3A_1351 = arith.constant 3072 : i32
    %dma_wait3A_1352 = tpu.memref_slice %arg32[%dma_wait3A_1351] : memref<13312xi32, #tpu.memory_space<vmem>> -> memref<128xi32, #tpu.memory_space<vmem>>
    %dma_wait3A_1353 = arith.constant 0 : i32
    %dma_wait3A_1354 = tpu.memref_slice %arg9[%dma_wait3A_1353] : memref<1000000xf32, #tpu.memory_space<hbm>> -> memref<1000000xf32, #tpu.memory_space<hbm>>
    tpu.wait_indirect_dma semaphore(%arg36 : memref<!tpu.dma_semaphore, #tpu.memory_space<semaphore_mem>>) src(%dma_wait3A_1354 : memref<1000000xf32, #tpu.memory_space<hbm>>) dst(%dma_wait3A_1350 : memref<128xf32, #tpu.memory_space<vmem>>)
    %dma_wait3A_1355 = arith.constant 3200 : i32
    %dma_wait3A_1356 = tpu.memref_slice %arg33[%dma_wait3A_1355] : memref<13312xf32, #tpu.memory_space<vmem>> -> memref<128xf32, #tpu.memory_space<vmem>>
    %dma_wait3A_1357 = arith.constant 3200 : i32
    %dma_wait3A_1358 = tpu.memref_slice %arg32[%dma_wait3A_1357] : memref<13312xi32, #tpu.memory_space<vmem>> -> memref<128xi32, #tpu.memory_space<vmem>>
    %dma_wait3A_1359 = arith.constant 0 : i32
    %dma_wait3A_1360 = tpu.memref_slice %arg9[%dma_wait3A_1359] : memref<1000000xf32, #tpu.memory_space<hbm>> -> memref<1000000xf32, #tpu.memory_space<hbm>>
    tpu.wait_indirect_dma semaphore(%arg36 : memref<!tpu.dma_semaphore, #tpu.memory_space<semaphore_mem>>) src(%dma_wait3A_1360 : memref<1000000xf32, #tpu.memory_space<hbm>>) dst(%dma_wait3A_1356 : memref<128xf32, #tpu.memory_space<vmem>>)
    %dma_wait3A_1361 = arith.constant 3328 : i32
    %dma_wait3A_1362 = tpu.memref_slice %arg33[%dma_wait3A_1361] : memref<13312xf32, #tpu.memory_space<vmem>> -> memref<128xf32, #tpu.memory_space<vmem>>
    %dma_wait3A_1363 = arith.constant 3328 : i32
    %dma_wait3A_1364 = tpu.memref_slice %arg32[%dma_wait3A_1363] : memref<13312xi32, #tpu.memory_space<vmem>> -> memref<128xi32, #tpu.memory_space<vmem>>
    %dma_wait3A_1365 = arith.constant 0 : i32
    %dma_wait3A_1366 = tpu.memref_slice %arg9[%dma_wait3A_1365] : memref<1000000xf32, #tpu.memory_space<hbm>> -> memref<1000000xf32, #tpu.memory_space<hbm>>
    tpu.wait_indirect_dma semaphore(%arg36 : memref<!tpu.dma_semaphore, #tpu.memory_space<semaphore_mem>>) src(%dma_wait3A_1366 : memref<1000000xf32, #tpu.memory_space<hbm>>) dst(%dma_wait3A_1362 : memref<128xf32, #tpu.memory_space<vmem>>)
    %dma_wait3A_1367 = arith.constant 3456 : i32
    %dma_wait3A_1368 = tpu.memref_slice %arg33[%dma_wait3A_1367] : memref<13312xf32, #tpu.memory_space<vmem>> -> memref<128xf32, #tpu.memory_space<vmem>>
    %dma_wait3A_1369 = arith.constant 3456 : i32
    %dma_wait3A_1370 = tpu.memref_slice %arg32[%dma_wait3A_1369] : memref<13312xi32, #tpu.memory_space<vmem>> -> memref<128xi32, #tpu.memory_space<vmem>>
    %dma_wait3A_1371 = arith.constant 0 : i32
    %dma_wait3A_1372 = tpu.memref_slice %arg9[%dma_wait3A_1371] : memref<1000000xf32, #tpu.memory_space<hbm>> -> memref<1000000xf32, #tpu.memory_space<hbm>>
    tpu.wait_indirect_dma semaphore(%arg36 : memref<!tpu.dma_semaphore, #tpu.memory_space<semaphore_mem>>) src(%dma_wait3A_1372 : memref<1000000xf32, #tpu.memory_space<hbm>>) dst(%dma_wait3A_1368 : memref<128xf32, #tpu.memory_space<vmem>>)
    %get3A_1373 = arith.constant 6 : i32
    %get3A_1374 = arith.index_cast %get3A_1373 : i32 to index
    %get3A_1375 = arith.constant 0 : index
    %get3A_1376 = tpu.vector_load %arg31[%get3A_1374, %get3A_1375] {strides = array<i32>} : memref<26x16xf32, #tpu.memory_space<vmem>>, vector<1x16xf32>,
    %get3A_1377 = vector.shape_cast %get3A_1376 : vector<1x16xf32> to vector<16xf32>
    %scan3A_1378 = arith.constant 0 : i32
    %scan3A_1379 = arith.constant 0 : i32
    %scan3A_1380 = arith.constant 32 : i32
    %scan3A_1381 = arith.addi %scan3A_1379, %scan3A_1380 : i32
    %scan3A_1382 = arith.constant 1 : i32
    %scan3A_1383 = scf.for %scan3A_2699 = %scan3A_1379 to %scan3A_1381 step %scan3A_1382 iter_args(%scan3A_2700 = %scan3A_1378) -> (i32)  : i32 {
      %mul3A_2701 = arith.constant 16 : i32
      %mul3A_2702 = arith.muli %scan3A_2699, %mul3A_2701 : i32
      %get3A_2703 = arith.index_cast %mul3A_2702 : i32 to index
      %get3A_2704 = tpu.vector_load %arg34[%get3A_2703] {strides = array<i32>} : memref<512xf32, #tpu.memory_space<vmem>>, vector<16xf32>,
      %get3A_2705 = vector.shape_cast %get3A_2704 : vector<16xf32> to vector<16xf32>
      %mul3A_2706 = arith.constant 16 : i32
      %mul3A_2707 = arith.muli %scan3A_2699, %mul3A_2706 : i32
      %add3A_2708 = arith.constant 3072 : i32
      %add3A_2709 = arith.addi %add3A_2708, %mul3A_2707 : i32
      %get3A_2710 = arith.index_cast %add3A_2709 : i32 to index
      %get3A_2711 = tpu.vector_load %arg33[%get3A_2710] {strides = array<i32>} : memref<13312xf32, #tpu.memory_space<vmem>>, vector<16xf32>,
      %get3A_2712 = vector.shape_cast %get3A_2711 : vector<16xf32> to vector<16xf32>
      %mul3A_2713 = arith.mulf %get3A_2712, %get3A_1377 : vector<16xf32>
      %add3A_2714 = arith.addf %get3A_2705, %mul3A_2713 : vector<16xf32>
      %swap3A_2715 = arith.index_cast %mul3A_2702 : i32 to index
      %swap3A_2716 = tpu.vector_load %arg34[%swap3A_2715] {strides = array<i32>} : memref<512xf32, #tpu.memory_space<vmem>>, vector<16xf32>,
      %swap3A_2717 = vector.shape_cast %swap3A_2716 : vector<16xf32> to vector<16xf32>
      %swap3A_2718 = vector.shape_cast %add3A_2714 : vector<16xf32> to vector<16xf32>
      tpu.vector_store %arg34[%swap3A_2715], %swap3A_2718 {strides = array<i32>} : memref<512xf32, #tpu.memory_space<vmem>>, vector<16xf32>,
      %scan3A_2719 = arith.constant 0 : i32
      scf.yield %scan3A_2719 : i32
    }
    %scan3A_1384 = arith.constant 32 : i32
    %dma_wait3A_1385 = arith.constant 8 : i32
    %dma_wait3A_1386 = arith.constant 4096 : i32
    %dma_wait3A_1387 = tpu.memref_slice %arg32[%dma_wait3A_1386] : memref<13312xi32, #tpu.memory_space<vmem>> -> memref<512xi32, #tpu.memory_space<vmem>>
    %dma_wait3A_1388 = arith.constant 0 : i32
    %dma_wait3A_1389 = tpu.memref_slice %arg2[%dma_wait3A_1385, %add3A, %dma_wait3A_1388] : memref<26x32x512xi32, #tpu.memory_space<hbm>> -> memref<1x1x512xi32, #tpu.memory_space<hbm>>
    %dma_wait3A_1390 = tpu.memref_squeeze %dma_wait3A_1389 : memref<1x1x512xi32, #tpu.memory_space<hbm>> -> memref<512xi32, #tpu.memory_space<hbm>>
    %dma_wait3A_1391 = arith.constant 4096 : i32
    %dma_wait3A_1392 = tpu.memref_slice %arg32[%dma_wait3A_1391] : memref<13312xi32, #tpu.memory_space<vmem>> -> memref<512xi32, #tpu.memory_space<vmem>>
    %dma_wait3A_1393 = arith.constant 0 : i32
    %dma_wait3A_1394 = tpu.memref_slice %arg2[%dma_wait3A_1385, %add3A, %dma_wait3A_1393] : memref<26x32x512xi32, #tpu.memory_space<hbm>> -> memref<1x1x512xi32, #tpu.memory_space<hbm>>
    %dma_wait3A_1395 = tpu.memref_squeeze %dma_wait3A_1394 : memref<1x1x512xi32, #tpu.memory_space<hbm>> -> memref<512xi32, #tpu.memory_space<hbm>>
    tpu.wait_dma2 semaphore(%arg35 : memref<!tpu.dma_semaphore, #tpu.memory_space<semaphore_mem>>) src(%dma_wait3A_1395 : memref<512xi32, #tpu.memory_space<hbm>>) dst(%dma_wait3A_1392 : memref<512xi32, #tpu.memory_space<vmem>>)
    %dma_start3A_1396 = arith.constant 4096 : i32
    %dma_start3A_1397 = tpu.memref_slice %arg33[%dma_start3A_1396] : memref<13312xf32, #tpu.memory_space<vmem>> -> memref<128xf32, #tpu.memory_space<vmem>>
    %dma_start3A_1398 = arith.constant 4096 : i32
    %dma_start3A_1399 = tpu.memref_slice %arg32[%dma_start3A_1398] : memref<13312xi32, #tpu.memory_space<vmem>> -> memref<128xi32, #tpu.memory_space<vmem>>
    %dma_start3A_1400 = arith.constant 0 : i32
    %dma_start3A_1401 = tpu.memref_slice %arg11[%dma_start3A_1400] : memref<1000000xf32, #tpu.memory_space<hbm>> -> memref<1000000xf32, #tpu.memory_space<hbm>>
    tpu.enqueue_indirect_dma source(%dma_start3A_1401 : memref<1000000xf32, #tpu.memory_space<hbm>>) target(%dma_start3A_1397 : memref<128xf32, #tpu.memory_space<vmem>>) offsets(%dma_start3A_1399 : memref<128xi32, #tpu.memory_space<vmem>>) semaphore(%arg36 : memref<!tpu.dma_semaphore, #tpu.memory_space<semaphore_mem>>)
    %dma_start3A_1402 = arith.constant 4224 : i32
    %dma_start3A_1403 = tpu.memref_slice %arg33[%dma_start3A_1402] : memref<13312xf32, #tpu.memory_space<vmem>> -> memref<128xf32, #tpu.memory_space<vmem>>
    %dma_start3A_1404 = arith.constant 4224 : i32
    %dma_start3A_1405 = tpu.memref_slice %arg32[%dma_start3A_1404] : memref<13312xi32, #tpu.memory_space<vmem>> -> memref<128xi32, #tpu.memory_space<vmem>>
    %dma_start3A_1406 = arith.constant 0 : i32
    %dma_start3A_1407 = tpu.memref_slice %arg11[%dma_start3A_1406] : memref<1000000xf32, #tpu.memory_space<hbm>> -> memref<1000000xf32, #tpu.memory_space<hbm>>
    tpu.enqueue_indirect_dma source(%dma_start3A_1407 : memref<1000000xf32, #tpu.memory_space<hbm>>) target(%dma_start3A_1403 : memref<128xf32, #tpu.memory_space<vmem>>) offsets(%dma_start3A_1405 : memref<128xi32, #tpu.memory_space<vmem>>) semaphore(%arg36 : memref<!tpu.dma_semaphore, #tpu.memory_space<semaphore_mem>>)
    %dma_start3A_1408 = arith.constant 4352 : i32
    %dma_start3A_1409 = tpu.memref_slice %arg33[%dma_start3A_1408] : memref<13312xf32, #tpu.memory_space<vmem>> -> memref<128xf32, #tpu.memory_space<vmem>>
    %dma_start3A_1410 = arith.constant 4352 : i32
    %dma_start3A_1411 = tpu.memref_slice %arg32[%dma_start3A_1410] : memref<13312xi32, #tpu.memory_space<vmem>> -> memref<128xi32, #tpu.memory_space<vmem>>
    %dma_start3A_1412 = arith.constant 0 : i32
    %dma_start3A_1413 = tpu.memref_slice %arg11[%dma_start3A_1412] : memref<1000000xf32, #tpu.memory_space<hbm>> -> memref<1000000xf32, #tpu.memory_space<hbm>>
    tpu.enqueue_indirect_dma source(%dma_start3A_1413 : memref<1000000xf32, #tpu.memory_space<hbm>>) target(%dma_start3A_1409 : memref<128xf32, #tpu.memory_space<vmem>>) offsets(%dma_start3A_1411 : memref<128xi32, #tpu.memory_space<vmem>>) semaphore(%arg36 : memref<!tpu.dma_semaphore, #tpu.memory_space<semaphore_mem>>)
    %dma_start3A_1414 = arith.constant 4480 : i32
    %dma_start3A_1415 = tpu.memref_slice %arg33[%dma_start3A_1414] : memref<13312xf32, #tpu.memory_space<vmem>> -> memref<128xf32, #tpu.memory_space<vmem>>
    %dma_start3A_1416 = arith.constant 4480 : i32
    %dma_start3A_1417 = tpu.memref_slice %arg32[%dma_start3A_1416] : memref<13312xi32, #tpu.memory_space<vmem>> -> memref<128xi32, #tpu.memory_space<vmem>>
    %dma_start3A_1418 = arith.constant 0 : i32
    %dma_start3A_1419 = tpu.memref_slice %arg11[%dma_start3A_1418] : memref<1000000xf32, #tpu.memory_space<hbm>> -> memref<1000000xf32, #tpu.memory_space<hbm>>
    tpu.enqueue_indirect_dma source(%dma_start3A_1419 : memref<1000000xf32, #tpu.memory_space<hbm>>) target(%dma_start3A_1415 : memref<128xf32, #tpu.memory_space<vmem>>) offsets(%dma_start3A_1417 : memref<128xi32, #tpu.memory_space<vmem>>) semaphore(%arg36 : memref<!tpu.dma_semaphore, #tpu.memory_space<semaphore_mem>>)
    %dma_wait3A_1420 = arith.constant 3584 : i32
    %dma_wait3A_1421 = tpu.memref_slice %arg33[%dma_wait3A_1420] : memref<13312xf32, #tpu.memory_space<vmem>> -> memref<128xf32, #tpu.memory_space<vmem>>
    %dma_wait3A_1422 = arith.constant 3584 : i32
    %dma_wait3A_1423 = tpu.memref_slice %arg32[%dma_wait3A_1422] : memref<13312xi32, #tpu.memory_space<vmem>> -> memref<128xi32, #tpu.memory_space<vmem>>
    %dma_wait3A_1424 = arith.constant 0 : i32
    %dma_wait3A_1425 = tpu.memref_slice %arg10[%dma_wait3A_1424] : memref<1000000xf32, #tpu.memory_space<hbm>> -> memref<1000000xf32, #tpu.memory_space<hbm>>
    tpu.wait_indirect_dma semaphore(%arg37 : memref<!tpu.dma_semaphore, #tpu.memory_space<semaphore_mem>>) src(%dma_wait3A_1425 : memref<1000000xf32, #tpu.memory_space<hbm>>) dst(%dma_wait3A_1421 : memref<128xf32, #tpu.memory_space<vmem>>)
    %dma_wait3A_1426 = arith.constant 3712 : i32
    %dma_wait3A_1427 = tpu.memref_slice %arg33[%dma_wait3A_1426] : memref<13312xf32, #tpu.memory_space<vmem>> -> memref<128xf32, #tpu.memory_space<vmem>>
    %dma_wait3A_1428 = arith.constant 3712 : i32
    %dma_wait3A_1429 = tpu.memref_slice %arg32[%dma_wait3A_1428] : memref<13312xi32, #tpu.memory_space<vmem>> -> memref<128xi32, #tpu.memory_space<vmem>>
    %dma_wait3A_1430 = arith.constant 0 : i32
    %dma_wait3A_1431 = tpu.memref_slice %arg10[%dma_wait3A_1430] : memref<1000000xf32, #tpu.memory_space<hbm>> -> memref<1000000xf32, #tpu.memory_space<hbm>>
    tpu.wait_indirect_dma semaphore(%arg37 : memref<!tpu.dma_semaphore, #tpu.memory_space<semaphore_mem>>) src(%dma_wait3A_1431 : memref<1000000xf32, #tpu.memory_space<hbm>>) dst(%dma_wait3A_1427 : memref<128xf32, #tpu.memory_space<vmem>>)
    %dma_wait3A_1432 = arith.constant 3840 : i32
    %dma_wait3A_1433 = tpu.memref_slice %arg33[%dma_wait3A_1432] : memref<13312xf32, #tpu.memory_space<vmem>> -> memref<128xf32, #tpu.memory_space<vmem>>
    %dma_wait3A_1434 = arith.constant 3840 : i32
    %dma_wait3A_1435 = tpu.memref_slice %arg32[%dma_wait3A_1434] : memref<13312xi32, #tpu.memory_space<vmem>> -> memref<128xi32, #tpu.memory_space<vmem>>
    %dma_wait3A_1436 = arith.constant 0 : i32
    %dma_wait3A_1437 = tpu.memref_slice %arg10[%dma_wait3A_1436] : memref<1000000xf32, #tpu.memory_space<hbm>> -> memref<1000000xf32, #tpu.memory_space<hbm>>
    tpu.wait_indirect_dma semaphore(%arg37 : memref<!tpu.dma_semaphore, #tpu.memory_space<semaphore_mem>>) src(%dma_wait3A_1437 : memref<1000000xf32, #tpu.memory_space<hbm>>) dst(%dma_wait3A_1433 : memref<128xf32, #tpu.memory_space<vmem>>)
    %dma_wait3A_1438 = arith.constant 3968 : i32
    %dma_wait3A_1439 = tpu.memref_slice %arg33[%dma_wait3A_1438] : memref<13312xf32, #tpu.memory_space<vmem>> -> memref<128xf32, #tpu.memory_space<vmem>>
    %dma_wait3A_1440 = arith.constant 3968 : i32
    %dma_wait3A_1441 = tpu.memref_slice %arg32[%dma_wait3A_1440] : memref<13312xi32, #tpu.memory_space<vmem>> -> memref<128xi32, #tpu.memory_space<vmem>>
    %dma_wait3A_1442 = arith.constant 0 : i32
    %dma_wait3A_1443 = tpu.memref_slice %arg10[%dma_wait3A_1442] : memref<1000000xf32, #tpu.memory_space<hbm>> -> memref<1000000xf32, #tpu.memory_space<hbm>>
    tpu.wait_indirect_dma semaphore(%arg37 : memref<!tpu.dma_semaphore, #tpu.memory_space<semaphore_mem>>) src(%dma_wait3A_1443 : memref<1000000xf32, #tpu.memory_space<hbm>>) dst(%dma_wait3A_1439 : memref<128xf32, #tpu.memory_space<vmem>>)
    %get3A_1444 = arith.constant 7 : i32
    %get3A_1445 = arith.index_cast %get3A_1444 : i32 to index
    %get3A_1446 = arith.constant 0 : index
    %get3A_1447 = tpu.vector_load %arg31[%get3A_1445, %get3A_1446] {strides = array<i32>} : memref<26x16xf32, #tpu.memory_space<vmem>>, vector<1x16xf32>,
    %get3A_1448 = vector.shape_cast %get3A_1447 : vector<1x16xf32> to vector<16xf32>
    %scan3A_1449 = arith.constant 0 : i32
    %scan3A_1450 = arith.constant 0 : i32
    %scan3A_1451 = arith.constant 32 : i32
    %scan3A_1452 = arith.addi %scan3A_1450, %scan3A_1451 : i32
    %scan3A_1453 = arith.constant 1 : i32
    %scan3A_1454 = scf.for %scan3A_2699 = %scan3A_1450 to %scan3A_1452 step %scan3A_1453 iter_args(%scan3A_2700 = %scan3A_1449) -> (i32)  : i32 {
      %mul3A_2701 = arith.constant 16 : i32
      %mul3A_2702 = arith.muli %scan3A_2699, %mul3A_2701 : i32
      %get3A_2703 = arith.index_cast %mul3A_2702 : i32 to index
      %get3A_2704 = tpu.vector_load %arg34[%get3A_2703] {strides = array<i32>} : memref<512xf32, #tpu.memory_space<vmem>>, vector<16xf32>,
      %get3A_2705 = vector.shape_cast %get3A_2704 : vector<16xf32> to vector<16xf32>
      %mul3A_2706 = arith.constant 16 : i32
      %mul3A_2707 = arith.muli %scan3A_2699, %mul3A_2706 : i32
      %add3A_2708 = arith.constant 3584 : i32
      %add3A_2709 = arith.addi %add3A_2708, %mul3A_2707 : i32
      %get3A_2710 = arith.index_cast %add3A_2709 : i32 to index
      %get3A_2711 = tpu.vector_load %arg33[%get3A_2710] {strides = array<i32>} : memref<13312xf32, #tpu.memory_space<vmem>>, vector<16xf32>,
      %get3A_2712 = vector.shape_cast %get3A_2711 : vector<16xf32> to vector<16xf32>
      %mul3A_2713 = arith.mulf %get3A_2712, %get3A_1448 : vector<16xf32>
      %add3A_2714 = arith.addf %get3A_2705, %mul3A_2713 : vector<16xf32>
      %swap3A_2715 = arith.index_cast %mul3A_2702 : i32 to index
      %swap3A_2716 = tpu.vector_load %arg34[%swap3A_2715] {strides = array<i32>} : memref<512xf32, #tpu.memory_space<vmem>>, vector<16xf32>,
      %swap3A_2717 = vector.shape_cast %swap3A_2716 : vector<16xf32> to vector<16xf32>
      %swap3A_2718 = vector.shape_cast %add3A_2714 : vector<16xf32> to vector<16xf32>
      tpu.vector_store %arg34[%swap3A_2715], %swap3A_2718 {strides = array<i32>} : memref<512xf32, #tpu.memory_space<vmem>>, vector<16xf32>,
      %scan3A_2719 = arith.constant 0 : i32
      scf.yield %scan3A_2719 : i32
    }
    %scan3A_1455 = arith.constant 32 : i32
    %dma_wait3A_1456 = arith.constant 9 : i32
    %dma_wait3A_1457 = arith.constant 4608 : i32
    %dma_wait3A_1458 = tpu.memref_slice %arg32[%dma_wait3A_1457] : memref<13312xi32, #tpu.memory_space<vmem>> -> memref<512xi32, #tpu.memory_space<vmem>>
    %dma_wait3A_1459 = arith.constant 0 : i32
    %dma_wait3A_1460 = tpu.memref_slice %arg2[%dma_wait3A_1456, %add3A, %dma_wait3A_1459] : memref<26x32x512xi32, #tpu.memory_space<hbm>> -> memref<1x1x512xi32, #tpu.memory_space<hbm>>
    %dma_wait3A_1461 = tpu.memref_squeeze %dma_wait3A_1460 : memref<1x1x512xi32, #tpu.memory_space<hbm>> -> memref<512xi32, #tpu.memory_space<hbm>>
    %dma_wait3A_1462 = arith.constant 4608 : i32
    %dma_wait3A_1463 = tpu.memref_slice %arg32[%dma_wait3A_1462] : memref<13312xi32, #tpu.memory_space<vmem>> -> memref<512xi32, #tpu.memory_space<vmem>>
    %dma_wait3A_1464 = arith.constant 0 : i32
    %dma_wait3A_1465 = tpu.memref_slice %arg2[%dma_wait3A_1456, %add3A, %dma_wait3A_1464] : memref<26x32x512xi32, #tpu.memory_space<hbm>> -> memref<1x1x512xi32, #tpu.memory_space<hbm>>
    %dma_wait3A_1466 = tpu.memref_squeeze %dma_wait3A_1465 : memref<1x1x512xi32, #tpu.memory_space<hbm>> -> memref<512xi32, #tpu.memory_space<hbm>>
    tpu.wait_dma2 semaphore(%arg35 : memref<!tpu.dma_semaphore, #tpu.memory_space<semaphore_mem>>) src(%dma_wait3A_1466 : memref<512xi32, #tpu.memory_space<hbm>>) dst(%dma_wait3A_1463 : memref<512xi32, #tpu.memory_space<vmem>>)
    %dma_start3A_1467 = arith.constant 4608 : i32
    %dma_start3A_1468 = tpu.memref_slice %arg33[%dma_start3A_1467] : memref<13312xf32, #tpu.memory_space<vmem>> -> memref<128xf32, #tpu.memory_space<vmem>>
    %dma_start3A_1469 = arith.constant 4608 : i32
    %dma_start3A_1470 = tpu.memref_slice %arg32[%dma_start3A_1469] : memref<13312xi32, #tpu.memory_space<vmem>> -> memref<128xi32, #tpu.memory_space<vmem>>
    %dma_start3A_1471 = arith.constant 0 : i32
    %dma_start3A_1472 = tpu.memref_slice %arg12[%dma_start3A_1471] : memref<1000000xf32, #tpu.memory_space<hbm>> -> memref<1000000xf32, #tpu.memory_space<hbm>>
    tpu.enqueue_indirect_dma source(%dma_start3A_1472 : memref<1000000xf32, #tpu.memory_space<hbm>>) target(%dma_start3A_1468 : memref<128xf32, #tpu.memory_space<vmem>>) offsets(%dma_start3A_1470 : memref<128xi32, #tpu.memory_space<vmem>>) semaphore(%arg37 : memref<!tpu.dma_semaphore, #tpu.memory_space<semaphore_mem>>)
    %dma_start3A_1473 = arith.constant 4736 : i32
    %dma_start3A_1474 = tpu.memref_slice %arg33[%dma_start3A_1473] : memref<13312xf32, #tpu.memory_space<vmem>> -> memref<128xf32, #tpu.memory_space<vmem>>
    %dma_start3A_1475 = arith.constant 4736 : i32
    %dma_start3A_1476 = tpu.memref_slice %arg32[%dma_start3A_1475] : memref<13312xi32, #tpu.memory_space<vmem>> -> memref<128xi32, #tpu.memory_space<vmem>>
    %dma_start3A_1477 = arith.constant 0 : i32
    %dma_start3A_1478 = tpu.memref_slice %arg12[%dma_start3A_1477] : memref<1000000xf32, #tpu.memory_space<hbm>> -> memref<1000000xf32, #tpu.memory_space<hbm>>
    tpu.enqueue_indirect_dma source(%dma_start3A_1478 : memref<1000000xf32, #tpu.memory_space<hbm>>) target(%dma_start3A_1474 : memref<128xf32, #tpu.memory_space<vmem>>) offsets(%dma_start3A_1476 : memref<128xi32, #tpu.memory_space<vmem>>) semaphore(%arg37 : memref<!tpu.dma_semaphore, #tpu.memory_space<semaphore_mem>>)
    %dma_start3A_1479 = arith.constant 4864 : i32
    %dma_start3A_1480 = tpu.memref_slice %arg33[%dma_start3A_1479] : memref<13312xf32, #tpu.memory_space<vmem>> -> memref<128xf32, #tpu.memory_space<vmem>>
    %dma_start3A_1481 = arith.constant 4864 : i32
    %dma_start3A_1482 = tpu.memref_slice %arg32[%dma_start3A_1481] : memref<13312xi32, #tpu.memory_space<vmem>> -> memref<128xi32, #tpu.memory_space<vmem>>
    %dma_start3A_1483 = arith.constant 0 : i32
    %dma_start3A_1484 = tpu.memref_slice %arg12[%dma_start3A_1483] : memref<1000000xf32, #tpu.memory_space<hbm>> -> memref<1000000xf32, #tpu.memory_space<hbm>>
    tpu.enqueue_indirect_dma source(%dma_start3A_1484 : memref<1000000xf32, #tpu.memory_space<hbm>>) target(%dma_start3A_1480 : memref<128xf32, #tpu.memory_space<vmem>>) offsets(%dma_start3A_1482 : memref<128xi32, #tpu.memory_space<vmem>>) semaphore(%arg37 : memref<!tpu.dma_semaphore, #tpu.memory_space<semaphore_mem>>)
    %dma_start3A_1485 = arith.constant 4992 : i32
    %dma_start3A_1486 = tpu.memref_slice %arg33[%dma_start3A_1485] : memref<13312xf32, #tpu.memory_space<vmem>> -> memref<128xf32, #tpu.memory_space<vmem>>
    %dma_start3A_1487 = arith.constant 4992 : i32
    %dma_start3A_1488 = tpu.memref_slice %arg32[%dma_start3A_1487] : memref<13312xi32, #tpu.memory_space<vmem>> -> memref<128xi32, #tpu.memory_space<vmem>>
    %dma_start3A_1489 = arith.constant 0 : i32
    %dma_start3A_1490 = tpu.memref_slice %arg12[%dma_start3A_1489] : memref<1000000xf32, #tpu.memory_space<hbm>> -> memref<1000000xf32, #tpu.memory_space<hbm>>
    tpu.enqueue_indirect_dma source(%dma_start3A_1490 : memref<1000000xf32, #tpu.memory_space<hbm>>) target(%dma_start3A_1486 : memref<128xf32, #tpu.memory_space<vmem>>) offsets(%dma_start3A_1488 : memref<128xi32, #tpu.memory_space<vmem>>) semaphore(%arg37 : memref<!tpu.dma_semaphore, #tpu.memory_space<semaphore_mem>>)
    %dma_wait3A_1491 = arith.constant 4096 : i32
    %dma_wait3A_1492 = tpu.memref_slice %arg33[%dma_wait3A_1491] : memref<13312xf32, #tpu.memory_space<vmem>> -> memref<128xf32, #tpu.memory_space<vmem>>
    %dma_wait3A_1493 = arith.constant 4096 : i32
    %dma_wait3A_1494 = tpu.memref_slice %arg32[%dma_wait3A_1493] : memref<13312xi32, #tpu.memory_space<vmem>> -> memref<128xi32, #tpu.memory_space<vmem>>
    %dma_wait3A_1495 = arith.constant 0 : i32
    %dma_wait3A_1496 = tpu.memref_slice %arg11[%dma_wait3A_1495] : memref<1000000xf32, #tpu.memory_space<hbm>> -> memref<1000000xf32, #tpu.memory_space<hbm>>
    tpu.wait_indirect_dma semaphore(%arg36 : memref<!tpu.dma_semaphore, #tpu.memory_space<semaphore_mem>>) src(%dma_wait3A_1496 : memref<1000000xf32, #tpu.memory_space<hbm>>) dst(%dma_wait3A_1492 : memref<128xf32, #tpu.memory_space<vmem>>)
    %dma_wait3A_1497 = arith.constant 4224 : i32
    %dma_wait3A_1498 = tpu.memref_slice %arg33[%dma_wait3A_1497] : memref<13312xf32, #tpu.memory_space<vmem>> -> memref<128xf32, #tpu.memory_space<vmem>>
    %dma_wait3A_1499 = arith.constant 4224 : i32
    %dma_wait3A_1500 = tpu.memref_slice %arg32[%dma_wait3A_1499] : memref<13312xi32, #tpu.memory_space<vmem>> -> memref<128xi32, #tpu.memory_space<vmem>>
    %dma_wait3A_1501 = arith.constant 0 : i32
    %dma_wait3A_1502 = tpu.memref_slice %arg11[%dma_wait3A_1501] : memref<1000000xf32, #tpu.memory_space<hbm>> -> memref<1000000xf32, #tpu.memory_space<hbm>>
    tpu.wait_indirect_dma semaphore(%arg36 : memref<!tpu.dma_semaphore, #tpu.memory_space<semaphore_mem>>) src(%dma_wait3A_1502 : memref<1000000xf32, #tpu.memory_space<hbm>>) dst(%dma_wait3A_1498 : memref<128xf32, #tpu.memory_space<vmem>>)
    %dma_wait3A_1503 = arith.constant 4352 : i32
    %dma_wait3A_1504 = tpu.memref_slice %arg33[%dma_wait3A_1503] : memref<13312xf32, #tpu.memory_space<vmem>> -> memref<128xf32, #tpu.memory_space<vmem>>
    %dma_wait3A_1505 = arith.constant 4352 : i32
    %dma_wait3A_1506 = tpu.memref_slice %arg32[%dma_wait3A_1505] : memref<13312xi32, #tpu.memory_space<vmem>> -> memref<128xi32, #tpu.memory_space<vmem>>
    %dma_wait3A_1507 = arith.constant 0 : i32
    %dma_wait3A_1508 = tpu.memref_slice %arg11[%dma_wait3A_1507] : memref<1000000xf32, #tpu.memory_space<hbm>> -> memref<1000000xf32, #tpu.memory_space<hbm>>
    tpu.wait_indirect_dma semaphore(%arg36 : memref<!tpu.dma_semaphore, #tpu.memory_space<semaphore_mem>>) src(%dma_wait3A_1508 : memref<1000000xf32, #tpu.memory_space<hbm>>) dst(%dma_wait3A_1504 : memref<128xf32, #tpu.memory_space<vmem>>)
    %dma_wait3A_1509 = arith.constant 4480 : i32
    %dma_wait3A_1510 = tpu.memref_slice %arg33[%dma_wait3A_1509] : memref<13312xf32, #tpu.memory_space<vmem>> -> memref<128xf32, #tpu.memory_space<vmem>>
    %dma_wait3A_1511 = arith.constant 4480 : i32
    %dma_wait3A_1512 = tpu.memref_slice %arg32[%dma_wait3A_1511] : memref<13312xi32, #tpu.memory_space<vmem>> -> memref<128xi32, #tpu.memory_space<vmem>>
    %dma_wait3A_1513 = arith.constant 0 : i32
    %dma_wait3A_1514 = tpu.memref_slice %arg11[%dma_wait3A_1513] : memref<1000000xf32, #tpu.memory_space<hbm>> -> memref<1000000xf32, #tpu.memory_space<hbm>>
    tpu.wait_indirect_dma semaphore(%arg36 : memref<!tpu.dma_semaphore, #tpu.memory_space<semaphore_mem>>) src(%dma_wait3A_1514 : memref<1000000xf32, #tpu.memory_space<hbm>>) dst(%dma_wait3A_1510 : memref<128xf32, #tpu.memory_space<vmem>>)
    %get3A_1515 = arith.constant 8 : i32
    %get3A_1516 = arith.index_cast %get3A_1515 : i32 to index
    %get3A_1517 = arith.constant 0 : index
    %get3A_1518 = tpu.vector_load %arg31[%get3A_1516, %get3A_1517] {strides = array<i32>} : memref<26x16xf32, #tpu.memory_space<vmem>>, vector<1x16xf32>,
    %get3A_1519 = vector.shape_cast %get3A_1518 : vector<1x16xf32> to vector<16xf32>
    %scan3A_1520 = arith.constant 0 : i32
    %scan3A_1521 = arith.constant 0 : i32
    %scan3A_1522 = arith.constant 32 : i32
    %scan3A_1523 = arith.addi %scan3A_1521, %scan3A_1522 : i32
    %scan3A_1524 = arith.constant 1 : i32
    %scan3A_1525 = scf.for %scan3A_2699 = %scan3A_1521 to %scan3A_1523 step %scan3A_1524 iter_args(%scan3A_2700 = %scan3A_1520) -> (i32)  : i32 {
      %mul3A_2701 = arith.constant 16 : i32
      %mul3A_2702 = arith.muli %scan3A_2699, %mul3A_2701 : i32
      %get3A_2703 = arith.index_cast %mul3A_2702 : i32 to index
      %get3A_2704 = tpu.vector_load %arg34[%get3A_2703] {strides = array<i32>} : memref<512xf32, #tpu.memory_space<vmem>>, vector<16xf32>,
      %get3A_2705 = vector.shape_cast %get3A_2704 : vector<16xf32> to vector<16xf32>
      %mul3A_2706 = arith.constant 16 : i32
      %mul3A_2707 = arith.muli %scan3A_2699, %mul3A_2706 : i32
      %add3A_2708 = arith.constant 4096 : i32
      %add3A_2709 = arith.addi %add3A_2708, %mul3A_2707 : i32
      %get3A_2710 = arith.index_cast %add3A_2709 : i32 to index
      %get3A_2711 = tpu.vector_load %arg33[%get3A_2710] {strides = array<i32>} : memref<13312xf32, #tpu.memory_space<vmem>>, vector<16xf32>,
      %get3A_2712 = vector.shape_cast %get3A_2711 : vector<16xf32> to vector<16xf32>
      %mul3A_2713 = arith.mulf %get3A_2712, %get3A_1519 : vector<16xf32>
      %add3A_2714 = arith.addf %get3A_2705, %mul3A_2713 : vector<16xf32>
      %swap3A_2715 = arith.index_cast %mul3A_2702 : i32 to index
      %swap3A_2716 = tpu.vector_load %arg34[%swap3A_2715] {strides = array<i32>} : memref<512xf32, #tpu.memory_space<vmem>>, vector<16xf32>,
      %swap3A_2717 = vector.shape_cast %swap3A_2716 : vector<16xf32> to vector<16xf32>
      %swap3A_2718 = vector.shape_cast %add3A_2714 : vector<16xf32> to vector<16xf32>
      tpu.vector_store %arg34[%swap3A_2715], %swap3A_2718 {strides = array<i32>} : memref<512xf32, #tpu.memory_space<vmem>>, vector<16xf32>,
      %scan3A_2719 = arith.constant 0 : i32
      scf.yield %scan3A_2719 : i32
    }
    %scan3A_1526 = arith.constant 32 : i32
    %dma_wait3A_1527 = arith.constant 10 : i32
    %dma_wait3A_1528 = arith.constant 5120 : i32
    %dma_wait3A_1529 = tpu.memref_slice %arg32[%dma_wait3A_1528] : memref<13312xi32, #tpu.memory_space<vmem>> -> memref<512xi32, #tpu.memory_space<vmem>>
    %dma_wait3A_1530 = arith.constant 0 : i32
    %dma_wait3A_1531 = tpu.memref_slice %arg2[%dma_wait3A_1527, %add3A, %dma_wait3A_1530] : memref<26x32x512xi32, #tpu.memory_space<hbm>> -> memref<1x1x512xi32, #tpu.memory_space<hbm>>
    %dma_wait3A_1532 = tpu.memref_squeeze %dma_wait3A_1531 : memref<1x1x512xi32, #tpu.memory_space<hbm>> -> memref<512xi32, #tpu.memory_space<hbm>>
    %dma_wait3A_1533 = arith.constant 5120 : i32
    %dma_wait3A_1534 = tpu.memref_slice %arg32[%dma_wait3A_1533] : memref<13312xi32, #tpu.memory_space<vmem>> -> memref<512xi32, #tpu.memory_space<vmem>>
    %dma_wait3A_1535 = arith.constant 0 : i32
    %dma_wait3A_1536 = tpu.memref_slice %arg2[%dma_wait3A_1527, %add3A, %dma_wait3A_1535] : memref<26x32x512xi32, #tpu.memory_space<hbm>> -> memref<1x1x512xi32, #tpu.memory_space<hbm>>
    %dma_wait3A_1537 = tpu.memref_squeeze %dma_wait3A_1536 : memref<1x1x512xi32, #tpu.memory_space<hbm>> -> memref<512xi32, #tpu.memory_space<hbm>>
    tpu.wait_dma2 semaphore(%arg35 : memref<!tpu.dma_semaphore, #tpu.memory_space<semaphore_mem>>) src(%dma_wait3A_1537 : memref<512xi32, #tpu.memory_space<hbm>>) dst(%dma_wait3A_1534 : memref<512xi32, #tpu.memory_space<vmem>>)
    %dma_start3A_1538 = arith.constant 5120 : i32
    %dma_start3A_1539 = tpu.memref_slice %arg33[%dma_start3A_1538] : memref<13312xf32, #tpu.memory_space<vmem>> -> memref<128xf32, #tpu.memory_space<vmem>>
    %dma_start3A_1540 = arith.constant 5120 : i32
    %dma_start3A_1541 = tpu.memref_slice %arg32[%dma_start3A_1540] : memref<13312xi32, #tpu.memory_space<vmem>> -> memref<128xi32, #tpu.memory_space<vmem>>
    %dma_start3A_1542 = arith.constant 0 : i32
    %dma_start3A_1543 = tpu.memref_slice %arg13[%dma_start3A_1542] : memref<1000000xf32, #tpu.memory_space<hbm>> -> memref<1000000xf32, #tpu.memory_space<hbm>>
    tpu.enqueue_indirect_dma source(%dma_start3A_1543 : memref<1000000xf32, #tpu.memory_space<hbm>>) target(%dma_start3A_1539 : memref<128xf32, #tpu.memory_space<vmem>>) offsets(%dma_start3A_1541 : memref<128xi32, #tpu.memory_space<vmem>>) semaphore(%arg36 : memref<!tpu.dma_semaphore, #tpu.memory_space<semaphore_mem>>)
    %dma_start3A_1544 = arith.constant 5248 : i32
    %dma_start3A_1545 = tpu.memref_slice %arg33[%dma_start3A_1544] : memref<13312xf32, #tpu.memory_space<vmem>> -> memref<128xf32, #tpu.memory_space<vmem>>
    %dma_start3A_1546 = arith.constant 5248 : i32
    %dma_start3A_1547 = tpu.memref_slice %arg32[%dma_start3A_1546] : memref<13312xi32, #tpu.memory_space<vmem>> -> memref<128xi32, #tpu.memory_space<vmem>>
    %dma_start3A_1548 = arith.constant 0 : i32
    %dma_start3A_1549 = tpu.memref_slice %arg13[%dma_start3A_1548] : memref<1000000xf32, #tpu.memory_space<hbm>> -> memref<1000000xf32, #tpu.memory_space<hbm>>
    tpu.enqueue_indirect_dma source(%dma_start3A_1549 : memref<1000000xf32, #tpu.memory_space<hbm>>) target(%dma_start3A_1545 : memref<128xf32, #tpu.memory_space<vmem>>) offsets(%dma_start3A_1547 : memref<128xi32, #tpu.memory_space<vmem>>) semaphore(%arg36 : memref<!tpu.dma_semaphore, #tpu.memory_space<semaphore_mem>>)
    %dma_start3A_1550 = arith.constant 5376 : i32
    %dma_start3A_1551 = tpu.memref_slice %arg33[%dma_start3A_1550] : memref<13312xf32, #tpu.memory_space<vmem>> -> memref<128xf32, #tpu.memory_space<vmem>>
    %dma_start3A_1552 = arith.constant 5376 : i32
    %dma_start3A_1553 = tpu.memref_slice %arg32[%dma_start3A_1552] : memref<13312xi32, #tpu.memory_space<vmem>> -> memref<128xi32, #tpu.memory_space<vmem>>
    %dma_start3A_1554 = arith.constant 0 : i32
    %dma_start3A_1555 = tpu.memref_slice %arg13[%dma_start3A_1554] : memref<1000000xf32, #tpu.memory_space<hbm>> -> memref<1000000xf32, #tpu.memory_space<hbm>>
    tpu.enqueue_indirect_dma source(%dma_start3A_1555 : memref<1000000xf32, #tpu.memory_space<hbm>>) target(%dma_start3A_1551 : memref<128xf32, #tpu.memory_space<vmem>>) offsets(%dma_start3A_1553 : memref<128xi32, #tpu.memory_space<vmem>>) semaphore(%arg36 : memref<!tpu.dma_semaphore, #tpu.memory_space<semaphore_mem>>)
    %dma_start3A_1556 = arith.constant 5504 : i32
    %dma_start3A_1557 = tpu.memref_slice %arg33[%dma_start3A_1556] : memref<13312xf32, #tpu.memory_space<vmem>> -> memref<128xf32, #tpu.memory_space<vmem>>
    %dma_start3A_1558 = arith.constant 5504 : i32
    %dma_start3A_1559 = tpu.memref_slice %arg32[%dma_start3A_1558] : memref<13312xi32, #tpu.memory_space<vmem>> -> memref<128xi32, #tpu.memory_space<vmem>>
    %dma_start3A_1560 = arith.constant 0 : i32
    %dma_start3A_1561 = tpu.memref_slice %arg13[%dma_start3A_1560] : memref<1000000xf32, #tpu.memory_space<hbm>> -> memref<1000000xf32, #tpu.memory_space<hbm>>
    tpu.enqueue_indirect_dma source(%dma_start3A_1561 : memref<1000000xf32, #tpu.memory_space<hbm>>) target(%dma_start3A_1557 : memref<128xf32, #tpu.memory_space<vmem>>) offsets(%dma_start3A_1559 : memref<128xi32, #tpu.memory_space<vmem>>) semaphore(%arg36 : memref<!tpu.dma_semaphore, #tpu.memory_space<semaphore_mem>>)
    %dma_wait3A_1562 = arith.constant 4608 : i32
    %dma_wait3A_1563 = tpu.memref_slice %arg33[%dma_wait3A_1562] : memref<13312xf32, #tpu.memory_space<vmem>> -> memref<128xf32, #tpu.memory_space<vmem>>
    %dma_wait3A_1564 = arith.constant 4608 : i32
    %dma_wait3A_1565 = tpu.memref_slice %arg32[%dma_wait3A_1564] : memref<13312xi32, #tpu.memory_space<vmem>> -> memref<128xi32, #tpu.memory_space<vmem>>
    %dma_wait3A_1566 = arith.constant 0 : i32
    %dma_wait3A_1567 = tpu.memref_slice %arg12[%dma_wait3A_1566] : memref<1000000xf32, #tpu.memory_space<hbm>> -> memref<1000000xf32, #tpu.memory_space<hbm>>
    tpu.wait_indirect_dma semaphore(%arg37 : memref<!tpu.dma_semaphore, #tpu.memory_space<semaphore_mem>>) src(%dma_wait3A_1567 : memref<1000000xf32, #tpu.memory_space<hbm>>) dst(%dma_wait3A_1563 : memref<128xf32, #tpu.memory_space<vmem>>)
    %dma_wait3A_1568 = arith.constant 4736 : i32
    %dma_wait3A_1569 = tpu.memref_slice %arg33[%dma_wait3A_1568] : memref<13312xf32, #tpu.memory_space<vmem>> -> memref<128xf32, #tpu.memory_space<vmem>>
    %dma_wait3A_1570 = arith.constant 4736 : i32
    %dma_wait3A_1571 = tpu.memref_slice %arg32[%dma_wait3A_1570] : memref<13312xi32, #tpu.memory_space<vmem>> -> memref<128xi32, #tpu.memory_space<vmem>>
    %dma_wait3A_1572 = arith.constant 0 : i32
    %dma_wait3A_1573 = tpu.memref_slice %arg12[%dma_wait3A_1572] : memref<1000000xf32, #tpu.memory_space<hbm>> -> memref<1000000xf32, #tpu.memory_space<hbm>>
    tpu.wait_indirect_dma semaphore(%arg37 : memref<!tpu.dma_semaphore, #tpu.memory_space<semaphore_mem>>) src(%dma_wait3A_1573 : memref<1000000xf32, #tpu.memory_space<hbm>>) dst(%dma_wait3A_1569 : memref<128xf32, #tpu.memory_space<vmem>>)
    %dma_wait3A_1574 = arith.constant 4864 : i32
    %dma_wait3A_1575 = tpu.memref_slice %arg33[%dma_wait3A_1574] : memref<13312xf32, #tpu.memory_space<vmem>> -> memref<128xf32, #tpu.memory_space<vmem>>
    %dma_wait3A_1576 = arith.constant 4864 : i32
    %dma_wait3A_1577 = tpu.memref_slice %arg32[%dma_wait3A_1576] : memref<13312xi32, #tpu.memory_space<vmem>> -> memref<128xi32, #tpu.memory_space<vmem>>
    %dma_wait3A_1578 = arith.constant 0 : i32
    %dma_wait3A_1579 = tpu.memref_slice %arg12[%dma_wait3A_1578] : memref<1000000xf32, #tpu.memory_space<hbm>> -> memref<1000000xf32, #tpu.memory_space<hbm>>
    tpu.wait_indirect_dma semaphore(%arg37 : memref<!tpu.dma_semaphore, #tpu.memory_space<semaphore_mem>>) src(%dma_wait3A_1579 : memref<1000000xf32, #tpu.memory_space<hbm>>) dst(%dma_wait3A_1575 : memref<128xf32, #tpu.memory_space<vmem>>)
    %dma_wait3A_1580 = arith.constant 4992 : i32
    %dma_wait3A_1581 = tpu.memref_slice %arg33[%dma_wait3A_1580] : memref<13312xf32, #tpu.memory_space<vmem>> -> memref<128xf32, #tpu.memory_space<vmem>>
    %dma_wait3A_1582 = arith.constant 4992 : i32
    %dma_wait3A_1583 = tpu.memref_slice %arg32[%dma_wait3A_1582] : memref<13312xi32, #tpu.memory_space<vmem>> -> memref<128xi32, #tpu.memory_space<vmem>>
    %dma_wait3A_1584 = arith.constant 0 : i32
    %dma_wait3A_1585 = tpu.memref_slice %arg12[%dma_wait3A_1584] : memref<1000000xf32, #tpu.memory_space<hbm>> -> memref<1000000xf32, #tpu.memory_space<hbm>>
    tpu.wait_indirect_dma semaphore(%arg37 : memref<!tpu.dma_semaphore, #tpu.memory_space<semaphore_mem>>) src(%dma_wait3A_1585 : memref<1000000xf32, #tpu.memory_space<hbm>>) dst(%dma_wait3A_1581 : memref<128xf32, #tpu.memory_space<vmem>>)
    %get3A_1586 = arith.constant 9 : i32
    %get3A_1587 = arith.index_cast %get3A_1586 : i32 to index
    %get3A_1588 = arith.constant 0 : index
    %get3A_1589 = tpu.vector_load %arg31[%get3A_1587, %get3A_1588] {strides = array<i32>} : memref<26x16xf32, #tpu.memory_space<vmem>>, vector<1x16xf32>,
    %get3A_1590 = vector.shape_cast %get3A_1589 : vector<1x16xf32> to vector<16xf32>
    %scan3A_1591 = arith.constant 0 : i32
    %scan3A_1592 = arith.constant 0 : i32
    %scan3A_1593 = arith.constant 32 : i32
    %scan3A_1594 = arith.addi %scan3A_1592, %scan3A_1593 : i32
    %scan3A_1595 = arith.constant 1 : i32
    %scan3A_1596 = scf.for %scan3A_2699 = %scan3A_1592 to %scan3A_1594 step %scan3A_1595 iter_args(%scan3A_2700 = %scan3A_1591) -> (i32)  : i32 {
      %mul3A_2701 = arith.constant 16 : i32
      %mul3A_2702 = arith.muli %scan3A_2699, %mul3A_2701 : i32
      %get3A_2703 = arith.index_cast %mul3A_2702 : i32 to index
      %get3A_2704 = tpu.vector_load %arg34[%get3A_2703] {strides = array<i32>} : memref<512xf32, #tpu.memory_space<vmem>>, vector<16xf32>,
      %get3A_2705 = vector.shape_cast %get3A_2704 : vector<16xf32> to vector<16xf32>
      %mul3A_2706 = arith.constant 16 : i32
      %mul3A_2707 = arith.muli %scan3A_2699, %mul3A_2706 : i32
      %add3A_2708 = arith.constant 4608 : i32
      %add3A_2709 = arith.addi %add3A_2708, %mul3A_2707 : i32
      %get3A_2710 = arith.index_cast %add3A_2709 : i32 to index
      %get3A_2711 = tpu.vector_load %arg33[%get3A_2710] {strides = array<i32>} : memref<13312xf32, #tpu.memory_space<vmem>>, vector<16xf32>,
      %get3A_2712 = vector.shape_cast %get3A_2711 : vector<16xf32> to vector<16xf32>
      %mul3A_2713 = arith.mulf %get3A_2712, %get3A_1590 : vector<16xf32>
      %add3A_2714 = arith.addf %get3A_2705, %mul3A_2713 : vector<16xf32>
      %swap3A_2715 = arith.index_cast %mul3A_2702 : i32 to index
      %swap3A_2716 = tpu.vector_load %arg34[%swap3A_2715] {strides = array<i32>} : memref<512xf32, #tpu.memory_space<vmem>>, vector<16xf32>,
      %swap3A_2717 = vector.shape_cast %swap3A_2716 : vector<16xf32> to vector<16xf32>
      %swap3A_2718 = vector.shape_cast %add3A_2714 : vector<16xf32> to vector<16xf32>
      tpu.vector_store %arg34[%swap3A_2715], %swap3A_2718 {strides = array<i32>} : memref<512xf32, #tpu.memory_space<vmem>>, vector<16xf32>,
      %scan3A_2719 = arith.constant 0 : i32
      scf.yield %scan3A_2719 : i32
    }
    %scan3A_1597 = arith.constant 32 : i32
    %dma_wait3A_1598 = arith.constant 11 : i32
    %dma_wait3A_1599 = arith.constant 5632 : i32
    %dma_wait3A_1600 = tpu.memref_slice %arg32[%dma_wait3A_1599] : memref<13312xi32, #tpu.memory_space<vmem>> -> memref<512xi32, #tpu.memory_space<vmem>>
    %dma_wait3A_1601 = arith.constant 0 : i32
    %dma_wait3A_1602 = tpu.memref_slice %arg2[%dma_wait3A_1598, %add3A, %dma_wait3A_1601] : memref<26x32x512xi32, #tpu.memory_space<hbm>> -> memref<1x1x512xi32, #tpu.memory_space<hbm>>
    %dma_wait3A_1603 = tpu.memref_squeeze %dma_wait3A_1602 : memref<1x1x512xi32, #tpu.memory_space<hbm>> -> memref<512xi32, #tpu.memory_space<hbm>>
    %dma_wait3A_1604 = arith.constant 5632 : i32
    %dma_wait3A_1605 = tpu.memref_slice %arg32[%dma_wait3A_1604] : memref<13312xi32, #tpu.memory_space<vmem>> -> memref<512xi32, #tpu.memory_space<vmem>>
    %dma_wait3A_1606 = arith.constant 0 : i32
    %dma_wait3A_1607 = tpu.memref_slice %arg2[%dma_wait3A_1598, %add3A, %dma_wait3A_1606] : memref<26x32x512xi32, #tpu.memory_space<hbm>> -> memref<1x1x512xi32, #tpu.memory_space<hbm>>
    %dma_wait3A_1608 = tpu.memref_squeeze %dma_wait3A_1607 : memref<1x1x512xi32, #tpu.memory_space<hbm>> -> memref<512xi32, #tpu.memory_space<hbm>>
    tpu.wait_dma2 semaphore(%arg35 : memref<!tpu.dma_semaphore, #tpu.memory_space<semaphore_mem>>) src(%dma_wait3A_1608 : memref<512xi32, #tpu.memory_space<hbm>>) dst(%dma_wait3A_1605 : memref<512xi32, #tpu.memory_space<vmem>>)
    %dma_start3A_1609 = arith.constant 5632 : i32
    %dma_start3A_1610 = tpu.memref_slice %arg33[%dma_start3A_1609] : memref<13312xf32, #tpu.memory_space<vmem>> -> memref<128xf32, #tpu.memory_space<vmem>>
    %dma_start3A_1611 = arith.constant 5632 : i32
    %dma_start3A_1612 = tpu.memref_slice %arg32[%dma_start3A_1611] : memref<13312xi32, #tpu.memory_space<vmem>> -> memref<128xi32, #tpu.memory_space<vmem>>
    %dma_start3A_1613 = arith.constant 0 : i32
    %dma_start3A_1614 = tpu.memref_slice %arg14[%dma_start3A_1613] : memref<1000000xf32, #tpu.memory_space<hbm>> -> memref<1000000xf32, #tpu.memory_space<hbm>>
    tpu.enqueue_indirect_dma source(%dma_start3A_1614 : memref<1000000xf32, #tpu.memory_space<hbm>>) target(%dma_start3A_1610 : memref<128xf32, #tpu.memory_space<vmem>>) offsets(%dma_start3A_1612 : memref<128xi32, #tpu.memory_space<vmem>>) semaphore(%arg37 : memref<!tpu.dma_semaphore, #tpu.memory_space<semaphore_mem>>)
    %dma_start3A_1615 = arith.constant 5760 : i32
    %dma_start3A_1616 = tpu.memref_slice %arg33[%dma_start3A_1615] : memref<13312xf32, #tpu.memory_space<vmem>> -> memref<128xf32, #tpu.memory_space<vmem>>
    %dma_start3A_1617 = arith.constant 5760 : i32
    %dma_start3A_1618 = tpu.memref_slice %arg32[%dma_start3A_1617] : memref<13312xi32, #tpu.memory_space<vmem>> -> memref<128xi32, #tpu.memory_space<vmem>>
    %dma_start3A_1619 = arith.constant 0 : i32
    %dma_start3A_1620 = tpu.memref_slice %arg14[%dma_start3A_1619] : memref<1000000xf32, #tpu.memory_space<hbm>> -> memref<1000000xf32, #tpu.memory_space<hbm>>
    tpu.enqueue_indirect_dma source(%dma_start3A_1620 : memref<1000000xf32, #tpu.memory_space<hbm>>) target(%dma_start3A_1616 : memref<128xf32, #tpu.memory_space<vmem>>) offsets(%dma_start3A_1618 : memref<128xi32, #tpu.memory_space<vmem>>) semaphore(%arg37 : memref<!tpu.dma_semaphore, #tpu.memory_space<semaphore_mem>>)
    %dma_start3A_1621 = arith.constant 5888 : i32
    %dma_start3A_1622 = tpu.memref_slice %arg33[%dma_start3A_1621] : memref<13312xf32, #tpu.memory_space<vmem>> -> memref<128xf32, #tpu.memory_space<vmem>>
    %dma_start3A_1623 = arith.constant 5888 : i32
    %dma_start3A_1624 = tpu.memref_slice %arg32[%dma_start3A_1623] : memref<13312xi32, #tpu.memory_space<vmem>> -> memref<128xi32, #tpu.memory_space<vmem>>
    %dma_start3A_1625 = arith.constant 0 : i32
    %dma_start3A_1626 = tpu.memref_slice %arg14[%dma_start3A_1625] : memref<1000000xf32, #tpu.memory_space<hbm>> -> memref<1000000xf32, #tpu.memory_space<hbm>>
    tpu.enqueue_indirect_dma source(%dma_start3A_1626 : memref<1000000xf32, #tpu.memory_space<hbm>>) target(%dma_start3A_1622 : memref<128xf32, #tpu.memory_space<vmem>>) offsets(%dma_start3A_1624 : memref<128xi32, #tpu.memory_space<vmem>>) semaphore(%arg37 : memref<!tpu.dma_semaphore, #tpu.memory_space<semaphore_mem>>)
    %dma_start3A_1627 = arith.constant 6016 : i32
    %dma_start3A_1628 = tpu.memref_slice %arg33[%dma_start3A_1627] : memref<13312xf32, #tpu.memory_space<vmem>> -> memref<128xf32, #tpu.memory_space<vmem>>
    %dma_start3A_1629 = arith.constant 6016 : i32
    %dma_start3A_1630 = tpu.memref_slice %arg32[%dma_start3A_1629] : memref<13312xi32, #tpu.memory_space<vmem>> -> memref<128xi32, #tpu.memory_space<vmem>>
    %dma_start3A_1631 = arith.constant 0 : i32
    %dma_start3A_1632 = tpu.memref_slice %arg14[%dma_start3A_1631] : memref<1000000xf32, #tpu.memory_space<hbm>> -> memref<1000000xf32, #tpu.memory_space<hbm>>
    tpu.enqueue_indirect_dma source(%dma_start3A_1632 : memref<1000000xf32, #tpu.memory_space<hbm>>) target(%dma_start3A_1628 : memref<128xf32, #tpu.memory_space<vmem>>) offsets(%dma_start3A_1630 : memref<128xi32, #tpu.memory_space<vmem>>) semaphore(%arg37 : memref<!tpu.dma_semaphore, #tpu.memory_space<semaphore_mem>>)
    %dma_wait3A_1633 = arith.constant 5120 : i32
    %dma_wait3A_1634 = tpu.memref_slice %arg33[%dma_wait3A_1633] : memref<13312xf32, #tpu.memory_space<vmem>> -> memref<128xf32, #tpu.memory_space<vmem>>
    %dma_wait3A_1635 = arith.constant 5120 : i32
    %dma_wait3A_1636 = tpu.memref_slice %arg32[%dma_wait3A_1635] : memref<13312xi32, #tpu.memory_space<vmem>> -> memref<128xi32, #tpu.memory_space<vmem>>
    %dma_wait3A_1637 = arith.constant 0 : i32
    %dma_wait3A_1638 = tpu.memref_slice %arg13[%dma_wait3A_1637] : memref<1000000xf32, #tpu.memory_space<hbm>> -> memref<1000000xf32, #tpu.memory_space<hbm>>
    tpu.wait_indirect_dma semaphore(%arg36 : memref<!tpu.dma_semaphore, #tpu.memory_space<semaphore_mem>>) src(%dma_wait3A_1638 : memref<1000000xf32, #tpu.memory_space<hbm>>) dst(%dma_wait3A_1634 : memref<128xf32, #tpu.memory_space<vmem>>)
    %dma_wait3A_1639 = arith.constant 5248 : i32
    %dma_wait3A_1640 = tpu.memref_slice %arg33[%dma_wait3A_1639] : memref<13312xf32, #tpu.memory_space<vmem>> -> memref<128xf32, #tpu.memory_space<vmem>>
    %dma_wait3A_1641 = arith.constant 5248 : i32
    %dma_wait3A_1642 = tpu.memref_slice %arg32[%dma_wait3A_1641] : memref<13312xi32, #tpu.memory_space<vmem>> -> memref<128xi32, #tpu.memory_space<vmem>>
    %dma_wait3A_1643 = arith.constant 0 : i32
    %dma_wait3A_1644 = tpu.memref_slice %arg13[%dma_wait3A_1643] : memref<1000000xf32, #tpu.memory_space<hbm>> -> memref<1000000xf32, #tpu.memory_space<hbm>>
    tpu.wait_indirect_dma semaphore(%arg36 : memref<!tpu.dma_semaphore, #tpu.memory_space<semaphore_mem>>) src(%dma_wait3A_1644 : memref<1000000xf32, #tpu.memory_space<hbm>>) dst(%dma_wait3A_1640 : memref<128xf32, #tpu.memory_space<vmem>>)
    %dma_wait3A_1645 = arith.constant 5376 : i32
    %dma_wait3A_1646 = tpu.memref_slice %arg33[%dma_wait3A_1645] : memref<13312xf32, #tpu.memory_space<vmem>> -> memref<128xf32, #tpu.memory_space<vmem>>
    %dma_wait3A_1647 = arith.constant 5376 : i32
    %dma_wait3A_1648 = tpu.memref_slice %arg32[%dma_wait3A_1647] : memref<13312xi32, #tpu.memory_space<vmem>> -> memref<128xi32, #tpu.memory_space<vmem>>
    %dma_wait3A_1649 = arith.constant 0 : i32
    %dma_wait3A_1650 = tpu.memref_slice %arg13[%dma_wait3A_1649] : memref<1000000xf32, #tpu.memory_space<hbm>> -> memref<1000000xf32, #tpu.memory_space<hbm>>
    tpu.wait_indirect_dma semaphore(%arg36 : memref<!tpu.dma_semaphore, #tpu.memory_space<semaphore_mem>>) src(%dma_wait3A_1650 : memref<1000000xf32, #tpu.memory_space<hbm>>) dst(%dma_wait3A_1646 : memref<128xf32, #tpu.memory_space<vmem>>)
    %dma_wait3A_1651 = arith.constant 5504 : i32
    %dma_wait3A_1652 = tpu.memref_slice %arg33[%dma_wait3A_1651] : memref<13312xf32, #tpu.memory_space<vmem>> -> memref<128xf32, #tpu.memory_space<vmem>>
    %dma_wait3A_1653 = arith.constant 5504 : i32
    %dma_wait3A_1654 = tpu.memref_slice %arg32[%dma_wait3A_1653] : memref<13312xi32, #tpu.memory_space<vmem>> -> memref<128xi32, #tpu.memory_space<vmem>>
    %dma_wait3A_1655 = arith.constant 0 : i32
    %dma_wait3A_1656 = tpu.memref_slice %arg13[%dma_wait3A_1655] : memref<1000000xf32, #tpu.memory_space<hbm>> -> memref<1000000xf32, #tpu.memory_space<hbm>>
    tpu.wait_indirect_dma semaphore(%arg36 : memref<!tpu.dma_semaphore, #tpu.memory_space<semaphore_mem>>) src(%dma_wait3A_1656 : memref<1000000xf32, #tpu.memory_space<hbm>>) dst(%dma_wait3A_1652 : memref<128xf32, #tpu.memory_space<vmem>>)
    %get3A_1657 = arith.constant 10 : i32
    %get3A_1658 = arith.index_cast %get3A_1657 : i32 to index
    %get3A_1659 = arith.constant 0 : index
    %get3A_1660 = tpu.vector_load %arg31[%get3A_1658, %get3A_1659] {strides = array<i32>} : memref<26x16xf32, #tpu.memory_space<vmem>>, vector<1x16xf32>,
    %get3A_1661 = vector.shape_cast %get3A_1660 : vector<1x16xf32> to vector<16xf32>
    %scan3A_1662 = arith.constant 0 : i32
    %scan3A_1663 = arith.constant 0 : i32
    %scan3A_1664 = arith.constant 32 : i32
    %scan3A_1665 = arith.addi %scan3A_1663, %scan3A_1664 : i32
    %scan3A_1666 = arith.constant 1 : i32
    %scan3A_1667 = scf.for %scan3A_2699 = %scan3A_1663 to %scan3A_1665 step %scan3A_1666 iter_args(%scan3A_2700 = %scan3A_1662) -> (i32)  : i32 {
      %mul3A_2701 = arith.constant 16 : i32
      %mul3A_2702 = arith.muli %scan3A_2699, %mul3A_2701 : i32
      %get3A_2703 = arith.index_cast %mul3A_2702 : i32 to index
      %get3A_2704 = tpu.vector_load %arg34[%get3A_2703] {strides = array<i32>} : memref<512xf32, #tpu.memory_space<vmem>>, vector<16xf32>,
      %get3A_2705 = vector.shape_cast %get3A_2704 : vector<16xf32> to vector<16xf32>
      %mul3A_2706 = arith.constant 16 : i32
      %mul3A_2707 = arith.muli %scan3A_2699, %mul3A_2706 : i32
      %add3A_2708 = arith.constant 5120 : i32
      %add3A_2709 = arith.addi %add3A_2708, %mul3A_2707 : i32
      %get3A_2710 = arith.index_cast %add3A_2709 : i32 to index
      %get3A_2711 = tpu.vector_load %arg33[%get3A_2710] {strides = array<i32>} : memref<13312xf32, #tpu.memory_space<vmem>>, vector<16xf32>,
      %get3A_2712 = vector.shape_cast %get3A_2711 : vector<16xf32> to vector<16xf32>
      %mul3A_2713 = arith.mulf %get3A_2712, %get3A_1661 : vector<16xf32>
      %add3A_2714 = arith.addf %get3A_2705, %mul3A_2713 : vector<16xf32>
      %swap3A_2715 = arith.index_cast %mul3A_2702 : i32 to index
      %swap3A_2716 = tpu.vector_load %arg34[%swap3A_2715] {strides = array<i32>} : memref<512xf32, #tpu.memory_space<vmem>>, vector<16xf32>,
      %swap3A_2717 = vector.shape_cast %swap3A_2716 : vector<16xf32> to vector<16xf32>
      %swap3A_2718 = vector.shape_cast %add3A_2714 : vector<16xf32> to vector<16xf32>
      tpu.vector_store %arg34[%swap3A_2715], %swap3A_2718 {strides = array<i32>} : memref<512xf32, #tpu.memory_space<vmem>>, vector<16xf32>,
      %scan3A_2719 = arith.constant 0 : i32
      scf.yield %scan3A_2719 : i32
    }
    %scan3A_1668 = arith.constant 32 : i32
    %dma_wait3A_1669 = arith.constant 12 : i32
    %dma_wait3A_1670 = arith.constant 6144 : i32
    %dma_wait3A_1671 = tpu.memref_slice %arg32[%dma_wait3A_1670] : memref<13312xi32, #tpu.memory_space<vmem>> -> memref<512xi32, #tpu.memory_space<vmem>>
    %dma_wait3A_1672 = arith.constant 0 : i32
    %dma_wait3A_1673 = tpu.memref_slice %arg2[%dma_wait3A_1669, %add3A, %dma_wait3A_1672] : memref<26x32x512xi32, #tpu.memory_space<hbm>> -> memref<1x1x512xi32, #tpu.memory_space<hbm>>
    %dma_wait3A_1674 = tpu.memref_squeeze %dma_wait3A_1673 : memref<1x1x512xi32, #tpu.memory_space<hbm>> -> memref<512xi32, #tpu.memory_space<hbm>>
    %dma_wait3A_1675 = arith.constant 6144 : i32
    %dma_wait3A_1676 = tpu.memref_slice %arg32[%dma_wait3A_1675] : memref<13312xi32, #tpu.memory_space<vmem>> -> memref<512xi32, #tpu.memory_space<vmem>>
    %dma_wait3A_1677 = arith.constant 0 : i32
    %dma_wait3A_1678 = tpu.memref_slice %arg2[%dma_wait3A_1669, %add3A, %dma_wait3A_1677] : memref<26x32x512xi32, #tpu.memory_space<hbm>> -> memref<1x1x512xi32, #tpu.memory_space<hbm>>
    %dma_wait3A_1679 = tpu.memref_squeeze %dma_wait3A_1678 : memref<1x1x512xi32, #tpu.memory_space<hbm>> -> memref<512xi32, #tpu.memory_space<hbm>>
    tpu.wait_dma2 semaphore(%arg35 : memref<!tpu.dma_semaphore, #tpu.memory_space<semaphore_mem>>) src(%dma_wait3A_1679 : memref<512xi32, #tpu.memory_space<hbm>>) dst(%dma_wait3A_1676 : memref<512xi32, #tpu.memory_space<vmem>>)
    %dma_start3A_1680 = arith.constant 6144 : i32
    %dma_start3A_1681 = tpu.memref_slice %arg33[%dma_start3A_1680] : memref<13312xf32, #tpu.memory_space<vmem>> -> memref<128xf32, #tpu.memory_space<vmem>>
    %dma_start3A_1682 = arith.constant 6144 : i32
    %dma_start3A_1683 = tpu.memref_slice %arg32[%dma_start3A_1682] : memref<13312xi32, #tpu.memory_space<vmem>> -> memref<128xi32, #tpu.memory_space<vmem>>
    %dma_start3A_1684 = arith.constant 0 : i32
    %dma_start3A_1685 = tpu.memref_slice %arg15[%dma_start3A_1684] : memref<1000000xf32, #tpu.memory_space<hbm>> -> memref<1000000xf32, #tpu.memory_space<hbm>>
    tpu.enqueue_indirect_dma source(%dma_start3A_1685 : memref<1000000xf32, #tpu.memory_space<hbm>>) target(%dma_start3A_1681 : memref<128xf32, #tpu.memory_space<vmem>>) offsets(%dma_start3A_1683 : memref<128xi32, #tpu.memory_space<vmem>>) semaphore(%arg36 : memref<!tpu.dma_semaphore, #tpu.memory_space<semaphore_mem>>)
    %dma_start3A_1686 = arith.constant 6272 : i32
    %dma_start3A_1687 = tpu.memref_slice %arg33[%dma_start3A_1686] : memref<13312xf32, #tpu.memory_space<vmem>> -> memref<128xf32, #tpu.memory_space<vmem>>
    %dma_start3A_1688 = arith.constant 6272 : i32
    %dma_start3A_1689 = tpu.memref_slice %arg32[%dma_start3A_1688] : memref<13312xi32, #tpu.memory_space<vmem>> -> memref<128xi32, #tpu.memory_space<vmem>>
    %dma_start3A_1690 = arith.constant 0 : i32
    %dma_start3A_1691 = tpu.memref_slice %arg15[%dma_start3A_1690] : memref<1000000xf32, #tpu.memory_space<hbm>> -> memref<1000000xf32, #tpu.memory_space<hbm>>
    tpu.enqueue_indirect_dma source(%dma_start3A_1691 : memref<1000000xf32, #tpu.memory_space<hbm>>) target(%dma_start3A_1687 : memref<128xf32, #tpu.memory_space<vmem>>) offsets(%dma_start3A_1689 : memref<128xi32, #tpu.memory_space<vmem>>) semaphore(%arg36 : memref<!tpu.dma_semaphore, #tpu.memory_space<semaphore_mem>>)
    %dma_start3A_1692 = arith.constant 6400 : i32
    %dma_start3A_1693 = tpu.memref_slice %arg33[%dma_start3A_1692] : memref<13312xf32, #tpu.memory_space<vmem>> -> memref<128xf32, #tpu.memory_space<vmem>>
    %dma_start3A_1694 = arith.constant 6400 : i32
    %dma_start3A_1695 = tpu.memref_slice %arg32[%dma_start3A_1694] : memref<13312xi32, #tpu.memory_space<vmem>> -> memref<128xi32, #tpu.memory_space<vmem>>
    %dma_start3A_1696 = arith.constant 0 : i32
    %dma_start3A_1697 = tpu.memref_slice %arg15[%dma_start3A_1696] : memref<1000000xf32, #tpu.memory_space<hbm>> -> memref<1000000xf32, #tpu.memory_space<hbm>>
    tpu.enqueue_indirect_dma source(%dma_start3A_1697 : memref<1000000xf32, #tpu.memory_space<hbm>>) target(%dma_start3A_1693 : memref<128xf32, #tpu.memory_space<vmem>>) offsets(%dma_start3A_1695 : memref<128xi32, #tpu.memory_space<vmem>>) semaphore(%arg36 : memref<!tpu.dma_semaphore, #tpu.memory_space<semaphore_mem>>)
    %dma_start3A_1698 = arith.constant 6528 : i32
    %dma_start3A_1699 = tpu.memref_slice %arg33[%dma_start3A_1698] : memref<13312xf32, #tpu.memory_space<vmem>> -> memref<128xf32, #tpu.memory_space<vmem>>
    %dma_start3A_1700 = arith.constant 6528 : i32
    %dma_start3A_1701 = tpu.memref_slice %arg32[%dma_start3A_1700] : memref<13312xi32, #tpu.memory_space<vmem>> -> memref<128xi32, #tpu.memory_space<vmem>>
    %dma_start3A_1702 = arith.constant 0 : i32
    %dma_start3A_1703 = tpu.memref_slice %arg15[%dma_start3A_1702] : memref<1000000xf32, #tpu.memory_space<hbm>> -> memref<1000000xf32, #tpu.memory_space<hbm>>
    tpu.enqueue_indirect_dma source(%dma_start3A_1703 : memref<1000000xf32, #tpu.memory_space<hbm>>) target(%dma_start3A_1699 : memref<128xf32, #tpu.memory_space<vmem>>) offsets(%dma_start3A_1701 : memref<128xi32, #tpu.memory_space<vmem>>) semaphore(%arg36 : memref<!tpu.dma_semaphore, #tpu.memory_space<semaphore_mem>>)
    %dma_wait3A_1704 = arith.constant 5632 : i32
    %dma_wait3A_1705 = tpu.memref_slice %arg33[%dma_wait3A_1704] : memref<13312xf32, #tpu.memory_space<vmem>> -> memref<128xf32, #tpu.memory_space<vmem>>
    %dma_wait3A_1706 = arith.constant 5632 : i32
    %dma_wait3A_1707 = tpu.memref_slice %arg32[%dma_wait3A_1706] : memref<13312xi32, #tpu.memory_space<vmem>> -> memref<128xi32, #tpu.memory_space<vmem>>
    %dma_wait3A_1708 = arith.constant 0 : i32
    %dma_wait3A_1709 = tpu.memref_slice %arg14[%dma_wait3A_1708] : memref<1000000xf32, #tpu.memory_space<hbm>> -> memref<1000000xf32, #tpu.memory_space<hbm>>
    tpu.wait_indirect_dma semaphore(%arg37 : memref<!tpu.dma_semaphore, #tpu.memory_space<semaphore_mem>>) src(%dma_wait3A_1709 : memref<1000000xf32, #tpu.memory_space<hbm>>) dst(%dma_wait3A_1705 : memref<128xf32, #tpu.memory_space<vmem>>)
    %dma_wait3A_1710 = arith.constant 5760 : i32
    %dma_wait3A_1711 = tpu.memref_slice %arg33[%dma_wait3A_1710] : memref<13312xf32, #tpu.memory_space<vmem>> -> memref<128xf32, #tpu.memory_space<vmem>>
    %dma_wait3A_1712 = arith.constant 5760 : i32
    %dma_wait3A_1713 = tpu.memref_slice %arg32[%dma_wait3A_1712] : memref<13312xi32, #tpu.memory_space<vmem>> -> memref<128xi32, #tpu.memory_space<vmem>>
    %dma_wait3A_1714 = arith.constant 0 : i32
    %dma_wait3A_1715 = tpu.memref_slice %arg14[%dma_wait3A_1714] : memref<1000000xf32, #tpu.memory_space<hbm>> -> memref<1000000xf32, #tpu.memory_space<hbm>>
    tpu.wait_indirect_dma semaphore(%arg37 : memref<!tpu.dma_semaphore, #tpu.memory_space<semaphore_mem>>) src(%dma_wait3A_1715 : memref<1000000xf32, #tpu.memory_space<hbm>>) dst(%dma_wait3A_1711 : memref<128xf32, #tpu.memory_space<vmem>>)
    %dma_wait3A_1716 = arith.constant 5888 : i32
    %dma_wait3A_1717 = tpu.memref_slice %arg33[%dma_wait3A_1716] : memref<13312xf32, #tpu.memory_space<vmem>> -> memref<128xf32, #tpu.memory_space<vmem>>
    %dma_wait3A_1718 = arith.constant 5888 : i32
    %dma_wait3A_1719 = tpu.memref_slice %arg32[%dma_wait3A_1718] : memref<13312xi32, #tpu.memory_space<vmem>> -> memref<128xi32, #tpu.memory_space<vmem>>
    %dma_wait3A_1720 = arith.constant 0 : i32
    %dma_wait3A_1721 = tpu.memref_slice %arg14[%dma_wait3A_1720] : memref<1000000xf32, #tpu.memory_space<hbm>> -> memref<1000000xf32, #tpu.memory_space<hbm>>
    tpu.wait_indirect_dma semaphore(%arg37 : memref<!tpu.dma_semaphore, #tpu.memory_space<semaphore_mem>>) src(%dma_wait3A_1721 : memref<1000000xf32, #tpu.memory_space<hbm>>) dst(%dma_wait3A_1717 : memref<128xf32, #tpu.memory_space<vmem>>)
    %dma_wait3A_1722 = arith.constant 6016 : i32
    %dma_wait3A_1723 = tpu.memref_slice %arg33[%dma_wait3A_1722] : memref<13312xf32, #tpu.memory_space<vmem>> -> memref<128xf32, #tpu.memory_space<vmem>>
    %dma_wait3A_1724 = arith.constant 6016 : i32
    %dma_wait3A_1725 = tpu.memref_slice %arg32[%dma_wait3A_1724] : memref<13312xi32, #tpu.memory_space<vmem>> -> memref<128xi32, #tpu.memory_space<vmem>>
    %dma_wait3A_1726 = arith.constant 0 : i32
    %dma_wait3A_1727 = tpu.memref_slice %arg14[%dma_wait3A_1726] : memref<1000000xf32, #tpu.memory_space<hbm>> -> memref<1000000xf32, #tpu.memory_space<hbm>>
    tpu.wait_indirect_dma semaphore(%arg37 : memref<!tpu.dma_semaphore, #tpu.memory_space<semaphore_mem>>) src(%dma_wait3A_1727 : memref<1000000xf32, #tpu.memory_space<hbm>>) dst(%dma_wait3A_1723 : memref<128xf32, #tpu.memory_space<vmem>>)
    %get3A_1728 = arith.constant 11 : i32
    %get3A_1729 = arith.index_cast %get3A_1728 : i32 to index
    %get3A_1730 = arith.constant 0 : index
    %get3A_1731 = tpu.vector_load %arg31[%get3A_1729, %get3A_1730] {strides = array<i32>} : memref<26x16xf32, #tpu.memory_space<vmem>>, vector<1x16xf32>,
    %get3A_1732 = vector.shape_cast %get3A_1731 : vector<1x16xf32> to vector<16xf32>
    %scan3A_1733 = arith.constant 0 : i32
    %scan3A_1734 = arith.constant 0 : i32
    %scan3A_1735 = arith.constant 32 : i32
    %scan3A_1736 = arith.addi %scan3A_1734, %scan3A_1735 : i32
    %scan3A_1737 = arith.constant 1 : i32
    %scan3A_1738 = scf.for %scan3A_2699 = %scan3A_1734 to %scan3A_1736 step %scan3A_1737 iter_args(%scan3A_2700 = %scan3A_1733) -> (i32)  : i32 {
      %mul3A_2701 = arith.constant 16 : i32
      %mul3A_2702 = arith.muli %scan3A_2699, %mul3A_2701 : i32
      %get3A_2703 = arith.index_cast %mul3A_2702 : i32 to index
      %get3A_2704 = tpu.vector_load %arg34[%get3A_2703] {strides = array<i32>} : memref<512xf32, #tpu.memory_space<vmem>>, vector<16xf32>,
      %get3A_2705 = vector.shape_cast %get3A_2704 : vector<16xf32> to vector<16xf32>
      %mul3A_2706 = arith.constant 16 : i32
      %mul3A_2707 = arith.muli %scan3A_2699, %mul3A_2706 : i32
      %add3A_2708 = arith.constant 5632 : i32
      %add3A_2709 = arith.addi %add3A_2708, %mul3A_2707 : i32
      %get3A_2710 = arith.index_cast %add3A_2709 : i32 to index
      %get3A_2711 = tpu.vector_load %arg33[%get3A_2710] {strides = array<i32>} : memref<13312xf32, #tpu.memory_space<vmem>>, vector<16xf32>,
      %get3A_2712 = vector.shape_cast %get3A_2711 : vector<16xf32> to vector<16xf32>
      %mul3A_2713 = arith.mulf %get3A_2712, %get3A_1732 : vector<16xf32>
      %add3A_2714 = arith.addf %get3A_2705, %mul3A_2713 : vector<16xf32>
      %swap3A_2715 = arith.index_cast %mul3A_2702 : i32 to index
      %swap3A_2716 = tpu.vector_load %arg34[%swap3A_2715] {strides = array<i32>} : memref<512xf32, #tpu.memory_space<vmem>>, vector<16xf32>,
      %swap3A_2717 = vector.shape_cast %swap3A_2716 : vector<16xf32> to vector<16xf32>
      %swap3A_2718 = vector.shape_cast %add3A_2714 : vector<16xf32> to vector<16xf32>
      tpu.vector_store %arg34[%swap3A_2715], %swap3A_2718 {strides = array<i32>} : memref<512xf32, #tpu.memory_space<vmem>>, vector<16xf32>,
      %scan3A_2719 = arith.constant 0 : i32
      scf.yield %scan3A_2719 : i32
    }
    %scan3A_1739 = arith.constant 32 : i32
    %dma_wait3A_1740 = arith.constant 13 : i32
    %dma_wait3A_1741 = arith.constant 6656 : i32
    %dma_wait3A_1742 = tpu.memref_slice %arg32[%dma_wait3A_1741] : memref<13312xi32, #tpu.memory_space<vmem>> -> memref<512xi32, #tpu.memory_space<vmem>>
    %dma_wait3A_1743 = arith.constant 0 : i32
    %dma_wait3A_1744 = tpu.memref_slice %arg2[%dma_wait3A_1740, %add3A, %dma_wait3A_1743] : memref<26x32x512xi32, #tpu.memory_space<hbm>> -> memref<1x1x512xi32, #tpu.memory_space<hbm>>
    %dma_wait3A_1745 = tpu.memref_squeeze %dma_wait3A_1744 : memref<1x1x512xi32, #tpu.memory_space<hbm>> -> memref<512xi32, #tpu.memory_space<hbm>>
    %dma_wait3A_1746 = arith.constant 6656 : i32
    %dma_wait3A_1747 = tpu.memref_slice %arg32[%dma_wait3A_1746] : memref<13312xi32, #tpu.memory_space<vmem>> -> memref<512xi32, #tpu.memory_space<vmem>>
    %dma_wait3A_1748 = arith.constant 0 : i32
    %dma_wait3A_1749 = tpu.memref_slice %arg2[%dma_wait3A_1740, %add3A, %dma_wait3A_1748] : memref<26x32x512xi32, #tpu.memory_space<hbm>> -> memref<1x1x512xi32, #tpu.memory_space<hbm>>
    %dma_wait3A_1750 = tpu.memref_squeeze %dma_wait3A_1749 : memref<1x1x512xi32, #tpu.memory_space<hbm>> -> memref<512xi32, #tpu.memory_space<hbm>>
    tpu.wait_dma2 semaphore(%arg35 : memref<!tpu.dma_semaphore, #tpu.memory_space<semaphore_mem>>) src(%dma_wait3A_1750 : memref<512xi32, #tpu.memory_space<hbm>>) dst(%dma_wait3A_1747 : memref<512xi32, #tpu.memory_space<vmem>>)
    %dma_start3A_1751 = arith.constant 6656 : i32
    %dma_start3A_1752 = tpu.memref_slice %arg33[%dma_start3A_1751] : memref<13312xf32, #tpu.memory_space<vmem>> -> memref<128xf32, #tpu.memory_space<vmem>>
    %dma_start3A_1753 = arith.constant 6656 : i32
    %dma_start3A_1754 = tpu.memref_slice %arg32[%dma_start3A_1753] : memref<13312xi32, #tpu.memory_space<vmem>> -> memref<128xi32, #tpu.memory_space<vmem>>
    %dma_start3A_1755 = arith.constant 0 : i32
    %dma_start3A_1756 = tpu.memref_slice %arg16[%dma_start3A_1755] : memref<1000000xf32, #tpu.memory_space<hbm>> -> memref<1000000xf32, #tpu.memory_space<hbm>>
    tpu.enqueue_indirect_dma source(%dma_start3A_1756 : memref<1000000xf32, #tpu.memory_space<hbm>>) target(%dma_start3A_1752 : memref<128xf32, #tpu.memory_space<vmem>>) offsets(%dma_start3A_1754 : memref<128xi32, #tpu.memory_space<vmem>>) semaphore(%arg37 : memref<!tpu.dma_semaphore, #tpu.memory_space<semaphore_mem>>)
    %dma_start3A_1757 = arith.constant 6784 : i32
    %dma_start3A_1758 = tpu.memref_slice %arg33[%dma_start3A_1757] : memref<13312xf32, #tpu.memory_space<vmem>> -> memref<128xf32, #tpu.memory_space<vmem>>
    %dma_start3A_1759 = arith.constant 6784 : i32
    %dma_start3A_1760 = tpu.memref_slice %arg32[%dma_start3A_1759] : memref<13312xi32, #tpu.memory_space<vmem>> -> memref<128xi32, #tpu.memory_space<vmem>>
    %dma_start3A_1761 = arith.constant 0 : i32
    %dma_start3A_1762 = tpu.memref_slice %arg16[%dma_start3A_1761] : memref<1000000xf32, #tpu.memory_space<hbm>> -> memref<1000000xf32, #tpu.memory_space<hbm>>
    tpu.enqueue_indirect_dma source(%dma_start3A_1762 : memref<1000000xf32, #tpu.memory_space<hbm>>) target(%dma_start3A_1758 : memref<128xf32, #tpu.memory_space<vmem>>) offsets(%dma_start3A_1760 : memref<128xi32, #tpu.memory_space<vmem>>) semaphore(%arg37 : memref<!tpu.dma_semaphore, #tpu.memory_space<semaphore_mem>>)
    %dma_start3A_1763 = arith.constant 6912 : i32
    %dma_start3A_1764 = tpu.memref_slice %arg33[%dma_start3A_1763] : memref<13312xf32, #tpu.memory_space<vmem>> -> memref<128xf32, #tpu.memory_space<vmem>>
    %dma_start3A_1765 = arith.constant 6912 : i32
    %dma_start3A_1766 = tpu.memref_slice %arg32[%dma_start3A_1765] : memref<13312xi32, #tpu.memory_space<vmem>> -> memref<128xi32, #tpu.memory_space<vmem>>
    %dma_start3A_1767 = arith.constant 0 : i32
    %dma_start3A_1768 = tpu.memref_slice %arg16[%dma_start3A_1767] : memref<1000000xf32, #tpu.memory_space<hbm>> -> memref<1000000xf32, #tpu.memory_space<hbm>>
    tpu.enqueue_indirect_dma source(%dma_start3A_1768 : memref<1000000xf32, #tpu.memory_space<hbm>>) target(%dma_start3A_1764 : memref<128xf32, #tpu.memory_space<vmem>>) offsets(%dma_start3A_1766 : memref<128xi32, #tpu.memory_space<vmem>>) semaphore(%arg37 : memref<!tpu.dma_semaphore, #tpu.memory_space<semaphore_mem>>)
    %dma_start3A_1769 = arith.constant 7040 : i32
    %dma_start3A_1770 = tpu.memref_slice %arg33[%dma_start3A_1769] : memref<13312xf32, #tpu.memory_space<vmem>> -> memref<128xf32, #tpu.memory_space<vmem>>
    %dma_start3A_1771 = arith.constant 7040 : i32
    %dma_start3A_1772 = tpu.memref_slice %arg32[%dma_start3A_1771] : memref<13312xi32, #tpu.memory_space<vmem>> -> memref<128xi32, #tpu.memory_space<vmem>>
    %dma_start3A_1773 = arith.constant 0 : i32
    %dma_start3A_1774 = tpu.memref_slice %arg16[%dma_start3A_1773] : memref<1000000xf32, #tpu.memory_space<hbm>> -> memref<1000000xf32, #tpu.memory_space<hbm>>
    tpu.enqueue_indirect_dma source(%dma_start3A_1774 : memref<1000000xf32, #tpu.memory_space<hbm>>) target(%dma_start3A_1770 : memref<128xf32, #tpu.memory_space<vmem>>) offsets(%dma_start3A_1772 : memref<128xi32, #tpu.memory_space<vmem>>) semaphore(%arg37 : memref<!tpu.dma_semaphore, #tpu.memory_space<semaphore_mem>>)
    %dma_wait3A_1775 = arith.constant 6144 : i32
    %dma_wait3A_1776 = tpu.memref_slice %arg33[%dma_wait3A_1775] : memref<13312xf32, #tpu.memory_space<vmem>> -> memref<128xf32, #tpu.memory_space<vmem>>
    %dma_wait3A_1777 = arith.constant 6144 : i32
    %dma_wait3A_1778 = tpu.memref_slice %arg32[%dma_wait3A_1777] : memref<13312xi32, #tpu.memory_space<vmem>> -> memref<128xi32, #tpu.memory_space<vmem>>
    %dma_wait3A_1779 = arith.constant 0 : i32
    %dma_wait3A_1780 = tpu.memref_slice %arg15[%dma_wait3A_1779] : memref<1000000xf32, #tpu.memory_space<hbm>> -> memref<1000000xf32, #tpu.memory_space<hbm>>
    tpu.wait_indirect_dma semaphore(%arg36 : memref<!tpu.dma_semaphore, #tpu.memory_space<semaphore_mem>>) src(%dma_wait3A_1780 : memref<1000000xf32, #tpu.memory_space<hbm>>) dst(%dma_wait3A_1776 : memref<128xf32, #tpu.memory_space<vmem>>)
    %dma_wait3A_1781 = arith.constant 6272 : i32
    %dma_wait3A_1782 = tpu.memref_slice %arg33[%dma_wait3A_1781] : memref<13312xf32, #tpu.memory_space<vmem>> -> memref<128xf32, #tpu.memory_space<vmem>>
    %dma_wait3A_1783 = arith.constant 6272 : i32
    %dma_wait3A_1784 = tpu.memref_slice %arg32[%dma_wait3A_1783] : memref<13312xi32, #tpu.memory_space<vmem>> -> memref<128xi32, #tpu.memory_space<vmem>>
    %dma_wait3A_1785 = arith.constant 0 : i32
    %dma_wait3A_1786 = tpu.memref_slice %arg15[%dma_wait3A_1785] : memref<1000000xf32, #tpu.memory_space<hbm>> -> memref<1000000xf32, #tpu.memory_space<hbm>>
    tpu.wait_indirect_dma semaphore(%arg36 : memref<!tpu.dma_semaphore, #tpu.memory_space<semaphore_mem>>) src(%dma_wait3A_1786 : memref<1000000xf32, #tpu.memory_space<hbm>>) dst(%dma_wait3A_1782 : memref<128xf32, #tpu.memory_space<vmem>>)
    %dma_wait3A_1787 = arith.constant 6400 : i32
    %dma_wait3A_1788 = tpu.memref_slice %arg33[%dma_wait3A_1787] : memref<13312xf32, #tpu.memory_space<vmem>> -> memref<128xf32, #tpu.memory_space<vmem>>
    %dma_wait3A_1789 = arith.constant 6400 : i32
    %dma_wait3A_1790 = tpu.memref_slice %arg32[%dma_wait3A_1789] : memref<13312xi32, #tpu.memory_space<vmem>> -> memref<128xi32, #tpu.memory_space<vmem>>
    %dma_wait3A_1791 = arith.constant 0 : i32
    %dma_wait3A_1792 = tpu.memref_slice %arg15[%dma_wait3A_1791] : memref<1000000xf32, #tpu.memory_space<hbm>> -> memref<1000000xf32, #tpu.memory_space<hbm>>
    tpu.wait_indirect_dma semaphore(%arg36 : memref<!tpu.dma_semaphore, #tpu.memory_space<semaphore_mem>>) src(%dma_wait3A_1792 : memref<1000000xf32, #tpu.memory_space<hbm>>) dst(%dma_wait3A_1788 : memref<128xf32, #tpu.memory_space<vmem>>)
    %dma_wait3A_1793 = arith.constant 6528 : i32
    %dma_wait3A_1794 = tpu.memref_slice %arg33[%dma_wait3A_1793] : memref<13312xf32, #tpu.memory_space<vmem>> -> memref<128xf32, #tpu.memory_space<vmem>>
    %dma_wait3A_1795 = arith.constant 6528 : i32
    %dma_wait3A_1796 = tpu.memref_slice %arg32[%dma_wait3A_1795] : memref<13312xi32, #tpu.memory_space<vmem>> -> memref<128xi32, #tpu.memory_space<vmem>>
    %dma_wait3A_1797 = arith.constant 0 : i32
    %dma_wait3A_1798 = tpu.memref_slice %arg15[%dma_wait3A_1797] : memref<1000000xf32, #tpu.memory_space<hbm>> -> memref<1000000xf32, #tpu.memory_space<hbm>>
    tpu.wait_indirect_dma semaphore(%arg36 : memref<!tpu.dma_semaphore, #tpu.memory_space<semaphore_mem>>) src(%dma_wait3A_1798 : memref<1000000xf32, #tpu.memory_space<hbm>>) dst(%dma_wait3A_1794 : memref<128xf32, #tpu.memory_space<vmem>>)
    %get3A_1799 = arith.constant 12 : i32
    %get3A_1800 = arith.index_cast %get3A_1799 : i32 to index
    %get3A_1801 = arith.constant 0 : index
    %get3A_1802 = tpu.vector_load %arg31[%get3A_1800, %get3A_1801] {strides = array<i32>} : memref<26x16xf32, #tpu.memory_space<vmem>>, vector<1x16xf32>,
    %get3A_1803 = vector.shape_cast %get3A_1802 : vector<1x16xf32> to vector<16xf32>
    %scan3A_1804 = arith.constant 0 : i32
    %scan3A_1805 = arith.constant 0 : i32
    %scan3A_1806 = arith.constant 32 : i32
    %scan3A_1807 = arith.addi %scan3A_1805, %scan3A_1806 : i32
    %scan3A_1808 = arith.constant 1 : i32
    %scan3A_1809 = scf.for %scan3A_2699 = %scan3A_1805 to %scan3A_1807 step %scan3A_1808 iter_args(%scan3A_2700 = %scan3A_1804) -> (i32)  : i32 {
      %mul3A_2701 = arith.constant 16 : i32
      %mul3A_2702 = arith.muli %scan3A_2699, %mul3A_2701 : i32
      %get3A_2703 = arith.index_cast %mul3A_2702 : i32 to index
      %get3A_2704 = tpu.vector_load %arg34[%get3A_2703] {strides = array<i32>} : memref<512xf32, #tpu.memory_space<vmem>>, vector<16xf32>,
      %get3A_2705 = vector.shape_cast %get3A_2704 : vector<16xf32> to vector<16xf32>
      %mul3A_2706 = arith.constant 16 : i32
      %mul3A_2707 = arith.muli %scan3A_2699, %mul3A_2706 : i32
      %add3A_2708 = arith.constant 6144 : i32
      %add3A_2709 = arith.addi %add3A_2708, %mul3A_2707 : i32
      %get3A_2710 = arith.index_cast %add3A_2709 : i32 to index
      %get3A_2711 = tpu.vector_load %arg33[%get3A_2710] {strides = array<i32>} : memref<13312xf32, #tpu.memory_space<vmem>>, vector<16xf32>,
      %get3A_2712 = vector.shape_cast %get3A_2711 : vector<16xf32> to vector<16xf32>
      %mul3A_2713 = arith.mulf %get3A_2712, %get3A_1803 : vector<16xf32>
      %add3A_2714 = arith.addf %get3A_2705, %mul3A_2713 : vector<16xf32>
      %swap3A_2715 = arith.index_cast %mul3A_2702 : i32 to index
      %swap3A_2716 = tpu.vector_load %arg34[%swap3A_2715] {strides = array<i32>} : memref<512xf32, #tpu.memory_space<vmem>>, vector<16xf32>,
      %swap3A_2717 = vector.shape_cast %swap3A_2716 : vector<16xf32> to vector<16xf32>
      %swap3A_2718 = vector.shape_cast %add3A_2714 : vector<16xf32> to vector<16xf32>
      tpu.vector_store %arg34[%swap3A_2715], %swap3A_2718 {strides = array<i32>} : memref<512xf32, #tpu.memory_space<vmem>>, vector<16xf32>,
      %scan3A_2719 = arith.constant 0 : i32
      scf.yield %scan3A_2719 : i32
    }
    %scan3A_1810 = arith.constant 32 : i32
    %dma_wait3A_1811 = arith.constant 14 : i32
    %dma_wait3A_1812 = arith.constant 7168 : i32
    %dma_wait3A_1813 = tpu.memref_slice %arg32[%dma_wait3A_1812] : memref<13312xi32, #tpu.memory_space<vmem>> -> memref<512xi32, #tpu.memory_space<vmem>>
    %dma_wait3A_1814 = arith.constant 0 : i32
    %dma_wait3A_1815 = tpu.memref_slice %arg2[%dma_wait3A_1811, %add3A, %dma_wait3A_1814] : memref<26x32x512xi32, #tpu.memory_space<hbm>> -> memref<1x1x512xi32, #tpu.memory_space<hbm>>
    %dma_wait3A_1816 = tpu.memref_squeeze %dma_wait3A_1815 : memref<1x1x512xi32, #tpu.memory_space<hbm>> -> memref<512xi32, #tpu.memory_space<hbm>>
    %dma_wait3A_1817 = arith.constant 7168 : i32
    %dma_wait3A_1818 = tpu.memref_slice %arg32[%dma_wait3A_1817] : memref<13312xi32, #tpu.memory_space<vmem>> -> memref<512xi32, #tpu.memory_space<vmem>>
    %dma_wait3A_1819 = arith.constant 0 : i32
    %dma_wait3A_1820 = tpu.memref_slice %arg2[%dma_wait3A_1811, %add3A, %dma_wait3A_1819] : memref<26x32x512xi32, #tpu.memory_space<hbm>> -> memref<1x1x512xi32, #tpu.memory_space<hbm>>
    %dma_wait3A_1821 = tpu.memref_squeeze %dma_wait3A_1820 : memref<1x1x512xi32, #tpu.memory_space<hbm>> -> memref<512xi32, #tpu.memory_space<hbm>>
    tpu.wait_dma2 semaphore(%arg35 : memref<!tpu.dma_semaphore, #tpu.memory_space<semaphore_mem>>) src(%dma_wait3A_1821 : memref<512xi32, #tpu.memory_space<hbm>>) dst(%dma_wait3A_1818 : memref<512xi32, #tpu.memory_space<vmem>>)
    %dma_start3A_1822 = arith.constant 7168 : i32
    %dma_start3A_1823 = tpu.memref_slice %arg33[%dma_start3A_1822] : memref<13312xf32, #tpu.memory_space<vmem>> -> memref<128xf32, #tpu.memory_space<vmem>>
    %dma_start3A_1824 = arith.constant 7168 : i32
    %dma_start3A_1825 = tpu.memref_slice %arg32[%dma_start3A_1824] : memref<13312xi32, #tpu.memory_space<vmem>> -> memref<128xi32, #tpu.memory_space<vmem>>
    %dma_start3A_1826 = arith.constant 0 : i32
    %dma_start3A_1827 = tpu.memref_slice %arg17[%dma_start3A_1826] : memref<1000000xf32, #tpu.memory_space<hbm>> -> memref<1000000xf32, #tpu.memory_space<hbm>>
    tpu.enqueue_indirect_dma source(%dma_start3A_1827 : memref<1000000xf32, #tpu.memory_space<hbm>>) target(%dma_start3A_1823 : memref<128xf32, #tpu.memory_space<vmem>>) offsets(%dma_start3A_1825 : memref<128xi32, #tpu.memory_space<vmem>>) semaphore(%arg36 : memref<!tpu.dma_semaphore, #tpu.memory_space<semaphore_mem>>)
    %dma_start3A_1828 = arith.constant 7296 : i32
    %dma_start3A_1829 = tpu.memref_slice %arg33[%dma_start3A_1828] : memref<13312xf32, #tpu.memory_space<vmem>> -> memref<128xf32, #tpu.memory_space<vmem>>
    %dma_start3A_1830 = arith.constant 7296 : i32
    %dma_start3A_1831 = tpu.memref_slice %arg32[%dma_start3A_1830] : memref<13312xi32, #tpu.memory_space<vmem>> -> memref<128xi32, #tpu.memory_space<vmem>>
    %dma_start3A_1832 = arith.constant 0 : i32
    %dma_start3A_1833 = tpu.memref_slice %arg17[%dma_start3A_1832] : memref<1000000xf32, #tpu.memory_space<hbm>> -> memref<1000000xf32, #tpu.memory_space<hbm>>
    tpu.enqueue_indirect_dma source(%dma_start3A_1833 : memref<1000000xf32, #tpu.memory_space<hbm>>) target(%dma_start3A_1829 : memref<128xf32, #tpu.memory_space<vmem>>) offsets(%dma_start3A_1831 : memref<128xi32, #tpu.memory_space<vmem>>) semaphore(%arg36 : memref<!tpu.dma_semaphore, #tpu.memory_space<semaphore_mem>>)
    %dma_start3A_1834 = arith.constant 7424 : i32
    %dma_start3A_1835 = tpu.memref_slice %arg33[%dma_start3A_1834] : memref<13312xf32, #tpu.memory_space<vmem>> -> memref<128xf32, #tpu.memory_space<vmem>>
    %dma_start3A_1836 = arith.constant 7424 : i32
    %dma_start3A_1837 = tpu.memref_slice %arg32[%dma_start3A_1836] : memref<13312xi32, #tpu.memory_space<vmem>> -> memref<128xi32, #tpu.memory_space<vmem>>
    %dma_start3A_1838 = arith.constant 0 : i32
    %dma_start3A_1839 = tpu.memref_slice %arg17[%dma_start3A_1838] : memref<1000000xf32, #tpu.memory_space<hbm>> -> memref<1000000xf32, #tpu.memory_space<hbm>>
    tpu.enqueue_indirect_dma source(%dma_start3A_1839 : memref<1000000xf32, #tpu.memory_space<hbm>>) target(%dma_start3A_1835 : memref<128xf32, #tpu.memory_space<vmem>>) offsets(%dma_start3A_1837 : memref<128xi32, #tpu.memory_space<vmem>>) semaphore(%arg36 : memref<!tpu.dma_semaphore, #tpu.memory_space<semaphore_mem>>)
    %dma_start3A_1840 = arith.constant 7552 : i32
    %dma_start3A_1841 = tpu.memref_slice %arg33[%dma_start3A_1840] : memref<13312xf32, #tpu.memory_space<vmem>> -> memref<128xf32, #tpu.memory_space<vmem>>
    %dma_start3A_1842 = arith.constant 7552 : i32
    %dma_start3A_1843 = tpu.memref_slice %arg32[%dma_start3A_1842] : memref<13312xi32, #tpu.memory_space<vmem>> -> memref<128xi32, #tpu.memory_space<vmem>>
    %dma_start3A_1844 = arith.constant 0 : i32
    %dma_start3A_1845 = tpu.memref_slice %arg17[%dma_start3A_1844] : memref<1000000xf32, #tpu.memory_space<hbm>> -> memref<1000000xf32, #tpu.memory_space<hbm>>
    tpu.enqueue_indirect_dma source(%dma_start3A_1845 : memref<1000000xf32, #tpu.memory_space<hbm>>) target(%dma_start3A_1841 : memref<128xf32, #tpu.memory_space<vmem>>) offsets(%dma_start3A_1843 : memref<128xi32, #tpu.memory_space<vmem>>) semaphore(%arg36 : memref<!tpu.dma_semaphore, #tpu.memory_space<semaphore_mem>>)
    %dma_wait3A_1846 = arith.constant 6656 : i32
    %dma_wait3A_1847 = tpu.memref_slice %arg33[%dma_wait3A_1846] : memref<13312xf32, #tpu.memory_space<vmem>> -> memref<128xf32, #tpu.memory_space<vmem>>
    %dma_wait3A_1848 = arith.constant 6656 : i32
    %dma_wait3A_1849 = tpu.memref_slice %arg32[%dma_wait3A_1848] : memref<13312xi32, #tpu.memory_space<vmem>> -> memref<128xi32, #tpu.memory_space<vmem>>
    %dma_wait3A_1850 = arith.constant 0 : i32
    %dma_wait3A_1851 = tpu.memref_slice %arg16[%dma_wait3A_1850] : memref<1000000xf32, #tpu.memory_space<hbm>> -> memref<1000000xf32, #tpu.memory_space<hbm>>
    tpu.wait_indirect_dma semaphore(%arg37 : memref<!tpu.dma_semaphore, #tpu.memory_space<semaphore_mem>>) src(%dma_wait3A_1851 : memref<1000000xf32, #tpu.memory_space<hbm>>) dst(%dma_wait3A_1847 : memref<128xf32, #tpu.memory_space<vmem>>)
    %dma_wait3A_1852 = arith.constant 6784 : i32
    %dma_wait3A_1853 = tpu.memref_slice %arg33[%dma_wait3A_1852] : memref<13312xf32, #tpu.memory_space<vmem>> -> memref<128xf32, #tpu.memory_space<vmem>>
    %dma_wait3A_1854 = arith.constant 6784 : i32
    %dma_wait3A_1855 = tpu.memref_slice %arg32[%dma_wait3A_1854] : memref<13312xi32, #tpu.memory_space<vmem>> -> memref<128xi32, #tpu.memory_space<vmem>>
    %dma_wait3A_1856 = arith.constant 0 : i32
    %dma_wait3A_1857 = tpu.memref_slice %arg16[%dma_wait3A_1856] : memref<1000000xf32, #tpu.memory_space<hbm>> -> memref<1000000xf32, #tpu.memory_space<hbm>>
    tpu.wait_indirect_dma semaphore(%arg37 : memref<!tpu.dma_semaphore, #tpu.memory_space<semaphore_mem>>) src(%dma_wait3A_1857 : memref<1000000xf32, #tpu.memory_space<hbm>>) dst(%dma_wait3A_1853 : memref<128xf32, #tpu.memory_space<vmem>>)
    %dma_wait3A_1858 = arith.constant 6912 : i32
    %dma_wait3A_1859 = tpu.memref_slice %arg33[%dma_wait3A_1858] : memref<13312xf32, #tpu.memory_space<vmem>> -> memref<128xf32, #tpu.memory_space<vmem>>
    %dma_wait3A_1860 = arith.constant 6912 : i32
    %dma_wait3A_1861 = tpu.memref_slice %arg32[%dma_wait3A_1860] : memref<13312xi32, #tpu.memory_space<vmem>> -> memref<128xi32, #tpu.memory_space<vmem>>
    %dma_wait3A_1862 = arith.constant 0 : i32
    %dma_wait3A_1863 = tpu.memref_slice %arg16[%dma_wait3A_1862] : memref<1000000xf32, #tpu.memory_space<hbm>> -> memref<1000000xf32, #tpu.memory_space<hbm>>
    tpu.wait_indirect_dma semaphore(%arg37 : memref<!tpu.dma_semaphore, #tpu.memory_space<semaphore_mem>>) src(%dma_wait3A_1863 : memref<1000000xf32, #tpu.memory_space<hbm>>) dst(%dma_wait3A_1859 : memref<128xf32, #tpu.memory_space<vmem>>)
    %dma_wait3A_1864 = arith.constant 7040 : i32
    %dma_wait3A_1865 = tpu.memref_slice %arg33[%dma_wait3A_1864] : memref<13312xf32, #tpu.memory_space<vmem>> -> memref<128xf32, #tpu.memory_space<vmem>>
    %dma_wait3A_1866 = arith.constant 7040 : i32
    %dma_wait3A_1867 = tpu.memref_slice %arg32[%dma_wait3A_1866] : memref<13312xi32, #tpu.memory_space<vmem>> -> memref<128xi32, #tpu.memory_space<vmem>>
    %dma_wait3A_1868 = arith.constant 0 : i32
    %dma_wait3A_1869 = tpu.memref_slice %arg16[%dma_wait3A_1868] : memref<1000000xf32, #tpu.memory_space<hbm>> -> memref<1000000xf32, #tpu.memory_space<hbm>>
    tpu.wait_indirect_dma semaphore(%arg37 : memref<!tpu.dma_semaphore, #tpu.memory_space<semaphore_mem>>) src(%dma_wait3A_1869 : memref<1000000xf32, #tpu.memory_space<hbm>>) dst(%dma_wait3A_1865 : memref<128xf32, #tpu.memory_space<vmem>>)
    %get3A_1870 = arith.constant 13 : i32
    %get3A_1871 = arith.index_cast %get3A_1870 : i32 to index
    %get3A_1872 = arith.constant 0 : index
    %get3A_1873 = tpu.vector_load %arg31[%get3A_1871, %get3A_1872] {strides = array<i32>} : memref<26x16xf32, #tpu.memory_space<vmem>>, vector<1x16xf32>,
    %get3A_1874 = vector.shape_cast %get3A_1873 : vector<1x16xf32> to vector<16xf32>
    %scan3A_1875 = arith.constant 0 : i32
    %scan3A_1876 = arith.constant 0 : i32
    %scan3A_1877 = arith.constant 32 : i32
    %scan3A_1878 = arith.addi %scan3A_1876, %scan3A_1877 : i32
    %scan3A_1879 = arith.constant 1 : i32
    %scan3A_1880 = scf.for %scan3A_2699 = %scan3A_1876 to %scan3A_1878 step %scan3A_1879 iter_args(%scan3A_2700 = %scan3A_1875) -> (i32)  : i32 {
      %mul3A_2701 = arith.constant 16 : i32
      %mul3A_2702 = arith.muli %scan3A_2699, %mul3A_2701 : i32
      %get3A_2703 = arith.index_cast %mul3A_2702 : i32 to index
      %get3A_2704 = tpu.vector_load %arg34[%get3A_2703] {strides = array<i32>} : memref<512xf32, #tpu.memory_space<vmem>>, vector<16xf32>,
      %get3A_2705 = vector.shape_cast %get3A_2704 : vector<16xf32> to vector<16xf32>
      %mul3A_2706 = arith.constant 16 : i32
      %mul3A_2707 = arith.muli %scan3A_2699, %mul3A_2706 : i32
      %add3A_2708 = arith.constant 6656 : i32
      %add3A_2709 = arith.addi %add3A_2708, %mul3A_2707 : i32
      %get3A_2710 = arith.index_cast %add3A_2709 : i32 to index
      %get3A_2711 = tpu.vector_load %arg33[%get3A_2710] {strides = array<i32>} : memref<13312xf32, #tpu.memory_space<vmem>>, vector<16xf32>,
      %get3A_2712 = vector.shape_cast %get3A_2711 : vector<16xf32> to vector<16xf32>
      %mul3A_2713 = arith.mulf %get3A_2712, %get3A_1874 : vector<16xf32>
      %add3A_2714 = arith.addf %get3A_2705, %mul3A_2713 : vector<16xf32>
      %swap3A_2715 = arith.index_cast %mul3A_2702 : i32 to index
      %swap3A_2716 = tpu.vector_load %arg34[%swap3A_2715] {strides = array<i32>} : memref<512xf32, #tpu.memory_space<vmem>>, vector<16xf32>,
      %swap3A_2717 = vector.shape_cast %swap3A_2716 : vector<16xf32> to vector<16xf32>
      %swap3A_2718 = vector.shape_cast %add3A_2714 : vector<16xf32> to vector<16xf32>
      tpu.vector_store %arg34[%swap3A_2715], %swap3A_2718 {strides = array<i32>} : memref<512xf32, #tpu.memory_space<vmem>>, vector<16xf32>,
      %scan3A_2719 = arith.constant 0 : i32
      scf.yield %scan3A_2719 : i32
    }
    %scan3A_1881 = arith.constant 32 : i32
    %dma_wait3A_1882 = arith.constant 15 : i32
    %dma_wait3A_1883 = arith.constant 7680 : i32
    %dma_wait3A_1884 = tpu.memref_slice %arg32[%dma_wait3A_1883] : memref<13312xi32, #tpu.memory_space<vmem>> -> memref<512xi32, #tpu.memory_space<vmem>>
    %dma_wait3A_1885 = arith.constant 0 : i32
    %dma_wait3A_1886 = tpu.memref_slice %arg2[%dma_wait3A_1882, %add3A, %dma_wait3A_1885] : memref<26x32x512xi32, #tpu.memory_space<hbm>> -> memref<1x1x512xi32, #tpu.memory_space<hbm>>
    %dma_wait3A_1887 = tpu.memref_squeeze %dma_wait3A_1886 : memref<1x1x512xi32, #tpu.memory_space<hbm>> -> memref<512xi32, #tpu.memory_space<hbm>>
    %dma_wait3A_1888 = arith.constant 7680 : i32
    %dma_wait3A_1889 = tpu.memref_slice %arg32[%dma_wait3A_1888] : memref<13312xi32, #tpu.memory_space<vmem>> -> memref<512xi32, #tpu.memory_space<vmem>>
    %dma_wait3A_1890 = arith.constant 0 : i32
    %dma_wait3A_1891 = tpu.memref_slice %arg2[%dma_wait3A_1882, %add3A, %dma_wait3A_1890] : memref<26x32x512xi32, #tpu.memory_space<hbm>> -> memref<1x1x512xi32, #tpu.memory_space<hbm>>
    %dma_wait3A_1892 = tpu.memref_squeeze %dma_wait3A_1891 : memref<1x1x512xi32, #tpu.memory_space<hbm>> -> memref<512xi32, #tpu.memory_space<hbm>>
    tpu.wait_dma2 semaphore(%arg35 : memref<!tpu.dma_semaphore, #tpu.memory_space<semaphore_mem>>) src(%dma_wait3A_1892 : memref<512xi32, #tpu.memory_space<hbm>>) dst(%dma_wait3A_1889 : memref<512xi32, #tpu.memory_space<vmem>>)
    %dma_start3A_1893 = arith.constant 7680 : i32
    %dma_start3A_1894 = tpu.memref_slice %arg33[%dma_start3A_1893] : memref<13312xf32, #tpu.memory_space<vmem>> -> memref<128xf32, #tpu.memory_space<vmem>>
    %dma_start3A_1895 = arith.constant 7680 : i32
    %dma_start3A_1896 = tpu.memref_slice %arg32[%dma_start3A_1895] : memref<13312xi32, #tpu.memory_space<vmem>> -> memref<128xi32, #tpu.memory_space<vmem>>
    %dma_start3A_1897 = arith.constant 0 : i32
    %dma_start3A_1898 = tpu.memref_slice %arg18[%dma_start3A_1897] : memref<1000000xf32, #tpu.memory_space<hbm>> -> memref<1000000xf32, #tpu.memory_space<hbm>>
    tpu.enqueue_indirect_dma source(%dma_start3A_1898 : memref<1000000xf32, #tpu.memory_space<hbm>>) target(%dma_start3A_1894 : memref<128xf32, #tpu.memory_space<vmem>>) offsets(%dma_start3A_1896 : memref<128xi32, #tpu.memory_space<vmem>>) semaphore(%arg37 : memref<!tpu.dma_semaphore, #tpu.memory_space<semaphore_mem>>)
    %dma_start3A_1899 = arith.constant 7808 : i32
    %dma_start3A_1900 = tpu.memref_slice %arg33[%dma_start3A_1899] : memref<13312xf32, #tpu.memory_space<vmem>> -> memref<128xf32, #tpu.memory_space<vmem>>
    %dma_start3A_1901 = arith.constant 7808 : i32
    %dma_start3A_1902 = tpu.memref_slice %arg32[%dma_start3A_1901] : memref<13312xi32, #tpu.memory_space<vmem>> -> memref<128xi32, #tpu.memory_space<vmem>>
    %dma_start3A_1903 = arith.constant 0 : i32
    %dma_start3A_1904 = tpu.memref_slice %arg18[%dma_start3A_1903] : memref<1000000xf32, #tpu.memory_space<hbm>> -> memref<1000000xf32, #tpu.memory_space<hbm>>
    tpu.enqueue_indirect_dma source(%dma_start3A_1904 : memref<1000000xf32, #tpu.memory_space<hbm>>) target(%dma_start3A_1900 : memref<128xf32, #tpu.memory_space<vmem>>) offsets(%dma_start3A_1902 : memref<128xi32, #tpu.memory_space<vmem>>) semaphore(%arg37 : memref<!tpu.dma_semaphore, #tpu.memory_space<semaphore_mem>>)
    %dma_start3A_1905 = arith.constant 7936 : i32
    %dma_start3A_1906 = tpu.memref_slice %arg33[%dma_start3A_1905] : memref<13312xf32, #tpu.memory_space<vmem>> -> memref<128xf32, #tpu.memory_space<vmem>>
    %dma_start3A_1907 = arith.constant 7936 : i32
    %dma_start3A_1908 = tpu.memref_slice %arg32[%dma_start3A_1907] : memref<13312xi32, #tpu.memory_space<vmem>> -> memref<128xi32, #tpu.memory_space<vmem>>
    %dma_start3A_1909 = arith.constant 0 : i32
    %dma_start3A_1910 = tpu.memref_slice %arg18[%dma_start3A_1909] : memref<1000000xf32, #tpu.memory_space<hbm>> -> memref<1000000xf32, #tpu.memory_space<hbm>>
    tpu.enqueue_indirect_dma source(%dma_start3A_1910 : memref<1000000xf32, #tpu.memory_space<hbm>>) target(%dma_start3A_1906 : memref<128xf32, #tpu.memory_space<vmem>>) offsets(%dma_start3A_1908 : memref<128xi32, #tpu.memory_space<vmem>>) semaphore(%arg37 : memref<!tpu.dma_semaphore, #tpu.memory_space<semaphore_mem>>)
    %dma_start3A_1911 = arith.constant 8064 : i32
    %dma_start3A_1912 = tpu.memref_slice %arg33[%dma_start3A_1911] : memref<13312xf32, #tpu.memory_space<vmem>> -> memref<128xf32, #tpu.memory_space<vmem>>
    %dma_start3A_1913 = arith.constant 8064 : i32
    %dma_start3A_1914 = tpu.memref_slice %arg32[%dma_start3A_1913] : memref<13312xi32, #tpu.memory_space<vmem>> -> memref<128xi32, #tpu.memory_space<vmem>>
    %dma_start3A_1915 = arith.constant 0 : i32
    %dma_start3A_1916 = tpu.memref_slice %arg18[%dma_start3A_1915] : memref<1000000xf32, #tpu.memory_space<hbm>> -> memref<1000000xf32, #tpu.memory_space<hbm>>
    tpu.enqueue_indirect_dma source(%dma_start3A_1916 : memref<1000000xf32, #tpu.memory_space<hbm>>) target(%dma_start3A_1912 : memref<128xf32, #tpu.memory_space<vmem>>) offsets(%dma_start3A_1914 : memref<128xi32, #tpu.memory_space<vmem>>) semaphore(%arg37 : memref<!tpu.dma_semaphore, #tpu.memory_space<semaphore_mem>>)
    %dma_wait3A_1917 = arith.constant 7168 : i32
    %dma_wait3A_1918 = tpu.memref_slice %arg33[%dma_wait3A_1917] : memref<13312xf32, #tpu.memory_space<vmem>> -> memref<128xf32, #tpu.memory_space<vmem>>
    %dma_wait3A_1919 = arith.constant 7168 : i32
    %dma_wait3A_1920 = tpu.memref_slice %arg32[%dma_wait3A_1919] : memref<13312xi32, #tpu.memory_space<vmem>> -> memref<128xi32, #tpu.memory_space<vmem>>
    %dma_wait3A_1921 = arith.constant 0 : i32
    %dma_wait3A_1922 = tpu.memref_slice %arg17[%dma_wait3A_1921] : memref<1000000xf32, #tpu.memory_space<hbm>> -> memref<1000000xf32, #tpu.memory_space<hbm>>
    tpu.wait_indirect_dma semaphore(%arg36 : memref<!tpu.dma_semaphore, #tpu.memory_space<semaphore_mem>>) src(%dma_wait3A_1922 : memref<1000000xf32, #tpu.memory_space<hbm>>) dst(%dma_wait3A_1918 : memref<128xf32, #tpu.memory_space<vmem>>)
    %dma_wait3A_1923 = arith.constant 7296 : i32
    %dma_wait3A_1924 = tpu.memref_slice %arg33[%dma_wait3A_1923] : memref<13312xf32, #tpu.memory_space<vmem>> -> memref<128xf32, #tpu.memory_space<vmem>>
    %dma_wait3A_1925 = arith.constant 7296 : i32
    %dma_wait3A_1926 = tpu.memref_slice %arg32[%dma_wait3A_1925] : memref<13312xi32, #tpu.memory_space<vmem>> -> memref<128xi32, #tpu.memory_space<vmem>>
    %dma_wait3A_1927 = arith.constant 0 : i32
    %dma_wait3A_1928 = tpu.memref_slice %arg17[%dma_wait3A_1927] : memref<1000000xf32, #tpu.memory_space<hbm>> -> memref<1000000xf32, #tpu.memory_space<hbm>>
    tpu.wait_indirect_dma semaphore(%arg36 : memref<!tpu.dma_semaphore, #tpu.memory_space<semaphore_mem>>) src(%dma_wait3A_1928 : memref<1000000xf32, #tpu.memory_space<hbm>>) dst(%dma_wait3A_1924 : memref<128xf32, #tpu.memory_space<vmem>>)
    %dma_wait3A_1929 = arith.constant 7424 : i32
    %dma_wait3A_1930 = tpu.memref_slice %arg33[%dma_wait3A_1929] : memref<13312xf32, #tpu.memory_space<vmem>> -> memref<128xf32, #tpu.memory_space<vmem>>
    %dma_wait3A_1931 = arith.constant 7424 : i32
    %dma_wait3A_1932 = tpu.memref_slice %arg32[%dma_wait3A_1931] : memref<13312xi32, #tpu.memory_space<vmem>> -> memref<128xi32, #tpu.memory_space<vmem>>
    %dma_wait3A_1933 = arith.constant 0 : i32
    %dma_wait3A_1934 = tpu.memref_slice %arg17[%dma_wait3A_1933] : memref<1000000xf32, #tpu.memory_space<hbm>> -> memref<1000000xf32, #tpu.memory_space<hbm>>
    tpu.wait_indirect_dma semaphore(%arg36 : memref<!tpu.dma_semaphore, #tpu.memory_space<semaphore_mem>>) src(%dma_wait3A_1934 : memref<1000000xf32, #tpu.memory_space<hbm>>) dst(%dma_wait3A_1930 : memref<128xf32, #tpu.memory_space<vmem>>)
    %dma_wait3A_1935 = arith.constant 7552 : i32
    %dma_wait3A_1936 = tpu.memref_slice %arg33[%dma_wait3A_1935] : memref<13312xf32, #tpu.memory_space<vmem>> -> memref<128xf32, #tpu.memory_space<vmem>>
    %dma_wait3A_1937 = arith.constant 7552 : i32
    %dma_wait3A_1938 = tpu.memref_slice %arg32[%dma_wait3A_1937] : memref<13312xi32, #tpu.memory_space<vmem>> -> memref<128xi32, #tpu.memory_space<vmem>>
    %dma_wait3A_1939 = arith.constant 0 : i32
    %dma_wait3A_1940 = tpu.memref_slice %arg17[%dma_wait3A_1939] : memref<1000000xf32, #tpu.memory_space<hbm>> -> memref<1000000xf32, #tpu.memory_space<hbm>>
    tpu.wait_indirect_dma semaphore(%arg36 : memref<!tpu.dma_semaphore, #tpu.memory_space<semaphore_mem>>) src(%dma_wait3A_1940 : memref<1000000xf32, #tpu.memory_space<hbm>>) dst(%dma_wait3A_1936 : memref<128xf32, #tpu.memory_space<vmem>>)
    %get3A_1941 = arith.constant 14 : i32
    %get3A_1942 = arith.index_cast %get3A_1941 : i32 to index
    %get3A_1943 = arith.constant 0 : index
    %get3A_1944 = tpu.vector_load %arg31[%get3A_1942, %get3A_1943] {strides = array<i32>} : memref<26x16xf32, #tpu.memory_space<vmem>>, vector<1x16xf32>,
    %get3A_1945 = vector.shape_cast %get3A_1944 : vector<1x16xf32> to vector<16xf32>
    %scan3A_1946 = arith.constant 0 : i32
    %scan3A_1947 = arith.constant 0 : i32
    %scan3A_1948 = arith.constant 32 : i32
    %scan3A_1949 = arith.addi %scan3A_1947, %scan3A_1948 : i32
    %scan3A_1950 = arith.constant 1 : i32
    %scan3A_1951 = scf.for %scan3A_2699 = %scan3A_1947 to %scan3A_1949 step %scan3A_1950 iter_args(%scan3A_2700 = %scan3A_1946) -> (i32)  : i32 {
      %mul3A_2701 = arith.constant 16 : i32
      %mul3A_2702 = arith.muli %scan3A_2699, %mul3A_2701 : i32
      %get3A_2703 = arith.index_cast %mul3A_2702 : i32 to index
      %get3A_2704 = tpu.vector_load %arg34[%get3A_2703] {strides = array<i32>} : memref<512xf32, #tpu.memory_space<vmem>>, vector<16xf32>,
      %get3A_2705 = vector.shape_cast %get3A_2704 : vector<16xf32> to vector<16xf32>
      %mul3A_2706 = arith.constant 16 : i32
      %mul3A_2707 = arith.muli %scan3A_2699, %mul3A_2706 : i32
      %add3A_2708 = arith.constant 7168 : i32
      %add3A_2709 = arith.addi %add3A_2708, %mul3A_2707 : i32
      %get3A_2710 = arith.index_cast %add3A_2709 : i32 to index
      %get3A_2711 = tpu.vector_load %arg33[%get3A_2710] {strides = array<i32>} : memref<13312xf32, #tpu.memory_space<vmem>>, vector<16xf32>,
      %get3A_2712 = vector.shape_cast %get3A_2711 : vector<16xf32> to vector<16xf32>
      %mul3A_2713 = arith.mulf %get3A_2712, %get3A_1945 : vector<16xf32>
      %add3A_2714 = arith.addf %get3A_2705, %mul3A_2713 : vector<16xf32>
      %swap3A_2715 = arith.index_cast %mul3A_2702 : i32 to index
      %swap3A_2716 = tpu.vector_load %arg34[%swap3A_2715] {strides = array<i32>} : memref<512xf32, #tpu.memory_space<vmem>>, vector<16xf32>,
      %swap3A_2717 = vector.shape_cast %swap3A_2716 : vector<16xf32> to vector<16xf32>
      %swap3A_2718 = vector.shape_cast %add3A_2714 : vector<16xf32> to vector<16xf32>
      tpu.vector_store %arg34[%swap3A_2715], %swap3A_2718 {strides = array<i32>} : memref<512xf32, #tpu.memory_space<vmem>>, vector<16xf32>,
      %scan3A_2719 = arith.constant 0 : i32
      scf.yield %scan3A_2719 : i32
    }
    %scan3A_1952 = arith.constant 32 : i32
    %dma_wait3A_1953 = arith.constant 16 : i32
    %dma_wait3A_1954 = arith.constant 8192 : i32
    %dma_wait3A_1955 = tpu.memref_slice %arg32[%dma_wait3A_1954] : memref<13312xi32, #tpu.memory_space<vmem>> -> memref<512xi32, #tpu.memory_space<vmem>>
    %dma_wait3A_1956 = arith.constant 0 : i32
    %dma_wait3A_1957 = tpu.memref_slice %arg2[%dma_wait3A_1953, %add3A, %dma_wait3A_1956] : memref<26x32x512xi32, #tpu.memory_space<hbm>> -> memref<1x1x512xi32, #tpu.memory_space<hbm>>
    %dma_wait3A_1958 = tpu.memref_squeeze %dma_wait3A_1957 : memref<1x1x512xi32, #tpu.memory_space<hbm>> -> memref<512xi32, #tpu.memory_space<hbm>>
    %dma_wait3A_1959 = arith.constant 8192 : i32
    %dma_wait3A_1960 = tpu.memref_slice %arg32[%dma_wait3A_1959] : memref<13312xi32, #tpu.memory_space<vmem>> -> memref<512xi32, #tpu.memory_space<vmem>>
    %dma_wait3A_1961 = arith.constant 0 : i32
    %dma_wait3A_1962 = tpu.memref_slice %arg2[%dma_wait3A_1953, %add3A, %dma_wait3A_1961] : memref<26x32x512xi32, #tpu.memory_space<hbm>> -> memref<1x1x512xi32, #tpu.memory_space<hbm>>
    %dma_wait3A_1963 = tpu.memref_squeeze %dma_wait3A_1962 : memref<1x1x512xi32, #tpu.memory_space<hbm>> -> memref<512xi32, #tpu.memory_space<hbm>>
    tpu.wait_dma2 semaphore(%arg35 : memref<!tpu.dma_semaphore, #tpu.memory_space<semaphore_mem>>) src(%dma_wait3A_1963 : memref<512xi32, #tpu.memory_space<hbm>>) dst(%dma_wait3A_1960 : memref<512xi32, #tpu.memory_space<vmem>>)
    %dma_start3A_1964 = arith.constant 8192 : i32
    %dma_start3A_1965 = tpu.memref_slice %arg33[%dma_start3A_1964] : memref<13312xf32, #tpu.memory_space<vmem>> -> memref<128xf32, #tpu.memory_space<vmem>>
    %dma_start3A_1966 = arith.constant 8192 : i32
    %dma_start3A_1967 = tpu.memref_slice %arg32[%dma_start3A_1966] : memref<13312xi32, #tpu.memory_space<vmem>> -> memref<128xi32, #tpu.memory_space<vmem>>
    %dma_start3A_1968 = arith.constant 0 : i32
    %dma_start3A_1969 = tpu.memref_slice %arg19[%dma_start3A_1968] : memref<1000000xf32, #tpu.memory_space<hbm>> -> memref<1000000xf32, #tpu.memory_space<hbm>>
    tpu.enqueue_indirect_dma source(%dma_start3A_1969 : memref<1000000xf32, #tpu.memory_space<hbm>>) target(%dma_start3A_1965 : memref<128xf32, #tpu.memory_space<vmem>>) offsets(%dma_start3A_1967 : memref<128xi32, #tpu.memory_space<vmem>>) semaphore(%arg36 : memref<!tpu.dma_semaphore, #tpu.memory_space<semaphore_mem>>)
    %dma_start3A_1970 = arith.constant 8320 : i32
    %dma_start3A_1971 = tpu.memref_slice %arg33[%dma_start3A_1970] : memref<13312xf32, #tpu.memory_space<vmem>> -> memref<128xf32, #tpu.memory_space<vmem>>
    %dma_start3A_1972 = arith.constant 8320 : i32
    %dma_start3A_1973 = tpu.memref_slice %arg32[%dma_start3A_1972] : memref<13312xi32, #tpu.memory_space<vmem>> -> memref<128xi32, #tpu.memory_space<vmem>>
    %dma_start3A_1974 = arith.constant 0 : i32
    %dma_start3A_1975 = tpu.memref_slice %arg19[%dma_start3A_1974] : memref<1000000xf32, #tpu.memory_space<hbm>> -> memref<1000000xf32, #tpu.memory_space<hbm>>
    tpu.enqueue_indirect_dma source(%dma_start3A_1975 : memref<1000000xf32, #tpu.memory_space<hbm>>) target(%dma_start3A_1971 : memref<128xf32, #tpu.memory_space<vmem>>) offsets(%dma_start3A_1973 : memref<128xi32, #tpu.memory_space<vmem>>) semaphore(%arg36 : memref<!tpu.dma_semaphore, #tpu.memory_space<semaphore_mem>>)
    %dma_start3A_1976 = arith.constant 8448 : i32
    %dma_start3A_1977 = tpu.memref_slice %arg33[%dma_start3A_1976] : memref<13312xf32, #tpu.memory_space<vmem>> -> memref<128xf32, #tpu.memory_space<vmem>>
    %dma_start3A_1978 = arith.constant 8448 : i32
    %dma_start3A_1979 = tpu.memref_slice %arg32[%dma_start3A_1978] : memref<13312xi32, #tpu.memory_space<vmem>> -> memref<128xi32, #tpu.memory_space<vmem>>
    %dma_start3A_1980 = arith.constant 0 : i32
    %dma_start3A_1981 = tpu.memref_slice %arg19[%dma_start3A_1980] : memref<1000000xf32, #tpu.memory_space<hbm>> -> memref<1000000xf32, #tpu.memory_space<hbm>>
    tpu.enqueue_indirect_dma source(%dma_start3A_1981 : memref<1000000xf32, #tpu.memory_space<hbm>>) target(%dma_start3A_1977 : memref<128xf32, #tpu.memory_space<vmem>>) offsets(%dma_start3A_1979 : memref<128xi32, #tpu.memory_space<vmem>>) semaphore(%arg36 : memref<!tpu.dma_semaphore, #tpu.memory_space<semaphore_mem>>)
    %dma_start3A_1982 = arith.constant 8576 : i32
    %dma_start3A_1983 = tpu.memref_slice %arg33[%dma_start3A_1982] : memref<13312xf32, #tpu.memory_space<vmem>> -> memref<128xf32, #tpu.memory_space<vmem>>
    %dma_start3A_1984 = arith.constant 8576 : i32
    %dma_start3A_1985 = tpu.memref_slice %arg32[%dma_start3A_1984] : memref<13312xi32, #tpu.memory_space<vmem>> -> memref<128xi32, #tpu.memory_space<vmem>>
    %dma_start3A_1986 = arith.constant 0 : i32
    %dma_start3A_1987 = tpu.memref_slice %arg19[%dma_start3A_1986] : memref<1000000xf32, #tpu.memory_space<hbm>> -> memref<1000000xf32, #tpu.memory_space<hbm>>
    tpu.enqueue_indirect_dma source(%dma_start3A_1987 : memref<1000000xf32, #tpu.memory_space<hbm>>) target(%dma_start3A_1983 : memref<128xf32, #tpu.memory_space<vmem>>) offsets(%dma_start3A_1985 : memref<128xi32, #tpu.memory_space<vmem>>) semaphore(%arg36 : memref<!tpu.dma_semaphore, #tpu.memory_space<semaphore_mem>>)
    %dma_wait3A_1988 = arith.constant 7680 : i32
    %dma_wait3A_1989 = tpu.memref_slice %arg33[%dma_wait3A_1988] : memref<13312xf32, #tpu.memory_space<vmem>> -> memref<128xf32, #tpu.memory_space<vmem>>
    %dma_wait3A_1990 = arith.constant 7680 : i32
    %dma_wait3A_1991 = tpu.memref_slice %arg32[%dma_wait3A_1990] : memref<13312xi32, #tpu.memory_space<vmem>> -> memref<128xi32, #tpu.memory_space<vmem>>
    %dma_wait3A_1992 = arith.constant 0 : i32
    %dma_wait3A_1993 = tpu.memref_slice %arg18[%dma_wait3A_1992] : memref<1000000xf32, #tpu.memory_space<hbm>> -> memref<1000000xf32, #tpu.memory_space<hbm>>
    tpu.wait_indirect_dma semaphore(%arg37 : memref<!tpu.dma_semaphore, #tpu.memory_space<semaphore_mem>>) src(%dma_wait3A_1993 : memref<1000000xf32, #tpu.memory_space<hbm>>) dst(%dma_wait3A_1989 : memref<128xf32, #tpu.memory_space<vmem>>)
    %dma_wait3A_1994 = arith.constant 7808 : i32
    %dma_wait3A_1995 = tpu.memref_slice %arg33[%dma_wait3A_1994] : memref<13312xf32, #tpu.memory_space<vmem>> -> memref<128xf32, #tpu.memory_space<vmem>>
    %dma_wait3A_1996 = arith.constant 7808 : i32
    %dma_wait3A_1997 = tpu.memref_slice %arg32[%dma_wait3A_1996] : memref<13312xi32, #tpu.memory_space<vmem>> -> memref<128xi32, #tpu.memory_space<vmem>>
    %dma_wait3A_1998 = arith.constant 0 : i32
    %dma_wait3A_1999 = tpu.memref_slice %arg18[%dma_wait3A_1998] : memref<1000000xf32, #tpu.memory_space<hbm>> -> memref<1000000xf32, #tpu.memory_space<hbm>>
    tpu.wait_indirect_dma semaphore(%arg37 : memref<!tpu.dma_semaphore, #tpu.memory_space<semaphore_mem>>) src(%dma_wait3A_1999 : memref<1000000xf32, #tpu.memory_space<hbm>>) dst(%dma_wait3A_1995 : memref<128xf32, #tpu.memory_space<vmem>>)
    %dma_wait3A_2000 = arith.constant 7936 : i32
    %dma_wait3A_2001 = tpu.memref_slice %arg33[%dma_wait3A_2000] : memref<13312xf32, #tpu.memory_space<vmem>> -> memref<128xf32, #tpu.memory_space<vmem>>
    %dma_wait3A_2002 = arith.constant 7936 : i32
    %dma_wait3A_2003 = tpu.memref_slice %arg32[%dma_wait3A_2002] : memref<13312xi32, #tpu.memory_space<vmem>> -> memref<128xi32, #tpu.memory_space<vmem>>
    %dma_wait3A_2004 = arith.constant 0 : i32
    %dma_wait3A_2005 = tpu.memref_slice %arg18[%dma_wait3A_2004] : memref<1000000xf32, #tpu.memory_space<hbm>> -> memref<1000000xf32, #tpu.memory_space<hbm>>
    tpu.wait_indirect_dma semaphore(%arg37 : memref<!tpu.dma_semaphore, #tpu.memory_space<semaphore_mem>>) src(%dma_wait3A_2005 : memref<1000000xf32, #tpu.memory_space<hbm>>) dst(%dma_wait3A_2001 : memref<128xf32, #tpu.memory_space<vmem>>)
    %dma_wait3A_2006 = arith.constant 8064 : i32
    %dma_wait3A_2007 = tpu.memref_slice %arg33[%dma_wait3A_2006] : memref<13312xf32, #tpu.memory_space<vmem>> -> memref<128xf32, #tpu.memory_space<vmem>>
    %dma_wait3A_2008 = arith.constant 8064 : i32
    %dma_wait3A_2009 = tpu.memref_slice %arg32[%dma_wait3A_2008] : memref<13312xi32, #tpu.memory_space<vmem>> -> memref<128xi32, #tpu.memory_space<vmem>>
    %dma_wait3A_2010 = arith.constant 0 : i32
    %dma_wait3A_2011 = tpu.memref_slice %arg18[%dma_wait3A_2010] : memref<1000000xf32, #tpu.memory_space<hbm>> -> memref<1000000xf32, #tpu.memory_space<hbm>>
    tpu.wait_indirect_dma semaphore(%arg37 : memref<!tpu.dma_semaphore, #tpu.memory_space<semaphore_mem>>) src(%dma_wait3A_2011 : memref<1000000xf32, #tpu.memory_space<hbm>>) dst(%dma_wait3A_2007 : memref<128xf32, #tpu.memory_space<vmem>>)
    %get3A_2012 = arith.constant 15 : i32
    %get3A_2013 = arith.index_cast %get3A_2012 : i32 to index
    %get3A_2014 = arith.constant 0 : index
    %get3A_2015 = tpu.vector_load %arg31[%get3A_2013, %get3A_2014] {strides = array<i32>} : memref<26x16xf32, #tpu.memory_space<vmem>>, vector<1x16xf32>,
    %get3A_2016 = vector.shape_cast %get3A_2015 : vector<1x16xf32> to vector<16xf32>
    %scan3A_2017 = arith.constant 0 : i32
    %scan3A_2018 = arith.constant 0 : i32
    %scan3A_2019 = arith.constant 32 : i32
    %scan3A_2020 = arith.addi %scan3A_2018, %scan3A_2019 : i32
    %scan3A_2021 = arith.constant 1 : i32
    %scan3A_2022 = scf.for %scan3A_2699 = %scan3A_2018 to %scan3A_2020 step %scan3A_2021 iter_args(%scan3A_2700 = %scan3A_2017) -> (i32)  : i32 {
      %mul3A_2701 = arith.constant 16 : i32
      %mul3A_2702 = arith.muli %scan3A_2699, %mul3A_2701 : i32
      %get3A_2703 = arith.index_cast %mul3A_2702 : i32 to index
      %get3A_2704 = tpu.vector_load %arg34[%get3A_2703] {strides = array<i32>} : memref<512xf32, #tpu.memory_space<vmem>>, vector<16xf32>,
      %get3A_2705 = vector.shape_cast %get3A_2704 : vector<16xf32> to vector<16xf32>
      %mul3A_2706 = arith.constant 16 : i32
      %mul3A_2707 = arith.muli %scan3A_2699, %mul3A_2706 : i32
      %add3A_2708 = arith.constant 7680 : i32
      %add3A_2709 = arith.addi %add3A_2708, %mul3A_2707 : i32
      %get3A_2710 = arith.index_cast %add3A_2709 : i32 to index
      %get3A_2711 = tpu.vector_load %arg33[%get3A_2710] {strides = array<i32>} : memref<13312xf32, #tpu.memory_space<vmem>>, vector<16xf32>,
      %get3A_2712 = vector.shape_cast %get3A_2711 : vector<16xf32> to vector<16xf32>
      %mul3A_2713 = arith.mulf %get3A_2712, %get3A_2016 : vector<16xf32>
      %add3A_2714 = arith.addf %get3A_2705, %mul3A_2713 : vector<16xf32>
      %swap3A_2715 = arith.index_cast %mul3A_2702 : i32 to index
      %swap3A_2716 = tpu.vector_load %arg34[%swap3A_2715] {strides = array<i32>} : memref<512xf32, #tpu.memory_space<vmem>>, vector<16xf32>,
      %swap3A_2717 = vector.shape_cast %swap3A_2716 : vector<16xf32> to vector<16xf32>
      %swap3A_2718 = vector.shape_cast %add3A_2714 : vector<16xf32> to vector<16xf32>
      tpu.vector_store %arg34[%swap3A_2715], %swap3A_2718 {strides = array<i32>} : memref<512xf32, #tpu.memory_space<vmem>>, vector<16xf32>,
      %scan3A_2719 = arith.constant 0 : i32
      scf.yield %scan3A_2719 : i32
    }
    %scan3A_2023 = arith.constant 32 : i32
    %dma_wait3A_2024 = arith.constant 17 : i32
    %dma_wait3A_2025 = arith.constant 8704 : i32
    %dma_wait3A_2026 = tpu.memref_slice %arg32[%dma_wait3A_2025] : memref<13312xi32, #tpu.memory_space<vmem>> -> memref<512xi32, #tpu.memory_space<vmem>>
    %dma_wait3A_2027 = arith.constant 0 : i32
    %dma_wait3A_2028 = tpu.memref_slice %arg2[%dma_wait3A_2024, %add3A, %dma_wait3A_2027] : memref<26x32x512xi32, #tpu.memory_space<hbm>> -> memref<1x1x512xi32, #tpu.memory_space<hbm>>
    %dma_wait3A_2029 = tpu.memref_squeeze %dma_wait3A_2028 : memref<1x1x512xi32, #tpu.memory_space<hbm>> -> memref<512xi32, #tpu.memory_space<hbm>>
    %dma_wait3A_2030 = arith.constant 8704 : i32
    %dma_wait3A_2031 = tpu.memref_slice %arg32[%dma_wait3A_2030] : memref<13312xi32, #tpu.memory_space<vmem>> -> memref<512xi32, #tpu.memory_space<vmem>>
    %dma_wait3A_2032 = arith.constant 0 : i32
    %dma_wait3A_2033 = tpu.memref_slice %arg2[%dma_wait3A_2024, %add3A, %dma_wait3A_2032] : memref<26x32x512xi32, #tpu.memory_space<hbm>> -> memref<1x1x512xi32, #tpu.memory_space<hbm>>
    %dma_wait3A_2034 = tpu.memref_squeeze %dma_wait3A_2033 : memref<1x1x512xi32, #tpu.memory_space<hbm>> -> memref<512xi32, #tpu.memory_space<hbm>>
    tpu.wait_dma2 semaphore(%arg35 : memref<!tpu.dma_semaphore, #tpu.memory_space<semaphore_mem>>) src(%dma_wait3A_2034 : memref<512xi32, #tpu.memory_space<hbm>>) dst(%dma_wait3A_2031 : memref<512xi32, #tpu.memory_space<vmem>>)
    %dma_start3A_2035 = arith.constant 8704 : i32
    %dma_start3A_2036 = tpu.memref_slice %arg33[%dma_start3A_2035] : memref<13312xf32, #tpu.memory_space<vmem>> -> memref<128xf32, #tpu.memory_space<vmem>>
    %dma_start3A_2037 = arith.constant 8704 : i32
    %dma_start3A_2038 = tpu.memref_slice %arg32[%dma_start3A_2037] : memref<13312xi32, #tpu.memory_space<vmem>> -> memref<128xi32, #tpu.memory_space<vmem>>
    %dma_start3A_2039 = arith.constant 0 : i32
    %dma_start3A_2040 = tpu.memref_slice %arg20[%dma_start3A_2039] : memref<1000000xf32, #tpu.memory_space<hbm>> -> memref<1000000xf32, #tpu.memory_space<hbm>>
    tpu.enqueue_indirect_dma source(%dma_start3A_2040 : memref<1000000xf32, #tpu.memory_space<hbm>>) target(%dma_start3A_2036 : memref<128xf32, #tpu.memory_space<vmem>>) offsets(%dma_start3A_2038 : memref<128xi32, #tpu.memory_space<vmem>>) semaphore(%arg37 : memref<!tpu.dma_semaphore, #tpu.memory_space<semaphore_mem>>)
    %dma_start3A_2041 = arith.constant 8832 : i32
    %dma_start3A_2042 = tpu.memref_slice %arg33[%dma_start3A_2041] : memref<13312xf32, #tpu.memory_space<vmem>> -> memref<128xf32, #tpu.memory_space<vmem>>
    %dma_start3A_2043 = arith.constant 8832 : i32
    %dma_start3A_2044 = tpu.memref_slice %arg32[%dma_start3A_2043] : memref<13312xi32, #tpu.memory_space<vmem>> -> memref<128xi32, #tpu.memory_space<vmem>>
    %dma_start3A_2045 = arith.constant 0 : i32
    %dma_start3A_2046 = tpu.memref_slice %arg20[%dma_start3A_2045] : memref<1000000xf32, #tpu.memory_space<hbm>> -> memref<1000000xf32, #tpu.memory_space<hbm>>
    tpu.enqueue_indirect_dma source(%dma_start3A_2046 : memref<1000000xf32, #tpu.memory_space<hbm>>) target(%dma_start3A_2042 : memref<128xf32, #tpu.memory_space<vmem>>) offsets(%dma_start3A_2044 : memref<128xi32, #tpu.memory_space<vmem>>) semaphore(%arg37 : memref<!tpu.dma_semaphore, #tpu.memory_space<semaphore_mem>>)
    %dma_start3A_2047 = arith.constant 8960 : i32
    %dma_start3A_2048 = tpu.memref_slice %arg33[%dma_start3A_2047] : memref<13312xf32, #tpu.memory_space<vmem>> -> memref<128xf32, #tpu.memory_space<vmem>>
    %dma_start3A_2049 = arith.constant 8960 : i32
    %dma_start3A_2050 = tpu.memref_slice %arg32[%dma_start3A_2049] : memref<13312xi32, #tpu.memory_space<vmem>> -> memref<128xi32, #tpu.memory_space<vmem>>
    %dma_start3A_2051 = arith.constant 0 : i32
    %dma_start3A_2052 = tpu.memref_slice %arg20[%dma_start3A_2051] : memref<1000000xf32, #tpu.memory_space<hbm>> -> memref<1000000xf32, #tpu.memory_space<hbm>>
    tpu.enqueue_indirect_dma source(%dma_start3A_2052 : memref<1000000xf32, #tpu.memory_space<hbm>>) target(%dma_start3A_2048 : memref<128xf32, #tpu.memory_space<vmem>>) offsets(%dma_start3A_2050 : memref<128xi32, #tpu.memory_space<vmem>>) semaphore(%arg37 : memref<!tpu.dma_semaphore, #tpu.memory_space<semaphore_mem>>)
    %dma_start3A_2053 = arith.constant 9088 : i32
    %dma_start3A_2054 = tpu.memref_slice %arg33[%dma_start3A_2053] : memref<13312xf32, #tpu.memory_space<vmem>> -> memref<128xf32, #tpu.memory_space<vmem>>
    %dma_start3A_2055 = arith.constant 9088 : i32
    %dma_start3A_2056 = tpu.memref_slice %arg32[%dma_start3A_2055] : memref<13312xi32, #tpu.memory_space<vmem>> -> memref<128xi32, #tpu.memory_space<vmem>>
    %dma_start3A_2057 = arith.constant 0 : i32
    %dma_start3A_2058 = tpu.memref_slice %arg20[%dma_start3A_2057] : memref<1000000xf32, #tpu.memory_space<hbm>> -> memref<1000000xf32, #tpu.memory_space<hbm>>
    tpu.enqueue_indirect_dma source(%dma_start3A_2058 : memref<1000000xf32, #tpu.memory_space<hbm>>) target(%dma_start3A_2054 : memref<128xf32, #tpu.memory_space<vmem>>) offsets(%dma_start3A_2056 : memref<128xi32, #tpu.memory_space<vmem>>) semaphore(%arg37 : memref<!tpu.dma_semaphore, #tpu.memory_space<semaphore_mem>>)
    %dma_wait3A_2059 = arith.constant 8192 : i32
    %dma_wait3A_2060 = tpu.memref_slice %arg33[%dma_wait3A_2059] : memref<13312xf32, #tpu.memory_space<vmem>> -> memref<128xf32, #tpu.memory_space<vmem>>
    %dma_wait3A_2061 = arith.constant 8192 : i32
    %dma_wait3A_2062 = tpu.memref_slice %arg32[%dma_wait3A_2061] : memref<13312xi32, #tpu.memory_space<vmem>> -> memref<128xi32, #tpu.memory_space<vmem>>
    %dma_wait3A_2063 = arith.constant 0 : i32
    %dma_wait3A_2064 = tpu.memref_slice %arg19[%dma_wait3A_2063] : memref<1000000xf32, #tpu.memory_space<hbm>> -> memref<1000000xf32, #tpu.memory_space<hbm>>
    tpu.wait_indirect_dma semaphore(%arg36 : memref<!tpu.dma_semaphore, #tpu.memory_space<semaphore_mem>>) src(%dma_wait3A_2064 : memref<1000000xf32, #tpu.memory_space<hbm>>) dst(%dma_wait3A_2060 : memref<128xf32, #tpu.memory_space<vmem>>)
    %dma_wait3A_2065 = arith.constant 8320 : i32
    %dma_wait3A_2066 = tpu.memref_slice %arg33[%dma_wait3A_2065] : memref<13312xf32, #tpu.memory_space<vmem>> -> memref<128xf32, #tpu.memory_space<vmem>>
    %dma_wait3A_2067 = arith.constant 8320 : i32
    %dma_wait3A_2068 = tpu.memref_slice %arg32[%dma_wait3A_2067] : memref<13312xi32, #tpu.memory_space<vmem>> -> memref<128xi32, #tpu.memory_space<vmem>>
    %dma_wait3A_2069 = arith.constant 0 : i32
    %dma_wait3A_2070 = tpu.memref_slice %arg19[%dma_wait3A_2069] : memref<1000000xf32, #tpu.memory_space<hbm>> -> memref<1000000xf32, #tpu.memory_space<hbm>>
    tpu.wait_indirect_dma semaphore(%arg36 : memref<!tpu.dma_semaphore, #tpu.memory_space<semaphore_mem>>) src(%dma_wait3A_2070 : memref<1000000xf32, #tpu.memory_space<hbm>>) dst(%dma_wait3A_2066 : memref<128xf32, #tpu.memory_space<vmem>>)
    %dma_wait3A_2071 = arith.constant 8448 : i32
    %dma_wait3A_2072 = tpu.memref_slice %arg33[%dma_wait3A_2071] : memref<13312xf32, #tpu.memory_space<vmem>> -> memref<128xf32, #tpu.memory_space<vmem>>
    %dma_wait3A_2073 = arith.constant 8448 : i32
    %dma_wait3A_2074 = tpu.memref_slice %arg32[%dma_wait3A_2073] : memref<13312xi32, #tpu.memory_space<vmem>> -> memref<128xi32, #tpu.memory_space<vmem>>
    %dma_wait3A_2075 = arith.constant 0 : i32
    %dma_wait3A_2076 = tpu.memref_slice %arg19[%dma_wait3A_2075] : memref<1000000xf32, #tpu.memory_space<hbm>> -> memref<1000000xf32, #tpu.memory_space<hbm>>
    tpu.wait_indirect_dma semaphore(%arg36 : memref<!tpu.dma_semaphore, #tpu.memory_space<semaphore_mem>>) src(%dma_wait3A_2076 : memref<1000000xf32, #tpu.memory_space<hbm>>) dst(%dma_wait3A_2072 : memref<128xf32, #tpu.memory_space<vmem>>)
    %dma_wait3A_2077 = arith.constant 8576 : i32
    %dma_wait3A_2078 = tpu.memref_slice %arg33[%dma_wait3A_2077] : memref<13312xf32, #tpu.memory_space<vmem>> -> memref<128xf32, #tpu.memory_space<vmem>>
    %dma_wait3A_2079 = arith.constant 8576 : i32
    %dma_wait3A_2080 = tpu.memref_slice %arg32[%dma_wait3A_2079] : memref<13312xi32, #tpu.memory_space<vmem>> -> memref<128xi32, #tpu.memory_space<vmem>>
    %dma_wait3A_2081 = arith.constant 0 : i32
    %dma_wait3A_2082 = tpu.memref_slice %arg19[%dma_wait3A_2081] : memref<1000000xf32, #tpu.memory_space<hbm>> -> memref<1000000xf32, #tpu.memory_space<hbm>>
    tpu.wait_indirect_dma semaphore(%arg36 : memref<!tpu.dma_semaphore, #tpu.memory_space<semaphore_mem>>) src(%dma_wait3A_2082 : memref<1000000xf32, #tpu.memory_space<hbm>>) dst(%dma_wait3A_2078 : memref<128xf32, #tpu.memory_space<vmem>>)
    %get3A_2083 = arith.constant 16 : i32
    %get3A_2084 = arith.index_cast %get3A_2083 : i32 to index
    %get3A_2085 = arith.constant 0 : index
    %get3A_2086 = tpu.vector_load %arg31[%get3A_2084, %get3A_2085] {strides = array<i32>} : memref<26x16xf32, #tpu.memory_space<vmem>>, vector<1x16xf32>,
    %get3A_2087 = vector.shape_cast %get3A_2086 : vector<1x16xf32> to vector<16xf32>
    %scan3A_2088 = arith.constant 0 : i32
    %scan3A_2089 = arith.constant 0 : i32
    %scan3A_2090 = arith.constant 32 : i32
    %scan3A_2091 = arith.addi %scan3A_2089, %scan3A_2090 : i32
    %scan3A_2092 = arith.constant 1 : i32
    %scan3A_2093 = scf.for %scan3A_2699 = %scan3A_2089 to %scan3A_2091 step %scan3A_2092 iter_args(%scan3A_2700 = %scan3A_2088) -> (i32)  : i32 {
      %mul3A_2701 = arith.constant 16 : i32
      %mul3A_2702 = arith.muli %scan3A_2699, %mul3A_2701 : i32
      %get3A_2703 = arith.index_cast %mul3A_2702 : i32 to index
      %get3A_2704 = tpu.vector_load %arg34[%get3A_2703] {strides = array<i32>} : memref<512xf32, #tpu.memory_space<vmem>>, vector<16xf32>,
      %get3A_2705 = vector.shape_cast %get3A_2704 : vector<16xf32> to vector<16xf32>
      %mul3A_2706 = arith.constant 16 : i32
      %mul3A_2707 = arith.muli %scan3A_2699, %mul3A_2706 : i32
      %add3A_2708 = arith.constant 8192 : i32
      %add3A_2709 = arith.addi %add3A_2708, %mul3A_2707 : i32
      %get3A_2710 = arith.index_cast %add3A_2709 : i32 to index
      %get3A_2711 = tpu.vector_load %arg33[%get3A_2710] {strides = array<i32>} : memref<13312xf32, #tpu.memory_space<vmem>>, vector<16xf32>,
      %get3A_2712 = vector.shape_cast %get3A_2711 : vector<16xf32> to vector<16xf32>
      %mul3A_2713 = arith.mulf %get3A_2712, %get3A_2087 : vector<16xf32>
      %add3A_2714 = arith.addf %get3A_2705, %mul3A_2713 : vector<16xf32>
      %swap3A_2715 = arith.index_cast %mul3A_2702 : i32 to index
      %swap3A_2716 = tpu.vector_load %arg34[%swap3A_2715] {strides = array<i32>} : memref<512xf32, #tpu.memory_space<vmem>>, vector<16xf32>,
      %swap3A_2717 = vector.shape_cast %swap3A_2716 : vector<16xf32> to vector<16xf32>
      %swap3A_2718 = vector.shape_cast %add3A_2714 : vector<16xf32> to vector<16xf32>
      tpu.vector_store %arg34[%swap3A_2715], %swap3A_2718 {strides = array<i32>} : memref<512xf32, #tpu.memory_space<vmem>>, vector<16xf32>,
      %scan3A_2719 = arith.constant 0 : i32
      scf.yield %scan3A_2719 : i32
    }
    %scan3A_2094 = arith.constant 32 : i32
    %dma_wait3A_2095 = arith.constant 18 : i32
    %dma_wait3A_2096 = arith.constant 9216 : i32
    %dma_wait3A_2097 = tpu.memref_slice %arg32[%dma_wait3A_2096] : memref<13312xi32, #tpu.memory_space<vmem>> -> memref<512xi32, #tpu.memory_space<vmem>>
    %dma_wait3A_2098 = arith.constant 0 : i32
    %dma_wait3A_2099 = tpu.memref_slice %arg2[%dma_wait3A_2095, %add3A, %dma_wait3A_2098] : memref<26x32x512xi32, #tpu.memory_space<hbm>> -> memref<1x1x512xi32, #tpu.memory_space<hbm>>
    %dma_wait3A_2100 = tpu.memref_squeeze %dma_wait3A_2099 : memref<1x1x512xi32, #tpu.memory_space<hbm>> -> memref<512xi32, #tpu.memory_space<hbm>>
    %dma_wait3A_2101 = arith.constant 9216 : i32
    %dma_wait3A_2102 = tpu.memref_slice %arg32[%dma_wait3A_2101] : memref<13312xi32, #tpu.memory_space<vmem>> -> memref<512xi32, #tpu.memory_space<vmem>>
    %dma_wait3A_2103 = arith.constant 0 : i32
    %dma_wait3A_2104 = tpu.memref_slice %arg2[%dma_wait3A_2095, %add3A, %dma_wait3A_2103] : memref<26x32x512xi32, #tpu.memory_space<hbm>> -> memref<1x1x512xi32, #tpu.memory_space<hbm>>
    %dma_wait3A_2105 = tpu.memref_squeeze %dma_wait3A_2104 : memref<1x1x512xi32, #tpu.memory_space<hbm>> -> memref<512xi32, #tpu.memory_space<hbm>>
    tpu.wait_dma2 semaphore(%arg35 : memref<!tpu.dma_semaphore, #tpu.memory_space<semaphore_mem>>) src(%dma_wait3A_2105 : memref<512xi32, #tpu.memory_space<hbm>>) dst(%dma_wait3A_2102 : memref<512xi32, #tpu.memory_space<vmem>>)
    %dma_start3A_2106 = arith.constant 9216 : i32
    %dma_start3A_2107 = tpu.memref_slice %arg33[%dma_start3A_2106] : memref<13312xf32, #tpu.memory_space<vmem>> -> memref<128xf32, #tpu.memory_space<vmem>>
    %dma_start3A_2108 = arith.constant 9216 : i32
    %dma_start3A_2109 = tpu.memref_slice %arg32[%dma_start3A_2108] : memref<13312xi32, #tpu.memory_space<vmem>> -> memref<128xi32, #tpu.memory_space<vmem>>
    %dma_start3A_2110 = arith.constant 0 : i32
    %dma_start3A_2111 = tpu.memref_slice %arg21[%dma_start3A_2110] : memref<1000000xf32, #tpu.memory_space<hbm>> -> memref<1000000xf32, #tpu.memory_space<hbm>>
    tpu.enqueue_indirect_dma source(%dma_start3A_2111 : memref<1000000xf32, #tpu.memory_space<hbm>>) target(%dma_start3A_2107 : memref<128xf32, #tpu.memory_space<vmem>>) offsets(%dma_start3A_2109 : memref<128xi32, #tpu.memory_space<vmem>>) semaphore(%arg36 : memref<!tpu.dma_semaphore, #tpu.memory_space<semaphore_mem>>)
    %dma_start3A_2112 = arith.constant 9344 : i32
    %dma_start3A_2113 = tpu.memref_slice %arg33[%dma_start3A_2112] : memref<13312xf32, #tpu.memory_space<vmem>> -> memref<128xf32, #tpu.memory_space<vmem>>
    %dma_start3A_2114 = arith.constant 9344 : i32
    %dma_start3A_2115 = tpu.memref_slice %arg32[%dma_start3A_2114] : memref<13312xi32, #tpu.memory_space<vmem>> -> memref<128xi32, #tpu.memory_space<vmem>>
    %dma_start3A_2116 = arith.constant 0 : i32
    %dma_start3A_2117 = tpu.memref_slice %arg21[%dma_start3A_2116] : memref<1000000xf32, #tpu.memory_space<hbm>> -> memref<1000000xf32, #tpu.memory_space<hbm>>
    tpu.enqueue_indirect_dma source(%dma_start3A_2117 : memref<1000000xf32, #tpu.memory_space<hbm>>) target(%dma_start3A_2113 : memref<128xf32, #tpu.memory_space<vmem>>) offsets(%dma_start3A_2115 : memref<128xi32, #tpu.memory_space<vmem>>) semaphore(%arg36 : memref<!tpu.dma_semaphore, #tpu.memory_space<semaphore_mem>>)
    %dma_start3A_2118 = arith.constant 9472 : i32
    %dma_start3A_2119 = tpu.memref_slice %arg33[%dma_start3A_2118] : memref<13312xf32, #tpu.memory_space<vmem>> -> memref<128xf32, #tpu.memory_space<vmem>>
    %dma_start3A_2120 = arith.constant 9472 : i32
    %dma_start3A_2121 = tpu.memref_slice %arg32[%dma_start3A_2120] : memref<13312xi32, #tpu.memory_space<vmem>> -> memref<128xi32, #tpu.memory_space<vmem>>
    %dma_start3A_2122 = arith.constant 0 : i32
    %dma_start3A_2123 = tpu.memref_slice %arg21[%dma_start3A_2122] : memref<1000000xf32, #tpu.memory_space<hbm>> -> memref<1000000xf32, #tpu.memory_space<hbm>>
    tpu.enqueue_indirect_dma source(%dma_start3A_2123 : memref<1000000xf32, #tpu.memory_space<hbm>>) target(%dma_start3A_2119 : memref<128xf32, #tpu.memory_space<vmem>>) offsets(%dma_start3A_2121 : memref<128xi32, #tpu.memory_space<vmem>>) semaphore(%arg36 : memref<!tpu.dma_semaphore, #tpu.memory_space<semaphore_mem>>)
    %dma_start3A_2124 = arith.constant 9600 : i32
    %dma_start3A_2125 = tpu.memref_slice %arg33[%dma_start3A_2124] : memref<13312xf32, #tpu.memory_space<vmem>> -> memref<128xf32, #tpu.memory_space<vmem>>
    %dma_start3A_2126 = arith.constant 9600 : i32
    %dma_start3A_2127 = tpu.memref_slice %arg32[%dma_start3A_2126] : memref<13312xi32, #tpu.memory_space<vmem>> -> memref<128xi32, #tpu.memory_space<vmem>>
    %dma_start3A_2128 = arith.constant 0 : i32
    %dma_start3A_2129 = tpu.memref_slice %arg21[%dma_start3A_2128] : memref<1000000xf32, #tpu.memory_space<hbm>> -> memref<1000000xf32, #tpu.memory_space<hbm>>
    tpu.enqueue_indirect_dma source(%dma_start3A_2129 : memref<1000000xf32, #tpu.memory_space<hbm>>) target(%dma_start3A_2125 : memref<128xf32, #tpu.memory_space<vmem>>) offsets(%dma_start3A_2127 : memref<128xi32, #tpu.memory_space<vmem>>) semaphore(%arg36 : memref<!tpu.dma_semaphore, #tpu.memory_space<semaphore_mem>>)
    %dma_wait3A_2130 = arith.constant 8704 : i32
    %dma_wait3A_2131 = tpu.memref_slice %arg33[%dma_wait3A_2130] : memref<13312xf32, #tpu.memory_space<vmem>> -> memref<128xf32, #tpu.memory_space<vmem>>
    %dma_wait3A_2132 = arith.constant 8704 : i32
    %dma_wait3A_2133 = tpu.memref_slice %arg32[%dma_wait3A_2132] : memref<13312xi32, #tpu.memory_space<vmem>> -> memref<128xi32, #tpu.memory_space<vmem>>
    %dma_wait3A_2134 = arith.constant 0 : i32
    %dma_wait3A_2135 = tpu.memref_slice %arg20[%dma_wait3A_2134] : memref<1000000xf32, #tpu.memory_space<hbm>> -> memref<1000000xf32, #tpu.memory_space<hbm>>
    tpu.wait_indirect_dma semaphore(%arg37 : memref<!tpu.dma_semaphore, #tpu.memory_space<semaphore_mem>>) src(%dma_wait3A_2135 : memref<1000000xf32, #tpu.memory_space<hbm>>) dst(%dma_wait3A_2131 : memref<128xf32, #tpu.memory_space<vmem>>)
    %dma_wait3A_2136 = arith.constant 8832 : i32
    %dma_wait3A_2137 = tpu.memref_slice %arg33[%dma_wait3A_2136] : memref<13312xf32, #tpu.memory_space<vmem>> -> memref<128xf32, #tpu.memory_space<vmem>>
    %dma_wait3A_2138 = arith.constant 8832 : i32
    %dma_wait3A_2139 = tpu.memref_slice %arg32[%dma_wait3A_2138] : memref<13312xi32, #tpu.memory_space<vmem>> -> memref<128xi32, #tpu.memory_space<vmem>>
    %dma_wait3A_2140 = arith.constant 0 : i32
    %dma_wait3A_2141 = tpu.memref_slice %arg20[%dma_wait3A_2140] : memref<1000000xf32, #tpu.memory_space<hbm>> -> memref<1000000xf32, #tpu.memory_space<hbm>>
    tpu.wait_indirect_dma semaphore(%arg37 : memref<!tpu.dma_semaphore, #tpu.memory_space<semaphore_mem>>) src(%dma_wait3A_2141 : memref<1000000xf32, #tpu.memory_space<hbm>>) dst(%dma_wait3A_2137 : memref<128xf32, #tpu.memory_space<vmem>>)
    %dma_wait3A_2142 = arith.constant 8960 : i32
    %dma_wait3A_2143 = tpu.memref_slice %arg33[%dma_wait3A_2142] : memref<13312xf32, #tpu.memory_space<vmem>> -> memref<128xf32, #tpu.memory_space<vmem>>
    %dma_wait3A_2144 = arith.constant 8960 : i32
    %dma_wait3A_2145 = tpu.memref_slice %arg32[%dma_wait3A_2144] : memref<13312xi32, #tpu.memory_space<vmem>> -> memref<128xi32, #tpu.memory_space<vmem>>
    %dma_wait3A_2146 = arith.constant 0 : i32
    %dma_wait3A_2147 = tpu.memref_slice %arg20[%dma_wait3A_2146] : memref<1000000xf32, #tpu.memory_space<hbm>> -> memref<1000000xf32, #tpu.memory_space<hbm>>
    tpu.wait_indirect_dma semaphore(%arg37 : memref<!tpu.dma_semaphore, #tpu.memory_space<semaphore_mem>>) src(%dma_wait3A_2147 : memref<1000000xf32, #tpu.memory_space<hbm>>) dst(%dma_wait3A_2143 : memref<128xf32, #tpu.memory_space<vmem>>)
    %dma_wait3A_2148 = arith.constant 9088 : i32
    %dma_wait3A_2149 = tpu.memref_slice %arg33[%dma_wait3A_2148] : memref<13312xf32, #tpu.memory_space<vmem>> -> memref<128xf32, #tpu.memory_space<vmem>>
    %dma_wait3A_2150 = arith.constant 9088 : i32
    %dma_wait3A_2151 = tpu.memref_slice %arg32[%dma_wait3A_2150] : memref<13312xi32, #tpu.memory_space<vmem>> -> memref<128xi32, #tpu.memory_space<vmem>>
    %dma_wait3A_2152 = arith.constant 0 : i32
    %dma_wait3A_2153 = tpu.memref_slice %arg20[%dma_wait3A_2152] : memref<1000000xf32, #tpu.memory_space<hbm>> -> memref<1000000xf32, #tpu.memory_space<hbm>>
    tpu.wait_indirect_dma semaphore(%arg37 : memref<!tpu.dma_semaphore, #tpu.memory_space<semaphore_mem>>) src(%dma_wait3A_2153 : memref<1000000xf32, #tpu.memory_space<hbm>>) dst(%dma_wait3A_2149 : memref<128xf32, #tpu.memory_space<vmem>>)
    %get3A_2154 = arith.constant 17 : i32
    %get3A_2155 = arith.index_cast %get3A_2154 : i32 to index
    %get3A_2156 = arith.constant 0 : index
    %get3A_2157 = tpu.vector_load %arg31[%get3A_2155, %get3A_2156] {strides = array<i32>} : memref<26x16xf32, #tpu.memory_space<vmem>>, vector<1x16xf32>,
    %get3A_2158 = vector.shape_cast %get3A_2157 : vector<1x16xf32> to vector<16xf32>
    %scan3A_2159 = arith.constant 0 : i32
    %scan3A_2160 = arith.constant 0 : i32
    %scan3A_2161 = arith.constant 32 : i32
    %scan3A_2162 = arith.addi %scan3A_2160, %scan3A_2161 : i32
    %scan3A_2163 = arith.constant 1 : i32
    %scan3A_2164 = scf.for %scan3A_2699 = %scan3A_2160 to %scan3A_2162 step %scan3A_2163 iter_args(%scan3A_2700 = %scan3A_2159) -> (i32)  : i32 {
      %mul3A_2701 = arith.constant 16 : i32
      %mul3A_2702 = arith.muli %scan3A_2699, %mul3A_2701 : i32
      %get3A_2703 = arith.index_cast %mul3A_2702 : i32 to index
      %get3A_2704 = tpu.vector_load %arg34[%get3A_2703] {strides = array<i32>} : memref<512xf32, #tpu.memory_space<vmem>>, vector<16xf32>,
      %get3A_2705 = vector.shape_cast %get3A_2704 : vector<16xf32> to vector<16xf32>
      %mul3A_2706 = arith.constant 16 : i32
      %mul3A_2707 = arith.muli %scan3A_2699, %mul3A_2706 : i32
      %add3A_2708 = arith.constant 8704 : i32
      %add3A_2709 = arith.addi %add3A_2708, %mul3A_2707 : i32
      %get3A_2710 = arith.index_cast %add3A_2709 : i32 to index
      %get3A_2711 = tpu.vector_load %arg33[%get3A_2710] {strides = array<i32>} : memref<13312xf32, #tpu.memory_space<vmem>>, vector<16xf32>,
      %get3A_2712 = vector.shape_cast %get3A_2711 : vector<16xf32> to vector<16xf32>
      %mul3A_2713 = arith.mulf %get3A_2712, %get3A_2158 : vector<16xf32>
      %add3A_2714 = arith.addf %get3A_2705, %mul3A_2713 : vector<16xf32>
      %swap3A_2715 = arith.index_cast %mul3A_2702 : i32 to index
      %swap3A_2716 = tpu.vector_load %arg34[%swap3A_2715] {strides = array<i32>} : memref<512xf32, #tpu.memory_space<vmem>>, vector<16xf32>,
      %swap3A_2717 = vector.shape_cast %swap3A_2716 : vector<16xf32> to vector<16xf32>
      %swap3A_2718 = vector.shape_cast %add3A_2714 : vector<16xf32> to vector<16xf32>
      tpu.vector_store %arg34[%swap3A_2715], %swap3A_2718 {strides = array<i32>} : memref<512xf32, #tpu.memory_space<vmem>>, vector<16xf32>,
      %scan3A_2719 = arith.constant 0 : i32
      scf.yield %scan3A_2719 : i32
    }
    %scan3A_2165 = arith.constant 32 : i32
    %dma_wait3A_2166 = arith.constant 19 : i32
    %dma_wait3A_2167 = arith.constant 9728 : i32
    %dma_wait3A_2168 = tpu.memref_slice %arg32[%dma_wait3A_2167] : memref<13312xi32, #tpu.memory_space<vmem>> -> memref<512xi32, #tpu.memory_space<vmem>>
    %dma_wait3A_2169 = arith.constant 0 : i32
    %dma_wait3A_2170 = tpu.memref_slice %arg2[%dma_wait3A_2166, %add3A, %dma_wait3A_2169] : memref<26x32x512xi32, #tpu.memory_space<hbm>> -> memref<1x1x512xi32, #tpu.memory_space<hbm>>
    %dma_wait3A_2171 = tpu.memref_squeeze %dma_wait3A_2170 : memref<1x1x512xi32, #tpu.memory_space<hbm>> -> memref<512xi32, #tpu.memory_space<hbm>>
    %dma_wait3A_2172 = arith.constant 9728 : i32
    %dma_wait3A_2173 = tpu.memref_slice %arg32[%dma_wait3A_2172] : memref<13312xi32, #tpu.memory_space<vmem>> -> memref<512xi32, #tpu.memory_space<vmem>>
    %dma_wait3A_2174 = arith.constant 0 : i32
    %dma_wait3A_2175 = tpu.memref_slice %arg2[%dma_wait3A_2166, %add3A, %dma_wait3A_2174] : memref<26x32x512xi32, #tpu.memory_space<hbm>> -> memref<1x1x512xi32, #tpu.memory_space<hbm>>
    %dma_wait3A_2176 = tpu.memref_squeeze %dma_wait3A_2175 : memref<1x1x512xi32, #tpu.memory_space<hbm>> -> memref<512xi32, #tpu.memory_space<hbm>>
    tpu.wait_dma2 semaphore(%arg35 : memref<!tpu.dma_semaphore, #tpu.memory_space<semaphore_mem>>) src(%dma_wait3A_2176 : memref<512xi32, #tpu.memory_space<hbm>>) dst(%dma_wait3A_2173 : memref<512xi32, #tpu.memory_space<vmem>>)
    %dma_start3A_2177 = arith.constant 9728 : i32
    %dma_start3A_2178 = tpu.memref_slice %arg33[%dma_start3A_2177] : memref<13312xf32, #tpu.memory_space<vmem>> -> memref<128xf32, #tpu.memory_space<vmem>>
    %dma_start3A_2179 = arith.constant 9728 : i32
    %dma_start3A_2180 = tpu.memref_slice %arg32[%dma_start3A_2179] : memref<13312xi32, #tpu.memory_space<vmem>> -> memref<128xi32, #tpu.memory_space<vmem>>
    %dma_start3A_2181 = arith.constant 0 : i32
    %dma_start3A_2182 = tpu.memref_slice %arg22[%dma_start3A_2181] : memref<1000000xf32, #tpu.memory_space<hbm>> -> memref<1000000xf32, #tpu.memory_space<hbm>>
    tpu.enqueue_indirect_dma source(%dma_start3A_2182 : memref<1000000xf32, #tpu.memory_space<hbm>>) target(%dma_start3A_2178 : memref<128xf32, #tpu.memory_space<vmem>>) offsets(%dma_start3A_2180 : memref<128xi32, #tpu.memory_space<vmem>>) semaphore(%arg37 : memref<!tpu.dma_semaphore, #tpu.memory_space<semaphore_mem>>)
    %dma_start3A_2183 = arith.constant 9856 : i32
    %dma_start3A_2184 = tpu.memref_slice %arg33[%dma_start3A_2183] : memref<13312xf32, #tpu.memory_space<vmem>> -> memref<128xf32, #tpu.memory_space<vmem>>
    %dma_start3A_2185 = arith.constant 9856 : i32
    %dma_start3A_2186 = tpu.memref_slice %arg32[%dma_start3A_2185] : memref<13312xi32, #tpu.memory_space<vmem>> -> memref<128xi32, #tpu.memory_space<vmem>>
    %dma_start3A_2187 = arith.constant 0 : i32
    %dma_start3A_2188 = tpu.memref_slice %arg22[%dma_start3A_2187] : memref<1000000xf32, #tpu.memory_space<hbm>> -> memref<1000000xf32, #tpu.memory_space<hbm>>
    tpu.enqueue_indirect_dma source(%dma_start3A_2188 : memref<1000000xf32, #tpu.memory_space<hbm>>) target(%dma_start3A_2184 : memref<128xf32, #tpu.memory_space<vmem>>) offsets(%dma_start3A_2186 : memref<128xi32, #tpu.memory_space<vmem>>) semaphore(%arg37 : memref<!tpu.dma_semaphore, #tpu.memory_space<semaphore_mem>>)
    %dma_start3A_2189 = arith.constant 9984 : i32
    %dma_start3A_2190 = tpu.memref_slice %arg33[%dma_start3A_2189] : memref<13312xf32, #tpu.memory_space<vmem>> -> memref<128xf32, #tpu.memory_space<vmem>>
    %dma_start3A_2191 = arith.constant 9984 : i32
    %dma_start3A_2192 = tpu.memref_slice %arg32[%dma_start3A_2191] : memref<13312xi32, #tpu.memory_space<vmem>> -> memref<128xi32, #tpu.memory_space<vmem>>
    %dma_start3A_2193 = arith.constant 0 : i32
    %dma_start3A_2194 = tpu.memref_slice %arg22[%dma_start3A_2193] : memref<1000000xf32, #tpu.memory_space<hbm>> -> memref<1000000xf32, #tpu.memory_space<hbm>>
    tpu.enqueue_indirect_dma source(%dma_start3A_2194 : memref<1000000xf32, #tpu.memory_space<hbm>>) target(%dma_start3A_2190 : memref<128xf32, #tpu.memory_space<vmem>>) offsets(%dma_start3A_2192 : memref<128xi32, #tpu.memory_space<vmem>>) semaphore(%arg37 : memref<!tpu.dma_semaphore, #tpu.memory_space<semaphore_mem>>)
    %dma_start3A_2195 = arith.constant 10112 : i32
    %dma_start3A_2196 = tpu.memref_slice %arg33[%dma_start3A_2195] : memref<13312xf32, #tpu.memory_space<vmem>> -> memref<128xf32, #tpu.memory_space<vmem>>
    %dma_start3A_2197 = arith.constant 10112 : i32
    %dma_start3A_2198 = tpu.memref_slice %arg32[%dma_start3A_2197] : memref<13312xi32, #tpu.memory_space<vmem>> -> memref<128xi32, #tpu.memory_space<vmem>>
    %dma_start3A_2199 = arith.constant 0 : i32
    %dma_start3A_2200 = tpu.memref_slice %arg22[%dma_start3A_2199] : memref<1000000xf32, #tpu.memory_space<hbm>> -> memref<1000000xf32, #tpu.memory_space<hbm>>
    tpu.enqueue_indirect_dma source(%dma_start3A_2200 : memref<1000000xf32, #tpu.memory_space<hbm>>) target(%dma_start3A_2196 : memref<128xf32, #tpu.memory_space<vmem>>) offsets(%dma_start3A_2198 : memref<128xi32, #tpu.memory_space<vmem>>) semaphore(%arg37 : memref<!tpu.dma_semaphore, #tpu.memory_space<semaphore_mem>>)
    %dma_wait3A_2201 = arith.constant 9216 : i32
    %dma_wait3A_2202 = tpu.memref_slice %arg33[%dma_wait3A_2201] : memref<13312xf32, #tpu.memory_space<vmem>> -> memref<128xf32, #tpu.memory_space<vmem>>
    %dma_wait3A_2203 = arith.constant 9216 : i32
    %dma_wait3A_2204 = tpu.memref_slice %arg32[%dma_wait3A_2203] : memref<13312xi32, #tpu.memory_space<vmem>> -> memref<128xi32, #tpu.memory_space<vmem>>
    %dma_wait3A_2205 = arith.constant 0 : i32
    %dma_wait3A_2206 = tpu.memref_slice %arg21[%dma_wait3A_2205] : memref<1000000xf32, #tpu.memory_space<hbm>> -> memref<1000000xf32, #tpu.memory_space<hbm>>
    tpu.wait_indirect_dma semaphore(%arg36 : memref<!tpu.dma_semaphore, #tpu.memory_space<semaphore_mem>>) src(%dma_wait3A_2206 : memref<1000000xf32, #tpu.memory_space<hbm>>) dst(%dma_wait3A_2202 : memref<128xf32, #tpu.memory_space<vmem>>)
    %dma_wait3A_2207 = arith.constant 9344 : i32
    %dma_wait3A_2208 = tpu.memref_slice %arg33[%dma_wait3A_2207] : memref<13312xf32, #tpu.memory_space<vmem>> -> memref<128xf32, #tpu.memory_space<vmem>>
    %dma_wait3A_2209 = arith.constant 9344 : i32
    %dma_wait3A_2210 = tpu.memref_slice %arg32[%dma_wait3A_2209] : memref<13312xi32, #tpu.memory_space<vmem>> -> memref<128xi32, #tpu.memory_space<vmem>>
    %dma_wait3A_2211 = arith.constant 0 : i32
    %dma_wait3A_2212 = tpu.memref_slice %arg21[%dma_wait3A_2211] : memref<1000000xf32, #tpu.memory_space<hbm>> -> memref<1000000xf32, #tpu.memory_space<hbm>>
    tpu.wait_indirect_dma semaphore(%arg36 : memref<!tpu.dma_semaphore, #tpu.memory_space<semaphore_mem>>) src(%dma_wait3A_2212 : memref<1000000xf32, #tpu.memory_space<hbm>>) dst(%dma_wait3A_2208 : memref<128xf32, #tpu.memory_space<vmem>>)
    %dma_wait3A_2213 = arith.constant 9472 : i32
    %dma_wait3A_2214 = tpu.memref_slice %arg33[%dma_wait3A_2213] : memref<13312xf32, #tpu.memory_space<vmem>> -> memref<128xf32, #tpu.memory_space<vmem>>
    %dma_wait3A_2215 = arith.constant 9472 : i32
    %dma_wait3A_2216 = tpu.memref_slice %arg32[%dma_wait3A_2215] : memref<13312xi32, #tpu.memory_space<vmem>> -> memref<128xi32, #tpu.memory_space<vmem>>
    %dma_wait3A_2217 = arith.constant 0 : i32
    %dma_wait3A_2218 = tpu.memref_slice %arg21[%dma_wait3A_2217] : memref<1000000xf32, #tpu.memory_space<hbm>> -> memref<1000000xf32, #tpu.memory_space<hbm>>
    tpu.wait_indirect_dma semaphore(%arg36 : memref<!tpu.dma_semaphore, #tpu.memory_space<semaphore_mem>>) src(%dma_wait3A_2218 : memref<1000000xf32, #tpu.memory_space<hbm>>) dst(%dma_wait3A_2214 : memref<128xf32, #tpu.memory_space<vmem>>)
    %dma_wait3A_2219 = arith.constant 9600 : i32
    %dma_wait3A_2220 = tpu.memref_slice %arg33[%dma_wait3A_2219] : memref<13312xf32, #tpu.memory_space<vmem>> -> memref<128xf32, #tpu.memory_space<vmem>>
    %dma_wait3A_2221 = arith.constant 9600 : i32
    %dma_wait3A_2222 = tpu.memref_slice %arg32[%dma_wait3A_2221] : memref<13312xi32, #tpu.memory_space<vmem>> -> memref<128xi32, #tpu.memory_space<vmem>>
    %dma_wait3A_2223 = arith.constant 0 : i32
    %dma_wait3A_2224 = tpu.memref_slice %arg21[%dma_wait3A_2223] : memref<1000000xf32, #tpu.memory_space<hbm>> -> memref<1000000xf32, #tpu.memory_space<hbm>>
    tpu.wait_indirect_dma semaphore(%arg36 : memref<!tpu.dma_semaphore, #tpu.memory_space<semaphore_mem>>) src(%dma_wait3A_2224 : memref<1000000xf32, #tpu.memory_space<hbm>>) dst(%dma_wait3A_2220 : memref<128xf32, #tpu.memory_space<vmem>>)
    %get3A_2225 = arith.constant 18 : i32
    %get3A_2226 = arith.index_cast %get3A_2225 : i32 to index
    %get3A_2227 = arith.constant 0 : index
    %get3A_2228 = tpu.vector_load %arg31[%get3A_2226, %get3A_2227] {strides = array<i32>} : memref<26x16xf32, #tpu.memory_space<vmem>>, vector<1x16xf32>,
    %get3A_2229 = vector.shape_cast %get3A_2228 : vector<1x16xf32> to vector<16xf32>
    %scan3A_2230 = arith.constant 0 : i32
    %scan3A_2231 = arith.constant 0 : i32
    %scan3A_2232 = arith.constant 32 : i32
    %scan3A_2233 = arith.addi %scan3A_2231, %scan3A_2232 : i32
    %scan3A_2234 = arith.constant 1 : i32
    %scan3A_2235 = scf.for %scan3A_2699 = %scan3A_2231 to %scan3A_2233 step %scan3A_2234 iter_args(%scan3A_2700 = %scan3A_2230) -> (i32)  : i32 {
      %mul3A_2701 = arith.constant 16 : i32
      %mul3A_2702 = arith.muli %scan3A_2699, %mul3A_2701 : i32
      %get3A_2703 = arith.index_cast %mul3A_2702 : i32 to index
      %get3A_2704 = tpu.vector_load %arg34[%get3A_2703] {strides = array<i32>} : memref<512xf32, #tpu.memory_space<vmem>>, vector<16xf32>,
      %get3A_2705 = vector.shape_cast %get3A_2704 : vector<16xf32> to vector<16xf32>
      %mul3A_2706 = arith.constant 16 : i32
      %mul3A_2707 = arith.muli %scan3A_2699, %mul3A_2706 : i32
      %add3A_2708 = arith.constant 9216 : i32
      %add3A_2709 = arith.addi %add3A_2708, %mul3A_2707 : i32
      %get3A_2710 = arith.index_cast %add3A_2709 : i32 to index
      %get3A_2711 = tpu.vector_load %arg33[%get3A_2710] {strides = array<i32>} : memref<13312xf32, #tpu.memory_space<vmem>>, vector<16xf32>,
      %get3A_2712 = vector.shape_cast %get3A_2711 : vector<16xf32> to vector<16xf32>
      %mul3A_2713 = arith.mulf %get3A_2712, %get3A_2229 : vector<16xf32>
      %add3A_2714 = arith.addf %get3A_2705, %mul3A_2713 : vector<16xf32>
      %swap3A_2715 = arith.index_cast %mul3A_2702 : i32 to index
      %swap3A_2716 = tpu.vector_load %arg34[%swap3A_2715] {strides = array<i32>} : memref<512xf32, #tpu.memory_space<vmem>>, vector<16xf32>,
      %swap3A_2717 = vector.shape_cast %swap3A_2716 : vector<16xf32> to vector<16xf32>
      %swap3A_2718 = vector.shape_cast %add3A_2714 : vector<16xf32> to vector<16xf32>
      tpu.vector_store %arg34[%swap3A_2715], %swap3A_2718 {strides = array<i32>} : memref<512xf32, #tpu.memory_space<vmem>>, vector<16xf32>,
      %scan3A_2719 = arith.constant 0 : i32
      scf.yield %scan3A_2719 : i32
    }
    %scan3A_2236 = arith.constant 32 : i32
    %dma_wait3A_2237 = arith.constant 20 : i32
    %dma_wait3A_2238 = arith.constant 10240 : i32
    %dma_wait3A_2239 = tpu.memref_slice %arg32[%dma_wait3A_2238] : memref<13312xi32, #tpu.memory_space<vmem>> -> memref<512xi32, #tpu.memory_space<vmem>>
    %dma_wait3A_2240 = arith.constant 0 : i32
    %dma_wait3A_2241 = tpu.memref_slice %arg2[%dma_wait3A_2237, %add3A, %dma_wait3A_2240] : memref<26x32x512xi32, #tpu.memory_space<hbm>> -> memref<1x1x512xi32, #tpu.memory_space<hbm>>
    %dma_wait3A_2242 = tpu.memref_squeeze %dma_wait3A_2241 : memref<1x1x512xi32, #tpu.memory_space<hbm>> -> memref<512xi32, #tpu.memory_space<hbm>>
    %dma_wait3A_2243 = arith.constant 10240 : i32
    %dma_wait3A_2244 = tpu.memref_slice %arg32[%dma_wait3A_2243] : memref<13312xi32, #tpu.memory_space<vmem>> -> memref<512xi32, #tpu.memory_space<vmem>>
    %dma_wait3A_2245 = arith.constant 0 : i32
    %dma_wait3A_2246 = tpu.memref_slice %arg2[%dma_wait3A_2237, %add3A, %dma_wait3A_2245] : memref<26x32x512xi32, #tpu.memory_space<hbm>> -> memref<1x1x512xi32, #tpu.memory_space<hbm>>
    %dma_wait3A_2247 = tpu.memref_squeeze %dma_wait3A_2246 : memref<1x1x512xi32, #tpu.memory_space<hbm>> -> memref<512xi32, #tpu.memory_space<hbm>>
    tpu.wait_dma2 semaphore(%arg35 : memref<!tpu.dma_semaphore, #tpu.memory_space<semaphore_mem>>) src(%dma_wait3A_2247 : memref<512xi32, #tpu.memory_space<hbm>>) dst(%dma_wait3A_2244 : memref<512xi32, #tpu.memory_space<vmem>>)
    %dma_start3A_2248 = arith.constant 10240 : i32
    %dma_start3A_2249 = tpu.memref_slice %arg33[%dma_start3A_2248] : memref<13312xf32, #tpu.memory_space<vmem>> -> memref<128xf32, #tpu.memory_space<vmem>>
    %dma_start3A_2250 = arith.constant 10240 : i32
    %dma_start3A_2251 = tpu.memref_slice %arg32[%dma_start3A_2250] : memref<13312xi32, #tpu.memory_space<vmem>> -> memref<128xi32, #tpu.memory_space<vmem>>
    %dma_start3A_2252 = arith.constant 0 : i32
    %dma_start3A_2253 = tpu.memref_slice %arg23[%dma_start3A_2252] : memref<1000000xf32, #tpu.memory_space<hbm>> -> memref<1000000xf32, #tpu.memory_space<hbm>>
    tpu.enqueue_indirect_dma source(%dma_start3A_2253 : memref<1000000xf32, #tpu.memory_space<hbm>>) target(%dma_start3A_2249 : memref<128xf32, #tpu.memory_space<vmem>>) offsets(%dma_start3A_2251 : memref<128xi32, #tpu.memory_space<vmem>>) semaphore(%arg36 : memref<!tpu.dma_semaphore, #tpu.memory_space<semaphore_mem>>)
    %dma_start3A_2254 = arith.constant 10368 : i32
    %dma_start3A_2255 = tpu.memref_slice %arg33[%dma_start3A_2254] : memref<13312xf32, #tpu.memory_space<vmem>> -> memref<128xf32, #tpu.memory_space<vmem>>
    %dma_start3A_2256 = arith.constant 10368 : i32
    %dma_start3A_2257 = tpu.memref_slice %arg32[%dma_start3A_2256] : memref<13312xi32, #tpu.memory_space<vmem>> -> memref<128xi32, #tpu.memory_space<vmem>>
    %dma_start3A_2258 = arith.constant 0 : i32
    %dma_start3A_2259 = tpu.memref_slice %arg23[%dma_start3A_2258] : memref<1000000xf32, #tpu.memory_space<hbm>> -> memref<1000000xf32, #tpu.memory_space<hbm>>
    tpu.enqueue_indirect_dma source(%dma_start3A_2259 : memref<1000000xf32, #tpu.memory_space<hbm>>) target(%dma_start3A_2255 : memref<128xf32, #tpu.memory_space<vmem>>) offsets(%dma_start3A_2257 : memref<128xi32, #tpu.memory_space<vmem>>) semaphore(%arg36 : memref<!tpu.dma_semaphore, #tpu.memory_space<semaphore_mem>>)
    %dma_start3A_2260 = arith.constant 10496 : i32
    %dma_start3A_2261 = tpu.memref_slice %arg33[%dma_start3A_2260] : memref<13312xf32, #tpu.memory_space<vmem>> -> memref<128xf32, #tpu.memory_space<vmem>>
    %dma_start3A_2262 = arith.constant 10496 : i32
    %dma_start3A_2263 = tpu.memref_slice %arg32[%dma_start3A_2262] : memref<13312xi32, #tpu.memory_space<vmem>> -> memref<128xi32, #tpu.memory_space<vmem>>
    %dma_start3A_2264 = arith.constant 0 : i32
    %dma_start3A_2265 = tpu.memref_slice %arg23[%dma_start3A_2264] : memref<1000000xf32, #tpu.memory_space<hbm>> -> memref<1000000xf32, #tpu.memory_space<hbm>>
    tpu.enqueue_indirect_dma source(%dma_start3A_2265 : memref<1000000xf32, #tpu.memory_space<hbm>>) target(%dma_start3A_2261 : memref<128xf32, #tpu.memory_space<vmem>>) offsets(%dma_start3A_2263 : memref<128xi32, #tpu.memory_space<vmem>>) semaphore(%arg36 : memref<!tpu.dma_semaphore, #tpu.memory_space<semaphore_mem>>)
    %dma_start3A_2266 = arith.constant 10624 : i32
    %dma_start3A_2267 = tpu.memref_slice %arg33[%dma_start3A_2266] : memref<13312xf32, #tpu.memory_space<vmem>> -> memref<128xf32, #tpu.memory_space<vmem>>
    %dma_start3A_2268 = arith.constant 10624 : i32
    %dma_start3A_2269 = tpu.memref_slice %arg32[%dma_start3A_2268] : memref<13312xi32, #tpu.memory_space<vmem>> -> memref<128xi32, #tpu.memory_space<vmem>>
    %dma_start3A_2270 = arith.constant 0 : i32
    %dma_start3A_2271 = tpu.memref_slice %arg23[%dma_start3A_2270] : memref<1000000xf32, #tpu.memory_space<hbm>> -> memref<1000000xf32, #tpu.memory_space<hbm>>
    tpu.enqueue_indirect_dma source(%dma_start3A_2271 : memref<1000000xf32, #tpu.memory_space<hbm>>) target(%dma_start3A_2267 : memref<128xf32, #tpu.memory_space<vmem>>) offsets(%dma_start3A_2269 : memref<128xi32, #tpu.memory_space<vmem>>) semaphore(%arg36 : memref<!tpu.dma_semaphore, #tpu.memory_space<semaphore_mem>>)
    %dma_wait3A_2272 = arith.constant 9728 : i32
    %dma_wait3A_2273 = tpu.memref_slice %arg33[%dma_wait3A_2272] : memref<13312xf32, #tpu.memory_space<vmem>> -> memref<128xf32, #tpu.memory_space<vmem>>
    %dma_wait3A_2274 = arith.constant 9728 : i32
    %dma_wait3A_2275 = tpu.memref_slice %arg32[%dma_wait3A_2274] : memref<13312xi32, #tpu.memory_space<vmem>> -> memref<128xi32, #tpu.memory_space<vmem>>
    %dma_wait3A_2276 = arith.constant 0 : i32
    %dma_wait3A_2277 = tpu.memref_slice %arg22[%dma_wait3A_2276] : memref<1000000xf32, #tpu.memory_space<hbm>> -> memref<1000000xf32, #tpu.memory_space<hbm>>
    tpu.wait_indirect_dma semaphore(%arg37 : memref<!tpu.dma_semaphore, #tpu.memory_space<semaphore_mem>>) src(%dma_wait3A_2277 : memref<1000000xf32, #tpu.memory_space<hbm>>) dst(%dma_wait3A_2273 : memref<128xf32, #tpu.memory_space<vmem>>)
    %dma_wait3A_2278 = arith.constant 9856 : i32
    %dma_wait3A_2279 = tpu.memref_slice %arg33[%dma_wait3A_2278] : memref<13312xf32, #tpu.memory_space<vmem>> -> memref<128xf32, #tpu.memory_space<vmem>>
    %dma_wait3A_2280 = arith.constant 9856 : i32
    %dma_wait3A_2281 = tpu.memref_slice %arg32[%dma_wait3A_2280] : memref<13312xi32, #tpu.memory_space<vmem>> -> memref<128xi32, #tpu.memory_space<vmem>>
    %dma_wait3A_2282 = arith.constant 0 : i32
    %dma_wait3A_2283 = tpu.memref_slice %arg22[%dma_wait3A_2282] : memref<1000000xf32, #tpu.memory_space<hbm>> -> memref<1000000xf32, #tpu.memory_space<hbm>>
    tpu.wait_indirect_dma semaphore(%arg37 : memref<!tpu.dma_semaphore, #tpu.memory_space<semaphore_mem>>) src(%dma_wait3A_2283 : memref<1000000xf32, #tpu.memory_space<hbm>>) dst(%dma_wait3A_2279 : memref<128xf32, #tpu.memory_space<vmem>>)
    %dma_wait3A_2284 = arith.constant 9984 : i32
    %dma_wait3A_2285 = tpu.memref_slice %arg33[%dma_wait3A_2284] : memref<13312xf32, #tpu.memory_space<vmem>> -> memref<128xf32, #tpu.memory_space<vmem>>
    %dma_wait3A_2286 = arith.constant 9984 : i32
    %dma_wait3A_2287 = tpu.memref_slice %arg32[%dma_wait3A_2286] : memref<13312xi32, #tpu.memory_space<vmem>> -> memref<128xi32, #tpu.memory_space<vmem>>
    %dma_wait3A_2288 = arith.constant 0 : i32
    %dma_wait3A_2289 = tpu.memref_slice %arg22[%dma_wait3A_2288] : memref<1000000xf32, #tpu.memory_space<hbm>> -> memref<1000000xf32, #tpu.memory_space<hbm>>
    tpu.wait_indirect_dma semaphore(%arg37 : memref<!tpu.dma_semaphore, #tpu.memory_space<semaphore_mem>>) src(%dma_wait3A_2289 : memref<1000000xf32, #tpu.memory_space<hbm>>) dst(%dma_wait3A_2285 : memref<128xf32, #tpu.memory_space<vmem>>)
    %dma_wait3A_2290 = arith.constant 10112 : i32
    %dma_wait3A_2291 = tpu.memref_slice %arg33[%dma_wait3A_2290] : memref<13312xf32, #tpu.memory_space<vmem>> -> memref<128xf32, #tpu.memory_space<vmem>>
    %dma_wait3A_2292 = arith.constant 10112 : i32
    %dma_wait3A_2293 = tpu.memref_slice %arg32[%dma_wait3A_2292] : memref<13312xi32, #tpu.memory_space<vmem>> -> memref<128xi32, #tpu.memory_space<vmem>>
    %dma_wait3A_2294 = arith.constant 0 : i32
    %dma_wait3A_2295 = tpu.memref_slice %arg22[%dma_wait3A_2294] : memref<1000000xf32, #tpu.memory_space<hbm>> -> memref<1000000xf32, #tpu.memory_space<hbm>>
    tpu.wait_indirect_dma semaphore(%arg37 : memref<!tpu.dma_semaphore, #tpu.memory_space<semaphore_mem>>) src(%dma_wait3A_2295 : memref<1000000xf32, #tpu.memory_space<hbm>>) dst(%dma_wait3A_2291 : memref<128xf32, #tpu.memory_space<vmem>>)
    %get3A_2296 = arith.constant 19 : i32
    %get3A_2297 = arith.index_cast %get3A_2296 : i32 to index
    %get3A_2298 = arith.constant 0 : index
    %get3A_2299 = tpu.vector_load %arg31[%get3A_2297, %get3A_2298] {strides = array<i32>} : memref<26x16xf32, #tpu.memory_space<vmem>>, vector<1x16xf32>,
    %get3A_2300 = vector.shape_cast %get3A_2299 : vector<1x16xf32> to vector<16xf32>
    %scan3A_2301 = arith.constant 0 : i32
    %scan3A_2302 = arith.constant 0 : i32
    %scan3A_2303 = arith.constant 32 : i32
    %scan3A_2304 = arith.addi %scan3A_2302, %scan3A_2303 : i32
    %scan3A_2305 = arith.constant 1 : i32
    %scan3A_2306 = scf.for %scan3A_2699 = %scan3A_2302 to %scan3A_2304 step %scan3A_2305 iter_args(%scan3A_2700 = %scan3A_2301) -> (i32)  : i32 {
      %mul3A_2701 = arith.constant 16 : i32
      %mul3A_2702 = arith.muli %scan3A_2699, %mul3A_2701 : i32
      %get3A_2703 = arith.index_cast %mul3A_2702 : i32 to index
      %get3A_2704 = tpu.vector_load %arg34[%get3A_2703] {strides = array<i32>} : memref<512xf32, #tpu.memory_space<vmem>>, vector<16xf32>,
      %get3A_2705 = vector.shape_cast %get3A_2704 : vector<16xf32> to vector<16xf32>
      %mul3A_2706 = arith.constant 16 : i32
      %mul3A_2707 = arith.muli %scan3A_2699, %mul3A_2706 : i32
      %add3A_2708 = arith.constant 9728 : i32
      %add3A_2709 = arith.addi %add3A_2708, %mul3A_2707 : i32
      %get3A_2710 = arith.index_cast %add3A_2709 : i32 to index
      %get3A_2711 = tpu.vector_load %arg33[%get3A_2710] {strides = array<i32>} : memref<13312xf32, #tpu.memory_space<vmem>>, vector<16xf32>,
      %get3A_2712 = vector.shape_cast %get3A_2711 : vector<16xf32> to vector<16xf32>
      %mul3A_2713 = arith.mulf %get3A_2712, %get3A_2300 : vector<16xf32>
      %add3A_2714 = arith.addf %get3A_2705, %mul3A_2713 : vector<16xf32>
      %swap3A_2715 = arith.index_cast %mul3A_2702 : i32 to index
      %swap3A_2716 = tpu.vector_load %arg34[%swap3A_2715] {strides = array<i32>} : memref<512xf32, #tpu.memory_space<vmem>>, vector<16xf32>,
      %swap3A_2717 = vector.shape_cast %swap3A_2716 : vector<16xf32> to vector<16xf32>
      %swap3A_2718 = vector.shape_cast %add3A_2714 : vector<16xf32> to vector<16xf32>
      tpu.vector_store %arg34[%swap3A_2715], %swap3A_2718 {strides = array<i32>} : memref<512xf32, #tpu.memory_space<vmem>>, vector<16xf32>,
      %scan3A_2719 = arith.constant 0 : i32
      scf.yield %scan3A_2719 : i32
    }
    %scan3A_2307 = arith.constant 32 : i32
    %dma_wait3A_2308 = arith.constant 21 : i32
    %dma_wait3A_2309 = arith.constant 10752 : i32
    %dma_wait3A_2310 = tpu.memref_slice %arg32[%dma_wait3A_2309] : memref<13312xi32, #tpu.memory_space<vmem>> -> memref<512xi32, #tpu.memory_space<vmem>>
    %dma_wait3A_2311 = arith.constant 0 : i32
    %dma_wait3A_2312 = tpu.memref_slice %arg2[%dma_wait3A_2308, %add3A, %dma_wait3A_2311] : memref<26x32x512xi32, #tpu.memory_space<hbm>> -> memref<1x1x512xi32, #tpu.memory_space<hbm>>
    %dma_wait3A_2313 = tpu.memref_squeeze %dma_wait3A_2312 : memref<1x1x512xi32, #tpu.memory_space<hbm>> -> memref<512xi32, #tpu.memory_space<hbm>>
    %dma_wait3A_2314 = arith.constant 10752 : i32
    %dma_wait3A_2315 = tpu.memref_slice %arg32[%dma_wait3A_2314] : memref<13312xi32, #tpu.memory_space<vmem>> -> memref<512xi32, #tpu.memory_space<vmem>>
    %dma_wait3A_2316 = arith.constant 0 : i32
    %dma_wait3A_2317 = tpu.memref_slice %arg2[%dma_wait3A_2308, %add3A, %dma_wait3A_2316] : memref<26x32x512xi32, #tpu.memory_space<hbm>> -> memref<1x1x512xi32, #tpu.memory_space<hbm>>
    %dma_wait3A_2318 = tpu.memref_squeeze %dma_wait3A_2317 : memref<1x1x512xi32, #tpu.memory_space<hbm>> -> memref<512xi32, #tpu.memory_space<hbm>>
    tpu.wait_dma2 semaphore(%arg35 : memref<!tpu.dma_semaphore, #tpu.memory_space<semaphore_mem>>) src(%dma_wait3A_2318 : memref<512xi32, #tpu.memory_space<hbm>>) dst(%dma_wait3A_2315 : memref<512xi32, #tpu.memory_space<vmem>>)
    %dma_start3A_2319 = arith.constant 10752 : i32
    %dma_start3A_2320 = tpu.memref_slice %arg33[%dma_start3A_2319] : memref<13312xf32, #tpu.memory_space<vmem>> -> memref<128xf32, #tpu.memory_space<vmem>>
    %dma_start3A_2321 = arith.constant 10752 : i32
    %dma_start3A_2322 = tpu.memref_slice %arg32[%dma_start3A_2321] : memref<13312xi32, #tpu.memory_space<vmem>> -> memref<128xi32, #tpu.memory_space<vmem>>
    %dma_start3A_2323 = arith.constant 0 : i32
    %dma_start3A_2324 = tpu.memref_slice %arg24[%dma_start3A_2323] : memref<1000000xf32, #tpu.memory_space<hbm>> -> memref<1000000xf32, #tpu.memory_space<hbm>>
    tpu.enqueue_indirect_dma source(%dma_start3A_2324 : memref<1000000xf32, #tpu.memory_space<hbm>>) target(%dma_start3A_2320 : memref<128xf32, #tpu.memory_space<vmem>>) offsets(%dma_start3A_2322 : memref<128xi32, #tpu.memory_space<vmem>>) semaphore(%arg37 : memref<!tpu.dma_semaphore, #tpu.memory_space<semaphore_mem>>)
    %dma_start3A_2325 = arith.constant 10880 : i32
    %dma_start3A_2326 = tpu.memref_slice %arg33[%dma_start3A_2325] : memref<13312xf32, #tpu.memory_space<vmem>> -> memref<128xf32, #tpu.memory_space<vmem>>
    %dma_start3A_2327 = arith.constant 10880 : i32
    %dma_start3A_2328 = tpu.memref_slice %arg32[%dma_start3A_2327] : memref<13312xi32, #tpu.memory_space<vmem>> -> memref<128xi32, #tpu.memory_space<vmem>>
    %dma_start3A_2329 = arith.constant 0 : i32
    %dma_start3A_2330 = tpu.memref_slice %arg24[%dma_start3A_2329] : memref<1000000xf32, #tpu.memory_space<hbm>> -> memref<1000000xf32, #tpu.memory_space<hbm>>
    tpu.enqueue_indirect_dma source(%dma_start3A_2330 : memref<1000000xf32, #tpu.memory_space<hbm>>) target(%dma_start3A_2326 : memref<128xf32, #tpu.memory_space<vmem>>) offsets(%dma_start3A_2328 : memref<128xi32, #tpu.memory_space<vmem>>) semaphore(%arg37 : memref<!tpu.dma_semaphore, #tpu.memory_space<semaphore_mem>>)
    %dma_start3A_2331 = arith.constant 11008 : i32
    %dma_start3A_2332 = tpu.memref_slice %arg33[%dma_start3A_2331] : memref<13312xf32, #tpu.memory_space<vmem>> -> memref<128xf32, #tpu.memory_space<vmem>>
    %dma_start3A_2333 = arith.constant 11008 : i32
    %dma_start3A_2334 = tpu.memref_slice %arg32[%dma_start3A_2333] : memref<13312xi32, #tpu.memory_space<vmem>> -> memref<128xi32, #tpu.memory_space<vmem>>
    %dma_start3A_2335 = arith.constant 0 : i32
    %dma_start3A_2336 = tpu.memref_slice %arg24[%dma_start3A_2335] : memref<1000000xf32, #tpu.memory_space<hbm>> -> memref<1000000xf32, #tpu.memory_space<hbm>>
    tpu.enqueue_indirect_dma source(%dma_start3A_2336 : memref<1000000xf32, #tpu.memory_space<hbm>>) target(%dma_start3A_2332 : memref<128xf32, #tpu.memory_space<vmem>>) offsets(%dma_start3A_2334 : memref<128xi32, #tpu.memory_space<vmem>>) semaphore(%arg37 : memref<!tpu.dma_semaphore, #tpu.memory_space<semaphore_mem>>)
    %dma_start3A_2337 = arith.constant 11136 : i32
    %dma_start3A_2338 = tpu.memref_slice %arg33[%dma_start3A_2337] : memref<13312xf32, #tpu.memory_space<vmem>> -> memref<128xf32, #tpu.memory_space<vmem>>
    %dma_start3A_2339 = arith.constant 11136 : i32
    %dma_start3A_2340 = tpu.memref_slice %arg32[%dma_start3A_2339] : memref<13312xi32, #tpu.memory_space<vmem>> -> memref<128xi32, #tpu.memory_space<vmem>>
    %dma_start3A_2341 = arith.constant 0 : i32
    %dma_start3A_2342 = tpu.memref_slice %arg24[%dma_start3A_2341] : memref<1000000xf32, #tpu.memory_space<hbm>> -> memref<1000000xf32, #tpu.memory_space<hbm>>
    tpu.enqueue_indirect_dma source(%dma_start3A_2342 : memref<1000000xf32, #tpu.memory_space<hbm>>) target(%dma_start3A_2338 : memref<128xf32, #tpu.memory_space<vmem>>) offsets(%dma_start3A_2340 : memref<128xi32, #tpu.memory_space<vmem>>) semaphore(%arg37 : memref<!tpu.dma_semaphore, #tpu.memory_space<semaphore_mem>>)
    %dma_wait3A_2343 = arith.constant 10240 : i32
    %dma_wait3A_2344 = tpu.memref_slice %arg33[%dma_wait3A_2343] : memref<13312xf32, #tpu.memory_space<vmem>> -> memref<128xf32, #tpu.memory_space<vmem>>
    %dma_wait3A_2345 = arith.constant 10240 : i32
    %dma_wait3A_2346 = tpu.memref_slice %arg32[%dma_wait3A_2345] : memref<13312xi32, #tpu.memory_space<vmem>> -> memref<128xi32, #tpu.memory_space<vmem>>
    %dma_wait3A_2347 = arith.constant 0 : i32
    %dma_wait3A_2348 = tpu.memref_slice %arg23[%dma_wait3A_2347] : memref<1000000xf32, #tpu.memory_space<hbm>> -> memref<1000000xf32, #tpu.memory_space<hbm>>
    tpu.wait_indirect_dma semaphore(%arg36 : memref<!tpu.dma_semaphore, #tpu.memory_space<semaphore_mem>>) src(%dma_wait3A_2348 : memref<1000000xf32, #tpu.memory_space<hbm>>) dst(%dma_wait3A_2344 : memref<128xf32, #tpu.memory_space<vmem>>)
    %dma_wait3A_2349 = arith.constant 10368 : i32
    %dma_wait3A_2350 = tpu.memref_slice %arg33[%dma_wait3A_2349] : memref<13312xf32, #tpu.memory_space<vmem>> -> memref<128xf32, #tpu.memory_space<vmem>>
    %dma_wait3A_2351 = arith.constant 10368 : i32
    %dma_wait3A_2352 = tpu.memref_slice %arg32[%dma_wait3A_2351] : memref<13312xi32, #tpu.memory_space<vmem>> -> memref<128xi32, #tpu.memory_space<vmem>>
    %dma_wait3A_2353 = arith.constant 0 : i32
    %dma_wait3A_2354 = tpu.memref_slice %arg23[%dma_wait3A_2353] : memref<1000000xf32, #tpu.memory_space<hbm>> -> memref<1000000xf32, #tpu.memory_space<hbm>>
    tpu.wait_indirect_dma semaphore(%arg36 : memref<!tpu.dma_semaphore, #tpu.memory_space<semaphore_mem>>) src(%dma_wait3A_2354 : memref<1000000xf32, #tpu.memory_space<hbm>>) dst(%dma_wait3A_2350 : memref<128xf32, #tpu.memory_space<vmem>>)
    %dma_wait3A_2355 = arith.constant 10496 : i32
    %dma_wait3A_2356 = tpu.memref_slice %arg33[%dma_wait3A_2355] : memref<13312xf32, #tpu.memory_space<vmem>> -> memref<128xf32, #tpu.memory_space<vmem>>
    %dma_wait3A_2357 = arith.constant 10496 : i32
    %dma_wait3A_2358 = tpu.memref_slice %arg32[%dma_wait3A_2357] : memref<13312xi32, #tpu.memory_space<vmem>> -> memref<128xi32, #tpu.memory_space<vmem>>
    %dma_wait3A_2359 = arith.constant 0 : i32
    %dma_wait3A_2360 = tpu.memref_slice %arg23[%dma_wait3A_2359] : memref<1000000xf32, #tpu.memory_space<hbm>> -> memref<1000000xf32, #tpu.memory_space<hbm>>
    tpu.wait_indirect_dma semaphore(%arg36 : memref<!tpu.dma_semaphore, #tpu.memory_space<semaphore_mem>>) src(%dma_wait3A_2360 : memref<1000000xf32, #tpu.memory_space<hbm>>) dst(%dma_wait3A_2356 : memref<128xf32, #tpu.memory_space<vmem>>)
    %dma_wait3A_2361 = arith.constant 10624 : i32
    %dma_wait3A_2362 = tpu.memref_slice %arg33[%dma_wait3A_2361] : memref<13312xf32, #tpu.memory_space<vmem>> -> memref<128xf32, #tpu.memory_space<vmem>>
    %dma_wait3A_2363 = arith.constant 10624 : i32
    %dma_wait3A_2364 = tpu.memref_slice %arg32[%dma_wait3A_2363] : memref<13312xi32, #tpu.memory_space<vmem>> -> memref<128xi32, #tpu.memory_space<vmem>>
    %dma_wait3A_2365 = arith.constant 0 : i32
    %dma_wait3A_2366 = tpu.memref_slice %arg23[%dma_wait3A_2365] : memref<1000000xf32, #tpu.memory_space<hbm>> -> memref<1000000xf32, #tpu.memory_space<hbm>>
    tpu.wait_indirect_dma semaphore(%arg36 : memref<!tpu.dma_semaphore, #tpu.memory_space<semaphore_mem>>) src(%dma_wait3A_2366 : memref<1000000xf32, #tpu.memory_space<hbm>>) dst(%dma_wait3A_2362 : memref<128xf32, #tpu.memory_space<vmem>>)
    %get3A_2367 = arith.constant 20 : i32
    %get3A_2368 = arith.index_cast %get3A_2367 : i32 to index
    %get3A_2369 = arith.constant 0 : index
    %get3A_2370 = tpu.vector_load %arg31[%get3A_2368, %get3A_2369] {strides = array<i32>} : memref<26x16xf32, #tpu.memory_space<vmem>>, vector<1x16xf32>,
    %get3A_2371 = vector.shape_cast %get3A_2370 : vector<1x16xf32> to vector<16xf32>
    %scan3A_2372 = arith.constant 0 : i32
    %scan3A_2373 = arith.constant 0 : i32
    %scan3A_2374 = arith.constant 32 : i32
    %scan3A_2375 = arith.addi %scan3A_2373, %scan3A_2374 : i32
    %scan3A_2376 = arith.constant 1 : i32
    %scan3A_2377 = scf.for %scan3A_2699 = %scan3A_2373 to %scan3A_2375 step %scan3A_2376 iter_args(%scan3A_2700 = %scan3A_2372) -> (i32)  : i32 {
      %mul3A_2701 = arith.constant 16 : i32
      %mul3A_2702 = arith.muli %scan3A_2699, %mul3A_2701 : i32
      %get3A_2703 = arith.index_cast %mul3A_2702 : i32 to index
      %get3A_2704 = tpu.vector_load %arg34[%get3A_2703] {strides = array<i32>} : memref<512xf32, #tpu.memory_space<vmem>>, vector<16xf32>,
      %get3A_2705 = vector.shape_cast %get3A_2704 : vector<16xf32> to vector<16xf32>
      %mul3A_2706 = arith.constant 16 : i32
      %mul3A_2707 = arith.muli %scan3A_2699, %mul3A_2706 : i32
      %add3A_2708 = arith.constant 10240 : i32
      %add3A_2709 = arith.addi %add3A_2708, %mul3A_2707 : i32
      %get3A_2710 = arith.index_cast %add3A_2709 : i32 to index
      %get3A_2711 = tpu.vector_load %arg33[%get3A_2710] {strides = array<i32>} : memref<13312xf32, #tpu.memory_space<vmem>>, vector<16xf32>,
      %get3A_2712 = vector.shape_cast %get3A_2711 : vector<16xf32> to vector<16xf32>
      %mul3A_2713 = arith.mulf %get3A_2712, %get3A_2371 : vector<16xf32>
      %add3A_2714 = arith.addf %get3A_2705, %mul3A_2713 : vector<16xf32>
      %swap3A_2715 = arith.index_cast %mul3A_2702 : i32 to index
      %swap3A_2716 = tpu.vector_load %arg34[%swap3A_2715] {strides = array<i32>} : memref<512xf32, #tpu.memory_space<vmem>>, vector<16xf32>,
      %swap3A_2717 = vector.shape_cast %swap3A_2716 : vector<16xf32> to vector<16xf32>
      %swap3A_2718 = vector.shape_cast %add3A_2714 : vector<16xf32> to vector<16xf32>
      tpu.vector_store %arg34[%swap3A_2715], %swap3A_2718 {strides = array<i32>} : memref<512xf32, #tpu.memory_space<vmem>>, vector<16xf32>,
      %scan3A_2719 = arith.constant 0 : i32
      scf.yield %scan3A_2719 : i32
    }
    %scan3A_2378 = arith.constant 32 : i32
    %dma_wait3A_2379 = arith.constant 22 : i32
    %dma_wait3A_2380 = arith.constant 11264 : i32
    %dma_wait3A_2381 = tpu.memref_slice %arg32[%dma_wait3A_2380] : memref<13312xi32, #tpu.memory_space<vmem>> -> memref<512xi32, #tpu.memory_space<vmem>>
    %dma_wait3A_2382 = arith.constant 0 : i32
    %dma_wait3A_2383 = tpu.memref_slice %arg2[%dma_wait3A_2379, %add3A, %dma_wait3A_2382] : memref<26x32x512xi32, #tpu.memory_space<hbm>> -> memref<1x1x512xi32, #tpu.memory_space<hbm>>
    %dma_wait3A_2384 = tpu.memref_squeeze %dma_wait3A_2383 : memref<1x1x512xi32, #tpu.memory_space<hbm>> -> memref<512xi32, #tpu.memory_space<hbm>>
    %dma_wait3A_2385 = arith.constant 11264 : i32
    %dma_wait3A_2386 = tpu.memref_slice %arg32[%dma_wait3A_2385] : memref<13312xi32, #tpu.memory_space<vmem>> -> memref<512xi32, #tpu.memory_space<vmem>>
    %dma_wait3A_2387 = arith.constant 0 : i32
    %dma_wait3A_2388 = tpu.memref_slice %arg2[%dma_wait3A_2379, %add3A, %dma_wait3A_2387] : memref<26x32x512xi32, #tpu.memory_space<hbm>> -> memref<1x1x512xi32, #tpu.memory_space<hbm>>
    %dma_wait3A_2389 = tpu.memref_squeeze %dma_wait3A_2388 : memref<1x1x512xi32, #tpu.memory_space<hbm>> -> memref<512xi32, #tpu.memory_space<hbm>>
    tpu.wait_dma2 semaphore(%arg35 : memref<!tpu.dma_semaphore, #tpu.memory_space<semaphore_mem>>) src(%dma_wait3A_2389 : memref<512xi32, #tpu.memory_space<hbm>>) dst(%dma_wait3A_2386 : memref<512xi32, #tpu.memory_space<vmem>>)
    %dma_start3A_2390 = arith.constant 11264 : i32
    %dma_start3A_2391 = tpu.memref_slice %arg33[%dma_start3A_2390] : memref<13312xf32, #tpu.memory_space<vmem>> -> memref<128xf32, #tpu.memory_space<vmem>>
    %dma_start3A_2392 = arith.constant 11264 : i32
    %dma_start3A_2393 = tpu.memref_slice %arg32[%dma_start3A_2392] : memref<13312xi32, #tpu.memory_space<vmem>> -> memref<128xi32, #tpu.memory_space<vmem>>
    %dma_start3A_2394 = arith.constant 0 : i32
    %dma_start3A_2395 = tpu.memref_slice %arg25[%dma_start3A_2394] : memref<1000000xf32, #tpu.memory_space<hbm>> -> memref<1000000xf32, #tpu.memory_space<hbm>>
    tpu.enqueue_indirect_dma source(%dma_start3A_2395 : memref<1000000xf32, #tpu.memory_space<hbm>>) target(%dma_start3A_2391 : memref<128xf32, #tpu.memory_space<vmem>>) offsets(%dma_start3A_2393 : memref<128xi32, #tpu.memory_space<vmem>>) semaphore(%arg36 : memref<!tpu.dma_semaphore, #tpu.memory_space<semaphore_mem>>)
    %dma_start3A_2396 = arith.constant 11392 : i32
    %dma_start3A_2397 = tpu.memref_slice %arg33[%dma_start3A_2396] : memref<13312xf32, #tpu.memory_space<vmem>> -> memref<128xf32, #tpu.memory_space<vmem>>
    %dma_start3A_2398 = arith.constant 11392 : i32
    %dma_start3A_2399 = tpu.memref_slice %arg32[%dma_start3A_2398] : memref<13312xi32, #tpu.memory_space<vmem>> -> memref<128xi32, #tpu.memory_space<vmem>>
    %dma_start3A_2400 = arith.constant 0 : i32
    %dma_start3A_2401 = tpu.memref_slice %arg25[%dma_start3A_2400] : memref<1000000xf32, #tpu.memory_space<hbm>> -> memref<1000000xf32, #tpu.memory_space<hbm>>
    tpu.enqueue_indirect_dma source(%dma_start3A_2401 : memref<1000000xf32, #tpu.memory_space<hbm>>) target(%dma_start3A_2397 : memref<128xf32, #tpu.memory_space<vmem>>) offsets(%dma_start3A_2399 : memref<128xi32, #tpu.memory_space<vmem>>) semaphore(%arg36 : memref<!tpu.dma_semaphore, #tpu.memory_space<semaphore_mem>>)
    %dma_start3A_2402 = arith.constant 11520 : i32
    %dma_start3A_2403 = tpu.memref_slice %arg33[%dma_start3A_2402] : memref<13312xf32, #tpu.memory_space<vmem>> -> memref<128xf32, #tpu.memory_space<vmem>>
    %dma_start3A_2404 = arith.constant 11520 : i32
    %dma_start3A_2405 = tpu.memref_slice %arg32[%dma_start3A_2404] : memref<13312xi32, #tpu.memory_space<vmem>> -> memref<128xi32, #tpu.memory_space<vmem>>
    %dma_start3A_2406 = arith.constant 0 : i32
    %dma_start3A_2407 = tpu.memref_slice %arg25[%dma_start3A_2406] : memref<1000000xf32, #tpu.memory_space<hbm>> -> memref<1000000xf32, #tpu.memory_space<hbm>>
    tpu.enqueue_indirect_dma source(%dma_start3A_2407 : memref<1000000xf32, #tpu.memory_space<hbm>>) target(%dma_start3A_2403 : memref<128xf32, #tpu.memory_space<vmem>>) offsets(%dma_start3A_2405 : memref<128xi32, #tpu.memory_space<vmem>>) semaphore(%arg36 : memref<!tpu.dma_semaphore, #tpu.memory_space<semaphore_mem>>)
    %dma_start3A_2408 = arith.constant 11648 : i32
    %dma_start3A_2409 = tpu.memref_slice %arg33[%dma_start3A_2408] : memref<13312xf32, #tpu.memory_space<vmem>> -> memref<128xf32, #tpu.memory_space<vmem>>
    %dma_start3A_2410 = arith.constant 11648 : i32
    %dma_start3A_2411 = tpu.memref_slice %arg32[%dma_start3A_2410] : memref<13312xi32, #tpu.memory_space<vmem>> -> memref<128xi32, #tpu.memory_space<vmem>>
    %dma_start3A_2412 = arith.constant 0 : i32
    %dma_start3A_2413 = tpu.memref_slice %arg25[%dma_start3A_2412] : memref<1000000xf32, #tpu.memory_space<hbm>> -> memref<1000000xf32, #tpu.memory_space<hbm>>
    tpu.enqueue_indirect_dma source(%dma_start3A_2413 : memref<1000000xf32, #tpu.memory_space<hbm>>) target(%dma_start3A_2409 : memref<128xf32, #tpu.memory_space<vmem>>) offsets(%dma_start3A_2411 : memref<128xi32, #tpu.memory_space<vmem>>) semaphore(%arg36 : memref<!tpu.dma_semaphore, #tpu.memory_space<semaphore_mem>>)
    %dma_wait3A_2414 = arith.constant 10752 : i32
    %dma_wait3A_2415 = tpu.memref_slice %arg33[%dma_wait3A_2414] : memref<13312xf32, #tpu.memory_space<vmem>> -> memref<128xf32, #tpu.memory_space<vmem>>
    %dma_wait3A_2416 = arith.constant 10752 : i32
    %dma_wait3A_2417 = tpu.memref_slice %arg32[%dma_wait3A_2416] : memref<13312xi32, #tpu.memory_space<vmem>> -> memref<128xi32, #tpu.memory_space<vmem>>
    %dma_wait3A_2418 = arith.constant 0 : i32
    %dma_wait3A_2419 = tpu.memref_slice %arg24[%dma_wait3A_2418] : memref<1000000xf32, #tpu.memory_space<hbm>> -> memref<1000000xf32, #tpu.memory_space<hbm>>
    tpu.wait_indirect_dma semaphore(%arg37 : memref<!tpu.dma_semaphore, #tpu.memory_space<semaphore_mem>>) src(%dma_wait3A_2419 : memref<1000000xf32, #tpu.memory_space<hbm>>) dst(%dma_wait3A_2415 : memref<128xf32, #tpu.memory_space<vmem>>)
    %dma_wait3A_2420 = arith.constant 10880 : i32
    %dma_wait3A_2421 = tpu.memref_slice %arg33[%dma_wait3A_2420] : memref<13312xf32, #tpu.memory_space<vmem>> -> memref<128xf32, #tpu.memory_space<vmem>>
    %dma_wait3A_2422 = arith.constant 10880 : i32
    %dma_wait3A_2423 = tpu.memref_slice %arg32[%dma_wait3A_2422] : memref<13312xi32, #tpu.memory_space<vmem>> -> memref<128xi32, #tpu.memory_space<vmem>>
    %dma_wait3A_2424 = arith.constant 0 : i32
    %dma_wait3A_2425 = tpu.memref_slice %arg24[%dma_wait3A_2424] : memref<1000000xf32, #tpu.memory_space<hbm>> -> memref<1000000xf32, #tpu.memory_space<hbm>>
    tpu.wait_indirect_dma semaphore(%arg37 : memref<!tpu.dma_semaphore, #tpu.memory_space<semaphore_mem>>) src(%dma_wait3A_2425 : memref<1000000xf32, #tpu.memory_space<hbm>>) dst(%dma_wait3A_2421 : memref<128xf32, #tpu.memory_space<vmem>>)
    %dma_wait3A_2426 = arith.constant 11008 : i32
    %dma_wait3A_2427 = tpu.memref_slice %arg33[%dma_wait3A_2426] : memref<13312xf32, #tpu.memory_space<vmem>> -> memref<128xf32, #tpu.memory_space<vmem>>
    %dma_wait3A_2428 = arith.constant 11008 : i32
    %dma_wait3A_2429 = tpu.memref_slice %arg32[%dma_wait3A_2428] : memref<13312xi32, #tpu.memory_space<vmem>> -> memref<128xi32, #tpu.memory_space<vmem>>
    %dma_wait3A_2430 = arith.constant 0 : i32
    %dma_wait3A_2431 = tpu.memref_slice %arg24[%dma_wait3A_2430] : memref<1000000xf32, #tpu.memory_space<hbm>> -> memref<1000000xf32, #tpu.memory_space<hbm>>
    tpu.wait_indirect_dma semaphore(%arg37 : memref<!tpu.dma_semaphore, #tpu.memory_space<semaphore_mem>>) src(%dma_wait3A_2431 : memref<1000000xf32, #tpu.memory_space<hbm>>) dst(%dma_wait3A_2427 : memref<128xf32, #tpu.memory_space<vmem>>)
    %dma_wait3A_2432 = arith.constant 11136 : i32
    %dma_wait3A_2433 = tpu.memref_slice %arg33[%dma_wait3A_2432] : memref<13312xf32, #tpu.memory_space<vmem>> -> memref<128xf32, #tpu.memory_space<vmem>>
    %dma_wait3A_2434 = arith.constant 11136 : i32
    %dma_wait3A_2435 = tpu.memref_slice %arg32[%dma_wait3A_2434] : memref<13312xi32, #tpu.memory_space<vmem>> -> memref<128xi32, #tpu.memory_space<vmem>>
    %dma_wait3A_2436 = arith.constant 0 : i32
    %dma_wait3A_2437 = tpu.memref_slice %arg24[%dma_wait3A_2436] : memref<1000000xf32, #tpu.memory_space<hbm>> -> memref<1000000xf32, #tpu.memory_space<hbm>>
    tpu.wait_indirect_dma semaphore(%arg37 : memref<!tpu.dma_semaphore, #tpu.memory_space<semaphore_mem>>) src(%dma_wait3A_2437 : memref<1000000xf32, #tpu.memory_space<hbm>>) dst(%dma_wait3A_2433 : memref<128xf32, #tpu.memory_space<vmem>>)
    %get3A_2438 = arith.constant 21 : i32
    %get3A_2439 = arith.index_cast %get3A_2438 : i32 to index
    %get3A_2440 = arith.constant 0 : index
    %get3A_2441 = tpu.vector_load %arg31[%get3A_2439, %get3A_2440] {strides = array<i32>} : memref<26x16xf32, #tpu.memory_space<vmem>>, vector<1x16xf32>,
    %get3A_2442 = vector.shape_cast %get3A_2441 : vector<1x16xf32> to vector<16xf32>
    %scan3A_2443 = arith.constant 0 : i32
    %scan3A_2444 = arith.constant 0 : i32
    %scan3A_2445 = arith.constant 32 : i32
    %scan3A_2446 = arith.addi %scan3A_2444, %scan3A_2445 : i32
    %scan3A_2447 = arith.constant 1 : i32
    %scan3A_2448 = scf.for %scan3A_2699 = %scan3A_2444 to %scan3A_2446 step %scan3A_2447 iter_args(%scan3A_2700 = %scan3A_2443) -> (i32)  : i32 {
      %mul3A_2701 = arith.constant 16 : i32
      %mul3A_2702 = arith.muli %scan3A_2699, %mul3A_2701 : i32
      %get3A_2703 = arith.index_cast %mul3A_2702 : i32 to index
      %get3A_2704 = tpu.vector_load %arg34[%get3A_2703] {strides = array<i32>} : memref<512xf32, #tpu.memory_space<vmem>>, vector<16xf32>,
      %get3A_2705 = vector.shape_cast %get3A_2704 : vector<16xf32> to vector<16xf32>
      %mul3A_2706 = arith.constant 16 : i32
      %mul3A_2707 = arith.muli %scan3A_2699, %mul3A_2706 : i32
      %add3A_2708 = arith.constant 10752 : i32
      %add3A_2709 = arith.addi %add3A_2708, %mul3A_2707 : i32
      %get3A_2710 = arith.index_cast %add3A_2709 : i32 to index
      %get3A_2711 = tpu.vector_load %arg33[%get3A_2710] {strides = array<i32>} : memref<13312xf32, #tpu.memory_space<vmem>>, vector<16xf32>,
      %get3A_2712 = vector.shape_cast %get3A_2711 : vector<16xf32> to vector<16xf32>
      %mul3A_2713 = arith.mulf %get3A_2712, %get3A_2442 : vector<16xf32>
      %add3A_2714 = arith.addf %get3A_2705, %mul3A_2713 : vector<16xf32>
      %swap3A_2715 = arith.index_cast %mul3A_2702 : i32 to index
      %swap3A_2716 = tpu.vector_load %arg34[%swap3A_2715] {strides = array<i32>} : memref<512xf32, #tpu.memory_space<vmem>>, vector<16xf32>,
      %swap3A_2717 = vector.shape_cast %swap3A_2716 : vector<16xf32> to vector<16xf32>
      %swap3A_2718 = vector.shape_cast %add3A_2714 : vector<16xf32> to vector<16xf32>
      tpu.vector_store %arg34[%swap3A_2715], %swap3A_2718 {strides = array<i32>} : memref<512xf32, #tpu.memory_space<vmem>>, vector<16xf32>,
      %scan3A_2719 = arith.constant 0 : i32
      scf.yield %scan3A_2719 : i32
    }
    %scan3A_2449 = arith.constant 32 : i32
    %dma_wait3A_2450 = arith.constant 23 : i32
    %dma_wait3A_2451 = arith.constant 11776 : i32
    %dma_wait3A_2452 = tpu.memref_slice %arg32[%dma_wait3A_2451] : memref<13312xi32, #tpu.memory_space<vmem>> -> memref<512xi32, #tpu.memory_space<vmem>>
    %dma_wait3A_2453 = arith.constant 0 : i32
    %dma_wait3A_2454 = tpu.memref_slice %arg2[%dma_wait3A_2450, %add3A, %dma_wait3A_2453] : memref<26x32x512xi32, #tpu.memory_space<hbm>> -> memref<1x1x512xi32, #tpu.memory_space<hbm>>
    %dma_wait3A_2455 = tpu.memref_squeeze %dma_wait3A_2454 : memref<1x1x512xi32, #tpu.memory_space<hbm>> -> memref<512xi32, #tpu.memory_space<hbm>>
    %dma_wait3A_2456 = arith.constant 11776 : i32
    %dma_wait3A_2457 = tpu.memref_slice %arg32[%dma_wait3A_2456] : memref<13312xi32, #tpu.memory_space<vmem>> -> memref<512xi32, #tpu.memory_space<vmem>>
    %dma_wait3A_2458 = arith.constant 0 : i32
    %dma_wait3A_2459 = tpu.memref_slice %arg2[%dma_wait3A_2450, %add3A, %dma_wait3A_2458] : memref<26x32x512xi32, #tpu.memory_space<hbm>> -> memref<1x1x512xi32, #tpu.memory_space<hbm>>
    %dma_wait3A_2460 = tpu.memref_squeeze %dma_wait3A_2459 : memref<1x1x512xi32, #tpu.memory_space<hbm>> -> memref<512xi32, #tpu.memory_space<hbm>>
    tpu.wait_dma2 semaphore(%arg35 : memref<!tpu.dma_semaphore, #tpu.memory_space<semaphore_mem>>) src(%dma_wait3A_2460 : memref<512xi32, #tpu.memory_space<hbm>>) dst(%dma_wait3A_2457 : memref<512xi32, #tpu.memory_space<vmem>>)
    %dma_start3A_2461 = arith.constant 11776 : i32
    %dma_start3A_2462 = tpu.memref_slice %arg33[%dma_start3A_2461] : memref<13312xf32, #tpu.memory_space<vmem>> -> memref<128xf32, #tpu.memory_space<vmem>>
    %dma_start3A_2463 = arith.constant 11776 : i32
    %dma_start3A_2464 = tpu.memref_slice %arg32[%dma_start3A_2463] : memref<13312xi32, #tpu.memory_space<vmem>> -> memref<128xi32, #tpu.memory_space<vmem>>
    %dma_start3A_2465 = arith.constant 0 : i32
    %dma_start3A_2466 = tpu.memref_slice %arg26[%dma_start3A_2465] : memref<1000000xf32, #tpu.memory_space<hbm>> -> memref<1000000xf32, #tpu.memory_space<hbm>>
    tpu.enqueue_indirect_dma source(%dma_start3A_2466 : memref<1000000xf32, #tpu.memory_space<hbm>>) target(%dma_start3A_2462 : memref<128xf32, #tpu.memory_space<vmem>>) offsets(%dma_start3A_2464 : memref<128xi32, #tpu.memory_space<vmem>>) semaphore(%arg37 : memref<!tpu.dma_semaphore, #tpu.memory_space<semaphore_mem>>)
    %dma_start3A_2467 = arith.constant 11904 : i32
    %dma_start3A_2468 = tpu.memref_slice %arg33[%dma_start3A_2467] : memref<13312xf32, #tpu.memory_space<vmem>> -> memref<128xf32, #tpu.memory_space<vmem>>
    %dma_start3A_2469 = arith.constant 11904 : i32
    %dma_start3A_2470 = tpu.memref_slice %arg32[%dma_start3A_2469] : memref<13312xi32, #tpu.memory_space<vmem>> -> memref<128xi32, #tpu.memory_space<vmem>>
    %dma_start3A_2471 = arith.constant 0 : i32
    %dma_start3A_2472 = tpu.memref_slice %arg26[%dma_start3A_2471] : memref<1000000xf32, #tpu.memory_space<hbm>> -> memref<1000000xf32, #tpu.memory_space<hbm>>
    tpu.enqueue_indirect_dma source(%dma_start3A_2472 : memref<1000000xf32, #tpu.memory_space<hbm>>) target(%dma_start3A_2468 : memref<128xf32, #tpu.memory_space<vmem>>) offsets(%dma_start3A_2470 : memref<128xi32, #tpu.memory_space<vmem>>) semaphore(%arg37 : memref<!tpu.dma_semaphore, #tpu.memory_space<semaphore_mem>>)
    %dma_start3A_2473 = arith.constant 12032 : i32
    %dma_start3A_2474 = tpu.memref_slice %arg33[%dma_start3A_2473] : memref<13312xf32, #tpu.memory_space<vmem>> -> memref<128xf32, #tpu.memory_space<vmem>>
    %dma_start3A_2475 = arith.constant 12032 : i32
    %dma_start3A_2476 = tpu.memref_slice %arg32[%dma_start3A_2475] : memref<13312xi32, #tpu.memory_space<vmem>> -> memref<128xi32, #tpu.memory_space<vmem>>
    %dma_start3A_2477 = arith.constant 0 : i32
    %dma_start3A_2478 = tpu.memref_slice %arg26[%dma_start3A_2477] : memref<1000000xf32, #tpu.memory_space<hbm>> -> memref<1000000xf32, #tpu.memory_space<hbm>>
    tpu.enqueue_indirect_dma source(%dma_start3A_2478 : memref<1000000xf32, #tpu.memory_space<hbm>>) target(%dma_start3A_2474 : memref<128xf32, #tpu.memory_space<vmem>>) offsets(%dma_start3A_2476 : memref<128xi32, #tpu.memory_space<vmem>>) semaphore(%arg37 : memref<!tpu.dma_semaphore, #tpu.memory_space<semaphore_mem>>)
    %dma_start3A_2479 = arith.constant 12160 : i32
    %dma_start3A_2480 = tpu.memref_slice %arg33[%dma_start3A_2479] : memref<13312xf32, #tpu.memory_space<vmem>> -> memref<128xf32, #tpu.memory_space<vmem>>
    %dma_start3A_2481 = arith.constant 12160 : i32
    %dma_start3A_2482 = tpu.memref_slice %arg32[%dma_start3A_2481] : memref<13312xi32, #tpu.memory_space<vmem>> -> memref<128xi32, #tpu.memory_space<vmem>>
    %dma_start3A_2483 = arith.constant 0 : i32
    %dma_start3A_2484 = tpu.memref_slice %arg26[%dma_start3A_2483] : memref<1000000xf32, #tpu.memory_space<hbm>> -> memref<1000000xf32, #tpu.memory_space<hbm>>
    tpu.enqueue_indirect_dma source(%dma_start3A_2484 : memref<1000000xf32, #tpu.memory_space<hbm>>) target(%dma_start3A_2480 : memref<128xf32, #tpu.memory_space<vmem>>) offsets(%dma_start3A_2482 : memref<128xi32, #tpu.memory_space<vmem>>) semaphore(%arg37 : memref<!tpu.dma_semaphore, #tpu.memory_space<semaphore_mem>>)
    %dma_wait3A_2485 = arith.constant 11264 : i32
    %dma_wait3A_2486 = tpu.memref_slice %arg33[%dma_wait3A_2485] : memref<13312xf32, #tpu.memory_space<vmem>> -> memref<128xf32, #tpu.memory_space<vmem>>
    %dma_wait3A_2487 = arith.constant 11264 : i32
    %dma_wait3A_2488 = tpu.memref_slice %arg32[%dma_wait3A_2487] : memref<13312xi32, #tpu.memory_space<vmem>> -> memref<128xi32, #tpu.memory_space<vmem>>
    %dma_wait3A_2489 = arith.constant 0 : i32
    %dma_wait3A_2490 = tpu.memref_slice %arg25[%dma_wait3A_2489] : memref<1000000xf32, #tpu.memory_space<hbm>> -> memref<1000000xf32, #tpu.memory_space<hbm>>
    tpu.wait_indirect_dma semaphore(%arg36 : memref<!tpu.dma_semaphore, #tpu.memory_space<semaphore_mem>>) src(%dma_wait3A_2490 : memref<1000000xf32, #tpu.memory_space<hbm>>) dst(%dma_wait3A_2486 : memref<128xf32, #tpu.memory_space<vmem>>)
    %dma_wait3A_2491 = arith.constant 11392 : i32
    %dma_wait3A_2492 = tpu.memref_slice %arg33[%dma_wait3A_2491] : memref<13312xf32, #tpu.memory_space<vmem>> -> memref<128xf32, #tpu.memory_space<vmem>>
    %dma_wait3A_2493 = arith.constant 11392 : i32
    %dma_wait3A_2494 = tpu.memref_slice %arg32[%dma_wait3A_2493] : memref<13312xi32, #tpu.memory_space<vmem>> -> memref<128xi32, #tpu.memory_space<vmem>>
    %dma_wait3A_2495 = arith.constant 0 : i32
    %dma_wait3A_2496 = tpu.memref_slice %arg25[%dma_wait3A_2495] : memref<1000000xf32, #tpu.memory_space<hbm>> -> memref<1000000xf32, #tpu.memory_space<hbm>>
    tpu.wait_indirect_dma semaphore(%arg36 : memref<!tpu.dma_semaphore, #tpu.memory_space<semaphore_mem>>) src(%dma_wait3A_2496 : memref<1000000xf32, #tpu.memory_space<hbm>>) dst(%dma_wait3A_2492 : memref<128xf32, #tpu.memory_space<vmem>>)
    %dma_wait3A_2497 = arith.constant 11520 : i32
    %dma_wait3A_2498 = tpu.memref_slice %arg33[%dma_wait3A_2497] : memref<13312xf32, #tpu.memory_space<vmem>> -> memref<128xf32, #tpu.memory_space<vmem>>
    %dma_wait3A_2499 = arith.constant 11520 : i32
    %dma_wait3A_2500 = tpu.memref_slice %arg32[%dma_wait3A_2499] : memref<13312xi32, #tpu.memory_space<vmem>> -> memref<128xi32, #tpu.memory_space<vmem>>
    %dma_wait3A_2501 = arith.constant 0 : i32
    %dma_wait3A_2502 = tpu.memref_slice %arg25[%dma_wait3A_2501] : memref<1000000xf32, #tpu.memory_space<hbm>> -> memref<1000000xf32, #tpu.memory_space<hbm>>
    tpu.wait_indirect_dma semaphore(%arg36 : memref<!tpu.dma_semaphore, #tpu.memory_space<semaphore_mem>>) src(%dma_wait3A_2502 : memref<1000000xf32, #tpu.memory_space<hbm>>) dst(%dma_wait3A_2498 : memref<128xf32, #tpu.memory_space<vmem>>)
    %dma_wait3A_2503 = arith.constant 11648 : i32
    %dma_wait3A_2504 = tpu.memref_slice %arg33[%dma_wait3A_2503] : memref<13312xf32, #tpu.memory_space<vmem>> -> memref<128xf32, #tpu.memory_space<vmem>>
    %dma_wait3A_2505 = arith.constant 11648 : i32
    %dma_wait3A_2506 = tpu.memref_slice %arg32[%dma_wait3A_2505] : memref<13312xi32, #tpu.memory_space<vmem>> -> memref<128xi32, #tpu.memory_space<vmem>>
    %dma_wait3A_2507 = arith.constant 0 : i32
    %dma_wait3A_2508 = tpu.memref_slice %arg25[%dma_wait3A_2507] : memref<1000000xf32, #tpu.memory_space<hbm>> -> memref<1000000xf32, #tpu.memory_space<hbm>>
    tpu.wait_indirect_dma semaphore(%arg36 : memref<!tpu.dma_semaphore, #tpu.memory_space<semaphore_mem>>) src(%dma_wait3A_2508 : memref<1000000xf32, #tpu.memory_space<hbm>>) dst(%dma_wait3A_2504 : memref<128xf32, #tpu.memory_space<vmem>>)
    %get3A_2509 = arith.constant 22 : i32
    %get3A_2510 = arith.index_cast %get3A_2509 : i32 to index
    %get3A_2511 = arith.constant 0 : index
    %get3A_2512 = tpu.vector_load %arg31[%get3A_2510, %get3A_2511] {strides = array<i32>} : memref<26x16xf32, #tpu.memory_space<vmem>>, vector<1x16xf32>,
    %get3A_2513 = vector.shape_cast %get3A_2512 : vector<1x16xf32> to vector<16xf32>
    %scan3A_2514 = arith.constant 0 : i32
    %scan3A_2515 = arith.constant 0 : i32
    %scan3A_2516 = arith.constant 32 : i32
    %scan3A_2517 = arith.addi %scan3A_2515, %scan3A_2516 : i32
    %scan3A_2518 = arith.constant 1 : i32
    %scan3A_2519 = scf.for %scan3A_2699 = %scan3A_2515 to %scan3A_2517 step %scan3A_2518 iter_args(%scan3A_2700 = %scan3A_2514) -> (i32)  : i32 {
      %mul3A_2701 = arith.constant 16 : i32
      %mul3A_2702 = arith.muli %scan3A_2699, %mul3A_2701 : i32
      %get3A_2703 = arith.index_cast %mul3A_2702 : i32 to index
      %get3A_2704 = tpu.vector_load %arg34[%get3A_2703] {strides = array<i32>} : memref<512xf32, #tpu.memory_space<vmem>>, vector<16xf32>,
      %get3A_2705 = vector.shape_cast %get3A_2704 : vector<16xf32> to vector<16xf32>
      %mul3A_2706 = arith.constant 16 : i32
      %mul3A_2707 = arith.muli %scan3A_2699, %mul3A_2706 : i32
      %add3A_2708 = arith.constant 11264 : i32
      %add3A_2709 = arith.addi %add3A_2708, %mul3A_2707 : i32
      %get3A_2710 = arith.index_cast %add3A_2709 : i32 to index
      %get3A_2711 = tpu.vector_load %arg33[%get3A_2710] {strides = array<i32>} : memref<13312xf32, #tpu.memory_space<vmem>>, vector<16xf32>,
      %get3A_2712 = vector.shape_cast %get3A_2711 : vector<16xf32> to vector<16xf32>
      %mul3A_2713 = arith.mulf %get3A_2712, %get3A_2513 : vector<16xf32>
      %add3A_2714 = arith.addf %get3A_2705, %mul3A_2713 : vector<16xf32>
      %swap3A_2715 = arith.index_cast %mul3A_2702 : i32 to index
      %swap3A_2716 = tpu.vector_load %arg34[%swap3A_2715] {strides = array<i32>} : memref<512xf32, #tpu.memory_space<vmem>>, vector<16xf32>,
      %swap3A_2717 = vector.shape_cast %swap3A_2716 : vector<16xf32> to vector<16xf32>
      %swap3A_2718 = vector.shape_cast %add3A_2714 : vector<16xf32> to vector<16xf32>
      tpu.vector_store %arg34[%swap3A_2715], %swap3A_2718 {strides = array<i32>} : memref<512xf32, #tpu.memory_space<vmem>>, vector<16xf32>,
      %scan3A_2719 = arith.constant 0 : i32
      scf.yield %scan3A_2719 : i32
    }
    %scan3A_2520 = arith.constant 32 : i32
    %dma_wait3A_2521 = arith.constant 24 : i32
    %dma_wait3A_2522 = arith.constant 12288 : i32
    %dma_wait3A_2523 = tpu.memref_slice %arg32[%dma_wait3A_2522] : memref<13312xi32, #tpu.memory_space<vmem>> -> memref<512xi32, #tpu.memory_space<vmem>>
    %dma_wait3A_2524 = arith.constant 0 : i32
    %dma_wait3A_2525 = tpu.memref_slice %arg2[%dma_wait3A_2521, %add3A, %dma_wait3A_2524] : memref<26x32x512xi32, #tpu.memory_space<hbm>> -> memref<1x1x512xi32, #tpu.memory_space<hbm>>
    %dma_wait3A_2526 = tpu.memref_squeeze %dma_wait3A_2525 : memref<1x1x512xi32, #tpu.memory_space<hbm>> -> memref<512xi32, #tpu.memory_space<hbm>>
    %dma_wait3A_2527 = arith.constant 12288 : i32
    %dma_wait3A_2528 = tpu.memref_slice %arg32[%dma_wait3A_2527] : memref<13312xi32, #tpu.memory_space<vmem>> -> memref<512xi32, #tpu.memory_space<vmem>>
    %dma_wait3A_2529 = arith.constant 0 : i32
    %dma_wait3A_2530 = tpu.memref_slice %arg2[%dma_wait3A_2521, %add3A, %dma_wait3A_2529] : memref<26x32x512xi32, #tpu.memory_space<hbm>> -> memref<1x1x512xi32, #tpu.memory_space<hbm>>
    %dma_wait3A_2531 = tpu.memref_squeeze %dma_wait3A_2530 : memref<1x1x512xi32, #tpu.memory_space<hbm>> -> memref<512xi32, #tpu.memory_space<hbm>>
    tpu.wait_dma2 semaphore(%arg35 : memref<!tpu.dma_semaphore, #tpu.memory_space<semaphore_mem>>) src(%dma_wait3A_2531 : memref<512xi32, #tpu.memory_space<hbm>>) dst(%dma_wait3A_2528 : memref<512xi32, #tpu.memory_space<vmem>>)
    %dma_start3A_2532 = arith.constant 12288 : i32
    %dma_start3A_2533 = tpu.memref_slice %arg33[%dma_start3A_2532] : memref<13312xf32, #tpu.memory_space<vmem>> -> memref<128xf32, #tpu.memory_space<vmem>>
    %dma_start3A_2534 = arith.constant 12288 : i32
    %dma_start3A_2535 = tpu.memref_slice %arg32[%dma_start3A_2534] : memref<13312xi32, #tpu.memory_space<vmem>> -> memref<128xi32, #tpu.memory_space<vmem>>
    %dma_start3A_2536 = arith.constant 0 : i32
    %dma_start3A_2537 = tpu.memref_slice %arg27[%dma_start3A_2536] : memref<1000000xf32, #tpu.memory_space<hbm>> -> memref<1000000xf32, #tpu.memory_space<hbm>>
    tpu.enqueue_indirect_dma source(%dma_start3A_2537 : memref<1000000xf32, #tpu.memory_space<hbm>>) target(%dma_start3A_2533 : memref<128xf32, #tpu.memory_space<vmem>>) offsets(%dma_start3A_2535 : memref<128xi32, #tpu.memory_space<vmem>>) semaphore(%arg36 : memref<!tpu.dma_semaphore, #tpu.memory_space<semaphore_mem>>)
    %dma_start3A_2538 = arith.constant 12416 : i32
    %dma_start3A_2539 = tpu.memref_slice %arg33[%dma_start3A_2538] : memref<13312xf32, #tpu.memory_space<vmem>> -> memref<128xf32, #tpu.memory_space<vmem>>
    %dma_start3A_2540 = arith.constant 12416 : i32
    %dma_start3A_2541 = tpu.memref_slice %arg32[%dma_start3A_2540] : memref<13312xi32, #tpu.memory_space<vmem>> -> memref<128xi32, #tpu.memory_space<vmem>>
    %dma_start3A_2542 = arith.constant 0 : i32
    %dma_start3A_2543 = tpu.memref_slice %arg27[%dma_start3A_2542] : memref<1000000xf32, #tpu.memory_space<hbm>> -> memref<1000000xf32, #tpu.memory_space<hbm>>
    tpu.enqueue_indirect_dma source(%dma_start3A_2543 : memref<1000000xf32, #tpu.memory_space<hbm>>) target(%dma_start3A_2539 : memref<128xf32, #tpu.memory_space<vmem>>) offsets(%dma_start3A_2541 : memref<128xi32, #tpu.memory_space<vmem>>) semaphore(%arg36 : memref<!tpu.dma_semaphore, #tpu.memory_space<semaphore_mem>>)
    %dma_start3A_2544 = arith.constant 12544 : i32
    %dma_start3A_2545 = tpu.memref_slice %arg33[%dma_start3A_2544] : memref<13312xf32, #tpu.memory_space<vmem>> -> memref<128xf32, #tpu.memory_space<vmem>>
    %dma_start3A_2546 = arith.constant 12544 : i32
    %dma_start3A_2547 = tpu.memref_slice %arg32[%dma_start3A_2546] : memref<13312xi32, #tpu.memory_space<vmem>> -> memref<128xi32, #tpu.memory_space<vmem>>
    %dma_start3A_2548 = arith.constant 0 : i32
    %dma_start3A_2549 = tpu.memref_slice %arg27[%dma_start3A_2548] : memref<1000000xf32, #tpu.memory_space<hbm>> -> memref<1000000xf32, #tpu.memory_space<hbm>>
    tpu.enqueue_indirect_dma source(%dma_start3A_2549 : memref<1000000xf32, #tpu.memory_space<hbm>>) target(%dma_start3A_2545 : memref<128xf32, #tpu.memory_space<vmem>>) offsets(%dma_start3A_2547 : memref<128xi32, #tpu.memory_space<vmem>>) semaphore(%arg36 : memref<!tpu.dma_semaphore, #tpu.memory_space<semaphore_mem>>)
    %dma_start3A_2550 = arith.constant 12672 : i32
    %dma_start3A_2551 = tpu.memref_slice %arg33[%dma_start3A_2550] : memref<13312xf32, #tpu.memory_space<vmem>> -> memref<128xf32, #tpu.memory_space<vmem>>
    %dma_start3A_2552 = arith.constant 12672 : i32
    %dma_start3A_2553 = tpu.memref_slice %arg32[%dma_start3A_2552] : memref<13312xi32, #tpu.memory_space<vmem>> -> memref<128xi32, #tpu.memory_space<vmem>>
    %dma_start3A_2554 = arith.constant 0 : i32
    %dma_start3A_2555 = tpu.memref_slice %arg27[%dma_start3A_2554] : memref<1000000xf32, #tpu.memory_space<hbm>> -> memref<1000000xf32, #tpu.memory_space<hbm>>
    tpu.enqueue_indirect_dma source(%dma_start3A_2555 : memref<1000000xf32, #tpu.memory_space<hbm>>) target(%dma_start3A_2551 : memref<128xf32, #tpu.memory_space<vmem>>) offsets(%dma_start3A_2553 : memref<128xi32, #tpu.memory_space<vmem>>) semaphore(%arg36 : memref<!tpu.dma_semaphore, #tpu.memory_space<semaphore_mem>>)
    %dma_wait3A_2556 = arith.constant 11776 : i32
    %dma_wait3A_2557 = tpu.memref_slice %arg33[%dma_wait3A_2556] : memref<13312xf32, #tpu.memory_space<vmem>> -> memref<128xf32, #tpu.memory_space<vmem>>
    %dma_wait3A_2558 = arith.constant 11776 : i32
    %dma_wait3A_2559 = tpu.memref_slice %arg32[%dma_wait3A_2558] : memref<13312xi32, #tpu.memory_space<vmem>> -> memref<128xi32, #tpu.memory_space<vmem>>
    %dma_wait3A_2560 = arith.constant 0 : i32
    %dma_wait3A_2561 = tpu.memref_slice %arg26[%dma_wait3A_2560] : memref<1000000xf32, #tpu.memory_space<hbm>> -> memref<1000000xf32, #tpu.memory_space<hbm>>
    tpu.wait_indirect_dma semaphore(%arg37 : memref<!tpu.dma_semaphore, #tpu.memory_space<semaphore_mem>>) src(%dma_wait3A_2561 : memref<1000000xf32, #tpu.memory_space<hbm>>) dst(%dma_wait3A_2557 : memref<128xf32, #tpu.memory_space<vmem>>)
    %dma_wait3A_2562 = arith.constant 11904 : i32
    %dma_wait3A_2563 = tpu.memref_slice %arg33[%dma_wait3A_2562] : memref<13312xf32, #tpu.memory_space<vmem>> -> memref<128xf32, #tpu.memory_space<vmem>>
    %dma_wait3A_2564 = arith.constant 11904 : i32
    %dma_wait3A_2565 = tpu.memref_slice %arg32[%dma_wait3A_2564] : memref<13312xi32, #tpu.memory_space<vmem>> -> memref<128xi32, #tpu.memory_space<vmem>>
    %dma_wait3A_2566 = arith.constant 0 : i32
    %dma_wait3A_2567 = tpu.memref_slice %arg26[%dma_wait3A_2566] : memref<1000000xf32, #tpu.memory_space<hbm>> -> memref<1000000xf32, #tpu.memory_space<hbm>>
    tpu.wait_indirect_dma semaphore(%arg37 : memref<!tpu.dma_semaphore, #tpu.memory_space<semaphore_mem>>) src(%dma_wait3A_2567 : memref<1000000xf32, #tpu.memory_space<hbm>>) dst(%dma_wait3A_2563 : memref<128xf32, #tpu.memory_space<vmem>>)
    %dma_wait3A_2568 = arith.constant 12032 : i32
    %dma_wait3A_2569 = tpu.memref_slice %arg33[%dma_wait3A_2568] : memref<13312xf32, #tpu.memory_space<vmem>> -> memref<128xf32, #tpu.memory_space<vmem>>
    %dma_wait3A_2570 = arith.constant 12032 : i32
    %dma_wait3A_2571 = tpu.memref_slice %arg32[%dma_wait3A_2570] : memref<13312xi32, #tpu.memory_space<vmem>> -> memref<128xi32, #tpu.memory_space<vmem>>
    %dma_wait3A_2572 = arith.constant 0 : i32
    %dma_wait3A_2573 = tpu.memref_slice %arg26[%dma_wait3A_2572] : memref<1000000xf32, #tpu.memory_space<hbm>> -> memref<1000000xf32, #tpu.memory_space<hbm>>
    tpu.wait_indirect_dma semaphore(%arg37 : memref<!tpu.dma_semaphore, #tpu.memory_space<semaphore_mem>>) src(%dma_wait3A_2573 : memref<1000000xf32, #tpu.memory_space<hbm>>) dst(%dma_wait3A_2569 : memref<128xf32, #tpu.memory_space<vmem>>)
    %dma_wait3A_2574 = arith.constant 12160 : i32
    %dma_wait3A_2575 = tpu.memref_slice %arg33[%dma_wait3A_2574] : memref<13312xf32, #tpu.memory_space<vmem>> -> memref<128xf32, #tpu.memory_space<vmem>>
    %dma_wait3A_2576 = arith.constant 12160 : i32
    %dma_wait3A_2577 = tpu.memref_slice %arg32[%dma_wait3A_2576] : memref<13312xi32, #tpu.memory_space<vmem>> -> memref<128xi32, #tpu.memory_space<vmem>>
    %dma_wait3A_2578 = arith.constant 0 : i32
    %dma_wait3A_2579 = tpu.memref_slice %arg26[%dma_wait3A_2578] : memref<1000000xf32, #tpu.memory_space<hbm>> -> memref<1000000xf32, #tpu.memory_space<hbm>>
    tpu.wait_indirect_dma semaphore(%arg37 : memref<!tpu.dma_semaphore, #tpu.memory_space<semaphore_mem>>) src(%dma_wait3A_2579 : memref<1000000xf32, #tpu.memory_space<hbm>>) dst(%dma_wait3A_2575 : memref<128xf32, #tpu.memory_space<vmem>>)
    %get3A_2580 = arith.constant 23 : i32
    %get3A_2581 = arith.index_cast %get3A_2580 : i32 to index
    %get3A_2582 = arith.constant 0 : index
    %get3A_2583 = tpu.vector_load %arg31[%get3A_2581, %get3A_2582] {strides = array<i32>} : memref<26x16xf32, #tpu.memory_space<vmem>>, vector<1x16xf32>,
    %get3A_2584 = vector.shape_cast %get3A_2583 : vector<1x16xf32> to vector<16xf32>
    %scan3A_2585 = arith.constant 0 : i32
    %scan3A_2586 = arith.constant 0 : i32
    %scan3A_2587 = arith.constant 32 : i32
    %scan3A_2588 = arith.addi %scan3A_2586, %scan3A_2587 : i32
    %scan3A_2589 = arith.constant 1 : i32
    %scan3A_2590 = scf.for %scan3A_2699 = %scan3A_2586 to %scan3A_2588 step %scan3A_2589 iter_args(%scan3A_2700 = %scan3A_2585) -> (i32)  : i32 {
      %mul3A_2701 = arith.constant 16 : i32
      %mul3A_2702 = arith.muli %scan3A_2699, %mul3A_2701 : i32
      %get3A_2703 = arith.index_cast %mul3A_2702 : i32 to index
      %get3A_2704 = tpu.vector_load %arg34[%get3A_2703] {strides = array<i32>} : memref<512xf32, #tpu.memory_space<vmem>>, vector<16xf32>,
      %get3A_2705 = vector.shape_cast %get3A_2704 : vector<16xf32> to vector<16xf32>
      %mul3A_2706 = arith.constant 16 : i32
      %mul3A_2707 = arith.muli %scan3A_2699, %mul3A_2706 : i32
      %add3A_2708 = arith.constant 11776 : i32
      %add3A_2709 = arith.addi %add3A_2708, %mul3A_2707 : i32
      %get3A_2710 = arith.index_cast %add3A_2709 : i32 to index
      %get3A_2711 = tpu.vector_load %arg33[%get3A_2710] {strides = array<i32>} : memref<13312xf32, #tpu.memory_space<vmem>>, vector<16xf32>,
      %get3A_2712 = vector.shape_cast %get3A_2711 : vector<16xf32> to vector<16xf32>
      %mul3A_2713 = arith.mulf %get3A_2712, %get3A_2584 : vector<16xf32>
      %add3A_2714 = arith.addf %get3A_2705, %mul3A_2713 : vector<16xf32>
      %swap3A_2715 = arith.index_cast %mul3A_2702 : i32 to index
      %swap3A_2716 = tpu.vector_load %arg34[%swap3A_2715] {strides = array<i32>} : memref<512xf32, #tpu.memory_space<vmem>>, vector<16xf32>,
      %swap3A_2717 = vector.shape_cast %swap3A_2716 : vector<16xf32> to vector<16xf32>
      %swap3A_2718 = vector.shape_cast %add3A_2714 : vector<16xf32> to vector<16xf32>
      tpu.vector_store %arg34[%swap3A_2715], %swap3A_2718 {strides = array<i32>} : memref<512xf32, #tpu.memory_space<vmem>>, vector<16xf32>,
      %scan3A_2719 = arith.constant 0 : i32
      scf.yield %scan3A_2719 : i32
    }
    %scan3A_2591 = arith.constant 32 : i32
    %dma_wait3A_2592 = arith.constant 25 : i32
    %dma_wait3A_2593 = arith.constant 12800 : i32
    %dma_wait3A_2594 = tpu.memref_slice %arg32[%dma_wait3A_2593] : memref<13312xi32, #tpu.memory_space<vmem>> -> memref<512xi32, #tpu.memory_space<vmem>>
    %dma_wait3A_2595 = arith.constant 0 : i32
    %dma_wait3A_2596 = tpu.memref_slice %arg2[%dma_wait3A_2592, %add3A, %dma_wait3A_2595] : memref<26x32x512xi32, #tpu.memory_space<hbm>> -> memref<1x1x512xi32, #tpu.memory_space<hbm>>
    %dma_wait3A_2597 = tpu.memref_squeeze %dma_wait3A_2596 : memref<1x1x512xi32, #tpu.memory_space<hbm>> -> memref<512xi32, #tpu.memory_space<hbm>>
    %dma_wait3A_2598 = arith.constant 12800 : i32
    %dma_wait3A_2599 = tpu.memref_slice %arg32[%dma_wait3A_2598] : memref<13312xi32, #tpu.memory_space<vmem>> -> memref<512xi32, #tpu.memory_space<vmem>>
    %dma_wait3A_2600 = arith.constant 0 : i32
    %dma_wait3A_2601 = tpu.memref_slice %arg2[%dma_wait3A_2592, %add3A, %dma_wait3A_2600] : memref<26x32x512xi32, #tpu.memory_space<hbm>> -> memref<1x1x512xi32, #tpu.memory_space<hbm>>
    %dma_wait3A_2602 = tpu.memref_squeeze %dma_wait3A_2601 : memref<1x1x512xi32, #tpu.memory_space<hbm>> -> memref<512xi32, #tpu.memory_space<hbm>>
    tpu.wait_dma2 semaphore(%arg35 : memref<!tpu.dma_semaphore, #tpu.memory_space<semaphore_mem>>) src(%dma_wait3A_2602 : memref<512xi32, #tpu.memory_space<hbm>>) dst(%dma_wait3A_2599 : memref<512xi32, #tpu.memory_space<vmem>>)
    %dma_start3A_2603 = arith.constant 12800 : i32
    %dma_start3A_2604 = tpu.memref_slice %arg33[%dma_start3A_2603] : memref<13312xf32, #tpu.memory_space<vmem>> -> memref<128xf32, #tpu.memory_space<vmem>>
    %dma_start3A_2605 = arith.constant 12800 : i32
    %dma_start3A_2606 = tpu.memref_slice %arg32[%dma_start3A_2605] : memref<13312xi32, #tpu.memory_space<vmem>> -> memref<128xi32, #tpu.memory_space<vmem>>
    %dma_start3A_2607 = arith.constant 0 : i32
    %dma_start3A_2608 = tpu.memref_slice %arg28[%dma_start3A_2607] : memref<1000000xf32, #tpu.memory_space<hbm>> -> memref<1000000xf32, #tpu.memory_space<hbm>>
    tpu.enqueue_indirect_dma source(%dma_start3A_2608 : memref<1000000xf32, #tpu.memory_space<hbm>>) target(%dma_start3A_2604 : memref<128xf32, #tpu.memory_space<vmem>>) offsets(%dma_start3A_2606 : memref<128xi32, #tpu.memory_space<vmem>>) semaphore(%arg37 : memref<!tpu.dma_semaphore, #tpu.memory_space<semaphore_mem>>)
    %dma_start3A_2609 = arith.constant 12928 : i32
    %dma_start3A_2610 = tpu.memref_slice %arg33[%dma_start3A_2609] : memref<13312xf32, #tpu.memory_space<vmem>> -> memref<128xf32, #tpu.memory_space<vmem>>
    %dma_start3A_2611 = arith.constant 12928 : i32
    %dma_start3A_2612 = tpu.memref_slice %arg32[%dma_start3A_2611] : memref<13312xi32, #tpu.memory_space<vmem>> -> memref<128xi32, #tpu.memory_space<vmem>>
    %dma_start3A_2613 = arith.constant 0 : i32
    %dma_start3A_2614 = tpu.memref_slice %arg28[%dma_start3A_2613] : memref<1000000xf32, #tpu.memory_space<hbm>> -> memref<1000000xf32, #tpu.memory_space<hbm>>
    tpu.enqueue_indirect_dma source(%dma_start3A_2614 : memref<1000000xf32, #tpu.memory_space<hbm>>) target(%dma_start3A_2610 : memref<128xf32, #tpu.memory_space<vmem>>) offsets(%dma_start3A_2612 : memref<128xi32, #tpu.memory_space<vmem>>) semaphore(%arg37 : memref<!tpu.dma_semaphore, #tpu.memory_space<semaphore_mem>>)
    %dma_start3A_2615 = arith.constant 13056 : i32
    %dma_start3A_2616 = tpu.memref_slice %arg33[%dma_start3A_2615] : memref<13312xf32, #tpu.memory_space<vmem>> -> memref<128xf32, #tpu.memory_space<vmem>>
    %dma_start3A_2617 = arith.constant 13056 : i32
    %dma_start3A_2618 = tpu.memref_slice %arg32[%dma_start3A_2617] : memref<13312xi32, #tpu.memory_space<vmem>> -> memref<128xi32, #tpu.memory_space<vmem>>
    %dma_start3A_2619 = arith.constant 0 : i32
    %dma_start3A_2620 = tpu.memref_slice %arg28[%dma_start3A_2619] : memref<1000000xf32, #tpu.memory_space<hbm>> -> memref<1000000xf32, #tpu.memory_space<hbm>>
    tpu.enqueue_indirect_dma source(%dma_start3A_2620 : memref<1000000xf32, #tpu.memory_space<hbm>>) target(%dma_start3A_2616 : memref<128xf32, #tpu.memory_space<vmem>>) offsets(%dma_start3A_2618 : memref<128xi32, #tpu.memory_space<vmem>>) semaphore(%arg37 : memref<!tpu.dma_semaphore, #tpu.memory_space<semaphore_mem>>)
    %dma_start3A_2621 = arith.constant 13184 : i32
    %dma_start3A_2622 = tpu.memref_slice %arg33[%dma_start3A_2621] : memref<13312xf32, #tpu.memory_space<vmem>> -> memref<128xf32, #tpu.memory_space<vmem>>
    %dma_start3A_2623 = arith.constant 13184 : i32
    %dma_start3A_2624 = tpu.memref_slice %arg32[%dma_start3A_2623] : memref<13312xi32, #tpu.memory_space<vmem>> -> memref<128xi32, #tpu.memory_space<vmem>>
    %dma_start3A_2625 = arith.constant 0 : i32
    %dma_start3A_2626 = tpu.memref_slice %arg28[%dma_start3A_2625] : memref<1000000xf32, #tpu.memory_space<hbm>> -> memref<1000000xf32, #tpu.memory_space<hbm>>
    tpu.enqueue_indirect_dma source(%dma_start3A_2626 : memref<1000000xf32, #tpu.memory_space<hbm>>) target(%dma_start3A_2622 : memref<128xf32, #tpu.memory_space<vmem>>) offsets(%dma_start3A_2624 : memref<128xi32, #tpu.memory_space<vmem>>) semaphore(%arg37 : memref<!tpu.dma_semaphore, #tpu.memory_space<semaphore_mem>>)
    %dma_wait3A_2627 = arith.constant 12288 : i32
    %dma_wait3A_2628 = tpu.memref_slice %arg33[%dma_wait3A_2627] : memref<13312xf32, #tpu.memory_space<vmem>> -> memref<128xf32, #tpu.memory_space<vmem>>
    %dma_wait3A_2629 = arith.constant 12288 : i32
    %dma_wait3A_2630 = tpu.memref_slice %arg32[%dma_wait3A_2629] : memref<13312xi32, #tpu.memory_space<vmem>> -> memref<128xi32, #tpu.memory_space<vmem>>
    %dma_wait3A_2631 = arith.constant 0 : i32
    %dma_wait3A_2632 = tpu.memref_slice %arg27[%dma_wait3A_2631] : memref<1000000xf32, #tpu.memory_space<hbm>> -> memref<1000000xf32, #tpu.memory_space<hbm>>
    tpu.wait_indirect_dma semaphore(%arg36 : memref<!tpu.dma_semaphore, #tpu.memory_space<semaphore_mem>>) src(%dma_wait3A_2632 : memref<1000000xf32, #tpu.memory_space<hbm>>) dst(%dma_wait3A_2628 : memref<128xf32, #tpu.memory_space<vmem>>)
    %dma_wait3A_2633 = arith.constant 12416 : i32
    %dma_wait3A_2634 = tpu.memref_slice %arg33[%dma_wait3A_2633] : memref<13312xf32, #tpu.memory_space<vmem>> -> memref<128xf32, #tpu.memory_space<vmem>>
    %dma_wait3A_2635 = arith.constant 12416 : i32
    %dma_wait3A_2636 = tpu.memref_slice %arg32[%dma_wait3A_2635] : memref<13312xi32, #tpu.memory_space<vmem>> -> memref<128xi32, #tpu.memory_space<vmem>>
    %dma_wait3A_2637 = arith.constant 0 : i32
    %dma_wait3A_2638 = tpu.memref_slice %arg27[%dma_wait3A_2637] : memref<1000000xf32, #tpu.memory_space<hbm>> -> memref<1000000xf32, #tpu.memory_space<hbm>>
    tpu.wait_indirect_dma semaphore(%arg36 : memref<!tpu.dma_semaphore, #tpu.memory_space<semaphore_mem>>) src(%dma_wait3A_2638 : memref<1000000xf32, #tpu.memory_space<hbm>>) dst(%dma_wait3A_2634 : memref<128xf32, #tpu.memory_space<vmem>>)
    %dma_wait3A_2639 = arith.constant 12544 : i32
    %dma_wait3A_2640 = tpu.memref_slice %arg33[%dma_wait3A_2639] : memref<13312xf32, #tpu.memory_space<vmem>> -> memref<128xf32, #tpu.memory_space<vmem>>
    %dma_wait3A_2641 = arith.constant 12544 : i32
    %dma_wait3A_2642 = tpu.memref_slice %arg32[%dma_wait3A_2641] : memref<13312xi32, #tpu.memory_space<vmem>> -> memref<128xi32, #tpu.memory_space<vmem>>
    %dma_wait3A_2643 = arith.constant 0 : i32
    %dma_wait3A_2644 = tpu.memref_slice %arg27[%dma_wait3A_2643] : memref<1000000xf32, #tpu.memory_space<hbm>> -> memref<1000000xf32, #tpu.memory_space<hbm>>
    tpu.wait_indirect_dma semaphore(%arg36 : memref<!tpu.dma_semaphore, #tpu.memory_space<semaphore_mem>>) src(%dma_wait3A_2644 : memref<1000000xf32, #tpu.memory_space<hbm>>) dst(%dma_wait3A_2640 : memref<128xf32, #tpu.memory_space<vmem>>)
    %dma_wait3A_2645 = arith.constant 12672 : i32
    %dma_wait3A_2646 = tpu.memref_slice %arg33[%dma_wait3A_2645] : memref<13312xf32, #tpu.memory_space<vmem>> -> memref<128xf32, #tpu.memory_space<vmem>>
    %dma_wait3A_2647 = arith.constant 12672 : i32
    %dma_wait3A_2648 = tpu.memref_slice %arg32[%dma_wait3A_2647] : memref<13312xi32, #tpu.memory_space<vmem>> -> memref<128xi32, #tpu.memory_space<vmem>>
    %dma_wait3A_2649 = arith.constant 0 : i32
    %dma_wait3A_2650 = tpu.memref_slice %arg27[%dma_wait3A_2649] : memref<1000000xf32, #tpu.memory_space<hbm>> -> memref<1000000xf32, #tpu.memory_space<hbm>>
    tpu.wait_indirect_dma semaphore(%arg36 : memref<!tpu.dma_semaphore, #tpu.memory_space<semaphore_mem>>) src(%dma_wait3A_2650 : memref<1000000xf32, #tpu.memory_space<hbm>>) dst(%dma_wait3A_2646 : memref<128xf32, #tpu.memory_space<vmem>>)
    %get3A_2651 = arith.constant 24 : i32
    %get3A_2652 = arith.index_cast %get3A_2651 : i32 to index
    %get3A_2653 = arith.constant 0 : index
    %get3A_2654 = tpu.vector_load %arg31[%get3A_2652, %get3A_2653] {strides = array<i32>} : memref<26x16xf32, #tpu.memory_space<vmem>>, vector<1x16xf32>,
    %get3A_2655 = vector.shape_cast %get3A_2654 : vector<1x16xf32> to vector<16xf32>
    %scan3A_2656 = arith.constant 0 : i32
    %scan3A_2657 = arith.constant 0 : i32
    %scan3A_2658 = arith.constant 32 : i32
    %scan3A_2659 = arith.addi %scan3A_2657, %scan3A_2658 : i32
    %scan3A_2660 = arith.constant 1 : i32
    %scan3A_2661 = scf.for %scan3A_2699 = %scan3A_2657 to %scan3A_2659 step %scan3A_2660 iter_args(%scan3A_2700 = %scan3A_2656) -> (i32)  : i32 {
      %mul3A_2701 = arith.constant 16 : i32
      %mul3A_2702 = arith.muli %scan3A_2699, %mul3A_2701 : i32
      %get3A_2703 = arith.index_cast %mul3A_2702 : i32 to index
      %get3A_2704 = tpu.vector_load %arg34[%get3A_2703] {strides = array<i32>} : memref<512xf32, #tpu.memory_space<vmem>>, vector<16xf32>,
      %get3A_2705 = vector.shape_cast %get3A_2704 : vector<16xf32> to vector<16xf32>
      %mul3A_2706 = arith.constant 16 : i32
      %mul3A_2707 = arith.muli %scan3A_2699, %mul3A_2706 : i32
      %add3A_2708 = arith.constant 12288 : i32
      %add3A_2709 = arith.addi %add3A_2708, %mul3A_2707 : i32
      %get3A_2710 = arith.index_cast %add3A_2709 : i32 to index
      %get3A_2711 = tpu.vector_load %arg33[%get3A_2710] {strides = array<i32>} : memref<13312xf32, #tpu.memory_space<vmem>>, vector<16xf32>,
      %get3A_2712 = vector.shape_cast %get3A_2711 : vector<16xf32> to vector<16xf32>
      %mul3A_2713 = arith.mulf %get3A_2712, %get3A_2655 : vector<16xf32>
      %add3A_2714 = arith.addf %get3A_2705, %mul3A_2713 : vector<16xf32>
      %swap3A_2715 = arith.index_cast %mul3A_2702 : i32 to index
      %swap3A_2716 = tpu.vector_load %arg34[%swap3A_2715] {strides = array<i32>} : memref<512xf32, #tpu.memory_space<vmem>>, vector<16xf32>,
      %swap3A_2717 = vector.shape_cast %swap3A_2716 : vector<16xf32> to vector<16xf32>
      %swap3A_2718 = vector.shape_cast %add3A_2714 : vector<16xf32> to vector<16xf32>
      tpu.vector_store %arg34[%swap3A_2715], %swap3A_2718 {strides = array<i32>} : memref<512xf32, #tpu.memory_space<vmem>>, vector<16xf32>,
      %scan3A_2719 = arith.constant 0 : i32
      scf.yield %scan3A_2719 : i32
    }
    %scan3A_2662 = arith.constant 32 : i32
    %dma_wait3A_2663 = arith.constant 12800 : i32
    %dma_wait3A_2664 = tpu.memref_slice %arg33[%dma_wait3A_2663] : memref<13312xf32, #tpu.memory_space<vmem>> -> memref<128xf32, #tpu.memory_space<vmem>>
    %dma_wait3A_2665 = arith.constant 12800 : i32
    %dma_wait3A_2666 = tpu.memref_slice %arg32[%dma_wait3A_2665] : memref<13312xi32, #tpu.memory_space<vmem>> -> memref<128xi32, #tpu.memory_space<vmem>>
    %dma_wait3A_2667 = arith.constant 0 : i32
    %dma_wait3A_2668 = tpu.memref_slice %arg28[%dma_wait3A_2667] : memref<1000000xf32, #tpu.memory_space<hbm>> -> memref<1000000xf32, #tpu.memory_space<hbm>>
    tpu.wait_indirect_dma semaphore(%arg37 : memref<!tpu.dma_semaphore, #tpu.memory_space<semaphore_mem>>) src(%dma_wait3A_2668 : memref<1000000xf32, #tpu.memory_space<hbm>>) dst(%dma_wait3A_2664 : memref<128xf32, #tpu.memory_space<vmem>>)
    %dma_wait3A_2669 = arith.constant 12928 : i32
    %dma_wait3A_2670 = tpu.memref_slice %arg33[%dma_wait3A_2669] : memref<13312xf32, #tpu.memory_space<vmem>> -> memref<128xf32, #tpu.memory_space<vmem>>
    %dma_wait3A_2671 = arith.constant 12928 : i32
    %dma_wait3A_2672 = tpu.memref_slice %arg32[%dma_wait3A_2671] : memref<13312xi32, #tpu.memory_space<vmem>> -> memref<128xi32, #tpu.memory_space<vmem>>
    %dma_wait3A_2673 = arith.constant 0 : i32
    %dma_wait3A_2674 = tpu.memref_slice %arg28[%dma_wait3A_2673] : memref<1000000xf32, #tpu.memory_space<hbm>> -> memref<1000000xf32, #tpu.memory_space<hbm>>
    tpu.wait_indirect_dma semaphore(%arg37 : memref<!tpu.dma_semaphore, #tpu.memory_space<semaphore_mem>>) src(%dma_wait3A_2674 : memref<1000000xf32, #tpu.memory_space<hbm>>) dst(%dma_wait3A_2670 : memref<128xf32, #tpu.memory_space<vmem>>)
    %dma_wait3A_2675 = arith.constant 13056 : i32
    %dma_wait3A_2676 = tpu.memref_slice %arg33[%dma_wait3A_2675] : memref<13312xf32, #tpu.memory_space<vmem>> -> memref<128xf32, #tpu.memory_space<vmem>>
    %dma_wait3A_2677 = arith.constant 13056 : i32
    %dma_wait3A_2678 = tpu.memref_slice %arg32[%dma_wait3A_2677] : memref<13312xi32, #tpu.memory_space<vmem>> -> memref<128xi32, #tpu.memory_space<vmem>>
    %dma_wait3A_2679 = arith.constant 0 : i32
    %dma_wait3A_2680 = tpu.memref_slice %arg28[%dma_wait3A_2679] : memref<1000000xf32, #tpu.memory_space<hbm>> -> memref<1000000xf32, #tpu.memory_space<hbm>>
    tpu.wait_indirect_dma semaphore(%arg37 : memref<!tpu.dma_semaphore, #tpu.memory_space<semaphore_mem>>) src(%dma_wait3A_2680 : memref<1000000xf32, #tpu.memory_space<hbm>>) dst(%dma_wait3A_2676 : memref<128xf32, #tpu.memory_space<vmem>>)
    %dma_wait3A_2681 = arith.constant 13184 : i32
    %dma_wait3A_2682 = tpu.memref_slice %arg33[%dma_wait3A_2681] : memref<13312xf32, #tpu.memory_space<vmem>> -> memref<128xf32, #tpu.memory_space<vmem>>
    %dma_wait3A_2683 = arith.constant 13184 : i32
    %dma_wait3A_2684 = tpu.memref_slice %arg32[%dma_wait3A_2683] : memref<13312xi32, #tpu.memory_space<vmem>> -> memref<128xi32, #tpu.memory_space<vmem>>
    %dma_wait3A_2685 = arith.constant 0 : i32
    %dma_wait3A_2686 = tpu.memref_slice %arg28[%dma_wait3A_2685] : memref<1000000xf32, #tpu.memory_space<hbm>> -> memref<1000000xf32, #tpu.memory_space<hbm>>
    tpu.wait_indirect_dma semaphore(%arg37 : memref<!tpu.dma_semaphore, #tpu.memory_space<semaphore_mem>>) src(%dma_wait3A_2686 : memref<1000000xf32, #tpu.memory_space<hbm>>) dst(%dma_wait3A_2682 : memref<128xf32, #tpu.memory_space<vmem>>)
    %get3A_2687 = arith.constant 25 : i32
    %get3A_2688 = arith.index_cast %get3A_2687 : i32 to index
    %get3A_2689 = arith.constant 0 : index
    %get3A_2690 = tpu.vector_load %arg31[%get3A_2688, %get3A_2689] {strides = array<i32>} : memref<26x16xf32, #tpu.memory_space<vmem>>, vector<1x16xf32>,
    %get3A_2691 = vector.shape_cast %get3A_2690 : vector<1x16xf32> to vector<16xf32>
    %scan3A_2692 = arith.constant 0 : i32
    %scan3A_2693 = arith.constant 0 : i32
    %scan3A_2694 = arith.constant 32 : i32
    %scan3A_2695 = arith.addi %scan3A_2693, %scan3A_2694 : i32
    %scan3A_2696 = arith.constant 1 : i32
    %scan3A_2697 = scf.for %scan3A_2699 = %scan3A_2693 to %scan3A_2695 step %scan3A_2696 iter_args(%scan3A_2700 = %scan3A_2692) -> (i32)  : i32 {
      %mul3A_2701 = arith.constant 16 : i32
      %mul3A_2702 = arith.muli %scan3A_2699, %mul3A_2701 : i32
      %get3A_2703 = arith.index_cast %mul3A_2702 : i32 to index
      %get3A_2704 = tpu.vector_load %arg34[%get3A_2703] {strides = array<i32>} : memref<512xf32, #tpu.memory_space<vmem>>, vector<16xf32>,
      %get3A_2705 = vector.shape_cast %get3A_2704 : vector<16xf32> to vector<16xf32>
      %mul3A_2706 = arith.constant 16 : i32
      %mul3A_2707 = arith.muli %scan3A_2699, %mul3A_2706 : i32
      %add3A_2708 = arith.constant 12800 : i32
      %add3A_2709 = arith.addi %add3A_2708, %mul3A_2707 : i32
      %get3A_2710 = arith.index_cast %add3A_2709 : i32 to index
      %get3A_2711 = tpu.vector_load %arg33[%get3A_2710] {strides = array<i32>} : memref<13312xf32, #tpu.memory_space<vmem>>, vector<16xf32>,
      %get3A_2712 = vector.shape_cast %get3A_2711 : vector<16xf32> to vector<16xf32>
      %mul3A_2713 = arith.mulf %get3A_2712, %get3A_2691 : vector<16xf32>
      %add3A_2714 = arith.addf %get3A_2705, %mul3A_2713 : vector<16xf32>
      %swap3A_2715 = arith.index_cast %mul3A_2702 : i32 to index
      %swap3A_2716 = tpu.vector_load %arg34[%swap3A_2715] {strides = array<i32>} : memref<512xf32, #tpu.memory_space<vmem>>, vector<16xf32>,
      %swap3A_2717 = vector.shape_cast %swap3A_2716 : vector<16xf32> to vector<16xf32>
      %swap3A_2718 = vector.shape_cast %add3A_2714 : vector<16xf32> to vector<16xf32>
      tpu.vector_store %arg34[%swap3A_2715], %swap3A_2718 {strides = array<i32>} : memref<512xf32, #tpu.memory_space<vmem>>, vector<16xf32>,
      %scan3A_2719 = arith.constant 0 : i32
      scf.yield %scan3A_2719 : i32
    }
    %scan3A_2698 = arith.constant 32 : i32
    "tpu.region"() ({
      %run_scoped3A = tpu.sem_alloc : memref<!tpu.dma_semaphore, #tpu.memory_space<semaphore_mem>>
      %dma_start3A_2699 = tpu.memref_slice %arg30[%mul3A_2] : memref<16384xf32, #tpu.memory_space<hbm>> -> memref<512xf32, #tpu.memory_space<hbm>>
      %dma_start3A_2700 = tpu.memref_slice %arg30[%mul3A_2] : memref<16384xf32, #tpu.memory_space<hbm>> -> memref<512xf32, #tpu.memory_space<hbm>>
      tpu.enqueue_dma source(%arg34 : memref<512xf32, #tpu.memory_space<vmem>>) target(%dma_start3A_2700 : memref<512xf32, #tpu.memory_space<hbm>>) target_semaphore(%run_scoped3A : memref<!tpu.dma_semaphore, #tpu.memory_space<semaphore_mem>>)
      %dma_wait3A_2701 = tpu.memref_slice %arg30[%mul3A_2] : memref<16384xf32, #tpu.memory_space<hbm>> -> memref<512xf32, #tpu.memory_space<hbm>>
      %dma_wait3A_2702 = tpu.memref_slice %arg30[%mul3A_2] : memref<16384xf32, #tpu.memory_space<hbm>> -> memref<512xf32, #tpu.memory_space<hbm>>
      tpu.wait_dma2 semaphore(%run_scoped3A : memref<!tpu.dma_semaphore, #tpu.memory_space<semaphore_mem>>) src(%arg34 : memref<512xf32, #tpu.memory_space<vmem>>) dst(%dma_wait3A_2702 : memref<512xf32, #tpu.memory_space<hbm>>)
      tpu.yield
    }) : () -> ()
    return
  }
}

</mosaic_0001>

<sc_bundles>
// kernel: kernel.3.cloned.1.call-start
scs
__scs_entry_jumppad:
0x0: {  	(pc) =	sbr.rel $0x88, $3  }
0x1: {  	(tag) =	ssettag $0x0;
	lr =	simm.s32 $0x1  }
0x2: {  	[smem:$0x3F9E] =	sst lr;
	_ =	strace $0xD0000000  }
0x3: {  	_ = 	snop  }
0x4: {  	_ = 	snop  }
0x5: {  	_ = 	snop  }
0x6: {  	_ = 	snop  }
0x7: {  	_ = 	snop  }
__scs_overlays_trampoline_lowered:
0x8: {  	[smem:$0x3FAD] =	sst s0  }
0x9: {  	[smem:$0x3FAE] =	sst s1  }
0xa: {  	[smem:$0x3FAF] =	sst s2  }
0xb: {  	[smem:$0x3FB0] =	sst s3  }
0xc: {  	[smem:$0x3FB1] =	sst s4  }
0xd: {  	[smem:$0x3FB2] =	sst s5  }
0xe: {  	[smem:$0x3FB3] =	sst s6  }
0xf: {  	[smem:$0x3FB4] =	sst s7  }
0x10: {  	[smem:$0x3FB5] =	sst s8  }
0x11: {  	[smem:$0x3FB6] =	sst s9;
	s0 =	simm.s32 @!p0 $0x0  }
0x12: {  	s1 =	sld [smem:$0x3F9C];
	s0 =	simm.s32 @p0 $0x1  }
0x13: {  	[smem:$0x3FB7] =	sst s0;
	s0 =	simm.s32 @!p1 $0x0  }
0x14: {  	s2 =	sld [smem:$0x3F9B];
	s0 =	simm.s32 @p1 $0x1  }
0x15: {  	[smem:$0x3FB8] =	sst s0;
	s0 =	simm.s32 @!p2 $0x0  }
0x16: {  	s3 =	sld [smem:$0x3FDB];
	s0 =	simm.s32 @p2 $0x1  }
0x17: {  	s4 =	simm.s32 $0x1BF5;
	[smem:$0x3FBA] =	sst s0  }
0x18: {  	s0 =	sld [smem:$0x3F9D];
	_ =	swait.ge [sflag:s4], $0x0  }
0x19: {  	s7 =	sld [smem:$0x3F9E]  }
0x1a: {  	s8 =	sadd.s32 $0xFFFFE003, lr  }
0x1b: {  	s9 =	sadd.s32 $0xFFFFFEF7, lr;
	s5 =	simm.s32 $0xFFFFFFFF;
	p2 =	slt.u32 s8, $0xFFFFF086  }
0x1c: {  	p1 =	slt.u32 s9, $0xF7A;
	s5 =	simm.s32 @!p2 $0x0  }
0x1d: {  	s5 =	simm.s32 @p1 $0x1;
	p0 =	seq.s32 s7, s2  }
0x1e: {  	s7 =	smul.u32 @!p0 $0xF7A, s2;
	p2 =	seq.s32 @!p0 s5, $0x0  }
0x1f: {  	s9 =	smul.u32 $0xF7A, s1;
	s8 =	simm.s32 @!p0 $0x1BF5;
	p2 =	por !p2, p0  }
0x20: {  	[sflag:s8] =	ssyncset.s32 @!p0 $0xFFFFF086;
	s6 =	sadd.s32 @!p0 s3, s7;
	s7 =	simm.s32 @!p0 $0x108  }
0x21: {  	s3 =	sadd.s32 s3, s9;
	s6 =	sadd.s32 @!p0 $0x88, s6;
	s7 =	simm.s32 @p2 $0x1082  }
0x22: {  	[simem:s7], [sflag:s8] =	dma.local @!p0 [hbm:s6], $0xF7A  }
0x23: {  	s9 =	sor.u32 $0xD0000000, s2;
	s6 =	simm.s32 $0x108;
	_ =	swait.ge @!p0 [sflag:s8], $0x0  }
0x24: {  	s3 =	sadd.s32 $0x88, s3;
	s6 =	simm.s32 @!p1 $0x1082;
	[sflag:s4] =	ssyncset.s32 $0xFFFFF086  }
0x25: {  	[simem:s6], [sflag:s4] =	dma.local [hbm:s3], $0xF7A  }
0x26: {  	[smem:$0x3F9E] =	sst s1;
	(tag) =	ssettag s2;
	_ =	strace s9  }
0x27: {  	s1 =	sld [smem:$0x3FAE]  }
0x28: {  	s2 =	sld [smem:$0x3FAF]  }
0x29: {  	s4 =	sld [smem:$0x3FB1]  }
0x2a: {  	p0 =	seq.s32 s5, $0x0;
	s5 =	sld [smem:$0x3FB2]  }
0x2b: {  	s6 =	sld [smem:$0x3FB3]  }
0x2c: {  	s7 =	sld [smem:$0x3FB4]  }
0x2d: {  	s3 =	simm.s32 $0x108;
	s8 =	sld [smem:$0x3FB5]  }
0x2e: {  	s3 =	simm.s32 @!p0 $0x1082;
	s9 =	sld [smem:$0x3FB6]  }
0x2f: {  	lr =	sadd.s32 s0, s3;
	s0 =	sld [smem:$0x3FAD]  }
0x30: {  	s3 =	sld [smem:$0x3FB0]  }
0x31: {  	[smem:$0x3FB9] =	sst s10  }
0x32: {  	s10 =	sld [smem:$0x3FB7];
	_ =	sdelay $0x3  }
0x33: {  	p0 =	seq.s32 s10, $0x1;
	s10 =	sld [smem:$0x3FB9];
	_ =	sdelay $0x3  }
0x34: {  	[smem:$0x3FB9] =	sst s10  }
0x35: {  	s10 =	sld [smem:$0x3FB8];
	_ =	sdelay $0x3  }
0x36: {  	p1 =	seq.s32 s10, $0x1;
	s10 =	sld [smem:$0x3FB9];
	_ =	sdelay $0x3  }
0x37: {  	[smem:$0x3FB9] =	sst s10  }
0x38: {  	s10 =	sld [smem:$0x3FBA]  }
0x39: {  	_ = 	snop;
	(pc) =	sbr.ind lr, $3  }
0x3a: {  	_ = 	snop  }
0x3b: {  	_ = 	snop  }
0x3c: {  	p2 =	seq.s32 s10, $0x1;
	s10 =	sld [smem:$0x3FB9]  }
0x3d: {  	_ =	shalt  }
0x3e: {  	_ =	shalt  }
0x3f: {  	_ =	shalt  }
0x40: {  	_ =	shalt  }
0x41: {  	_ =	shalt  }
0x42: {  	_ =	shalt  }
0x43: {  	_ =	shalt  }
0x44: {  	_ =	shalt  }
0x45: {  	_ =	shalt  }
0x46: {  	_ =	shalt  }
0x47: {  	_ =	shalt  }
0x48: {  	_ =	shalt  }
0x49: {  	_ =	shalt  }
0x4a: {  	_ =	shalt  }
0x4b: {  	_ =	shalt  }
0x4c: {  	_ =	shalt  }
0x4d: {  	_ =	shalt  }
0x4e: {  	_ =	shalt  }
0x4f: {  	_ =	shalt  }
0x50: {  	_ =	shalt  }
0x51: {  	_ =	shalt  }
0x52: {  	_ =	shalt  }
0x53: {  	_ =	shalt  }
0x54: {  	_ =	shalt  }
0x55: {  	_ =	shalt  }
0x56: {  	_ =	shalt  }
0x57: {  	_ =	shalt  }
0x58: {  	_ =	shalt  }
0x59: {  	_ =	shalt  }
0x5a: {  	_ =	shalt  }
0x5b: {  	_ =	shalt  }
0x5c: {  	_ =	shalt  }
0x5d: {  	_ =	shalt  }
0x5e: {  	_ =	shalt  }
0x5f: {  	_ =	shalt  }
0x60: {  	_ =	shalt  }
0x61: {  	_ =	shalt  }
0x62: {  	_ =	shalt  }
0x63: {  	_ =	shalt  }
0x64: {  	_ =	shalt  }
0x65: {  	_ =	shalt  }
0x66: {  	_ =	shalt  }
0x67: {  	_ =	shalt  }
0x68: {  	_ =	shalt  }
0x69: {  	_ =	shalt  }
0x6a: {  	_ =	shalt  }
0x6b: {  	_ =	shalt  }
0x6c: {  	_ =	shalt  }
0x6d: {  	_ =	shalt  }
0x6e: {  	_ =	shalt  }
0x6f: {  	_ =	shalt  }
0x70: {  	_ =	shalt  }
0x71: {  	_ =	shalt  }
0x72: {  	_ =	shalt  }
0x73: {  	_ =	shalt  }
0x74: {  	_ =	shalt  }
0x75: {  	_ =	shalt  }
0x76: {  	_ =	shalt  }
0x77: {  	_ =	shalt  }
0x78: {  	_ =	shalt  }
0x79: {  	_ =	shalt  }
0x7a: {  	_ =	shalt  }
0x7b: {  	_ =	shalt  }
0x7c: {  	_ =	shalt  }
0x7d: {  	_ =	shalt  }
0x7e: {  	_ =	shalt  }
0x7f: {  	_ =	shalt  }
0x80: {  	_ =	shalt  }
0x81: {  	_ =	shalt  }
0x82: {  	_ =	shalt  }
0x83: {  	_ =	shalt  }
0x84: {  	_ =	shalt  }
0x85: {  	_ =	shalt  }
0x86: {  	_ =	shalt  }
0x87: {  	_ =	shalt  }
.Lfunc_end0:
.L_simem_size_0:
called_computation_lowered:
.L_overlay_start_0:
0x88: {  	s2 =	sld [smem:$0x3FD9]  }
0x89: {  	s3 =	sld [smem:$0x3FFE];
	_ =	sdelay $0x1  }
0x8a: {  	s1 =	srdreg.scid  }
0x8b: {  	s0 =	sand.u32 $0x1, s1  }
0x8c: {  	s17 =	sshll.u32 s0, $0xA;
	s2 =	sadd.s32 s3, s2  }
0x8d: {  	s2 =	sadd.s32 s2, s17  }
0x8e: {  	[smem:$0x3FC5] =	sst s2  }
0x8f: {  	_ = 	snop  }
0x90: {  	s2 =	sld [smem:$0x3FD0];
	(tm) =	ssettm $0x1  }
0x91: {  	s18 =	sld [smem:$0x3FFB];
	_ =	sdelay $0x3  }
0x92: {  	_ =	strace s18  }
0x93: {  	s3 =	sld [smem:$0x3FFC];
	_ =	sdelay $0x3  }
0x94: {  	_ =	strace s3  }
0x95: {  	s3 =	sld [smem:$0x3FFD];
	_ =	sdelay $0x3  }
0x96: {  	_ =	strace s3  }
0x97: {  	_ =	strace $0x8FFFFFFF  }
0x98: {  	s19 =	sld [smem:$0x3FDB];
	_ =	sdelay $0x1  }
0x99: {  	s4 =	simm.s32 $_scs_section_size  }
0x9a: {  	s5 =	simm.s32 $_size__tile_overlayer_lowered;
	s6 =	simm.s32 $_tile_overlayer_lowered  }
0x9b: {  	s22 =	simm.s32 $0x1BFF;
	s21 =	sshll.u32 s6, $0x1;
	s3 =	sadd.s32 s4, s19  }
0x9c: {  	s7 =	simm.s32 $0x0;
	s20 =	sshll.u32 s5, $0x1;
	s5 =	sadd.s32 s21, s3  }
0x9d: {  	[timem:s7], [sflag:s22] =	dma.local [hbm:s5], s20  }
0x9e: {  	_ =	swait.ge [sflag:s22], s20  }
0x9f: {  	s4 =	ssub.s32 $0x0, s20;
	[sflag:s22] =	ssyncset.done $0x0  }
0xa0: {  	[sflag:s22] =	ssyncadd.s32 s4;
	_ =	sdelay $0x1  }
0xa1: {  	s23 =	simm.s32 $0x1B8B  }
0xa2: {  	_ =	swait.ge [sflag:s23], $0x1  }
0xa3: {  	[sflag:s23] =	ssyncset.done $0x0  }
0xa4: {  	s25 =	simm.s32 $0x1B8E;
	s24 =	sld [smem:$0x3FFE];
	[sflag:s23] =	ssyncadd.s32 $0xFFFFFFFF  }
0xa5: {  	s26 =	simm.s32 $execute0_lowered;
	[smem:$0x3FD2] =	sst s25  }
0xa6: {  	s5 =	sshll.u32 s26, $0x1;
	_ =	strace $0x80000046;
	[dreg:$0x1] =	wrdreg $0xFFFFFFFF  }
0xa7: {  	s28 =	simm.s32 $_size_execute0_lowered;
	s3 =	sadd.s32 s3, s5;
	[dreg:$0x0] =	wrdreg $0x0  }
0xa8: {  	s5 =	sshll.u32 s28, $0x1;
	[dreg:$0x2] =	wrdreg s3  }
0xa9: {  	[dreg:$0x3] =	wrdreg s5  }
0xaa: {  	[dreg:$0x4] =	wrdreg $0xC0  }
0xab: {  	_ =	task [dreg:s7], $0x5FFFF  }
0xac: {  	[dreg:$0x1] =	wrdreg $0xFFFFFFFF  }
0xad: {  	[dreg:$0x0] =	wrdreg $0x60  }
0xae: {  	[dreg:$0x2] =	wrdreg s24  }
0xaf: {  	[dreg:$0x3] =	wrdreg s2  }
0xb0: {  	[dreg:$0x4] =	wrdreg $0x9  }
0xb1: {  	_ =	task.clear_ibuf [dreg:s7], $0x5FFFF;
	_ =	strace $0x90000046  }
0xb2: {  	s29 =	simm.s32 $0x9;
	_ =	strace $0x80000048  }
0xb3: {  	_ =	swait.ge [sflag:s29], $0x1  }
0xb4: {  	[sflag:s29] =	ssyncadd.s32 $0xFFFFFFFF  }
0xb5: {  	_ =	strace $0x90000048  }
0xb6: {  	_ =	sfence  }
0xb7: {  	s30 =	sld [smem:$0x0];
	_ =	sdelay $0x2  }
0xb8: {  	s31 =	sshll.u32 s1, $0xD;
	s1 =	sshrl.u32 s1, $0x2  }
0xb9: {  	s3 =	sand.u32 $0x4000, s31;
	s1 =	sadd.s32 s1, s30  }
0xba: {  	s0 =	sor.u32 s3, s0;
	s1 =	sshll.u32 s1, $0x11  }
0xbb: {  	s0 =	sor.u32 s1, s0  }
0xbc: {  	s0 =	sadd.s32 $0x8F2B, s0  }
0xbd: {  	[sflag:s0] =	ssyncadd.remote.s32 $0x1  }
0xbe: {  	_ =	sfence.sel $0xFFFF  }
0xbf: {  	[dreg:$0x0] =	wrdreg $0xFFFFFFFF;
	(pc) =	sbr.abs _section_cstart, $3  }
0xc0: {  	[dreg:$0x1] =	wrdreg $0xFFFFFFFF  }
0xc1: {  	_ =	task.clear_ibuf [dreg:s7], $0x2FFFF;
	_ =	strace $0x9FFFFFFF  }
0xc2: {  	(tm) =	ssettm $0x7FFFFFFF  }
0xc3: {  	_ =	shalt  }
tec
execute0_lowered:
.L_overlay_start_1:
0x0: {  	(tag) =	ssettag $0x1  }
0x1: {  	s0 =	srdreg.scid;
	s16 =	rddreg [dreg:$0x0]  }
0x2: {  	s2 =	stileid.u32;
	s1 =	rddreg [dreg:$0x1];
	s0 =	sand.u32 $0x1, s0  }
0x3: {  	s3 =	simm.s32 $0x0;
	s2 =	sshll.u32 s2, $0x7;
	s4 =	sshll.u32 s0, $0x6  }
0x4: {  	[smem:$0x7FF] =	sst s3;
	s2 =	sor.u32 s4, s2  }
0x5: {  	_ =	strace $0x80000047;
	s4 =	sadd.s32 s2, s16;
	s1 =	sadd.s32 s1, s2  }
0x6: {  	s5 =	sadd.s32 $0x31C600, s4;
	[smem:$0x7FB] =	sst s1  }
0x7: {  	s15 =	sadd.s32 $0x31CE00, s4;
	[dreg:$0x3] =	wrdreg s5  }
0x8: {  	s17 =	sadd.s32 $0x31D600, s4;
	[dreg:$0x4] =	wrdreg s15  }
0x9: {  	s18 =	sadd.s32 $0x31DE00, s4;
	[dreg:$0x5] =	wrdreg s17  }
0xa: {  	s19 =	sadd.s32 $0x31E600, s4;
	[dreg:$0x6] =	wrdreg s18  }
0xb: {  	s20 =	sadd.s32 $0x31EE00, s4;
	[dreg:$0x7] =	wrdreg s19  }
0xc: {  	s21 =	sadd.s32 $0x31F600, s4;
	[dreg:$0x8] =	wrdreg s20  }
0xd: {  	s22 =	sadd.s32 $0x31FE00, s4;
	[dreg:$0x9] =	wrdreg s21  }
0xe: {  	s23 =	sadd.s32 $0x320600, s4;
	[dreg:$0xa] =	wrdreg s22  }
0xf: {  	s24 =	sadd.s32 $0x320E00, s4;
	[dreg:$0xb] =	wrdreg s23  }
0x10: {  	s25 =	sadd.s32 $0x321600, s4;
	[dreg:$0xc] =	wrdreg s24  }
0x11: {  	s26 =	sadd.s32 $0x321E00, s4;
	[dreg:$0xd] =	wrdreg s25  }
0x12: {  	s31 =	sadd.s32 $0x322600, s4;
	[dreg:$0xe] =	wrdreg s26  }
0x13: {  	s6 =	sadd.s32 $0x322E00, s4;
	[dreg:$0xf] =	wrdreg s31  }
0x14: {  	s7 =	sadd.s32 $0x323600, s4;
	[dreg:$0x10] =	wrdreg s6  }
0x15: {  	s8 =	sadd.s32 $0x323E00, s4;
	[dreg:$0x11] =	wrdreg s7  }
0x16: {  	s9 =	sadd.s32 $0x324600, s4;
	[dreg:$0x12] =	wrdreg s8  }
0x17: {  	s10 =	sadd.s32 $0x324E00, s4;
	[dreg:$0x13] =	wrdreg s9  }
0x18: {  	s11 =	sadd.s32 $0x325600, s4;
	[dreg:$0x14] =	wrdreg s10  }
0x19: {  	s12 =	sadd.s32 $0x325E00, s4;
	[dreg:$0x15] =	wrdreg s11  }
0x1a: {  	s13 =	sadd.s32 $0x326600, s4;
	[dreg:$0x16] =	wrdreg s12  }
0x1b: {  	s14 =	sadd.s32 $0x326E00, s4;
	[dreg:$0x17] =	wrdreg s13  }
0x1c: {  	s30 =	simm.s32 $0x1;
	[dreg:$0x18] =	wrdreg s14;
	s15 =	sadd.s32 $0x327600, s4  }
0x1d: {  	s29 =	simm.s32 $0x2;
	s17 =	sadd.s32 $0x327E00, s4;
	[dreg:$0x19] =	wrdreg s15  }
0x1e: {  	s28 =	sadd.s32 $0x3D400, s16;
	s18 =	sadd.s32 $0x328600, s4;
	[dreg:$0x1a] =	wrdreg s17  }
0x1f: {  	s0 =	ssub.s32 $0x2, s0;
	s4 =	sadd.s32 $0x328E00, s4;
	[dreg:$0x1b] =	wrdreg s18  }
0x20: {  	s19 =	sadd.s32 $0x18E200, s16;
	s20 =	sadd.s32 $0x16F800, s16;
	[dreg:$0x1c] =	wrdreg s4  }
0x21: {  	s21 =	sadd.s32 $0x150E00, s16;
	s22 =	sadd.s32 $0x132400, s16;
	[dreg:$0x1d] =	wrdreg s19  }
0x22: {  	s23 =	sadd.s32 $0x113A00, s16;
	s26 =	sadd.s32 $0x245E00, s16;
	[dreg:$0x1e] =	wrdreg s20  }
0x23: {  	s2 =	simm.s32 $0x3;
	s9 =	sadd.s32 $0x227400, s16;
	[smem:$0x7F6] =	sst s22  }
0x24: {  	s24 =	sadd.s32 $0x1EA00, s16;
	s10 =	sadd.s32 $0x208A00, s16;
	[smem:$0x7F7] =	sst s23  }
0x25: {  	s25 =	sadd.s32 $0xF5000, s16;
	s12 =	sadd.s32 $0x1ACC00, s16;
	[smem:$0x7F8] =	sst s24  }
0x26: {  	s11 =	sshrl.u32 s0, $0x1;
	s14 =	sadd.s32 $0x2FDA00, s16;
	[smem:$0x7F9] =	sst s25  }
0x27: {  	s13 =	sadd.s32 $0x1EA000, s16;
	s31 =	sadd.s32 $0x31C400, s16;
	[smem:$0x7FA] =	sst s26  }
0x28: {  	s0 =	ssub.s32 s0, s11;
	s11 =	sadd.s32 $0x1CB600, s16;
	s17 =	sadd.s32 $0x2C0600, s16  }
0x29: {  	[dreg:$0x1f] =	wrdreg s21;
	s18 =	sadd.s32 $0x2A1C00, s16;
	s20 =	sadd.s32 $0x283200, s16  }
0x2a: {  	s15 =	sadd.s32 $0x2DF000, s16;
	s21 =	sadd.s32 $0x264800, s16;
	s22 =	sadd.s32 $0xD6600, s16  }
0x2b: {  	s23 =	sadd.s32 $0xB7C00, s16;
	s24 =	sadd.s32 $0x99200, s16;
	s25 =	sadd.s32 $0x7A800, s16  }
0x2c: {  	s26 =	sadd.s32 $0x5BE00, s16;
	[smem:$0x7FD] =	sst s31;
	s0 =	smax.u32 s0, $0x1  }
0x2d: {  	s19 =	simm.s32 $0x80;
	s16 =	simm.s32 $0x0;
	[smem:$0x7FC] =	sst s0  }
.LBB2_1:
0x2e: {  	s0 =	rddreg [dreg:$0x3];
	s1 =	simm.s32 $0x1A0  }
0x2f: {  	[tilespmem:s1], [sflag:$0x1] =	stream.linear.gather [hbm4b:s0+s3], $0x200, $0x38;
	[tilespmem:$0x6BA0] =	vst v63  }
0x30: {  	s4 =	rddreg [dreg:$0x4];
	s31 =	simm.s32 $0x3A0  }
0x31: {  	[tilespmem:s31], [sflag:$0x1] =	stream.linear.gather [hbm4b:s4+s3], $0x200, $0x38;
	[tilespmem:$0x6BA0] =	vst v63  }
0x32: {  	s5 =	rddreg [dreg:$0x5];
	s4 =	simm.s32 $0x5A0  }
0x33: {  	[tilespmem:s4], [sflag:$0x1] =	stream.linear.gather [hbm4b:s5+s3], $0x200, $0x38;
	[tilespmem:$0x6BA0] =	vst v63  }
0x34: {  	s6 =	rddreg [dreg:$0x6];
	s4 =	simm.s32 $0x7A0  }
0x35: {  	[tilespmem:s4], [sflag:$0x1] =	stream.linear.gather [hbm4b:s6+s3], $0x200, $0x38;
	[tilespmem:$0x6BA0] =	vst v63  }
0x36: {  	s7 =	rddreg [dreg:$0x7];
	s5 =	simm.s32 $0x9A0  }
0x37: {  	[tilespmem:s5], [sflag:$0x1] =	stream.linear.gather [hbm4b:s7+s3], $0x200, $0x38;
	[tilespmem:$0x6BA0] =	vst v63  }
0x38: {  	s6 =	rddreg [dreg:$0x8];
	s5 =	simm.s32 $0xBA0  }
0x39: {  	[tilespmem:s5], [sflag:$0x1] =	stream.linear.gather [hbm4b:s6+s3], $0x200, $0x38;
	[tilespmem:$0x6BA0] =	vst v63  }
0x3a: {  	s7 =	rddreg [dreg:$0x9];
	s6 =	simm.s32 $0xDA0  }
0x3b: {  	[tilespmem:s6], [sflag:$0x1] =	stream.linear.gather [hbm4b:s7+s3], $0x200, $0x38;
	[tilespmem:$0x6BA0] =	vst v63  }
0x3c: {  	s6 =	simm.s32 $0xFA0;
	s7 =	rddreg [dreg:$0xa]  }
0x3d: {  	[tilespmem:s6], [sflag:$0x1] =	stream.linear.gather [hbm4b:s7+s3], $0x200, $0x38;
	[tilespmem:$0x6BA0] =	vst v63  }
0x3e: {  	s0 =	rddreg [dreg:$0xb];
	s7 =	simm.s32 $0x11A0  }
0x3f: {  	[tilespmem:s7], [sflag:$0x1] =	stream.linear.gather [hbm4b:s0+s3], $0x200, $0x38;
	[tilespmem:$0x6BA0] =	vst v63  }
0x40: {  	s7 =	simm.s32 $0x13A0;
	s0 =	rddreg [dreg:$0xc]  }
0x41: {  	[tilespmem:s7], [sflag:$0x1] =	stream.linear.gather [hbm4b:s0+s3], $0x200, $0x38;
	[tilespmem:$0x6BA0] =	vst v63  }
0x42: {  	s0 =	rddreg [dreg:$0xd];
	s7 =	simm.s32 $0x15A0  }
0x43: {  	[tilespmem:s7], [sflag:$0x1] =	stream.linear.gather [hbm4b:s0+s3], $0x200, $0x38;
	[tilespmem:$0x6BA0] =	vst v63  }
0x44: {  	s7 =	simm.s32 $0x17A0;
	s0 =	rddreg [dreg:$0xe]  }
0x45: {  	[tilespmem:s7], [sflag:$0x1] =	stream.linear.gather [hbm4b:s0+s3], $0x200, $0x38;
	[tilespmem:$0x6BA0] =	vst v63  }
0x46: {  	s0 =	rddreg [dreg:$0xf];
	s7 =	simm.s32 $0x19A0  }
0x47: {  	[tilespmem:s7], [sflag:$0x1] =	stream.linear.gather [hbm4b:s0+s3], $0x200, $0x38;
	[tilespmem:$0x6BA0] =	vst v63  }
0x48: {  	s7 =	simm.s32 $0x1BA0;
	s0 =	rddreg [dreg:$0x10]  }
0x49: {  	[tilespmem:s7], [sflag:$0x1] =	stream.linear.gather [hbm4b:s0+s3], $0x200, $0x38;
	[tilespmem:$0x6BA0] =	vst v63  }
0x4a: {  	s0 =	rddreg [dreg:$0x11];
	s7 =	simm.s32 $0x1DA0  }
0x4b: {  	[tilespmem:s7], [sflag:$0x1] =	stream.linear.gather [hbm4b:s0+s3], $0x200, $0x38;
	[tilespmem:$0x6BA0] =	vst v63  }
0x4c: {  	s7 =	simm.s32 $0x1FA0;
	s0 =	rddreg [dreg:$0x12]  }
0x4d: {  	[tilespmem:s7], [sflag:$0x1] =	stream.linear.gather [hbm4b:s0+s3], $0x200, $0x38;
	[tilespmem:$0x6BA0] =	vst v63  }
0x4e: {  	s0 =	rddreg [dreg:$0x13];
	s7 =	simm.s32 $0x21A0  }
0x4f: {  	[tilespmem:s7], [sflag:$0x1] =	stream.linear.gather [hbm4b:s0+s3], $0x200, $0x38;
	[tilespmem:$0x6BA0] =	vst v63  }
0x50: {  	s7 =	simm.s32 $0x23A0;
	s0 =	rddreg [dreg:$0x14]  }
0x51: {  	[tilespmem:s7], [sflag:$0x1] =	stream.linear.gather [hbm4b:s0+s3], $0x200, $0x38;
	[tilespmem:$0x6BA0] =	vst v63  }
0x52: {  	s0 =	rddreg [dreg:$0x15];
	s7 =	simm.s32 $0x25A0  }
0x53: {  	[tilespmem:s7], [sflag:$0x1] =	stream.linear.gather [hbm4b:s0+s3], $0x200, $0x38;
	[tilespmem:$0x6BA0] =	vst v63  }
0x54: {  	s7 =	simm.s32 $0x27A0;
	s0 =	rddreg [dreg:$0x16]  }
0x55: {  	[tilespmem:s7], [sflag:$0x1] =	stream.linear.gather [hbm4b:s0+s3], $0x200, $0x38;
	[tilespmem:$0x6BA0] =	vst v63  }
0x56: {  	s0 =	rddreg [dreg:$0x17];
	s7 =	simm.s32 $0x29A0  }
0x57: {  	[tilespmem:s7], [sflag:$0x1] =	stream.linear.gather [hbm4b:s0+s3], $0x200, $0x38;
	[tilespmem:$0x6BA0] =	vst v63  }
0x58: {  	s7 =	simm.s32 $0x2BA0;
	s0 =	rddreg [dreg:$0x18]  }
0x59: {  	[tilespmem:s7], [sflag:$0x1] =	stream.linear.gather [hbm4b:s0+s3], $0x200, $0x38;
	[tilespmem:$0x6BA0] =	vst v63  }
0x5a: {  	s0 =	rddreg [dreg:$0x19];
	s7 =	simm.s32 $0x2DA0  }
0x5b: {  	[tilespmem:s7], [sflag:$0x1] =	stream.linear.gather [hbm4b:s0+s3], $0x200, $0x38;
	[tilespmem:$0x6BA0] =	vst v63  }
0x5c: {  	s7 =	simm.s32 $0x2FA0;
	s0 =	rddreg [dreg:$0x1a]  }
0x5d: {  	[tilespmem:s7], [sflag:$0x1] =	stream.linear.gather [hbm4b:s0+s3], $0x200, $0x38;
	[tilespmem:$0x6BA0] =	vst v63  }
0x5e: {  	s0 =	rddreg [dreg:$0x1b];
	s7 =	simm.s32 $0x31A0  }
0x5f: {  	[tilespmem:s7], [sflag:$0x1] =	stream.linear.gather [hbm4b:s0+s3], $0x200, $0x38;
	[tilespmem:$0x6BA0] =	vst v63  }
0x60: {  	s7 =	simm.s32 $0x33A0;
	s0 =	rddreg [dreg:$0x1c]  }
0x61: {  	[tilespmem:s7], [sflag:$0x1] =	stream.linear.gather [hbm4b:s0+s3], $0x200, $0x38;
	[tilespmem:$0x6BA0] =	vst v63  }
0x62: {  	s0 =	sld [smem:$0x7FD];
	_ =	sdelay $0x1  }
0x63: {  	s8 =	simm.s32 $0x4  }
0x64: {  	[tilespmem:s3], [sflag:$0x4] =	stream.linear.gather [hbm4b:s0+s3], $0x1A0, $0x38;
	[tilespmem:$0x6BA0] =	vst v63  }
0x65: {  	_ =	swait.ge [sflag:s8], $0x1A0  }
0x66: {  	[sflag:s8] =	ssyncset.done $0x0  }
0x67: {  	[sflag:s8] =	ssyncadd.s32 $0xFFFFFE60  }
0x68: {  	v0 =	vld [tilespmem:$0x0];
	_ =	sdelay $0x4  }
0x69: {  	v0 =	vadd.f32 v0, v0;
	_ =	sdelay $0x1  }
0x6a: {  	v0 =	vmul.f32 $1.442695020e+00, v0;
	_ =	sdelay $0x1  }
0x6b: {  	(erf) = vpow2.f32 v0;
	_ =	sdelay $0x3  }
0x6c: {  	v1 =	vld [tilespmem:$0x10];
	_ =	sdelay $0x4  }
0x6d: {  	v1 =	vadd.f32 v1, v1;
	v0 =	vpop (erf)  }
0x6e: {  	v2 =	vadd.f32 $1.000000000e+00, v0  }
0x6f: {  	v1 =	vmul.f32 $1.442695020e+00, v1  }
0x70: {  	(erf) = vrcp.f32 v2  }
0x71: {  	(erf) = vpow2.f32 v1;
	_ =	sdelay $0x3  }
0x72: {  	v3 =	vld [tilespmem:$0x20];
	_ =	sdelay $0x3  }
0x73: {  	v1 =	vpop (erf)  }
0x74: {  	v3 =	vadd.f32 v3, v3;
	v2 =	vpop (erf)  }
0x75: {  	v4 =	vadd.f32 $1.000000000e+00, v2  }
0x76: {  	v3 =	vmul.f32 $1.442695020e+00, v3  }
0x77: {  	(erf) = vrcp.f32 v4  }
0x78: {  	(erf) = vpow2.f32 v3;
	_ =	sdelay $0x3  }
0x79: {  	v5 =	vld [tilespmem:$0x30];
	_ =	sdelay $0x3  }
0x7a: {  	v3 =	vpop (erf)  }
0x7b: {  	v5 =	vadd.f32 v5, v5;
	v60 =	vpop (erf)  }
0x7c: {  	v6 =	vadd.f32 $1.000000000e+00, v60  }
0x7d: {  	v5 =	vmul.f32 $1.442695020e+00, v5  }
0x7e: {  	(erf) = vrcp.f32 v6  }
0x7f: {  	(erf) = vpow2.f32 v5;
	_ =	sdelay $0x3  }
0x80: {  	v7 =	vld [tilespmem:$0x40];
	_ =	sdelay $0x3  }
0x81: {  	v5 =	vpop (erf)  }
0x82: {  	v7 =	vadd.f32 v7, v7;
	v61 =	vpop (erf)  }
0x83: {  	v8 =	vadd.f32 $1.000000000e+00, v61  }
0x84: {  	v7 =	vmul.f32 $1.442695020e+00, v7  }
0x85: {  	(erf) = vrcp.f32 v8  }
0x86: {  	(erf) = vpow2.f32 v7;
	_ =	sdelay $0x3  }
0x87: {  	v9 =	vld [tilespmem:$0x50];
	_ =	sdelay $0x3  }
0x88: {  	v7 =	vpop (erf)  }
0x89: {  	v9 =	vadd.f32 v9, v9;
	v8 =	vpop (erf)  }
0x8a: {  	v10 =	vadd.f32 $1.000000000e+00, v8  }
0x8b: {  	v9 =	vmul.f32 $1.442695020e+00, v9  }
0x8c: {  	(erf) = vrcp.f32 v10  }
0x8d: {  	(erf) = vpow2.f32 v9;
	_ =	sdelay $0x3  }
0x8e: {  	v11 =	vld [tilespmem:$0x60];
	_ =	sdelay $0x3  }
0x8f: {  	v9 =	vpop (erf)  }
0x90: {  	v11 =	vadd.f32 v11, v11;
	v10 =	vpop (erf)  }
0x91: {  	v12 =	vadd.f32 $1.000000000e+00, v10  }
0x92: {  	v11 =	vmul.f32 $1.442695020e+00, v11  }
0x93: {  	(erf) = vrcp.f32 v12  }
0x94: {  	(erf) = vpow2.f32 v11;
	_ =	sdelay $0x3  }
0x95: {  	v13 =	vld [tilespmem:$0x70];
	_ =	sdelay $0x3  }
0x96: {  	v11 =	vpop (erf)  }
0x97: {  	v13 =	vadd.f32 v13, v13;
	v12 =	vpop (erf)  }
0x98: {  	v14 =	vadd.f32 $1.000000000e+00, v12  }
0x99: {  	v13 =	vmul.f32 $1.442695020e+00, v13  }
0x9a: {  	(erf) = vrcp.f32 v14  }
0x9b: {  	(erf) = vpow2.f32 v13;
	_ =	sdelay $0x3  }
0x9c: {  	v15 =	vld [tilespmem:$0x80];
	_ =	sdelay $0x3  }
0x9d: {  	v13 =	vpop (erf)  }
0x9e: {  	v15 =	vadd.f32 v15, v15;
	v14 =	vpop (erf)  }
0x9f: {  	v16 =	vadd.f32 $1.000000000e+00, v14  }
0xa0: {  	v15 =	vmul.f32 $1.442695020e+00, v15  }
0xa1: {  	(erf) = vrcp.f32 v16  }
0xa2: {  	(erf) = vpow2.f32 v15;
	_ =	sdelay $0x3  }
0xa3: {  	v17 =	vld [tilespmem:$0x90];
	_ =	sdelay $0x3  }
0xa4: {  	v15 =	vpop (erf)  }
0xa5: {  	v17 =	vadd.f32 v17, v17;
	v16 =	vpop (erf)  }
0xa6: {  	v18 =	vadd.f32 $1.000000000e+00, v16  }
0xa7: {  	v17 =	vmul.f32 $1.442695020e+00, v17  }
0xa8: {  	(erf) = vrcp.f32 v18  }
0xa9: {  	(erf) = vpow2.f32 v17;
	_ =	sdelay $0x3  }
0xaa: {  	v19 =	vld [tilespmem:$0xA0];
	_ =	sdelay $0x3  }
0xab: {  	v17 =	vpop (erf)  }
0xac: {  	v19 =	vadd.f32 v19, v19;
	v18 =	vpop (erf)  }
0xad: {  	v20 =	vadd.f32 $1.000000000e+00, v18  }
0xae: {  	v19 =	vmul.f32 $1.442695020e+00, v19  }
0xaf: {  	(erf) = vrcp.f32 v20  }
0xb0: {  	(erf) = vpow2.f32 v19;
	_ =	sdelay $0x3  }
0xb1: {  	v21 =	vld [tilespmem:$0xB0];
	_ =	sdelay $0x3  }
0xb2: {  	v19 =	vpop (erf)  }
0xb3: {  	v21 =	vadd.f32 v21, v21;
	v20 =	vpop (erf)  }
0xb4: {  	v22 =	vadd.f32 $1.000000000e+00, v20  }
0xb5: {  	v21 =	vmul.f32 $1.442695020e+00, v21  }
0xb6: {  	(erf) = vrcp.f32 v22  }
0xb7: {  	(erf) = vpow2.f32 v21;
	_ =	sdelay $0x3  }
0xb8: {  	v23 =	vld [tilespmem:$0xC0];
	_ =	sdelay $0x3  }
0xb9: {  	v21 =	vpop (erf)  }
0xba: {  	v23 =	vadd.f32 v23, v23;
	v22 =	vpop (erf)  }
0xbb: {  	v24 =	vadd.f32 $1.000000000e+00, v22  }
0xbc: {  	v23 =	vmul.f32 $1.442695020e+00, v23  }
0xbd: {  	(erf) = vrcp.f32 v24  }
0xbe: {  	(erf) = vpow2.f32 v23;
	_ =	sdelay $0x3  }
0xbf: {  	v25 =	vld [tilespmem:$0xD0];
	_ =	sdelay $0x3  }
0xc0: {  	v23 =	vpop (erf)  }
0xc1: {  	v25 =	vadd.f32 v25, v25;
	v24 =	vpop (erf)  }
0xc2: {  	v26 =	vadd.f32 $1.000000000e+00, v24  }
0xc3: {  	v25 =	vmul.f32 $1.442695020e+00, v25  }
0xc4: {  	(erf) = vrcp.f32 v26  }
0xc5: {  	(erf) = vpow2.f32 v25;
	_ =	sdelay $0x3  }
0xc6: {  	v27 =	vld [tilespmem:$0xE0];
	_ =	sdelay $0x3  }
0xc7: {  	v25 =	vpop (erf)  }
0xc8: {  	v27 =	vadd.f32 v27, v27;
	v26 =	vpop (erf)  }
0xc9: {  	v28 =	vadd.f32 $1.000000000e+00, v26  }
0xca: {  	v27 =	vmul.f32 $1.442695020e+00, v27  }
0xcb: {  	(erf) = vrcp.f32 v28  }
0xcc: {  	(erf) = vpow2.f32 v27;
	_ =	sdelay $0x3  }
0xcd: {  	v62 =	vld [tilespmem:$0xF0];
	_ =	sdelay $0x3  }
0xce: {  	v63 =	vpop (erf)  }
0xcf: {  	v28 =	vadd.f32 v62, v62;
	v29 =	vpop (erf)  }
0xd0: {  	v30 =	vadd.f32 $1.000000000e+00, v29  }
0xd1: {  	v28 =	vmul.f32 $1.442695020e+00, v28  }
0xd2: {  	(erf) = vrcp.f32 v30  }
0xd3: {  	(erf) = vpow2.f32 v28;
	_ =	sdelay $0x3  }
0xd4: {  	v50 =	vld [tilespmem:$0x100];
	_ =	sdelay $0x3  }
0xd5: {  	v30 =	vpop (erf)  }
0xd6: {  	v28 =	vadd.f32 v50, v50;
	v31 =	vpop (erf)  }
0xd7: {  	v32 =	vadd.f32 $1.000000000e+00, v31  }
0xd8: {  	v28 =	vmul.f32 $1.442695020e+00, v28  }
0xd9: {  	(erf) = vrcp.f32 v32  }
0xda: {  	(erf) = vpow2.f32 v28;
	_ =	sdelay $0x3  }
0xdb: {  	v51 =	vld [tilespmem:$0x110];
	_ =	sdelay $0x3  }
0xdc: {  	v32 =	vpop (erf)  }
0xdd: {  	v28 =	vadd.f32 v51, v51;
	v33 =	vpop (erf)  }
0xde: {  	v34 =	vadd.f32 $1.000000000e+00, v33  }
0xdf: {  	v28 =	vmul.f32 $1.442695020e+00, v28  }
0xe0: {  	(erf) = vrcp.f32 v34  }
0xe1: {  	(erf) = vpow2.f32 v28;
	_ =	sdelay $0x3  }
0xe2: {  	v52 =	vld [tilespmem:$0x120];
	_ =	sdelay $0x3  }
0xe3: {  	v34 =	vpop (erf)  }
0xe4: {  	v28 =	vadd.f32 v52, v52;
	v35 =	vpop (erf)  }
0xe5: {  	v36 =	vadd.f32 $1.000000000e+00, v35  }
0xe6: {  	v28 =	vmul.f32 $1.442695020e+00, v28  }
0xe7: {  	(erf) = vrcp.f32 v36  }
0xe8: {  	(erf) = vpow2.f32 v28;
	_ =	sdelay $0x3  }
0xe9: {  	v53 =	vld [tilespmem:$0x130];
	_ =	sdelay $0x3  }
0xea: {  	v36 =	vpop (erf)  }
0xeb: {  	v28 =	vadd.f32 v53, v53;
	v37 =	vpop (erf)  }
0xec: {  	v38 =	vadd.f32 $1.000000000e+00, v37  }
0xed: {  	v28 =	vmul.f32 $1.442695020e+00, v28  }
0xee: {  	(erf) = vrcp.f32 v38  }
0xef: {  	(erf) = vpow2.f32 v28;
	_ =	sdelay $0x3  }
0xf0: {  	v54 =	vld [tilespmem:$0x140];
	_ =	sdelay $0x3  }
0xf1: {  	v38 =	vpop (erf)  }
0xf2: {  	v28 =	vadd.f32 v54, v54;
	v39 =	vpop (erf)  }
0xf3: {  	v40 =	vadd.f32 $1.000000000e+00, v39  }
0xf4: {  	v28 =	vmul.f32 $1.442695020e+00, v28  }
0xf5: {  	(erf) = vrcp.f32 v40  }
0xf6: {  	(erf) = vpow2.f32 v28;
	_ =	sdelay $0x3  }
0xf7: {  	v55 =	vld [tilespmem:$0x150];
	_ =	sdelay $0x3  }
0xf8: {  	v40 =	vpop (erf)  }
0xf9: {  	v28 =	vadd.f32 v55, v55;
	v41 =	vpop (erf)  }
0xfa: {  	v42 =	vadd.f32 $1.000000000e+00, v41  }
0xfb: {  	v28 =	vmul.f32 $1.442695020e+00, v28  }
0xfc: {  	(erf) = vrcp.f32 v42  }
0xfd: {  	(erf) = vpow2.f32 v28;
	_ =	sdelay $0x3  }
0xfe: {  	v56 =	vld [tilespmem:$0x160];
	_ =	sdelay $0x3  }
0xff: {  	v42 =	vpop (erf)  }
0x100: {  	v28 =	vadd.f32 v56, v56;
	v43 =	vpop (erf)  }
0x101: {  	v44 =	vadd.f32 $1.000000000e+00, v43  }
0x102: {  	v28 =	vmul.f32 $1.442695020e+00, v28  }
0x103: {  	(erf) = vrcp.f32 v44  }
0x104: {  	(erf) = vpow2.f32 v28;
	_ =	sdelay $0x3  }
0x105: {  	v57 =	vld [tilespmem:$0x170];
	_ =	sdelay $0x3  }
0x106: {  	v44 =	vpop (erf)  }
0x107: {  	v28 =	vadd.f32 v57, v57;
	v45 =	vpop (erf)  }
0x108: {  	v46 =	vadd.f32 $1.000000000e+00, v45  }
0x109: {  	v28 =	vmul.f32 $1.442695020e+00, v28  }
0x10a: {  	(erf) = vrcp.f32 v46  }
0x10b: {  	(erf) = vpow2.f32 v28;
	_ =	sdelay $0x3  }
0x10c: {  	v58 =	vld [tilespmem:$0x180];
	_ =	sdelay $0x3  }
0x10d: {  	v46 =	vpop (erf)  }
0x10e: {  	v28 =	vadd.f32 v58, v58;
	v47 =	vpop (erf)  }
0x10f: {  	v48 =	vadd.f32 $1.000000000e+00, v47  }
0x110: {  	v28 =	vmul.f32 $1.442695020e+00, v28  }
0x111: {  	(erf) = vrcp.f32 v48  }
0x112: {  	(erf) = vpow2.f32 v28;
	_ =	sdelay $0x3  }
0x113: {  	v59 =	vld [tilespmem:$0x190];
	_ =	sdelay $0x1  }
0x114: {  	v0 =	vadd.f32 $-1.000000000e+00, v0;
	_ =	sdelay $0x1  }
0x115: {  	v0 =	vmul.f32 v1, v0;
	v1 =	vadd.f32 $-1.000000000e+00, v60;
	v48 =	vpop (erf)  }
0x116: {  	v2 =	vadd.f32 $-1.000000000e+00, v2;
	v28 =	vadd.f32 v59, v59;
	v49 =	vpop (erf)  }
0x117: {  	[tilespmem:$0x0] =	vst v0;
	v0 =	vmul.f32 v5, v1;
	v1 =	vadd.f32 $-1.000000000e+00, v8;
	v60 =	vadd.f32 $1.000000000e+00, v49  }
0x118: {  	v2 =	vmul.f32 v3, v2;
	v3 =	vadd.f32 $-1.000000000e+00, v61;
	v61 =	vmul.f32 $1.442695020e+00, v28  }
0x119: {  	[tilespmem:$0x20] =	vst v0;
	v0 =	vmul.f32 v9, v1;
	v1 =	vadd.f32 $-1.000000000e+00, v12;
	(erf) = vrcp.f32 v60  }
0x11a: {  	[tilespmem:$0x10] =	vst v2;
	v2 =	vmul.f32 v7, v3;
	v3 =	vadd.f32 $-1.000000000e+00, v10;
	(erf) = vpow2.f32 v61  }
0x11b: {  	[tilespmem:$0x40] =	vst v0;
	v0 =	vmul.f32 v13, v1;
	v1 =	vadd.f32 $-1.000000000e+00, v16  }
0x11c: {  	[tilespmem:$0x30] =	vst v2;
	v2 =	vmul.f32 v11, v3;
	v3 =	vadd.f32 $-1.000000000e+00, v14  }
0x11d: {  	[tilespmem:$0x60] =	vst v0;
	v0 =	vmul.f32 v17, v1;
	v1 =	vadd.f32 $-1.000000000e+00, v20  }
0x11e: {  	[tilespmem:$0x50] =	vst v2;
	v2 =	vmul.f32 v15, v3;
	v3 =	vadd.f32 $-1.000000000e+00, v18  }
0x11f: {  	[tilespmem:$0x80] =	vst v0;
	v0 =	vmul.f32 v21, v1;
	v1 =	vadd.f32 $-1.000000000e+00, v24  }
0x120: {  	[tilespmem:$0x70] =	vst v2;
	v2 =	vmul.f32 v19, v3;
	v3 =	vadd.f32 $-1.000000000e+00, v22  }
0x121: {  	[tilespmem:$0xA0] =	vst v0;
	v0 =	vmul.f32 v25, v1;
	v1 =	vadd.f32 $-1.000000000e+00, v29  }
0x122: {  	[tilespmem:$0x90] =	vst v2;
	v2 =	vmul.f32 v23, v3;
	v3 =	vadd.f32 $-1.000000000e+00, v26;
	v4 =	vpop (erf)  }
0x123: {  	[tilespmem:$0xC0] =	vst v0;
	v0 =	vmul.f32 v30, v1;
	v1 =	vadd.f32 $-1.000000000e+00, v33;
	v62 =	vpop (erf)  }
0x124: {  	[tilespmem:$0xB0] =	vst v2;
	v2 =	vmul.f32 v63, v3;
	v3 =	vadd.f32 $-1.000000000e+00, v31;
	v63 =	vadd.f32 $1.000000000e+00, v62  }
0x125: {  	[tilespmem:$0xE0] =	vst v0;
	v0 =	vmul.f32 v34, v1;
	v1 =	vadd.f32 $-1.000000000e+00, v37  }
0x126: {  	[tilespmem:$0xD0] =	vst v2;
	v2 =	vmul.f32 v32, v3;
	v3 =	vadd.f32 $-1.000000000e+00, v35;
	(erf) = vrcp.f32 v63  }
0x127: {  	[tilespmem:$0x100] =	vst v0;
	v0 =	vmul.f32 v38, v1;
	v1 =	vadd.f32 $-1.000000000e+00, v41  }
0x128: {  	[tilespmem:$0xF0] =	vst v2;
	v2 =	vmul.f32 v36, v3;
	v3 =	vadd.f32 $-1.000000000e+00, v39  }
0x129: {  	[tilespmem:$0x120] =	vst v0;
	v0 =	vmul.f32 v42, v1;
	v1 =	vadd.f32 $-1.000000000e+00, v45  }
0x12a: {  	[tilespmem:$0x110] =	vst v2;
	v2 =	vmul.f32 v40, v3;
	v3 =	vadd.f32 $-1.000000000e+00, v43  }
0x12b: {  	[tilespmem:$0x140] =	vst v0;
	v0 =	vmul.f32 v46, v1;
	v1 =	vadd.f32 $-1.000000000e+00, v49  }
0x12c: {  	[tilespmem:$0x130] =	vst v2;
	v2 =	vmul.f32 v44, v3;
	v3 =	vadd.f32 $-1.000000000e+00, v47;
	_ =	sdelay $0x1  }
0x12d: {  	[tilespmem:$0x150] =	vst v2;
	v2 =	vmul.f32 v48, v3;
	v3 =	vadd.f32 $-1.000000000e+00, v62  }
0x12e: {  	[tilespmem:$0x160] =	vst v0;
	v0 =	vmul.f32 v4, v1;
	v1 =	vpop (erf)  }
0x12f: {  	[tilespmem:$0x170] =	vst v2;
	v1 =	vmul.f32 v1, v3  }
0x130: {  	[tilespmem:$0x180] =	vst v0  }
0x131: {  	[tilespmem:$0x190] =	vst v1  }
0x132: {  	_ =	swait.ge [sflag:s30], $0x200  }
0x133: {  	s0 =	sld [smem:$0x7F8]  }
0x134: {  	[sflag:s30] =	ssyncset.done $0x0  }
0x135: {  	s8 =	simm.s32 $0x35A0;
	[sflag:s30] =	ssyncadd.s32 $0xFFFFFE00  }
0x136: {  	[tilespmem:s8], [sflag:$0x2] =	stream.indirect.gather [hbm4b:s0+s19], $0x1, s1, s19, $0xb8;
	[tilespmem:$0x6BA0] =	vst v63  }
0x137: {  	s1 =	simm.s32 $0x220;
	s8 =	simm.s32 $0x3620  }
0x138: {  	[tilespmem:s8], [sflag:$0x2] =	stream.indirect.gather [hbm4b:s0+s19], $0x1, s1, s19, $0xb8;
	[tilespmem:$0x6BA0] =	vst v63  }
0x139: {  	s1 =	simm.s32 $0x2A0;
	s8 =	simm.s32 $0x36A0  }
0x13a: {  	[tilespmem:s8], [sflag:$0x2] =	stream.indirect.gather [hbm4b:s0+s19], $0x1, s1, s19, $0xb8;
	[tilespmem:$0x6BA0] =	vst v63  }
0x13b: {  	s1 =	simm.s32 $0x320;
	s8 =	simm.s32 $0x3720  }
0x13c: {  	[tilespmem:s8], [sflag:$0x2] =	stream.indirect.gather [hbm4b:s0+s19], $0x1, s1, s19, $0xb8;
	[tilespmem:$0x6BA0] =	vst v63  }
0x13d: {  	_ =	swait.ge [sflag:s30], $0x200  }
0x13e: {  	[sflag:s30] =	ssyncset.done $0x0  }
0x13f: {  	[sflag:s30] =	ssyncadd.s32 $0xFFFFFE00  }
0x140: {  	s8 =	simm.s32 $0x37A0;
	s0 =	rddreg [dreg:$0x0]  }
0x141: {  	[tilespmem:s8], [sflag:$0x3] =	stream.indirect.gather [hbm4b:s0+s19], $0x1, s31, s19, $0xb8;
	[tilespmem:$0x6BA0] =	vst v63  }
0x142: {  	s8 =	simm.s32 $0x420;
	s31 =	simm.s32 $0x3820  }
0x143: {  	[tilespmem:s31], [sflag:$0x3] =	stream.indirect.gather [hbm4b:s0+s19], $0x1, s8, s19, $0xb8;
	[tilespmem:$0x6BA0] =	vst v63  }
0x144: {  	s8 =	simm.s32 $0x4A0;
	s31 =	simm.s32 $0x38A0  }
0x145: {  	[tilespmem:s31], [sflag:$0x3] =	stream.indirect.gather [hbm4b:s0+s19], $0x1, s8, s19, $0xb8;
	[tilespmem:$0x6BA0] =	vst v63  }
0x146: {  	s8 =	simm.s32 $0x520;
	s31 =	simm.s32 $0x3920  }
0x147: {  	[tilespmem:s31], [sflag:$0x3] =	stream.indirect.gather [hbm4b:s0+s19], $0x1, s8, s19, $0xb8;
	[tilespmem:$0x6BA0] =	vst v63  }
0x148: {  	_ =	swait.ge [sflag:s29], $0x80  }
0x149: {  	[sflag:s29] =	ssyncset.done $0x0  }
0x14a: {  	[sflag:s29] =	ssyncadd.s32 $0xFFFFFF80  }
0x14b: {  	_ =	swait.ge [sflag:s29], $0x80  }
0x14c: {  	[sflag:s29] =	ssyncset.done $0x0  }
0x14d: {  	[sflag:s29] =	ssyncadd.s32 $0xFFFFFF80  }
0x14e: {  	_ =	swait.ge [sflag:s29], $0x80  }
0x14f: {  	[sflag:s29] =	ssyncset.done $0x0  }
0x150: {  	[sflag:s29] =	ssyncadd.s32 $0xFFFFFF80  }
0x151: {  	_ =	swait.ge [sflag:s29], $0x80  }
0x152: {  	[sflag:s29] =	ssyncset.done $0x0  }
0x153: {  	[sflag:s29] =	ssyncadd.s32 $0xFFFFFF80  }
0x154: {  	s0 =	simm.s32 $0x0;
	v0 =	vld [tilespmem:$0x0]  }
0x155: {  	v1 =	vld [tilespmem:s0+$0x35A0]  }
0x156: {  	s1 =	simm.s32 $0x40  }
.LBB2_2:
0x157: {  	p0 =	sne.s32 s1, $0x7C0  }
.Ltmp0:
0x158: {  	_ = 	snop;
	(pc) =	sbr.rel @p0 .LBB2_2-.Ltmp0, $4  }
0x159: {  	_ = 	snop  }
0x15a: {  	s31 =	sshra.s32 s1, $0x2;
	s1 =	sadd.s32 $0x40, s1;
	v2 =	vmul.f32 v1, v0  }
0x15b: {  	v1 =	vld [tilespmem:s31+$0x35A0]  }
0x15c: {  	[tilespmem:s0+$0x69A0] =	vst v2;
	s0 =	smov.u32 s31  }
0x15d: {  	_ =	sdelay $0x2  }
0x15e: {  	v0 =	vmul.f32 v1, v0;
	_ =	sdelay $0x1  }
0x15f: {  	[tilespmem:s0+$0x69A0] =	vst v0  }
0x160: {  	_ =	swait.ge [sflag:s30], $0x200  }
0x161: {  	s1 =	simm.s32 $0x5A0;
	[sflag:s30] =	ssyncset.done $0x0  }
0x162: {  	s8 =	simm.s32 $0x39A0;
	s0 =	rddreg [dreg:$0x1d];
	[sflag:s30] =	ssyncadd.s32 $0xFFFFFE00  }
0x163: {  	[tilespmem:s8], [sflag:$0x2] =	stream.indirect.gather [hbm4b:s0+s19], $0x1, s1, s19, $0xb8;
	[tilespmem:$0x6BA0] =	vst v63  }
0x164: {  	s1 =	simm.s32 $0x620;
	s8 =	simm.s32 $0x3A20  }
0x165: {  	[tilespmem:s8], [sflag:$0x2] =	stream.indirect.gather [hbm4b:s0+s19], $0x1, s1, s19, $0xb8;
	[tilespmem:$0x6BA0] =	vst v63  }
0x166: {  	s1 =	simm.s32 $0x6A0;
	s8 =	simm.s32 $0x3AA0  }
0x167: {  	[tilespmem:s8], [sflag:$0x2] =	stream.indirect.gather [hbm4b:s0+s19], $0x1, s1, s19, $0xb8;
	[tilespmem:$0x6BA0] =	vst v63  }
0x168: {  	s1 =	simm.s32 $0x720;
	s8 =	simm.s32 $0x3B20  }
0x169: {  	[tilespmem:s8], [sflag:$0x2] =	stream.indirect.gather [hbm4b:s0+s19], $0x1, s1, s19, $0xb8;
	[tilespmem:$0x6BA0] =	vst v63  }
0x16a: {  	_ =	swait.ge [sflag:s2], $0x80  }
0x16b: {  	[sflag:s2] =	ssyncset.done $0x0  }
0x16c: {  	[sflag:s2] =	ssyncadd.s32 $0xFFFFFF80  }
0x16d: {  	_ =	swait.ge [sflag:s2], $0x80  }
0x16e: {  	[sflag:s2] =	ssyncset.done $0x0  }
0x16f: {  	[sflag:s2] =	ssyncadd.s32 $0xFFFFFF80  }
0x170: {  	_ =	swait.ge [sflag:s2], $0x80  }
0x171: {  	[sflag:s2] =	ssyncset.done $0x0  }
0x172: {  	[sflag:s2] =	ssyncadd.s32 $0xFFFFFF80  }
0x173: {  	_ =	swait.ge [sflag:s2], $0x80  }
0x174: {  	[sflag:s2] =	ssyncset.done $0x0  }
0x175: {  	[sflag:s2] =	ssyncadd.s32 $0xFFFFFF80  }
0x176: {  	s31 =	simm.s32 $0x0;
	v0 =	vld [tilespmem:$0x10]  }
0x177: {  	v1 =	vld [tilespmem:s31+$0x37A0];
	_ =	sdelay $0x1  }
0x178: {  	v2 =	vld [tilespmem:s31+$0x69A0];
	_ =	sdelay $0x2  }
0x179: {  	v1 =	vmul.f32 v1, v0;
	_ =	sdelay $0x1  }
0x17a: {  	s0 =	simm.s32 $0x10;
	s1 =	simm.s32 $0x80;
	v1 =	vadd.f32 v1, v2  }
.LBB2_4:
0x17b: {  	p0 =	sne.s32 s1, $0x7C0;
	v2 =	vld [tilespmem:s0+$0x37A0]  }
0x17c: {  	[tilespmem:s31+$0x69A0] =	vst v1;
	s31 =	smov.u32 s0  }
0x17d: {  	v1 =	vld [tilespmem:s31+$0x69A0]  }
.Ltmp1:
0x17e: {  	(pc) =	sbr.rel @p0 .LBB2_4-.Ltmp1, $3  }
0x17f: {  	_ = 	snop  }
0x180: {  	v2 =	vmul.f32 v2, v0;
	_ =	sdelay $0x1  }
0x181: {  	s0 =	sshra.s32 s1, $0x2;
	s1 =	sadd.s32 $0x40, s1;
	v1 =	vadd.f32 v2, v1  }
0x182: {  	v2 =	vld [tilespmem:s0+$0x37A0]  }
0x183: {  	[tilespmem:s31+$0x69A0] =	vst v1  }
0x184: {  	v1 =	vld [tilespmem:s0+$0x69A0];
	_ =	sdelay $0x2  }
0x185: {  	v0 =	vmul.f32 v2, v0;
	_ =	sdelay $0x1  }
0x186: {  	v0 =	vadd.f32 v0, v1;
	_ =	sdelay $0x1  }
0x187: {  	[tilespmem:s0+$0x69A0] =	vst v0  }
0x188: {  	_ =	swait.ge [sflag:s30], $0x200  }
0x189: {  	[sflag:s30] =	ssyncset.done $0x0  }
0x18a: {  	s1 =	simm.s32 $0x3BA0;
	s0 =	rddreg [dreg:$0x1e];
	[sflag:s30] =	ssyncadd.s32 $0xFFFFFE00  }
0x18b: {  	[tilespmem:s1], [sflag:$0x3] =	stream.indirect.gather [hbm4b:s0+s19], $0x1, s4, s19, $0xb8;
	[tilespmem:$0x6BA0] =	vst v63  }
0x18c: {  	s8 =	simm.s32 $0x3C20;
	s4 =	simm.s32 $0x820  }
0x18d: {  	[tilespmem:s8], [sflag:$0x3] =	stream.indirect.gather [hbm4b:s0+s19], $0x1, s4, s19, $0xb8;
	[tilespmem:$0x6BA0] =	vst v63  }
0x18e: {  	s4 =	simm.s32 $0x8A0;
	s8 =	simm.s32 $0x3CA0  }
0x18f: {  	[tilespmem:s8], [sflag:$0x3] =	stream.indirect.gather [hbm4b:s0+s19], $0x1, s4, s19, $0xb8;
	[tilespmem:$0x6BA0] =	vst v63  }
0x190: {  	s4 =	simm.s32 $0x920;
	s8 =	simm.s32 $0x3D20  }
0x191: {  	[tilespmem:s8], [sflag:$0x3] =	stream.indirect.gather [hbm4b:s0+s19], $0x1, s4, s19, $0xb8;
	[tilespmem:$0x6BA0] =	vst v63  }
0x192: {  	_ =	swait.ge [sflag:s29], $0x80  }
0x193: {  	[sflag:s29] =	ssyncset.done $0x0  }
0x194: {  	[sflag:s29] =	ssyncadd.s32 $0xFFFFFF80  }
0x195: {  	_ =	swait.ge [sflag:s29], $0x80  }
0x196: {  	[sflag:s29] =	ssyncset.done $0x0  }
0x197: {  	[sflag:s29] =	ssyncadd.s32 $0xFFFFFF80  }
0x198: {  	_ =	swait.ge [sflag:s29], $0x80  }
0x199: {  	[sflag:s29] =	ssyncset.done $0x0  }
0x19a: {  	[sflag:s29] =	ssyncadd.s32 $0xFFFFFF80  }
0x19b: {  	_ =	swait.ge [sflag:s29], $0x80  }
0x19c: {  	[sflag:s29] =	ssyncset.done $0x0  }
0x19d: {  	[sflag:s29] =	ssyncadd.s32 $0xFFFFFF80  }
0x19e: {  	s31 =	simm.s32 $0x0;
	v0 =	vld [tilespmem:$0x20]  }
0x19f: {  	v1 =	vld [tilespmem:s31+$0x39A0];
	_ =	sdelay $0x1  }
0x1a0: {  	v2 =	vld [tilespmem:s31+$0x69A0];
	_ =	sdelay $0x2  }
0x1a1: {  	v1 =	vmul.f32 v1, v0;
	_ =	sdelay $0x1  }
0x1a2: {  	s1 =	simm.s32 $0x80;
	s0 =	simm.s32 $0x10;
	v1 =	vadd.f32 v1, v2  }
.LBB2_6:
0x1a3: {  	p0 =	sne.s32 s1, $0x7C0;
	v2 =	vld [tilespmem:s0+$0x39A0]  }
0x1a4: {  	[tilespmem:s31+$0x69A0] =	vst v1;
	s31 =	smov.u32 s0  }
0x1a5: {  	v1 =	vld [tilespmem:s31+$0x69A0]  }
.Ltmp2:
0x1a6: {  	(pc) =	sbr.rel @p0 .LBB2_6-.Ltmp2, $3  }
0x1a7: {  	_ = 	snop  }
0x1a8: {  	v2 =	vmul.f32 v2, v0;
	_ =	sdelay $0x1  }
0x1a9: {  	s0 =	sshra.s32 s1, $0x2;
	s1 =	sadd.s32 $0x40, s1;
	v1 =	vadd.f32 v2, v1  }
0x1aa: {  	v2 =	vld [tilespmem:s0+$0x39A0]  }
0x1ab: {  	[tilespmem:s31+$0x69A0] =	vst v1  }
0x1ac: {  	v1 =	vld [tilespmem:s0+$0x69A0];
	_ =	sdelay $0x2  }
0x1ad: {  	v0 =	vmul.f32 v2, v0;
	_ =	sdelay $0x1  }
0x1ae: {  	v0 =	vadd.f32 v0, v1;
	_ =	sdelay $0x1  }
0x1af: {  	[tilespmem:s0+$0x69A0] =	vst v0  }
0x1b0: {  	_ =	swait.ge [sflag:s30], $0x200  }
0x1b1: {  	s1 =	simm.s32 $0x9A0;
	[sflag:s30] =	ssyncset.done $0x0  }
0x1b2: {  	s4 =	simm.s32 $0x3DA0;
	s0 =	rddreg [dreg:$0x1f];
	[sflag:s30] =	ssyncadd.s32 $0xFFFFFE00  }
0x1b3: {  	[tilespmem:s4], [sflag:$0x2] =	stream.indirect.gather [hbm4b:s0+s19], $0x1, s1, s19, $0xb8;
	[tilespmem:$0x6BA0] =	vst v63  }
0x1b4: {  	s8 =	simm.s32 $0x3E20;
	s4 =	simm.s32 $0xA20  }
0x1b5: {  	[tilespmem:s8], [sflag:$0x2] =	stream.indirect.gather [hbm4b:s0+s19], $0x1, s4, s19, $0xb8;
	[tilespmem:$0x6BA0] =	vst v63  }
0x1b6: {  	s4 =	simm.s32 $0xAA0;
	s8 =	simm.s32 $0x3EA0  }
0x1b7: {  	[tilespmem:s8], [sflag:$0x2] =	stream.indirect.gather [hbm4b:s0+s19], $0x1, s4, s19, $0xb8;
	[tilespmem:$0x6BA0] =	vst v63  }
0x1b8: {  	s4 =	simm.s32 $0xB20;
	s8 =	simm.s32 $0x3F20  }
0x1b9: {  	[tilespmem:s8], [sflag:$0x2] =	stream.indirect.gather [hbm4b:s0+s19], $0x1, s4, s19, $0xb8;
	[tilespmem:$0x6BA0] =	vst v63  }
0x1ba: {  	_ =	swait.ge [sflag:s2], $0x80  }
0x1bb: {  	[sflag:s2] =	ssyncset.done $0x0  }
0x1bc: {  	[sflag:s2] =	ssyncadd.s32 $0xFFFFFF80  }
0x1bd: {  	_ =	swait.ge [sflag:s2], $0x80  }
0x1be: {  	[sflag:s2] =	ssyncset.done $0x0  }
0x1bf: {  	[sflag:s2] =	ssyncadd.s32 $0xFFFFFF80  }
0x1c0: {  	_ =	swait.ge [sflag:s2], $0x80  }
0x1c1: {  	[sflag:s2] =	ssyncset.done $0x0  }
0x1c2: {  	[sflag:s2] =	ssyncadd.s32 $0xFFFFFF80  }
0x1c3: {  	_ =	swait.ge [sflag:s2], $0x80  }
0x1c4: {  	[sflag:s2] =	ssyncset.done $0x0  }
0x1c5: {  	[sflag:s2] =	ssyncadd.s32 $0xFFFFFF80  }
0x1c6: {  	s31 =	simm.s32 $0x0;
	v0 =	vld [tilespmem:$0x30]  }
0x1c7: {  	v1 =	vld [tilespmem:s31+$0x3BA0];
	_ =	sdelay $0x1  }
0x1c8: {  	v2 =	vld [tilespmem:s31+$0x69A0];
	_ =	sdelay $0x2  }
0x1c9: {  	v1 =	vmul.f32 v1, v0;
	_ =	sdelay $0x1  }
0x1ca: {  	s1 =	simm.s32 $0x80;
	s0 =	simm.s32 $0x10;
	v1 =	vadd.f32 v1, v2  }
.LBB2_8:
0x1cb: {  	p0 =	sne.s32 s1, $0x7C0;
	v2 =	vld [tilespmem:s0+$0x3BA0]  }
0x1cc: {  	[tilespmem:s31+$0x69A0] =	vst v1;
	s31 =	smov.u32 s0  }
0x1cd: {  	v1 =	vld [tilespmem:s31+$0x69A0]  }
.Ltmp3:
0x1ce: {  	(pc) =	sbr.rel @p0 .LBB2_8-.Ltmp3, $3  }
0x1cf: {  	_ = 	snop  }
0x1d0: {  	v2 =	vmul.f32 v2, v0;
	_ =	sdelay $0x1  }
0x1d1: {  	s0 =	sshra.s32 s1, $0x2;
	s1 =	sadd.s32 $0x40, s1;
	v1 =	vadd.f32 v2, v1  }
0x1d2: {  	v2 =	vld [tilespmem:s0+$0x3BA0]  }
0x1d3: {  	[tilespmem:s31+$0x69A0] =	vst v1  }
0x1d4: {  	v1 =	vld [tilespmem:s0+$0x69A0];
	_ =	sdelay $0x2  }
0x1d5: {  	v0 =	vmul.f32 v2, v0;
	_ =	sdelay $0x1  }
0x1d6: {  	v0 =	vadd.f32 v0, v1;
	_ =	sdelay $0x1  }
0x1d7: {  	[tilespmem:s0+$0x69A0] =	vst v0  }
0x1d8: {  	_ =	swait.ge [sflag:s30], $0x200  }
0x1d9: {  	s0 =	sld [smem:$0x7F6]  }
0x1da: {  	[sflag:s30] =	ssyncset.done $0x0  }
0x1db: {  	s1 =	simm.s32 $0x3FA0;
	[sflag:s30] =	ssyncadd.s32 $0xFFFFFE00  }
0x1dc: {  	[tilespmem:s1], [sflag:$0x3] =	stream.indirect.gather [hbm4b:s0+s19], $0x1, s5, s19, $0xb8;
	[tilespmem:$0x6BA0] =	vst v63  }
0x1dd: {  	s8 =	simm.s32 $0xC20;
	s4 =	simm.s32 $0x4020  }
0x1de: {  	[tilespmem:s4], [sflag:$0x3] =	stream.indirect.gather [hbm4b:s0+s19], $0x1, s8, s19, $0xb8;
	[tilespmem:$0x6BA0] =	vst v63  }
0x1df: {  	s5 =	simm.s32 $0xCA0;
	s8 =	simm.s32 $0x40A0  }
0x1e0: {  	[tilespmem:s8], [sflag:$0x3] =	stream.indirect.gather [hbm4b:s0+s19], $0x1, s5, s19, $0xb8;
	[tilespmem:$0x6BA0] =	vst v63  }
0x1e1: {  	s5 =	simm.s32 $0xD20;
	s8 =	simm.s32 $0x4120  }
0x1e2: {  	[tilespmem:s8], [sflag:$0x3] =	stream.indirect.gather [hbm4b:s0+s19], $0x1, s5, s19, $0xb8;
	[tilespmem:$0x6BA0] =	vst v63  }
0x1e3: {  	_ =	swait.ge [sflag:s29], $0x80  }
0x1e4: {  	[sflag:s29] =	ssyncset.done $0x0  }
0x1e5: {  	[sflag:s29] =	ssyncadd.s32 $0xFFFFFF80  }
0x1e6: {  	_ =	swait.ge [sflag:s29], $0x80  }
0x1e7: {  	[sflag:s29] =	ssyncset.done $0x0  }
0x1e8: {  	[sflag:s29] =	ssyncadd.s32 $0xFFFFFF80  }
0x1e9: {  	_ =	swait.ge [sflag:s29], $0x80  }
0x1ea: {  	[sflag:s29] =	ssyncset.done $0x0  }
0x1eb: {  	[sflag:s29] =	ssyncadd.s32 $0xFFFFFF80  }
0x1ec: {  	_ =	swait.ge [sflag:s29], $0x80  }
0x1ed: {  	[sflag:s29] =	ssyncset.done $0x0  }
0x1ee: {  	[sflag:s29] =	ssyncadd.s32 $0xFFFFFF80  }
0x1ef: {  	s31 =	simm.s32 $0x0;
	v0 =	vld [tilespmem:$0x40]  }
0x1f0: {  	v1 =	vld [tilespmem:s31+$0x3DA0];
	_ =	sdelay $0x1  }
0x1f1: {  	v2 =	vld [tilespmem:s31+$0x69A0];
	_ =	sdelay $0x2  }
0x1f2: {  	v1 =	vmul.f32 v1, v0;
	_ =	sdelay $0x1  }
0x1f3: {  	s1 =	simm.s32 $0x80;
	s0 =	simm.s32 $0x10;
	v1 =	vadd.f32 v1, v2  }
.LBB2_10:
0x1f4: {  	p0 =	sne.s32 s1, $0x7C0;
	v2 =	vld [tilespmem:s0+$0x3DA0]  }
0x1f5: {  	[tilespmem:s31+$0x69A0] =	vst v1;
	s31 =	smov.u32 s0  }
0x1f6: {  	v1 =	vld [tilespmem:s31+$0x69A0]  }
.Ltmp4:
0x1f7: {  	(pc) =	sbr.rel @p0 .LBB2_10-.Ltmp4, $3  }
0x1f8: {  	_ = 	snop  }
0x1f9: {  	v2 =	vmul.f32 v2, v0;
	_ =	sdelay $0x1  }
0x1fa: {  	s0 =	sshra.s32 s1, $0x2;
	s1 =	sadd.s32 $0x40, s1;
	v1 =	vadd.f32 v2, v1  }
0x1fb: {  	v2 =	vld [tilespmem:s0+$0x3DA0]  }
0x1fc: {  	[tilespmem:s31+$0x69A0] =	vst v1  }
0x1fd: {  	v1 =	vld [tilespmem:s0+$0x69A0];
	_ =	sdelay $0x2  }
0x1fe: {  	v0 =	vmul.f32 v2, v0;
	_ =	sdelay $0x1  }
0x1ff: {  	v0 =	vadd.f32 v0, v1;
	_ =	sdelay $0x1  }
0x200: {  	[tilespmem:s0+$0x69A0] =	vst v0  }
0x201: {  	_ =	swait.ge [sflag:s30], $0x200  }
0x202: {  	s0 =	sld [smem:$0x7F7]  }
0x203: {  	[sflag:s30] =	ssyncset.done $0x0  }
0x204: {  	s1 =	simm.s32 $0xDA0;
	s4 =	simm.s32 $0x41A0;
	[sflag:s30] =	ssyncadd.s32 $0xFFFFFE00  }
0x205: {  	[tilespmem:s4], [sflag:$0x2] =	stream.indirect.gather [hbm4b:s0+s19], $0x1, s1, s19, $0xb8;
	[tilespmem:$0x6BA0] =	vst v63  }
0x206: {  	s5 =	simm.s32 $0xE20;
	s8 =	simm.s32 $0x4220  }
0x207: {  	[tilespmem:s8], [sflag:$0x2] =	stream.indirect.gather [hbm4b:s0+s19], $0x1, s5, s19, $0xb8;
	[tilespmem:$0x6BA0] =	vst v63  }
0x208: {  	s5 =	simm.s32 $0xEA0;
	s8 =	simm.s32 $0x42A0  }
0x209: {  	[tilespmem:s8], [sflag:$0x2] =	stream.indirect.gather [hbm4b:s0+s19], $0x1, s5, s19, $0xb8;
	[tilespmem:$0x6BA0] =	vst v63  }
0x20a: {  	s5 =	simm.s32 $0xF20;
	s8 =	simm.s32 $0x4320  }
0x20b: {  	[tilespmem:s8], [sflag:$0x2] =	stream.indirect.gather [hbm4b:s0+s19], $0x1, s5, s19, $0xb8;
	[tilespmem:$0x6BA0] =	vst v63  }
0x20c: {  	_ =	swait.ge [sflag:s2], $0x80  }
0x20d: {  	[sflag:s2] =	ssyncset.done $0x0  }
0x20e: {  	[sflag:s2] =	ssyncadd.s32 $0xFFFFFF80  }
0x20f: {  	_ =	swait.ge [sflag:s2], $0x80  }
0x210: {  	[sflag:s2] =	ssyncset.done $0x0  }
0x211: {  	[sflag:s2] =	ssyncadd.s32 $0xFFFFFF80  }
0x212: {  	_ =	swait.ge [sflag:s2], $0x80  }
0x213: {  	[sflag:s2] =	ssyncset.done $0x0  }
0x214: {  	[sflag:s2] =	ssyncadd.s32 $0xFFFFFF80  }
0x215: {  	_ =	swait.ge [sflag:s2], $0x80  }
0x216: {  	[sflag:s2] =	ssyncset.done $0x0  }
0x217: {  	[sflag:s2] =	ssyncadd.s32 $0xFFFFFF80  }
0x218: {  	s31 =	simm.s32 $0x0;
	v0 =	vld [tilespmem:$0x50]  }
0x219: {  	v1 =	vld [tilespmem:s31+$0x3FA0];
	_ =	sdelay $0x1  }
0x21a: {  	v2 =	vld [tilespmem:s31+$0x69A0];
	_ =	sdelay $0x2  }
0x21b: {  	v1 =	vmul.f32 v1, v0;
	_ =	sdelay $0x1  }
0x21c: {  	s1 =	simm.s32 $0x80;
	s0 =	simm.s32 $0x10;
	v1 =	vadd.f32 v1, v2  }
.LBB2_12:
0x21d: {  	p0 =	sne.s32 s1, $0x7C0;
	v2 =	vld [tilespmem:s0+$0x3FA0]  }
0x21e: {  	[tilespmem:s31+$0x69A0] =	vst v1;
	s31 =	smov.u32 s0  }
0x21f: {  	v1 =	vld [tilespmem:s31+$0x69A0]  }
.Ltmp5:
0x220: {  	(pc) =	sbr.rel @p0 .LBB2_12-.Ltmp5, $3  }
0x221: {  	_ = 	snop  }
0x222: {  	v2 =	vmul.f32 v2, v0;
	_ =	sdelay $0x1  }
0x223: {  	s0 =	sshra.s32 s1, $0x2;
	s1 =	sadd.s32 $0x40, s1;
	v1 =	vadd.f32 v2, v1  }
0x224: {  	v2 =	vld [tilespmem:s0+$0x3FA0]  }
0x225: {  	[tilespmem:s31+$0x69A0] =	vst v1  }
0x226: {  	v1 =	vld [tilespmem:s0+$0x69A0];
	_ =	sdelay $0x2  }
0x227: {  	v0 =	vmul.f32 v2, v0;
	_ =	sdelay $0x1  }
0x228: {  	v0 =	vadd.f32 v0, v1;
	_ =	sdelay $0x1  }
0x229: {  	[tilespmem:s0+$0x69A0] =	vst v0  }
0x22a: {  	_ =	swait.ge [sflag:s30], $0x200  }
0x22b: {  	s0 =	sld [smem:$0x7F9]  }
0x22c: {  	[sflag:s30] =	ssyncset.done $0x0  }
0x22d: {  	s1 =	simm.s32 $0x43A0;
	[sflag:s30] =	ssyncadd.s32 $0xFFFFFE00  }
0x22e: {  	[tilespmem:s1], [sflag:$0x3] =	stream.indirect.gather [hbm4b:s0+s19], $0x1, s6, s19, $0xb8;
	[tilespmem:$0x6BA0] =	vst v63  }
0x22f: {  	s8 =	simm.s32 $0x1020;
	s4 =	simm.s32 $0x4420  }
0x230: {  	[tilespmem:s4], [sflag:$0x3] =	stream.indirect.gather [hbm4b:s0+s19], $0x1, s8, s19, $0xb8;
	[tilespmem:$0x6BA0] =	vst v63  }
0x231: {  	s5 =	simm.s32 $0x44A0;
	s4 =	simm.s32 $0x10A0  }
0x232: {  	[tilespmem:s5], [sflag:$0x3] =	stream.indirect.gather [hbm4b:s0+s19], $0x1, s4, s19, $0xb8;
	[tilespmem:$0x6BA0] =	vst v63  }
0x233: {  	s6 =	simm.s32 $0x1120;
	s8 =	simm.s32 $0x4520  }
0x234: {  	[tilespmem:s8], [sflag:$0x3] =	stream.indirect.gather [hbm4b:s0+s19], $0x1, s6, s19, $0xb8;
	[tilespmem:$0x6BA0] =	vst v63  }
0x235: {  	_ =	swait.ge [sflag:s29], $0x80  }
0x236: {  	[sflag:s29] =	ssyncset.done $0x0  }
0x237: {  	[sflag:s29] =	ssyncadd.s32 $0xFFFFFF80  }
0x238: {  	_ =	swait.ge [sflag:s29], $0x80  }
0x239: {  	[sflag:s29] =	ssyncset.done $0x0  }
0x23a: {  	[sflag:s29] =	ssyncadd.s32 $0xFFFFFF80  }
0x23b: {  	_ =	swait.ge [sflag:s29], $0x80  }
0x23c: {  	[sflag:s29] =	ssyncset.done $0x0  }
0x23d: {  	[sflag:s29] =	ssyncadd.s32 $0xFFFFFF80  }
0x23e: {  	_ =	swait.ge [sflag:s29], $0x80  }
0x23f: {  	[sflag:s29] =	ssyncset.done $0x0  }
0x240: {  	[sflag:s29] =	ssyncadd.s32 $0xFFFFFF80  }
0x241: {  	s31 =	simm.s32 $0x0;
	v0 =	vld [tilespmem:$0x60]  }
0x242: {  	v1 =	vld [tilespmem:s31+$0x41A0];
	_ =	sdelay $0x1  }
0x243: {  	v2 =	vld [tilespmem:s31+$0x69A0];
	_ =	sdelay $0x2  }
0x244: {  	v1 =	vmul.f32 v1, v0;
	_ =	sdelay $0x1  }
0x245: {  	s1 =	simm.s32 $0x80;
	s0 =	simm.s32 $0x10;
	v1 =	vadd.f32 v1, v2  }
.LBB2_14:
0x246: {  	p0 =	sne.s32 s1, $0x7C0;
	v2 =	vld [tilespmem:s0+$0x41A0]  }
0x247: {  	[tilespmem:s31+$0x69A0] =	vst v1;
	s31 =	smov.u32 s0  }
0x248: {  	v1 =	vld [tilespmem:s31+$0x69A0]  }
.Ltmp6:
0x249: {  	(pc) =	sbr.rel @p0 .LBB2_14-.Ltmp6, $3  }
0x24a: {  	_ = 	snop  }
0x24b: {  	v2 =	vmul.f32 v2, v0;
	_ =	sdelay $0x1  }
0x24c: {  	s0 =	sshra.s32 s1, $0x2;
	s1 =	sadd.s32 $0x40, s1;
	v1 =	vadd.f32 v2, v1  }
0x24d: {  	v2 =	vld [tilespmem:s0+$0x41A0]  }
0x24e: {  	[tilespmem:s31+$0x69A0] =	vst v1  }
0x24f: {  	v1 =	vld [tilespmem:s0+$0x69A0];
	_ =	sdelay $0x2  }
0x250: {  	v0 =	vmul.f32 v2, v0;
	_ =	sdelay $0x1  }
0x251: {  	v0 =	vadd.f32 v0, v1;
	_ =	sdelay $0x1  }
0x252: {  	[tilespmem:s0+$0x69A0] =	vst v0  }
0x253: {  	_ =	swait.ge [sflag:s30], $0x200  }
0x254: {  	s1 =	sld [smem:$0x7FA]  }
0x255: {  	[sflag:s30] =	ssyncset.done $0x0  }
0x256: {  	s5 =	simm.s32 $0x11A0;
	s4 =	simm.s32 $0x45A0;
	[sflag:s30] =	ssyncadd.s32 $0xFFFFFE00  }
0x257: {  	[tilespmem:s4], [sflag:$0x2] =	stream.indirect.gather [hbm4b:s1+s19], $0x1, s5, s19, $0xb8;
	[tilespmem:$0x6BA0] =	vst v63  }
0x258: {  	s6 =	simm.s32 $0x1220;
	s8 =	simm.s32 $0x4620  }
0x259: {  	[tilespmem:s8], [sflag:$0x2] =	stream.indirect.gather [hbm4b:s1+s19], $0x1, s6, s19, $0xb8;
	[tilespmem:$0x6BA0] =	vst v63  }
0x25a: {  	s4 =	simm.s32 $0x12A0;
	s5 =	simm.s32 $0x46A0  }
0x25b: {  	[tilespmem:s5], [sflag:$0x2] =	stream.indirect.gather [hbm4b:s1+s19], $0x1, s4, s19, $0xb8;
	[tilespmem:$0x6BA0] =	vst v63  }
0x25c: {  	s6 =	simm.s32 $0x1320;
	s8 =	simm.s32 $0x4720  }
0x25d: {  	[tilespmem:s8], [sflag:$0x2] =	stream.indirect.gather [hbm4b:s1+s19], $0x1, s6, s19, $0xb8;
	[tilespmem:$0x6BA0] =	vst v63  }
0x25e: {  	_ =	swait.ge [sflag:s2], $0x80  }
0x25f: {  	[sflag:s2] =	ssyncset.done $0x0  }
0x260: {  	[sflag:s2] =	ssyncadd.s32 $0xFFFFFF80  }
0x261: {  	_ =	swait.ge [sflag:s2], $0x80  }
0x262: {  	[sflag:s2] =	ssyncset.done $0x0  }
0x263: {  	[sflag:s2] =	ssyncadd.s32 $0xFFFFFF80  }
0x264: {  	_ =	swait.ge [sflag:s2], $0x80  }
0x265: {  	[sflag:s2] =	ssyncset.done $0x0  }
0x266: {  	[sflag:s2] =	ssyncadd.s32 $0xFFFFFF80  }
0x267: {  	_ =	swait.ge [sflag:s2], $0x80  }
0x268: {  	[sflag:s2] =	ssyncset.done $0x0  }
0x269: {  	[sflag:s2] =	ssyncadd.s32 $0xFFFFFF80  }
0x26a: {  	s31 =	simm.s32 $0x0;
	v0 =	vld [tilespmem:$0x70]  }
0x26b: {  	v1 =	vld [tilespmem:s31+$0x43A0];
	_ =	sdelay $0x1  }
0x26c: {  	v2 =	vld [tilespmem:s31+$0x69A0];
	_ =	sdelay $0x2  }
0x26d: {  	v1 =	vmul.f32 v1, v0;
	_ =	sdelay $0x1  }
0x26e: {  	s0 =	simm.s32 $0x10;
	s1 =	simm.s32 $0x80;
	v1 =	vadd.f32 v1, v2  }
.LBB2_16:
0x26f: {  	p0 =	sne.s32 s1, $0x7C0;
	v2 =	vld [tilespmem:s0+$0x43A0]  }
0x270: {  	[tilespmem:s31+$0x69A0] =	vst v1;
	s31 =	smov.u32 s0  }
0x271: {  	v1 =	vld [tilespmem:s31+$0x69A0]  }
.Ltmp7:
0x272: {  	(pc) =	sbr.rel @p0 .LBB2_16-.Ltmp7, $3  }
0x273: {  	_ = 	snop  }
0x274: {  	v2 =	vmul.f32 v2, v0;
	_ =	sdelay $0x1  }
0x275: {  	s0 =	sshra.s32 s1, $0x2;
	s1 =	sadd.s32 $0x40, s1;
	v1 =	vadd.f32 v2, v1  }
0x276: {  	v2 =	vld [tilespmem:s0+$0x43A0]  }
0x277: {  	[tilespmem:s31+$0x69A0] =	vst v1  }
0x278: {  	v1 =	vld [tilespmem:s0+$0x69A0];
	_ =	sdelay $0x2  }
0x279: {  	v0 =	vmul.f32 v2, v0;
	_ =	sdelay $0x1  }
0x27a: {  	v0 =	vadd.f32 v0, v1;
	_ =	sdelay $0x1  }
0x27b: {  	[tilespmem:s0+$0x69A0] =	vst v0  }
0x27c: {  	_ =	swait.ge [sflag:s30], $0x200  }
0x27d: {  	[sflag:s30] =	ssyncset.done $0x0  }
0x27e: {  	s5 =	simm.s32 $0x47A0;
	s1 =	simm.s32 $0x13A0;
	[sflag:s30] =	ssyncadd.s32 $0xFFFFFE00  }
0x27f: {  	[tilespmem:s5], [sflag:$0x3] =	stream.indirect.gather [hbm4b:s9+s19], $0x1, s1, s19, $0xb8;
	[tilespmem:$0x6BA0] =	vst v63  }
0x280: {  	s6 =	simm.s32 $0x1420;
	s8 =	simm.s32 $0x4820  }
0x281: {  	[tilespmem:s8], [sflag:$0x3] =	stream.indirect.gather [hbm4b:s9+s19], $0x1, s6, s19, $0xb8;
	[tilespmem:$0x6BA0] =	vst v63  }
0x282: {  	s4 =	simm.s32 $0x14A0;
	s5 =	simm.s32 $0x48A0  }
0x283: {  	[tilespmem:s5], [sflag:$0x3] =	stream.indirect.gather [hbm4b:s9+s19], $0x1, s4, s19, $0xb8;
	[tilespmem:$0x6BA0] =	vst v63  }
0x284: {  	s6 =	simm.s32 $0x1520;
	s8 =	simm.s32 $0x4920  }
0x285: {  	[tilespmem:s8], [sflag:$0x3] =	stream.indirect.gather [hbm4b:s9+s19], $0x1, s6, s19, $0xb8;
	[tilespmem:$0x6BA0] =	vst v63  }
0x286: {  	_ =	swait.ge [sflag:s29], $0x80  }
0x287: {  	[sflag:s29] =	ssyncset.done $0x0  }
0x288: {  	[sflag:s29] =	ssyncadd.s32 $0xFFFFFF80  }
0x289: {  	_ =	swait.ge [sflag:s29], $0x80  }
0x28a: {  	[sflag:s29] =	ssyncset.done $0x0  }
0x28b: {  	[sflag:s29] =	ssyncadd.s32 $0xFFFFFF80  }
0x28c: {  	_ =	swait.ge [sflag:s29], $0x80  }
0x28d: {  	[sflag:s29] =	ssyncset.done $0x0  }
0x28e: {  	[sflag:s29] =	ssyncadd.s32 $0xFFFFFF80  }
0x28f: {  	_ =	swait.ge [sflag:s29], $0x80  }
0x290: {  	[sflag:s29] =	ssyncset.done $0x0  }
0x291: {  	[sflag:s29] =	ssyncadd.s32 $0xFFFFFF80  }
0x292: {  	s31 =	simm.s32 $0x0;
	v0 =	vld [tilespmem:$0x80]  }
0x293: {  	v1 =	vld [tilespmem:s31+$0x45A0];
	_ =	sdelay $0x1  }
0x294: {  	v2 =	vld [tilespmem:s31+$0x69A0];
	_ =	sdelay $0x2  }
0x295: {  	v1 =	vmul.f32 v1, v0;
	_ =	sdelay $0x1  }
0x296: {  	s0 =	simm.s32 $0x10;
	s1 =	simm.s32 $0x80;
	v1 =	vadd.f32 v1, v2  }
.LBB2_18:
0x297: {  	p0 =	sne.s32 s1, $0x7C0;
	v2 =	vld [tilespmem:s0+$0x45A0]  }
0x298: {  	[tilespmem:s31+$0x69A0] =	vst v1;
	s31 =	smov.u32 s0  }
0x299: {  	v1 =	vld [tilespmem:s31+$0x69A0]  }
.Ltmp8:
0x29a: {  	(pc) =	sbr.rel @p0 .LBB2_18-.Ltmp8, $3  }
0x29b: {  	_ = 	snop  }
0x29c: {  	v2 =	vmul.f32 v2, v0;
	_ =	sdelay $0x1  }
0x29d: {  	s0 =	sshra.s32 s1, $0x2;
	s1 =	sadd.s32 $0x40, s1;
	v1 =	vadd.f32 v2, v1  }
0x29e: {  	v2 =	vld [tilespmem:s0+$0x45A0]  }
0x29f: {  	[tilespmem:s31+$0x69A0] =	vst v1  }
0x2a0: {  	v1 =	vld [tilespmem:s0+$0x69A0];
	_ =	sdelay $0x2  }
0x2a1: {  	v0 =	vmul.f32 v2, v0;
	_ =	sdelay $0x1  }
0x2a2: {  	v0 =	vadd.f32 v0, v1;
	_ =	sdelay $0x1  }
0x2a3: {  	[tilespmem:s0+$0x69A0] =	vst v0  }
0x2a4: {  	_ =	swait.ge [sflag:s30], $0x200  }
0x2a5: {  	[sflag:s30] =	ssyncset.done $0x0  }
0x2a6: {  	s5 =	simm.s32 $0x15A0;
	s1 =	simm.s32 $0x49A0;
	[sflag:s30] =	ssyncadd.s32 $0xFFFFFE00  }
0x2a7: {  	[tilespmem:s1], [sflag:$0x2] =	stream.indirect.gather [hbm4b:s10+s19], $0x1, s5, s19, $0xb8;
	[tilespmem:$0x6BA0] =	vst v63  }
0x2a8: {  	s6 =	simm.s32 $0x1620;
	s8 =	simm.s32 $0x4A20  }
0x2a9: {  	[tilespmem:s8], [sflag:$0x2] =	stream.indirect.gather [hbm4b:s10+s19], $0x1, s6, s19, $0xb8;
	[tilespmem:$0x6BA0] =	vst v63  }
0x2aa: {  	s4 =	simm.s32 $0x16A0;
	s5 =	simm.s32 $0x4AA0  }
0x2ab: {  	[tilespmem:s5], [sflag:$0x2] =	stream.indirect.gather [hbm4b:s10+s19], $0x1, s4, s19, $0xb8;
	[tilespmem:$0x6BA0] =	vst v63  }
0x2ac: {  	s6 =	simm.s32 $0x1720;
	s8 =	simm.s32 $0x4B20  }
0x2ad: {  	[tilespmem:s8], [sflag:$0x2] =	stream.indirect.gather [hbm4b:s10+s19], $0x1, s6, s19, $0xb8;
	[tilespmem:$0x6BA0] =	vst v63  }
0x2ae: {  	_ =	swait.ge [sflag:s2], $0x80  }
0x2af: {  	[sflag:s2] =	ssyncset.done $0x0  }
0x2b0: {  	[sflag:s2] =	ssyncadd.s32 $0xFFFFFF80  }
0x2b1: {  	_ =	swait.ge [sflag:s2], $0x80  }
0x2b2: {  	[sflag:s2] =	ssyncset.done $0x0  }
0x2b3: {  	[sflag:s2] =	ssyncadd.s32 $0xFFFFFF80  }
0x2b4: {  	_ =	swait.ge [sflag:s2], $0x80  }
0x2b5: {  	[sflag:s2] =	ssyncset.done $0x0  }
0x2b6: {  	[sflag:s2] =	ssyncadd.s32 $0xFFFFFF80  }
0x2b7: {  	_ =	swait.ge [sflag:s2], $0x80  }
0x2b8: {  	[sflag:s2] =	ssyncset.done $0x0  }
0x2b9: {  	[sflag:s2] =	ssyncadd.s32 $0xFFFFFF80  }
0x2ba: {  	s31 =	simm.s32 $0x0;
	v0 =	vld [tilespmem:$0x90]  }
0x2bb: {  	v1 =	vld [tilespmem:s31+$0x47A0];
	_ =	sdelay $0x1  }
0x2bc: {  	v2 =	vld [tilespmem:s31+$0x69A0];
	_ =	sdelay $0x2  }
0x2bd: {  	v1 =	vmul.f32 v1, v0;
	_ =	sdelay $0x1  }
0x2be: {  	s0 =	simm.s32 $0x10;
	s1 =	simm.s32 $0x80;
	v1 =	vadd.f32 v1, v2  }
.LBB2_20:
0x2bf: {  	p0 =	sne.s32 s1, $0x7C0;
	v2 =	vld [tilespmem:s0+$0x47A0]  }
0x2c0: {  	[tilespmem:s31+$0x69A0] =	vst v1;
	s31 =	smov.u32 s0  }
0x2c1: {  	v1 =	vld [tilespmem:s31+$0x69A0]  }
.Ltmp9:
0x2c2: {  	(pc) =	sbr.rel @p0 .LBB2_20-.Ltmp9, $3  }
0x2c3: {  	_ = 	snop  }
0x2c4: {  	v2 =	vmul.f32 v2, v0;
	_ =	sdelay $0x1  }
0x2c5: {  	s0 =	sshra.s32 s1, $0x2;
	s1 =	sadd.s32 $0x40, s1;
	v1 =	vadd.f32 v2, v1  }
0x2c6: {  	v2 =	vld [tilespmem:s0+$0x47A0]  }
0x2c7: {  	[tilespmem:s31+$0x69A0] =	vst v1  }
0x2c8: {  	v1 =	vld [tilespmem:s0+$0x69A0];
	_ =	sdelay $0x2  }
0x2c9: {  	v0 =	vmul.f32 v2, v0;
	_ =	sdelay $0x1  }
0x2ca: {  	v0 =	vadd.f32 v0, v1;
	_ =	sdelay $0x1  }
0x2cb: {  	[tilespmem:s0+$0x69A0] =	vst v0  }
0x2cc: {  	_ =	swait.ge [sflag:s30], $0x200  }
0x2cd: {  	[sflag:s30] =	ssyncset.done $0x0  }
0x2ce: {  	s5 =	simm.s32 $0x4BA0;
	s1 =	simm.s32 $0x17A0;
	[sflag:s30] =	ssyncadd.s32 $0xFFFFFE00  }
0x2cf: {  	[tilespmem:s5], [sflag:$0x3] =	stream.indirect.gather [hbm4b:s13+s19], $0x1, s1, s19, $0xb8;
	[tilespmem:$0x6BA0] =	vst v63  }
0x2d0: {  	s6 =	simm.s32 $0x1820;
	s8 =	simm.s32 $0x4C20  }
0x2d1: {  	[tilespmem:s8], [sflag:$0x3] =	stream.indirect.gather [hbm4b:s13+s19], $0x1, s6, s19, $0xb8;
	[tilespmem:$0x6BA0] =	vst v63  }
0x2d2: {  	s4 =	simm.s32 $0x18A0;
	s5 =	simm.s32 $0x4CA0  }
0x2d3: {  	[tilespmem:s5], [sflag:$0x3] =	stream.indirect.gather [hbm4b:s13+s19], $0x1, s4, s19, $0xb8;
	[tilespmem:$0x6BA0] =	vst v63  }
0x2d4: {  	s6 =	simm.s32 $0x1920;
	s8 =	simm.s32 $0x4D20  }
0x2d5: {  	[tilespmem:s8], [sflag:$0x3] =	stream.indirect.gather [hbm4b:s13+s19], $0x1, s6, s19, $0xb8;
	[tilespmem:$0x6BA0] =	vst v63  }
0x2d6: {  	_ =	swait.ge [sflag:s29], $0x80  }
0x2d7: {  	[sflag:s29] =	ssyncset.done $0x0  }
0x2d8: {  	[sflag:s29] =	ssyncadd.s32 $0xFFFFFF80  }
0x2d9: {  	_ =	swait.ge [sflag:s29], $0x80  }
0x2da: {  	[sflag:s29] =	ssyncset.done $0x0  }
0x2db: {  	[sflag:s29] =	ssyncadd.s32 $0xFFFFFF80  }
0x2dc: {  	_ =	swait.ge [sflag:s29], $0x80  }
0x2dd: {  	[sflag:s29] =	ssyncset.done $0x0  }
0x2de: {  	[sflag:s29] =	ssyncadd.s32 $0xFFFFFF80  }
0x2df: {  	_ =	swait.ge [sflag:s29], $0x80  }
0x2e0: {  	[sflag:s29] =	ssyncset.done $0x0  }
0x2e1: {  	[sflag:s29] =	ssyncadd.s32 $0xFFFFFF80  }
0x2e2: {  	s31 =	simm.s32 $0x0;
	v0 =	vld [tilespmem:$0xA0]  }
0x2e3: {  	v1 =	vld [tilespmem:s31+$0x49A0];
	_ =	sdelay $0x1  }
0x2e4: {  	v2 =	vld [tilespmem:s31+$0x69A0];
	_ =	sdelay $0x2  }
0x2e5: {  	v1 =	vmul.f32 v1, v0;
	_ =	sdelay $0x1  }
0x2e6: {  	s0 =	simm.s32 $0x10;
	s1 =	simm.s32 $0x80;
	v1 =	vadd.f32 v1, v2  }
.LBB2_22:
0x2e7: {  	p0 =	sne.s32 s1, $0x7C0;
	v2 =	vld [tilespmem:s0+$0x49A0]  }
0x2e8: {  	[tilespmem:s31+$0x69A0] =	vst v1;
	s31 =	smov.u32 s0  }
0x2e9: {  	v1 =	vld [tilespmem:s31+$0x69A0]  }
.Ltmp10:
0x2ea: {  	(pc) =	sbr.rel @p0 .LBB2_22-.Ltmp10, $3  }
0x2eb: {  	_ = 	snop  }
0x2ec: {  	v2 =	vmul.f32 v2, v0;
	_ =	sdelay $0x1  }
0x2ed: {  	s0 =	sshra.s32 s1, $0x2;
	s1 =	sadd.s32 $0x40, s1;
	v1 =	vadd.f32 v2, v1  }
0x2ee: {  	v2 =	vld [tilespmem:s0+$0x49A0]  }
0x2ef: {  	[tilespmem:s31+$0x69A0] =	vst v1  }
0x2f0: {  	v1 =	vld [tilespmem:s0+$0x69A0];
	_ =	sdelay $0x2  }
0x2f1: {  	v0 =	vmul.f32 v2, v0;
	_ =	sdelay $0x1  }
0x2f2: {  	v0 =	vadd.f32 v0, v1;
	_ =	sdelay $0x1  }
0x2f3: {  	[tilespmem:s0+$0x69A0] =	vst v0  }
0x2f4: {  	_ =	swait.ge [sflag:s30], $0x200  }
0x2f5: {  	[sflag:s30] =	ssyncset.done $0x0  }
0x2f6: {  	s5 =	simm.s32 $0x19A0;
	s1 =	simm.s32 $0x4DA0;
	[sflag:s30] =	ssyncadd.s32 $0xFFFFFE00  }
0x2f7: {  	[tilespmem:s1], [sflag:$0x2] =	stream.indirect.gather [hbm4b:s11+s19], $0x1, s5, s19, $0xb8;
	[tilespmem:$0x6BA0] =	vst v63  }
0x2f8: {  	s6 =	simm.s32 $0x1A20;
	s8 =	simm.s32 $0x4E20  }
0x2f9: {  	[tilespmem:s8], [sflag:$0x2] =	stream.indirect.gather [hbm4b:s11+s19], $0x1, s6, s19, $0xb8;
	[tilespmem:$0x6BA0] =	vst v63  }
0x2fa: {  	s4 =	simm.s32 $0x1AA0;
	s5 =	simm.s32 $0x4EA0  }
0x2fb: {  	[tilespmem:s5], [sflag:$0x2] =	stream.indirect.gather [hbm4b:s11+s19], $0x1, s4, s19, $0xb8;
	[tilespmem:$0x6BA0] =	vst v63  }
0x2fc: {  	s6 =	simm.s32 $0x1B20;
	s8 =	simm.s32 $0x4F20  }
0x2fd: {  	[tilespmem:s8], [sflag:$0x2] =	stream.indirect.gather [hbm4b:s11+s19], $0x1, s6, s19, $0xb8;
	[tilespmem:$0x6BA0] =	vst v63  }
0x2fe: {  	_ =	swait.ge [sflag:s2], $0x80  }
0x2ff: {  	[sflag:s2] =	ssyncset.done $0x0  }
0x300: {  	[sflag:s2] =	ssyncadd.s32 $0xFFFFFF80  }
0x301: {  	_ =	swait.ge [sflag:s2], $0x80  }
0x302: {  	[sflag:s2] =	ssyncset.done $0x0  }
0x303: {  	[sflag:s2] =	ssyncadd.s32 $0xFFFFFF80  }
0x304: {  	_ =	swait.ge [sflag:s2], $0x80  }
0x305: {  	[sflag:s2] =	ssyncset.done $0x0  }
0x306: {  	[sflag:s2] =	ssyncadd.s32 $0xFFFFFF80  }
0x307: {  	_ =	swait.ge [sflag:s2], $0x80  }
0x308: {  	[sflag:s2] =	ssyncset.done $0x0  }
0x309: {  	[sflag:s2] =	ssyncadd.s32 $0xFFFFFF80  }
0x30a: {  	s31 =	simm.s32 $0x0;
	v0 =	vld [tilespmem:$0xB0]  }
0x30b: {  	v1 =	vld [tilespmem:s31+$0x4BA0];
	_ =	sdelay $0x1  }
0x30c: {  	v2 =	vld [tilespmem:s31+$0x69A0];
	_ =	sdelay $0x2  }
0x30d: {  	v1 =	vmul.f32 v1, v0;
	_ =	sdelay $0x1  }
0x30e: {  	s0 =	simm.s32 $0x10;
	s1 =	simm.s32 $0x80;
	v1 =	vadd.f32 v1, v2  }
.LBB2_24:
0x30f: {  	p0 =	sne.s32 s1, $0x7C0;
	v2 =	vld [tilespmem:s0+$0x4BA0]  }
0x310: {  	[tilespmem:s31+$0x69A0] =	vst v1;
	s31 =	smov.u32 s0  }
0x311: {  	v1 =	vld [tilespmem:s31+$0x69A0]  }
.Ltmp11:
0x312: {  	(pc) =	sbr.rel @p0 .LBB2_24-.Ltmp11, $3  }
0x313: {  	_ = 	snop  }
0x314: {  	v2 =	vmul.f32 v2, v0;
	_ =	sdelay $0x1  }
0x315: {  	s0 =	sshra.s32 s1, $0x2;
	s1 =	sadd.s32 $0x40, s1;
	v1 =	vadd.f32 v2, v1  }
0x316: {  	v2 =	vld [tilespmem:s0+$0x4BA0]  }
0x317: {  	[tilespmem:s31+$0x69A0] =	vst v1  }
0x318: {  	v1 =	vld [tilespmem:s0+$0x69A0];
	_ =	sdelay $0x2  }
0x319: {  	v0 =	vmul.f32 v2, v0;
	_ =	sdelay $0x1  }
0x31a: {  	v0 =	vadd.f32 v0, v1;
	_ =	sdelay $0x1  }
0x31b: {  	[tilespmem:s0+$0x69A0] =	vst v0  }
0x31c: {  	_ =	swait.ge [sflag:s30], $0x200  }
0x31d: {  	[sflag:s30] =	ssyncset.done $0x0  }
0x31e: {  	s5 =	simm.s32 $0x4FA0;
	s1 =	simm.s32 $0x1BA0;
	[sflag:s30] =	ssyncadd.s32 $0xFFFFFE00  }
0x31f: {  	[tilespmem:s5], [sflag:$0x3] =	stream.indirect.gather [hbm4b:s12+s19], $0x1, s1, s19, $0xb8;
	[tilespmem:$0x6BA0] =	vst v63  }
0x320: {  	s6 =	simm.s32 $0x1C20;
	s8 =	simm.s32 $0x5020  }
0x321: {  	[tilespmem:s8], [sflag:$0x3] =	stream.indirect.gather [hbm4b:s12+s19], $0x1, s6, s19, $0xb8;
	[tilespmem:$0x6BA0] =	vst v63  }
0x322: {  	s4 =	simm.s32 $0x1CA0;
	s5 =	simm.s32 $0x50A0  }
0x323: {  	[tilespmem:s5], [sflag:$0x3] =	stream.indirect.gather [hbm4b:s12+s19], $0x1, s4, s19, $0xb8;
	[tilespmem:$0x6BA0] =	vst v63  }
0x324: {  	s6 =	simm.s32 $0x1D20;
	s8 =	simm.s32 $0x5120  }
0x325: {  	[tilespmem:s8], [sflag:$0x3] =	stream.indirect.gather [hbm4b:s12+s19], $0x1, s6, s19, $0xb8;
	[tilespmem:$0x6BA0] =	vst v63  }
0x326: {  	_ =	swait.ge [sflag:s29], $0x80  }
0x327: {  	[sflag:s29] =	ssyncset.done $0x0  }
0x328: {  	[sflag:s29] =	ssyncadd.s32 $0xFFFFFF80  }
0x329: {  	_ =	swait.ge [sflag:s29], $0x80  }
0x32a: {  	[sflag:s29] =	ssyncset.done $0x0  }
0x32b: {  	[sflag:s29] =	ssyncadd.s32 $0xFFFFFF80  }
0x32c: {  	_ =	swait.ge [sflag:s29], $0x80  }
0x32d: {  	[sflag:s29] =	ssyncset.done $0x0  }
0x32e: {  	[sflag:s29] =	ssyncadd.s32 $0xFFFFFF80  }
0x32f: {  	_ =	swait.ge [sflag:s29], $0x80  }
0x330: {  	[sflag:s29] =	ssyncset.done $0x0  }
0x331: {  	[sflag:s29] =	ssyncadd.s32 $0xFFFFFF80  }
0x332: {  	s31 =	simm.s32 $0x0;
	v0 =	vld [tilespmem:$0xC0]  }
0x333: {  	v1 =	vld [tilespmem:s31+$0x4DA0];
	_ =	sdelay $0x1  }
0x334: {  	v2 =	vld [tilespmem:s31+$0x69A0];
	_ =	sdelay $0x2  }
0x335: {  	v1 =	vmul.f32 v1, v0;
	_ =	sdelay $0x1  }
0x336: {  	s0 =	simm.s32 $0x10;
	s1 =	simm.s32 $0x80;
	v1 =	vadd.f32 v1, v2  }
.LBB2_26:
0x337: {  	p0 =	sne.s32 s1, $0x7C0;
	v2 =	vld [tilespmem:s0+$0x4DA0]  }
0x338: {  	[tilespmem:s31+$0x69A0] =	vst v1;
	s31 =	smov.u32 s0  }
0x339: {  	v1 =	vld [tilespmem:s31+$0x69A0]  }
.Ltmp12:
0x33a: {  	(pc) =	sbr.rel @p0 .LBB2_26-.Ltmp12, $3  }
0x33b: {  	_ = 	snop  }
0x33c: {  	v2 =	vmul.f32 v2, v0;
	_ =	sdelay $0x1  }
0x33d: {  	s0 =	sshra.s32 s1, $0x2;
	s1 =	sadd.s32 $0x40, s1;
	v1 =	vadd.f32 v2, v1  }
0x33e: {  	v2 =	vld [tilespmem:s0+$0x4DA0]  }
0x33f: {  	[tilespmem:s31+$0x69A0] =	vst v1  }
0x340: {  	v1 =	vld [tilespmem:s0+$0x69A0];
	_ =	sdelay $0x2  }
0x341: {  	v0 =	vmul.f32 v2, v0;
	_ =	sdelay $0x1  }
0x342: {  	v0 =	vadd.f32 v0, v1;
	_ =	sdelay $0x1  }
0x343: {  	[tilespmem:s0+$0x69A0] =	vst v0  }
0x344: {  	_ =	swait.ge [sflag:s30], $0x200  }
0x345: {  	[sflag:s30] =	ssyncset.done $0x0  }
0x346: {  	s5 =	simm.s32 $0x1DA0;
	s1 =	simm.s32 $0x51A0;
	[sflag:s30] =	ssyncadd.s32 $0xFFFFFE00  }
0x347: {  	[tilespmem:s1], [sflag:$0x2] =	stream.indirect.gather [hbm4b:s14+s19], $0x1, s5, s19, $0xb8;
	[tilespmem:$0x6BA0] =	vst v63  }
0x348: {  	s6 =	simm.s32 $0x1E20;
	s8 =	simm.s32 $0x5220  }
0x349: {  	[tilespmem:s8], [sflag:$0x2] =	stream.indirect.gather [hbm4b:s14+s19], $0x1, s6, s19, $0xb8;
	[tilespmem:$0x6BA0] =	vst v63  }
0x34a: {  	s4 =	simm.s32 $0x1EA0;
	s5 =	simm.s32 $0x52A0  }
0x34b: {  	[tilespmem:s5], [sflag:$0x2] =	stream.indirect.gather [hbm4b:s14+s19], $0x1, s4, s19, $0xb8;
	[tilespmem:$0x6BA0] =	vst v63  }
0x34c: {  	s6 =	simm.s32 $0x1F20;
	s8 =	simm.s32 $0x5320  }
0x34d: {  	[tilespmem:s8], [sflag:$0x2] =	stream.indirect.gather [hbm4b:s14+s19], $0x1, s6, s19, $0xb8;
	[tilespmem:$0x6BA0] =	vst v63  }
0x34e: {  	_ =	swait.ge [sflag:s2], $0x80  }
0x34f: {  	[sflag:s2] =	ssyncset.done $0x0  }
0x350: {  	[sflag:s2] =	ssyncadd.s32 $0xFFFFFF80  }
0x351: {  	_ =	swait.ge [sflag:s2], $0x80  }
0x352: {  	[sflag:s2] =	ssyncset.done $0x0  }
0x353: {  	[sflag:s2] =	ssyncadd.s32 $0xFFFFFF80  }
0x354: {  	_ =	swait.ge [sflag:s2], $0x80  }
0x355: {  	[sflag:s2] =	ssyncset.done $0x0  }
0x356: {  	[sflag:s2] =	ssyncadd.s32 $0xFFFFFF80  }
0x357: {  	_ =	swait.ge [sflag:s2], $0x80  }
0x358: {  	[sflag:s2] =	ssyncset.done $0x0  }
0x359: {  	[sflag:s2] =	ssyncadd.s32 $0xFFFFFF80  }
0x35a: {  	s31 =	simm.s32 $0x0;
	v0 =	vld [tilespmem:$0xD0]  }
0x35b: {  	v1 =	vld [tilespmem:s31+$0x4FA0];
	_ =	sdelay $0x1  }
0x35c: {  	v2 =	vld [tilespmem:s31+$0x69A0];
	_ =	sdelay $0x2  }
0x35d: {  	v1 =	vmul.f32 v1, v0;
	_ =	sdelay $0x1  }
0x35e: {  	s0 =	simm.s32 $0x10;
	s1 =	simm.s32 $0x80;
	v1 =	vadd.f32 v1, v2  }
.LBB2_28:
0x35f: {  	p0 =	sne.s32 s1, $0x7C0;
	v2 =	vld [tilespmem:s0+$0x4FA0]  }
0x360: {  	[tilespmem:s31+$0x69A0] =	vst v1;
	s31 =	smov.u32 s0  }
0x361: {  	v1 =	vld [tilespmem:s31+$0x69A0]  }
.Ltmp13:
0x362: {  	(pc) =	sbr.rel @p0 .LBB2_28-.Ltmp13, $3  }
0x363: {  	_ = 	snop  }
0x364: {  	v2 =	vmul.f32 v2, v0;
	_ =	sdelay $0x1  }
0x365: {  	s0 =	sshra.s32 s1, $0x2;
	s1 =	sadd.s32 $0x40, s1;
	v1 =	vadd.f32 v2, v1  }
0x366: {  	v2 =	vld [tilespmem:s0+$0x4FA0]  }
0x367: {  	[tilespmem:s31+$0x69A0] =	vst v1  }
0x368: {  	v1 =	vld [tilespmem:s0+$0x69A0];
	_ =	sdelay $0x2  }
0x369: {  	v0 =	vmul.f32 v2, v0;
	_ =	sdelay $0x1  }
0x36a: {  	v0 =	vadd.f32 v0, v1;
	_ =	sdelay $0x1  }
0x36b: {  	[tilespmem:s0+$0x69A0] =	vst v0  }
0x36c: {  	_ =	swait.ge [sflag:s30], $0x200  }
0x36d: {  	[sflag:s30] =	ssyncset.done $0x0  }
0x36e: {  	s5 =	simm.s32 $0x53A0;
	s1 =	simm.s32 $0x1FA0;
	[sflag:s30] =	ssyncadd.s32 $0xFFFFFE00  }
0x36f: {  	[tilespmem:s5], [sflag:$0x3] =	stream.indirect.gather [hbm4b:s15+s19], $0x1, s1, s19, $0xb8;
	[tilespmem:$0x6BA0] =	vst v63  }
0x370: {  	s6 =	simm.s32 $0x2020;
	s8 =	simm.s32 $0x5420  }
0x371: {  	[tilespmem:s8], [sflag:$0x3] =	stream.indirect.gather [hbm4b:s15+s19], $0x1, s6, s19, $0xb8;
	[tilespmem:$0x6BA0] =	vst v63  }
0x372: {  	s4 =	simm.s32 $0x20A0;
	s5 =	simm.s32 $0x54A0  }
0x373: {  	[tilespmem:s5], [sflag:$0x3] =	stream.indirect.gather [hbm4b:s15+s19], $0x1, s4, s19, $0xb8;
	[tilespmem:$0x6BA0] =	vst v63  }
0x374: {  	s6 =	simm.s32 $0x2120;
	s8 =	simm.s32 $0x5520  }
0x375: {  	[tilespmem:s8], [sflag:$0x3] =	stream.indirect.gather [hbm4b:s15+s19], $0x1, s6, s19, $0xb8;
	[tilespmem:$0x6BA0] =	vst v63  }
0x376: {  	_ =	swait.ge [sflag:s29], $0x80  }
0x377: {  	[sflag:s29] =	ssyncset.done $0x0  }
0x378: {  	[sflag:s29] =	ssyncadd.s32 $0xFFFFFF80  }
0x379: {  	_ =	swait.ge [sflag:s29], $0x80  }
0x37a: {  	[sflag:s29] =	ssyncset.done $0x0  }
0x37b: {  	[sflag:s29] =	ssyncadd.s32 $0xFFFFFF80  }
0x37c: {  	_ =	swait.ge [sflag:s29], $0x80  }
0x37d: {  	[sflag:s29] =	ssyncset.done $0x0  }
0x37e: {  	[sflag:s29] =	ssyncadd.s32 $0xFFFFFF80  }
0x37f: {  	_ =	swait.ge [sflag:s29], $0x80  }
0x380: {  	[sflag:s29] =	ssyncset.done $0x0  }
0x381: {  	[sflag:s29] =	ssyncadd.s32 $0xFFFFFF80  }
0x382: {  	s31 =	simm.s32 $0x0;
	v0 =	vld [tilespmem:$0xE0]  }
0x383: {  	v1 =	vld [tilespmem:s31+$0x51A0];
	_ =	sdelay $0x1  }
0x384: {  	v2 =	vld [tilespmem:s31+$0x69A0];
	_ =	sdelay $0x2  }
0x385: {  	v1 =	vmul.f32 v1, v0;
	_ =	sdelay $0x1  }
0x386: {  	s0 =	simm.s32 $0x10;
	s1 =	simm.s32 $0x80;
	v1 =	vadd.f32 v1, v2  }
.LBB2_30:
0x387: {  	p0 =	sne.s32 s1, $0x7C0;
	v2 =	vld [tilespmem:s0+$0x51A0]  }
0x388: {  	[tilespmem:s31+$0x69A0] =	vst v1;
	s31 =	smov.u32 s0  }
0x389: {  	v1 =	vld [tilespmem:s31+$0x69A0]  }
.Ltmp14:
0x38a: {  	(pc) =	sbr.rel @p0 .LBB2_30-.Ltmp14, $3  }
0x38b: {  	_ = 	snop  }
0x38c: {  	v2 =	vmul.f32 v2, v0;
	_ =	sdelay $0x1  }
0x38d: {  	s0 =	sshra.s32 s1, $0x2;
	s1 =	sadd.s32 $0x40, s1;
	v1 =	vadd.f32 v2, v1  }
0x38e: {  	v2 =	vld [tilespmem:s0+$0x51A0]  }
0x38f: {  	[tilespmem:s31+$0x69A0] =	vst v1  }
0x390: {  	v1 =	vld [tilespmem:s0+$0x69A0];
	_ =	sdelay $0x2  }
0x391: {  	v0 =	vmul.f32 v2, v0;
	_ =	sdelay $0x1  }
0x392: {  	v0 =	vadd.f32 v0, v1;
	_ =	sdelay $0x1  }
0x393: {  	[tilespmem:s0+$0x69A0] =	vst v0  }
0x394: {  	_ =	swait.ge [sflag:s30], $0x200  }
0x395: {  	[sflag:s30] =	ssyncset.done $0x0  }
0x396: {  	s5 =	simm.s32 $0x21A0;
	s1 =	simm.s32 $0x55A0;
	[sflag:s30] =	ssyncadd.s32 $0xFFFFFE00  }
0x397: {  	[tilespmem:s1], [sflag:$0x2] =	stream.indirect.gather [hbm4b:s17+s19], $0x1, s5, s19, $0xb8;
	[tilespmem:$0x6BA0] =	vst v63  }
0x398: {  	s6 =	simm.s32 $0x2220;
	s8 =	simm.s32 $0x5620  }
0x399: {  	[tilespmem:s8], [sflag:$0x2] =	stream.indirect.gather [hbm4b:s17+s19], $0x1, s6, s19, $0xb8;
	[tilespmem:$0x6BA0] =	vst v63  }
0x39a: {  	s4 =	simm.s32 $0x22A0;
	s5 =	simm.s32 $0x56A0  }
0x39b: {  	[tilespmem:s5], [sflag:$0x2] =	stream.indirect.gather [hbm4b:s17+s19], $0x1, s4, s19, $0xb8;
	[tilespmem:$0x6BA0] =	vst v63  }
0x39c: {  	s6 =	simm.s32 $0x2320;
	s8 =	simm.s32 $0x5720  }
0x39d: {  	[tilespmem:s8], [sflag:$0x2] =	stream.indirect.gather [hbm4b:s17+s19], $0x1, s6, s19, $0xb8;
	[tilespmem:$0x6BA0] =	vst v63  }
0x39e: {  	_ =	swait.ge [sflag:s2], $0x80  }
0x39f: {  	[sflag:s2] =	ssyncset.done $0x0  }
0x3a0: {  	[sflag:s2] =	ssyncadd.s32 $0xFFFFFF80  }
0x3a1: {  	_ =	swait.ge [sflag:s2], $0x80  }
0x3a2: {  	[sflag:s2] =	ssyncset.done $0x0  }
0x3a3: {  	[sflag:s2] =	ssyncadd.s32 $0xFFFFFF80  }
0x3a4: {  	_ =	swait.ge [sflag:s2], $0x80  }
0x3a5: {  	[sflag:s2] =	ssyncset.done $0x0  }
0x3a6: {  	[sflag:s2] =	ssyncadd.s32 $0xFFFFFF80  }
0x3a7: {  	_ =	swait.ge [sflag:s2], $0x80  }
0x3a8: {  	[sflag:s2] =	ssyncset.done $0x0  }
0x3a9: {  	[sflag:s2] =	ssyncadd.s32 $0xFFFFFF80  }
0x3aa: {  	s31 =	simm.s32 $0x0;
	v0 =	vld [tilespmem:$0xF0]  }
0x3ab: {  	v1 =	vld [tilespmem:s31+$0x53A0];
	_ =	sdelay $0x1  }
0x3ac: {  	v2 =	vld [tilespmem:s31+$0x69A0];
	_ =	sdelay $0x2  }
0x3ad: {  	v1 =	vmul.f32 v1, v0;
	_ =	sdelay $0x1  }
0x3ae: {  	s0 =	simm.s32 $0x10;
	s1 =	simm.s32 $0x80;
	v1 =	vadd.f32 v1, v2  }
.LBB2_32:
0x3af: {  	p0 =	sne.s32 s1, $0x7C0;
	v2 =	vld [tilespmem:s0+$0x53A0]  }
0x3b0: {  	[tilespmem:s31+$0x69A0] =	vst v1;
	s31 =	smov.u32 s0  }
0x3b1: {  	v1 =	vld [tilespmem:s31+$0x69A0]  }
.Ltmp15:
0x3b2: {  	(pc) =	sbr.rel @p0 .LBB2_32-.Ltmp15, $3  }
0x3b3: {  	_ = 	snop  }
0x3b4: {  	v2 =	vmul.f32 v2, v0;
	_ =	sdelay $0x1  }
0x3b5: {  	s0 =	sshra.s32 s1, $0x2;
	s1 =	sadd.s32 $0x40, s1;
	v1 =	vadd.f32 v2, v1  }
0x3b6: {  	v2 =	vld [tilespmem:s0+$0x53A0]  }
0x3b7: {  	[tilespmem:s31+$0x69A0] =	vst v1  }
0x3b8: {  	v1 =	vld [tilespmem:s0+$0x69A0];
	_ =	sdelay $0x2  }
0x3b9: {  	v0 =	vmul.f32 v2, v0;
	_ =	sdelay $0x1  }
0x3ba: {  	v0 =	vadd.f32 v0, v1;
	_ =	sdelay $0x1  }
0x3bb: {  	[tilespmem:s0+$0x69A0] =	vst v0  }
0x3bc: {  	_ =	swait.ge [sflag:s30], $0x200  }
0x3bd: {  	[sflag:s30] =	ssyncset.done $0x0  }
0x3be: {  	s5 =	simm.s32 $0x57A0;
	s1 =	simm.s32 $0x23A0;
	[sflag:s30] =	ssyncadd.s32 $0xFFFFFE00  }
0x3bf: {  	[tilespmem:s5], [sflag:$0x3] =	stream.indirect.gather [hbm4b:s18+s19], $0x1, s1, s19, $0xb8;
	[tilespmem:$0x6BA0] =	vst v63  }
0x3c0: {  	s6 =	simm.s32 $0x2420;
	s8 =	simm.s32 $0x5820  }
0x3c1: {  	[tilespmem:s8], [sflag:$0x3] =	stream.indirect.gather [hbm4b:s18+s19], $0x1, s6, s19, $0xb8;
	[tilespmem:$0x6BA0] =	vst v63  }
0x3c2: {  	s4 =	simm.s32 $0x24A0;
	s5 =	simm.s32 $0x58A0  }
0x3c3: {  	[tilespmem:s5], [sflag:$0x3] =	stream.indirect.gather [hbm4b:s18+s19], $0x1, s4, s19, $0xb8;
	[tilespmem:$0x6BA0] =	vst v63  }
0x3c4: {  	s6 =	simm.s32 $0x2520;
	s8 =	simm.s32 $0x5920  }
0x3c5: {  	[tilespmem:s8], [sflag:$0x3] =	stream.indirect.gather [hbm4b:s18+s19], $0x1, s6, s19, $0xb8;
	[tilespmem:$0x6BA0] =	vst v63  }
0x3c6: {  	_ =	swait.ge [sflag:s29], $0x80  }
0x3c7: {  	[sflag:s29] =	ssyncset.done $0x0  }
0x3c8: {  	[sflag:s29] =	ssyncadd.s32 $0xFFFFFF80  }
0x3c9: {  	_ =	swait.ge [sflag:s29], $0x80  }
0x3ca: {  	[sflag:s29] =	ssyncset.done $0x0  }
0x3cb: {  	[sflag:s29] =	ssyncadd.s32 $0xFFFFFF80  }
0x3cc: {  	_ =	swait.ge [sflag:s29], $0x80  }
0x3cd: {  	[sflag:s29] =	ssyncset.done $0x0  }
0x3ce: {  	[sflag:s29] =	ssyncadd.s32 $0xFFFFFF80  }
0x3cf: {  	_ =	swait.ge [sflag:s29], $0x80  }
0x3d0: {  	[sflag:s29] =	ssyncset.done $0x0  }
0x3d1: {  	[sflag:s29] =	ssyncadd.s32 $0xFFFFFF80  }
0x3d2: {  	s31 =	simm.s32 $0x0;
	v0 =	vld [tilespmem:$0x100]  }
0x3d3: {  	v1 =	vld [tilespmem:s31+$0x55A0];
	_ =	sdelay $0x1  }
0x3d4: {  	v2 =	vld [tilespmem:s31+$0x69A0];
	_ =	sdelay $0x2  }
0x3d5: {  	v1 =	vmul.f32 v1, v0;
	_ =	sdelay $0x1  }
0x3d6: {  	s0 =	simm.s32 $0x10;
	s1 =	simm.s32 $0x80;
	v1 =	vadd.f32 v1, v2  }
.LBB2_34:
0x3d7: {  	p0 =	sne.s32 s1, $0x7C0;
	v2 =	vld [tilespmem:s0+$0x55A0]  }
0x3d8: {  	[tilespmem:s31+$0x69A0] =	vst v1;
	s31 =	smov.u32 s0  }
0x3d9: {  	v1 =	vld [tilespmem:s31+$0x69A0]  }
.Ltmp16:
0x3da: {  	(pc) =	sbr.rel @p0 .LBB2_34-.Ltmp16, $3  }
0x3db: {  	_ = 	snop  }
0x3dc: {  	v2 =	vmul.f32 v2, v0;
	_ =	sdelay $0x1  }
0x3dd: {  	s0 =	sshra.s32 s1, $0x2;
	s1 =	sadd.s32 $0x40, s1;
	v1 =	vadd.f32 v2, v1  }
0x3de: {  	v2 =	vld [tilespmem:s0+$0x55A0]  }
0x3df: {  	[tilespmem:s31+$0x69A0] =	vst v1  }
0x3e0: {  	v1 =	vld [tilespmem:s0+$0x69A0];
	_ =	sdelay $0x2  }
0x3e1: {  	v0 =	vmul.f32 v2, v0;
	_ =	sdelay $0x1  }
0x3e2: {  	v0 =	vadd.f32 v0, v1;
	_ =	sdelay $0x1  }
0x3e3: {  	[tilespmem:s0+$0x69A0] =	vst v0  }
0x3e4: {  	_ =	swait.ge [sflag:s30], $0x200  }
0x3e5: {  	[sflag:s30] =	ssyncset.done $0x0  }
0x3e6: {  	s5 =	simm.s32 $0x25A0;
	s1 =	simm.s32 $0x59A0;
	[sflag:s30] =	ssyncadd.s32 $0xFFFFFE00  }
0x3e7: {  	[tilespmem:s1], [sflag:$0x2] =	stream.indirect.gather [hbm4b:s20+s19], $0x1, s5, s19, $0xb8;
	[tilespmem:$0x6BA0] =	vst v63  }
0x3e8: {  	s6 =	simm.s32 $0x2620;
	s8 =	simm.s32 $0x5A20  }
0x3e9: {  	[tilespmem:s8], [sflag:$0x2] =	stream.indirect.gather [hbm4b:s20+s19], $0x1, s6, s19, $0xb8;
	[tilespmem:$0x6BA0] =	vst v63  }
0x3ea: {  	s4 =	simm.s32 $0x26A0;
	s5 =	simm.s32 $0x5AA0  }
0x3eb: {  	[tilespmem:s5], [sflag:$0x2] =	stream.indirect.gather [hbm4b:s20+s19], $0x1, s4, s19, $0xb8;
	[tilespmem:$0x6BA0] =	vst v63  }
0x3ec: {  	s6 =	simm.s32 $0x2720;
	s8 =	simm.s32 $0x5B20  }
0x3ed: {  	[tilespmem:s8], [sflag:$0x2] =	stream.indirect.gather [hbm4b:s20+s19], $0x1, s6, s19, $0xb8;
	[tilespmem:$0x6BA0] =	vst v63  }
0x3ee: {  	_ =	swait.ge [sflag:s2], $0x80  }
0x3ef: {  	[sflag:s2] =	ssyncset.done $0x0  }
0x3f0: {  	[sflag:s2] =	ssyncadd.s32 $0xFFFFFF80  }
0x3f1: {  	_ =	swait.ge [sflag:s2], $0x80  }
0x3f2: {  	[sflag:s2] =	ssyncset.done $0x0  }
0x3f3: {  	[sflag:s2] =	ssyncadd.s32 $0xFFFFFF80  }
0x3f4: {  	_ =	swait.ge [sflag:s2], $0x80  }
0x3f5: {  	[sflag:s2] =	ssyncset.done $0x0  }
0x3f6: {  	[sflag:s2] =	ssyncadd.s32 $0xFFFFFF80  }
0x3f7: {  	_ =	swait.ge [sflag:s2], $0x80  }
0x3f8: {  	[sflag:s2] =	ssyncset.done $0x0  }
0x3f9: {  	[sflag:s2] =	ssyncadd.s32 $0xFFFFFF80  }
0x3fa: {  	s31 =	simm.s32 $0x0;
	v0 =	vld [tilespmem:$0x110]  }
0x3fb: {  	v1 =	vld [tilespmem:s31+$0x57A0];
	_ =	sdelay $0x1  }
0x3fc: {  	v2 =	vld [tilespmem:s31+$0x69A0];
	_ =	sdelay $0x2  }
0x3fd: {  	v1 =	vmul.f32 v1, v0;
	_ =	sdelay $0x1  }
0x3fe: {  	s0 =	simm.s32 $0x10;
	s1 =	simm.s32 $0x80;
	v1 =	vadd.f32 v1, v2  }
.LBB2_36:
0x3ff: {  	p0 =	sne.s32 s1, $0x7C0;
	v2 =	vld [tilespmem:s0+$0x57A0]  }
0x400: {  	[tilespmem:s31+$0x69A0] =	vst v1;
	s31 =	smov.u32 s0  }
0x401: {  	v1 =	vld [tilespmem:s31+$0x69A0]  }
.Ltmp17:
0x402: {  	(pc) =	sbr.rel @p0 .LBB2_36-.Ltmp17, $3  }
0x403: {  	_ = 	snop  }
0x404: {  	v2 =	vmul.f32 v2, v0;
	_ =	sdelay $0x1  }
0x405: {  	s0 =	sshra.s32 s1, $0x2;
	s1 =	sadd.s32 $0x40, s1;
	v1 =	vadd.f32 v2, v1  }
0x406: {  	v2 =	vld [tilespmem:s0+$0x57A0]  }
0x407: {  	[tilespmem:s31+$0x69A0] =	vst v1  }
0x408: {  	v1 =	vld [tilespmem:s0+$0x69A0];
	_ =	sdelay $0x2  }
0x409: {  	v0 =	vmul.f32 v2, v0;
	_ =	sdelay $0x1  }
0x40a: {  	v0 =	vadd.f32 v0, v1;
	_ =	sdelay $0x1  }
0x40b: {  	[tilespmem:s0+$0x69A0] =	vst v0  }
0x40c: {  	_ =	swait.ge [sflag:s30], $0x200  }
0x40d: {  	[sflag:s30] =	ssyncset.done $0x0  }
0x40e: {  	s5 =	simm.s32 $0x5BA0;
	s1 =	simm.s32 $0x27A0;
	[sflag:s30] =	ssyncadd.s32 $0xFFFFFE00  }
0x40f: {  	[tilespmem:s5], [sflag:$0x3] =	stream.indirect.gather [hbm4b:s21+s19], $0x1, s1, s19, $0xb8;
	[tilespmem:$0x6BA0] =	vst v63  }
0x410: {  	s6 =	simm.s32 $0x2820;
	s8 =	simm.s32 $0x5C20  }
0x411: {  	[tilespmem:s8], [sflag:$0x3] =	stream.indirect.gather [hbm4b:s21+s19], $0x1, s6, s19, $0xb8;
	[tilespmem:$0x6BA0] =	vst v63  }
0x412: {  	s4 =	simm.s32 $0x28A0;
	s5 =	simm.s32 $0x5CA0  }
0x413: {  	[tilespmem:s5], [sflag:$0x3] =	stream.indirect.gather [hbm4b:s21+s19], $0x1, s4, s19, $0xb8;
	[tilespmem:$0x6BA0] =	vst v63  }
0x414: {  	s6 =	simm.s32 $0x2920;
	s8 =	simm.s32 $0x5D20  }
0x415: {  	[tilespmem:s8], [sflag:$0x3] =	stream.indirect.gather [hbm4b:s21+s19], $0x1, s6, s19, $0xb8;
	[tilespmem:$0x6BA0] =	vst v63  }
0x416: {  	_ =	swait.ge [sflag:s29], $0x80  }
0x417: {  	[sflag:s29] =	ssyncset.done $0x0  }
0x418: {  	[sflag:s29] =	ssyncadd.s32 $0xFFFFFF80  }
0x419: {  	_ =	swait.ge [sflag:s29], $0x80  }
0x41a: {  	[sflag:s29] =	ssyncset.done $0x0  }
0x41b: {  	[sflag:s29] =	ssyncadd.s32 $0xFFFFFF80  }
0x41c: {  	_ =	swait.ge [sflag:s29], $0x80  }
0x41d: {  	[sflag:s29] =	ssyncset.done $0x0  }
0x41e: {  	[sflag:s29] =	ssyncadd.s32 $0xFFFFFF80  }
0x41f: {  	_ =	swait.ge [sflag:s29], $0x80  }
0x420: {  	[sflag:s29] =	ssyncset.done $0x0  }
0x421: {  	[sflag:s29] =	ssyncadd.s32 $0xFFFFFF80  }
0x422: {  	s31 =	simm.s32 $0x0;
	v0 =	vld [tilespmem:$0x120]  }
0x423: {  	v1 =	vld [tilespmem:s31+$0x59A0];
	_ =	sdelay $0x1  }
0x424: {  	v2 =	vld [tilespmem:s31+$0x69A0];
	_ =	sdelay $0x2  }
0x425: {  	v1 =	vmul.f32 v1, v0;
	_ =	sdelay $0x1  }
0x426: {  	s0 =	simm.s32 $0x10;
	s1 =	simm.s32 $0x80;
	v1 =	vadd.f32 v1, v2  }
.LBB2_38:
0x427: {  	p0 =	sne.s32 s1, $0x7C0;
	v2 =	vld [tilespmem:s0+$0x59A0]  }
0x428: {  	[tilespmem:s31+$0x69A0] =	vst v1;
	s31 =	smov.u32 s0  }
0x429: {  	v1 =	vld [tilespmem:s31+$0x69A0]  }
.Ltmp18:
0x42a: {  	(pc) =	sbr.rel @p0 .LBB2_38-.Ltmp18, $3  }
0x42b: {  	_ = 	snop  }
0x42c: {  	v2 =	vmul.f32 v2, v0;
	_ =	sdelay $0x1  }
0x42d: {  	s0 =	sshra.s32 s1, $0x2;
	s1 =	sadd.s32 $0x40, s1;
	v1 =	vadd.f32 v2, v1  }
0x42e: {  	v2 =	vld [tilespmem:s0+$0x59A0]  }
0x42f: {  	[tilespmem:s31+$0x69A0] =	vst v1  }
0x430: {  	v1 =	vld [tilespmem:s0+$0x69A0];
	_ =	sdelay $0x2  }
0x431: {  	v0 =	vmul.f32 v2, v0;
	_ =	sdelay $0x1  }
0x432: {  	v0 =	vadd.f32 v0, v1;
	_ =	sdelay $0x1  }
0x433: {  	[tilespmem:s0+$0x69A0] =	vst v0  }
0x434: {  	_ =	swait.ge [sflag:s30], $0x200  }
0x435: {  	[sflag:s30] =	ssyncset.done $0x0  }
0x436: {  	s5 =	simm.s32 $0x29A0;
	s1 =	simm.s32 $0x5DA0;
	[sflag:s30] =	ssyncadd.s32 $0xFFFFFE00  }
0x437: {  	[tilespmem:s1], [sflag:$0x2] =	stream.indirect.gather [hbm4b:s22+s19], $0x1, s5, s19, $0xb8;
	[tilespmem:$0x6BA0] =	vst v63  }
0x438: {  	s6 =	simm.s32 $0x2A20;
	s8 =	simm.s32 $0x5E20  }
0x439: {  	[tilespmem:s8], [sflag:$0x2] =	stream.indirect.gather [hbm4b:s22+s19], $0x1, s6, s19, $0xb8;
	[tilespmem:$0x6BA0] =	vst v63  }
0x43a: {  	s4 =	simm.s32 $0x2AA0;
	s5 =	simm.s32 $0x5EA0  }
0x43b: {  	[tilespmem:s5], [sflag:$0x2] =	stream.indirect.gather [hbm4b:s22+s19], $0x1, s4, s19, $0xb8;
	[tilespmem:$0x6BA0] =	vst v63  }
0x43c: {  	s6 =	simm.s32 $0x2B20;
	s8 =	simm.s32 $0x5F20  }
0x43d: {  	[tilespmem:s8], [sflag:$0x2] =	stream.indirect.gather [hbm4b:s22+s19], $0x1, s6, s19, $0xb8;
	[tilespmem:$0x6BA0] =	vst v63  }
0x43e: {  	_ =	swait.ge [sflag:s2], $0x80  }
0x43f: {  	[sflag:s2] =	ssyncset.done $0x0  }
0x440: {  	[sflag:s2] =	ssyncadd.s32 $0xFFFFFF80  }
0x441: {  	_ =	swait.ge [sflag:s2], $0x80  }
0x442: {  	[sflag:s2] =	ssyncset.done $0x0  }
0x443: {  	[sflag:s2] =	ssyncadd.s32 $0xFFFFFF80  }
0x444: {  	_ =	swait.ge [sflag:s2], $0x80  }
0x445: {  	[sflag:s2] =	ssyncset.done $0x0  }
0x446: {  	[sflag:s2] =	ssyncadd.s32 $0xFFFFFF80  }
0x447: {  	_ =	swait.ge [sflag:s2], $0x80  }
0x448: {  	[sflag:s2] =	ssyncset.done $0x0  }
0x449: {  	[sflag:s2] =	ssyncadd.s32 $0xFFFFFF80  }
0x44a: {  	s31 =	simm.s32 $0x0;
	v0 =	vld [tilespmem:$0x130]  }
0x44b: {  	v1 =	vld [tilespmem:s31+$0x5BA0];
	_ =	sdelay $0x1  }
0x44c: {  	v2 =	vld [tilespmem:s31+$0x69A0];
	_ =	sdelay $0x2  }
0x44d: {  	v1 =	vmul.f32 v1, v0;
	_ =	sdelay $0x1  }
0x44e: {  	s0 =	simm.s32 $0x10;
	s1 =	simm.s32 $0x80;
	v1 =	vadd.f32 v1, v2  }
.LBB2_40:
0x44f: {  	p0 =	sne.s32 s1, $0x7C0;
	v2 =	vld [tilespmem:s0+$0x5BA0]  }
0x450: {  	[tilespmem:s31+$0x69A0] =	vst v1;
	s31 =	smov.u32 s0  }
0x451: {  	v1 =	vld [tilespmem:s31+$0x69A0]  }
.Ltmp19:
0x452: {  	(pc) =	sbr.rel @p0 .LBB2_40-.Ltmp19, $3  }
0x453: {  	_ = 	snop  }
0x454: {  	v2 =	vmul.f32 v2, v0;
	_ =	sdelay $0x1  }
0x455: {  	s0 =	sshra.s32 s1, $0x2;
	s1 =	sadd.s32 $0x40, s1;
	v1 =	vadd.f32 v2, v1  }
0x456: {  	v2 =	vld [tilespmem:s0+$0x5BA0]  }
0x457: {  	[tilespmem:s31+$0x69A0] =	vst v1  }
0x458: {  	v1 =	vld [tilespmem:s0+$0x69A0];
	_ =	sdelay $0x2  }
0x459: {  	v0 =	vmul.f32 v2, v0;
	_ =	sdelay $0x1  }
0x45a: {  	v0 =	vadd.f32 v0, v1;
	_ =	sdelay $0x1  }
0x45b: {  	[tilespmem:s0+$0x69A0] =	vst v0  }
0x45c: {  	_ =	swait.ge [sflag:s30], $0x200  }
0x45d: {  	[sflag:s30] =	ssyncset.done $0x0  }
0x45e: {  	s5 =	simm.s32 $0x5FA0;
	s1 =	simm.s32 $0x2BA0;
	[sflag:s30] =	ssyncadd.s32 $0xFFFFFE00  }
0x45f: {  	[tilespmem:s5], [sflag:$0x3] =	stream.indirect.gather [hbm4b:s23+s19], $0x1, s1, s19, $0xb8;
	[tilespmem:$0x6BA0] =	vst v63  }
0x460: {  	s6 =	simm.s32 $0x2C20;
	s8 =	simm.s32 $0x6020  }
0x461: {  	[tilespmem:s8], [sflag:$0x3] =	stream.indirect.gather [hbm4b:s23+s19], $0x1, s6, s19, $0xb8;
	[tilespmem:$0x6BA0] =	vst v63  }
0x462: {  	s4 =	simm.s32 $0x2CA0;
	s5 =	simm.s32 $0x60A0  }
0x463: {  	[tilespmem:s5], [sflag:$0x3] =	stream.indirect.gather [hbm4b:s23+s19], $0x1, s4, s19, $0xb8;
	[tilespmem:$0x6BA0] =	vst v63  }
0x464: {  	s6 =	simm.s32 $0x2D20;
	s8 =	simm.s32 $0x6120  }
0x465: {  	[tilespmem:s8], [sflag:$0x3] =	stream.indirect.gather [hbm4b:s23+s19], $0x1, s6, s19, $0xb8;
	[tilespmem:$0x6BA0] =	vst v63  }
0x466: {  	_ =	swait.ge [sflag:s29], $0x80  }
0x467: {  	[sflag:s29] =	ssyncset.done $0x0  }
0x468: {  	[sflag:s29] =	ssyncadd.s32 $0xFFFFFF80  }
0x469: {  	_ =	swait.ge [sflag:s29], $0x80  }
0x46a: {  	[sflag:s29] =	ssyncset.done $0x0  }
0x46b: {  	[sflag:s29] =	ssyncadd.s32 $0xFFFFFF80  }
0x46c: {  	_ =	swait.ge [sflag:s29], $0x80  }
0x46d: {  	[sflag:s29] =	ssyncset.done $0x0  }
0x46e: {  	[sflag:s29] =	ssyncadd.s32 $0xFFFFFF80  }
0x46f: {  	_ =	swait.ge [sflag:s29], $0x80  }
0x470: {  	[sflag:s29] =	ssyncset.done $0x0  }
0x471: {  	[sflag:s29] =	ssyncadd.s32 $0xFFFFFF80  }
0x472: {  	s31 =	simm.s32 $0x0;
	v0 =	vld [tilespmem:$0x140]  }
0x473: {  	v1 =	vld [tilespmem:s31+$0x5DA0];
	_ =	sdelay $0x1  }
0x474: {  	v2 =	vld [tilespmem:s31+$0x69A0];
	_ =	sdelay $0x2  }
0x475: {  	v1 =	vmul.f32 v1, v0;
	_ =	sdelay $0x1  }
0x476: {  	s0 =	simm.s32 $0x10;
	s1 =	simm.s32 $0x80;
	v1 =	vadd.f32 v1, v2  }
.LBB2_42:
0x477: {  	p0 =	sne.s32 s1, $0x7C0;
	v2 =	vld [tilespmem:s0+$0x5DA0]  }
0x478: {  	[tilespmem:s31+$0x69A0] =	vst v1;
	s31 =	smov.u32 s0  }
0x479: {  	v1 =	vld [tilespmem:s31+$0x69A0]  }
.Ltmp20:
0x47a: {  	(pc) =	sbr.rel @p0 .LBB2_42-.Ltmp20, $3  }
0x47b: {  	_ = 	snop  }
0x47c: {  	v2 =	vmul.f32 v2, v0;
	_ =	sdelay $0x1  }
0x47d: {  	s0 =	sshra.s32 s1, $0x2;
	s1 =	sadd.s32 $0x40, s1;
	v1 =	vadd.f32 v2, v1  }
0x47e: {  	v2 =	vld [tilespmem:s0+$0x5DA0]  }
0x47f: {  	[tilespmem:s31+$0x69A0] =	vst v1  }
0x480: {  	v1 =	vld [tilespmem:s0+$0x69A0];
	_ =	sdelay $0x2  }
0x481: {  	v0 =	vmul.f32 v2, v0;
	_ =	sdelay $0x1  }
0x482: {  	v0 =	vadd.f32 v0, v1;
	_ =	sdelay $0x1  }
0x483: {  	[tilespmem:s0+$0x69A0] =	vst v0  }
0x484: {  	_ =	swait.ge [sflag:s30], $0x200  }
0x485: {  	[sflag:s30] =	ssyncset.done $0x0  }
0x486: {  	s5 =	simm.s32 $0x2DA0;
	s1 =	simm.s32 $0x61A0;
	[sflag:s30] =	ssyncadd.s32 $0xFFFFFE00  }
0x487: {  	[tilespmem:s1], [sflag:$0x2] =	stream.indirect.gather [hbm4b:s24+s19], $0x1, s5, s19, $0xb8;
	[tilespmem:$0x6BA0] =	vst v63  }
0x488: {  	s6 =	simm.s32 $0x2E20;
	s8 =	simm.s32 $0x6220  }
0x489: {  	[tilespmem:s8], [sflag:$0x2] =	stream.indirect.gather [hbm4b:s24+s19], $0x1, s6, s19, $0xb8;
	[tilespmem:$0x6BA0] =	vst v63  }
0x48a: {  	s4 =	simm.s32 $0x2EA0;
	s5 =	simm.s32 $0x62A0  }
0x48b: {  	[tilespmem:s5], [sflag:$0x2] =	stream.indirect.gather [hbm4b:s24+s19], $0x1, s4, s19, $0xb8;
	[tilespmem:$0x6BA0] =	vst v63  }
0x48c: {  	s6 =	simm.s32 $0x2F20;
	s8 =	simm.s32 $0x6320  }
0x48d: {  	[tilespmem:s8], [sflag:$0x2] =	stream.indirect.gather [hbm4b:s24+s19], $0x1, s6, s19, $0xb8;
	[tilespmem:$0x6BA0] =	vst v63  }
0x48e: {  	_ =	swait.ge [sflag:s2], $0x80  }
0x48f: {  	[sflag:s2] =	ssyncset.done $0x0  }
0x490: {  	[sflag:s2] =	ssyncadd.s32 $0xFFFFFF80  }
0x491: {  	_ =	swait.ge [sflag:s2], $0x80  }
0x492: {  	[sflag:s2] =	ssyncset.done $0x0  }
0x493: {  	[sflag:s2] =	ssyncadd.s32 $0xFFFFFF80  }
0x494: {  	_ =	swait.ge [sflag:s2], $0x80  }
0x495: {  	[sflag:s2] =	ssyncset.done $0x0  }
0x496: {  	[sflag:s2] =	ssyncadd.s32 $0xFFFFFF80  }
0x497: {  	_ =	swait.ge [sflag:s2], $0x80  }
0x498: {  	[sflag:s2] =	ssyncset.done $0x0  }
0x499: {  	[sflag:s2] =	ssyncadd.s32 $0xFFFFFF80  }
0x49a: {  	s31 =	simm.s32 $0x0;
	v0 =	vld [tilespmem:$0x150]  }
0x49b: {  	v1 =	vld [tilespmem:s31+$0x5FA0];
	_ =	sdelay $0x1  }
0x49c: {  	v2 =	vld [tilespmem:s31+$0x69A0];
	_ =	sdelay $0x2  }
0x49d: {  	v1 =	vmul.f32 v1, v0;
	_ =	sdelay $0x1  }
0x49e: {  	s0 =	simm.s32 $0x10;
	s1 =	simm.s32 $0x80;
	v1 =	vadd.f32 v1, v2  }
.LBB2_44:
0x49f: {  	p0 =	sne.s32 s1, $0x7C0;
	v2 =	vld [tilespmem:s0+$0x5FA0]  }
0x4a0: {  	[tilespmem:s31+$0x69A0] =	vst v1;
	s31 =	smov.u32 s0  }
0x4a1: {  	v1 =	vld [tilespmem:s31+$0x69A0]  }
.Ltmp21:
0x4a2: {  	(pc) =	sbr.rel @p0 .LBB2_44-.Ltmp21, $3  }
0x4a3: {  	_ = 	snop  }
0x4a4: {  	v2 =	vmul.f32 v2, v0;
	_ =	sdelay $0x1  }
0x4a5: {  	s0 =	sshra.s32 s1, $0x2;
	s1 =	sadd.s32 $0x40, s1;
	v1 =	vadd.f32 v2, v1  }
0x4a6: {  	v2 =	vld [tilespmem:s0+$0x5FA0]  }
0x4a7: {  	[tilespmem:s31+$0x69A0] =	vst v1  }
0x4a8: {  	v1 =	vld [tilespmem:s0+$0x69A0];
	_ =	sdelay $0x2  }
0x4a9: {  	v0 =	vmul.f32 v2, v0;
	_ =	sdelay $0x1  }
0x4aa: {  	v0 =	vadd.f32 v0, v1;
	_ =	sdelay $0x1  }
0x4ab: {  	[tilespmem:s0+$0x69A0] =	vst v0  }
0x4ac: {  	_ =	swait.ge [sflag:s30], $0x200  }
0x4ad: {  	[sflag:s30] =	ssyncset.done $0x0  }
0x4ae: {  	s5 =	simm.s32 $0x63A0;
	s1 =	simm.s32 $0x2FA0;
	[sflag:s30] =	ssyncadd.s32 $0xFFFFFE00  }
0x4af: {  	[tilespmem:s5], [sflag:$0x3] =	stream.indirect.gather [hbm4b:s25+s19], $0x1, s1, s19, $0xb8;
	[tilespmem:$0x6BA0] =	vst v63  }
0x4b0: {  	s6 =	simm.s32 $0x3020;
	s8 =	simm.s32 $0x6420  }
0x4b1: {  	[tilespmem:s8], [sflag:$0x3] =	stream.indirect.gather [hbm4b:s25+s19], $0x1, s6, s19, $0xb8;
	[tilespmem:$0x6BA0] =	vst v63  }
0x4b2: {  	s4 =	simm.s32 $0x30A0;
	s5 =	simm.s32 $0x64A0  }
0x4b3: {  	[tilespmem:s5], [sflag:$0x3] =	stream.indirect.gather [hbm4b:s25+s19], $0x1, s4, s19, $0xb8;
	[tilespmem:$0x6BA0] =	vst v63  }
0x4b4: {  	s6 =	simm.s32 $0x3120;
	s8 =	simm.s32 $0x6520  }
0x4b5: {  	[tilespmem:s8], [sflag:$0x3] =	stream.indirect.gather [hbm4b:s25+s19], $0x1, s6, s19, $0xb8;
	[tilespmem:$0x6BA0] =	vst v63  }
0x4b6: {  	_ =	swait.ge [sflag:s29], $0x80  }
0x4b7: {  	[sflag:s29] =	ssyncset.done $0x0  }
0x4b8: {  	[sflag:s29] =	ssyncadd.s32 $0xFFFFFF80  }
0x4b9: {  	_ =	swait.ge [sflag:s29], $0x80  }
0x4ba: {  	[sflag:s29] =	ssyncset.done $0x0  }
0x4bb: {  	[sflag:s29] =	ssyncadd.s32 $0xFFFFFF80  }
0x4bc: {  	_ =	swait.ge [sflag:s29], $0x80  }
0x4bd: {  	[sflag:s29] =	ssyncset.done $0x0  }
0x4be: {  	[sflag:s29] =	ssyncadd.s32 $0xFFFFFF80  }
0x4bf: {  	_ =	swait.ge [sflag:s29], $0x80  }
0x4c0: {  	[sflag:s29] =	ssyncset.done $0x0  }
0x4c1: {  	[sflag:s29] =	ssyncadd.s32 $0xFFFFFF80  }
0x4c2: {  	s31 =	simm.s32 $0x0;
	v0 =	vld [tilespmem:$0x160]  }
0x4c3: {  	v1 =	vld [tilespmem:s31+$0x61A0];
	_ =	sdelay $0x1  }
0x4c4: {  	v2 =	vld [tilespmem:s31+$0x69A0];
	_ =	sdelay $0x2  }
0x4c5: {  	v1 =	vmul.f32 v1, v0;
	_ =	sdelay $0x1  }
0x4c6: {  	s0 =	simm.s32 $0x10;
	s1 =	simm.s32 $0x80;
	v1 =	vadd.f32 v1, v2  }
.LBB2_46:
0x4c7: {  	p0 =	sne.s32 s1, $0x7C0;
	v2 =	vld [tilespmem:s0+$0x61A0]  }
0x4c8: {  	[tilespmem:s31+$0x69A0] =	vst v1;
	s31 =	smov.u32 s0  }
0x4c9: {  	v1 =	vld [tilespmem:s31+$0x69A0]  }
.Ltmp22:
0x4ca: {  	(pc) =	sbr.rel @p0 .LBB2_46-.Ltmp22, $3  }
0x4cb: {  	_ = 	snop  }
0x4cc: {  	v2 =	vmul.f32 v2, v0;
	_ =	sdelay $0x1  }
0x4cd: {  	s0 =	sshra.s32 s1, $0x2;
	s1 =	sadd.s32 $0x40, s1;
	v1 =	vadd.f32 v2, v1  }
0x4ce: {  	v2 =	vld [tilespmem:s0+$0x61A0]  }
0x4cf: {  	[tilespmem:s31+$0x69A0] =	vst v1  }
0x4d0: {  	v1 =	vld [tilespmem:s0+$0x69A0];
	_ =	sdelay $0x2  }
0x4d1: {  	v0 =	vmul.f32 v2, v0;
	_ =	sdelay $0x1  }
0x4d2: {  	v0 =	vadd.f32 v0, v1;
	_ =	sdelay $0x1  }
0x4d3: {  	[tilespmem:s0+$0x69A0] =	vst v0  }
0x4d4: {  	_ =	swait.ge [sflag:s30], $0x200  }
0x4d5: {  	[sflag:s30] =	ssyncset.done $0x0  }
0x4d6: {  	s5 =	simm.s32 $0x31A0;
	s1 =	simm.s32 $0x65A0;
	[sflag:s30] =	ssyncadd.s32 $0xFFFFFE00  }
0x4d7: {  	[tilespmem:s1], [sflag:$0x2] =	stream.indirect.gather [hbm4b:s26+s19], $0x1, s5, s19, $0xb8;
	[tilespmem:$0x6BA0] =	vst v63  }
0x4d8: {  	s6 =	simm.s32 $0x3220;
	s8 =	simm.s32 $0x6620  }
0x4d9: {  	[tilespmem:s8], [sflag:$0x2] =	stream.indirect.gather [hbm4b:s26+s19], $0x1, s6, s19, $0xb8;
	[tilespmem:$0x6BA0] =	vst v63  }
0x4da: {  	s4 =	simm.s32 $0x32A0;
	s5 =	simm.s32 $0x66A0  }
0x4db: {  	[tilespmem:s5], [sflag:$0x2] =	stream.indirect.gather [hbm4b:s26+s19], $0x1, s4, s19, $0xb8;
	[tilespmem:$0x6BA0] =	vst v63  }
0x4dc: {  	s6 =	simm.s32 $0x3320;
	s8 =	simm.s32 $0x6720  }
0x4dd: {  	[tilespmem:s8], [sflag:$0x2] =	stream.indirect.gather [hbm4b:s26+s19], $0x1, s6, s19, $0xb8;
	[tilespmem:$0x6BA0] =	vst v63  }
0x4de: {  	_ =	swait.ge [sflag:s2], $0x80  }
0x4df: {  	[sflag:s2] =	ssyncset.done $0x0  }
0x4e0: {  	[sflag:s2] =	ssyncadd.s32 $0xFFFFFF80  }
0x4e1: {  	_ =	swait.ge [sflag:s2], $0x80  }
0x4e2: {  	[sflag:s2] =	ssyncset.done $0x0  }
0x4e3: {  	[sflag:s2] =	ssyncadd.s32 $0xFFFFFF80  }
0x4e4: {  	_ =	swait.ge [sflag:s2], $0x80  }
0x4e5: {  	[sflag:s2] =	ssyncset.done $0x0  }
0x4e6: {  	[sflag:s2] =	ssyncadd.s32 $0xFFFFFF80  }
0x4e7: {  	_ =	swait.ge [sflag:s2], $0x80  }
0x4e8: {  	[sflag:s2] =	ssyncset.done $0x0  }
0x4e9: {  	[sflag:s2] =	ssyncadd.s32 $0xFFFFFF80  }
0x4ea: {  	s31 =	simm.s32 $0x0;
	v0 =	vld [tilespmem:$0x170]  }
0x4eb: {  	v1 =	vld [tilespmem:s31+$0x63A0];
	_ =	sdelay $0x1  }
0x4ec: {  	v2 =	vld [tilespmem:s31+$0x69A0];
	_ =	sdelay $0x2  }
0x4ed: {  	v1 =	vmul.f32 v1, v0;
	_ =	sdelay $0x1  }
0x4ee: {  	s0 =	simm.s32 $0x10;
	s1 =	simm.s32 $0x80;
	v1 =	vadd.f32 v1, v2  }
.LBB2_48:
0x4ef: {  	p0 =	sne.s32 s1, $0x7C0;
	v2 =	vld [tilespmem:s0+$0x63A0]  }
0x4f0: {  	[tilespmem:s31+$0x69A0] =	vst v1;
	s31 =	smov.u32 s0  }
0x4f1: {  	v1 =	vld [tilespmem:s31+$0x69A0]  }
.Ltmp23:
0x4f2: {  	(pc) =	sbr.rel @p0 .LBB2_48-.Ltmp23, $3  }
0x4f3: {  	_ = 	snop  }
0x4f4: {  	v2 =	vmul.f32 v2, v0;
	_ =	sdelay $0x1  }
0x4f5: {  	s0 =	sshra.s32 s1, $0x2;
	s1 =	sadd.s32 $0x40, s1;
	v1 =	vadd.f32 v2, v1  }
0x4f6: {  	v2 =	vld [tilespmem:s0+$0x63A0]  }
0x4f7: {  	[tilespmem:s31+$0x69A0] =	vst v1  }
0x4f8: {  	v1 =	vld [tilespmem:s0+$0x69A0];
	_ =	sdelay $0x2  }
0x4f9: {  	v0 =	vmul.f32 v2, v0;
	_ =	sdelay $0x1  }
0x4fa: {  	v0 =	vadd.f32 v0, v1;
	_ =	sdelay $0x1  }
0x4fb: {  	[tilespmem:s0+$0x69A0] =	vst v0  }
0x4fc: {  	_ =	swait.ge [sflag:s30], $0x200  }
0x4fd: {  	[sflag:s30] =	ssyncset.done $0x0  }
0x4fe: {  	s1 =	simm.s32 $0x67A0;
	[sflag:s30] =	ssyncadd.s32 $0xFFFFFE00  }
0x4ff: {  	[tilespmem:s1], [sflag:$0x3] =	stream.indirect.gather [hbm4b:s28+s19], $0x1, s7, s19, $0xb8;
	[tilespmem:$0x6BA0] =	vst v63  }
0x500: {  	s4 =	simm.s32 $0x3420;
	s1 =	simm.s32 $0x6820  }
0x501: {  	[tilespmem:s1], [sflag:$0x3] =	stream.indirect.gather [hbm4b:s28+s19], $0x1, s4, s19, $0xb8;
	[tilespmem:$0x6BA0] =	vst v63  }
0x502: {  	s5 =	simm.s32 $0x34A0;
	s6 =	simm.s32 $0x68A0  }
0x503: {  	[tilespmem:s6], [sflag:$0x3] =	stream.indirect.gather [hbm4b:s28+s19], $0x1, s5, s19, $0xb8;
	[tilespmem:$0x6BA0] =	vst v63  }
0x504: {  	s8 =	simm.s32 $0x6920;
	s7 =	simm.s32 $0x3520  }
0x505: {  	[tilespmem:s8], [sflag:$0x3] =	stream.indirect.gather [hbm4b:s28+s19], $0x1, s7, s19, $0xb8;
	[tilespmem:$0x6BA0] =	vst v63  }
0x506: {  	_ =	swait.ge [sflag:s29], $0x80  }
0x507: {  	[sflag:s29] =	ssyncset.done $0x0  }
0x508: {  	[sflag:s29] =	ssyncadd.s32 $0xFFFFFF80  }
0x509: {  	_ =	swait.ge [sflag:s29], $0x80  }
0x50a: {  	[sflag:s29] =	ssyncset.done $0x0  }
0x50b: {  	[sflag:s29] =	ssyncadd.s32 $0xFFFFFF80  }
0x50c: {  	_ =	swait.ge [sflag:s29], $0x80  }
0x50d: {  	[sflag:s29] =	ssyncset.done $0x0  }
0x50e: {  	[sflag:s29] =	ssyncadd.s32 $0xFFFFFF80  }
0x50f: {  	_ =	swait.ge [sflag:s29], $0x80  }
0x510: {  	[sflag:s29] =	ssyncset.done $0x0  }
0x511: {  	[sflag:s29] =	ssyncadd.s32 $0xFFFFFF80  }
0x512: {  	s31 =	simm.s32 $0x0;
	v0 =	vld [tilespmem:$0x180]  }
0x513: {  	v1 =	vld [tilespmem:s31+$0x65A0];
	_ =	sdelay $0x1  }
0x514: {  	v2 =	vld [tilespmem:s31+$0x69A0];
	_ =	sdelay $0x2  }
0x515: {  	v1 =	vmul.f32 v1, v0;
	_ =	sdelay $0x1  }
0x516: {  	s0 =	simm.s32 $0x10;
	s1 =	simm.s32 $0x80;
	v1 =	vadd.f32 v1, v2  }
.LBB2_50:
0x517: {  	p0 =	sne.s32 s1, $0x7C0;
	v2 =	vld [tilespmem:s0+$0x65A0]  }
0x518: {  	[tilespmem:s31+$0x69A0] =	vst v1;
	s31 =	smov.u32 s0  }
0x519: {  	v1 =	vld [tilespmem:s31+$0x69A0]  }
.Ltmp24:
0x51a: {  	(pc) =	sbr.rel @p0 .LBB2_50-.Ltmp24, $3  }
0x51b: {  	_ = 	snop  }
0x51c: {  	v2 =	vmul.f32 v2, v0;
	_ =	sdelay $0x1  }
0x51d: {  	s0 =	sshra.s32 s1, $0x2;
	s1 =	sadd.s32 $0x40, s1;
	v1 =	vadd.f32 v2, v1  }
0x51e: {  	v2 =	vld [tilespmem:s0+$0x65A0]  }
0x51f: {  	[tilespmem:s31+$0x69A0] =	vst v1  }
0x520: {  	v1 =	vld [tilespmem:s0+$0x69A0];
	_ =	sdelay $0x2  }
0x521: {  	v0 =	vmul.f32 v2, v0;
	_ =	sdelay $0x1  }
0x522: {  	v0 =	vadd.f32 v0, v1;
	_ =	sdelay $0x1  }
0x523: {  	[tilespmem:s0+$0x69A0] =	vst v0  }
0x524: {  	_ =	swait.ge [sflag:s2], $0x80  }
0x525: {  	[sflag:s2] =	ssyncset.done $0x0  }
0x526: {  	[sflag:s2] =	ssyncadd.s32 $0xFFFFFF80  }
0x527: {  	_ =	swait.ge [sflag:s2], $0x80  }
0x528: {  	[sflag:s2] =	ssyncset.done $0x0  }
0x529: {  	[sflag:s2] =	ssyncadd.s32 $0xFFFFFF80  }
0x52a: {  	_ =	swait.ge [sflag:s2], $0x80  }
0x52b: {  	[sflag:s2] =	ssyncset.done $0x0  }
0x52c: {  	[sflag:s2] =	ssyncadd.s32 $0xFFFFFF80  }
0x52d: {  	_ =	swait.ge [sflag:s2], $0x80  }
0x52e: {  	[sflag:s2] =	ssyncset.done $0x0  }
0x52f: {  	[sflag:s2] =	ssyncadd.s32 $0xFFFFFF80  }
0x530: {  	s31 =	simm.s32 $0x0;
	v0 =	vld [tilespmem:$0x190]  }
0x531: {  	v1 =	vld [tilespmem:s31+$0x67A0];
	_ =	sdelay $0x1  }
0x532: {  	v2 =	vld [tilespmem:s31+$0x69A0];
	_ =	sdelay $0x2  }
0x533: {  	v1 =	vmul.f32 v1, v0;
	_ =	sdelay $0x1  }
0x534: {  	s1 =	simm.s32 $0x80;
	s0 =	simm.s32 $0x10;
	v1 =	vadd.f32 v1, v2  }
.LBB2_52:
0x535: {  	p0 =	sne.s32 s1, $0x7C0;
	v2 =	vld [tilespmem:s0+$0x67A0]  }
0x536: {  	[tilespmem:s31+$0x69A0] =	vst v1;
	s31 =	smov.u32 s0  }
0x537: {  	v1 =	vld [tilespmem:s31+$0x69A0]  }
.Ltmp25:
0x538: {  	(pc) =	sbr.rel @p0 .LBB2_52-.Ltmp25, $3  }
0x539: {  	_ = 	snop  }
0x53a: {  	v2 =	vmul.f32 v2, v0;
	_ =	sdelay $0x1  }
0x53b: {  	s0 =	sshra.s32 s1, $0x2;
	s1 =	sadd.s32 $0x40, s1;
	v1 =	vadd.f32 v2, v1  }
0x53c: {  	v2 =	vld [tilespmem:s0+$0x67A0]  }
0x53d: {  	[tilespmem:s31+$0x69A0] =	vst v1  }
0x53e: {  	v1 =	vld [tilespmem:s0+$0x69A0];
	_ =	sdelay $0x2  }
0x53f: {  	v0 =	vmul.f32 v2, v0;
	_ =	sdelay $0x1  }
0x540: {  	s7 =	sld [smem:$0x7FB];
	v0 =	vadd.f32 v0, v1;
	_ =	sdelay $0x1  }
0x541: {  	s1 =	simm.s32 $0x69A0;
	s8 =	simm.s32 $0x4;
	[tilespmem:s0+$0x69A0] =	vst v0  }
0x542: {  	[hbm4b:s7+s3] =	stream.linear.scatter [tilespmem:s1], [sflag:$0x4], $0x200, $0x38;
	[tilespmem:$0x6BA0] =	vst v63  }
0x543: {  	_ =	swait.ge [sflag:s8], $0x200  }
0x544: {  	s31 =	sld [smem:$0x7FC];
	_ =	sdelay $0x1  }
0x545: {  	s16 =	sadd.s32 $0x1, s16  }
0x546: {  	p0 =	sne.s32 s16, s31  }
.Ltmp26:
0x547: {  	_ = 	snop;
	(pc) =	sbr.rel @p0 .LBB2_1-.Ltmp26, $3  }
0x548: {  	_ =	sdelay $0x1  }
0x549: {  	[sflag:s8] =	ssyncset.done $0x0  }
0x54a: {  	[sflag:s8] =	ssyncadd.s32 $0xFFFFFE00  }
0x54b: {  	_ =	sfence.sel $0x180000  }
0x54c: {  	[bflag:$0x0] =	sbarrier.arrive $0xFFFF  }
0x54d: {  	_ =	strace $0x90000047  }
0x54e: {  	s0 =	stileid.u32;
	[bflag:$0x2] =	sbarrier.arrive $0xFFFF  }
0x54f: {  	p0 =	sne.s32 s0, $0x0;
	s0 =	rddreg [dreg:$0x2]  }
0x550: {  	s0 =	sadd.s32 @!p0 $0x100000, s0  }
0x551: {  	[sflag:s0] =	ssyncadd.tile.s32 @!p0 $0x1;
	_ =	shalt  }
.Lfunc_end2:
_tile_overlayer_lowered:
.L_overlay_start_2:
0x552: {  	(tag) =	ssettag $0x2  }
0x553: {  	s0 =	rddreg [dreg:$0x0];
	s2 =	stileid.u32  }
0x554: {  	s1 =	rddreg [dreg:$0x1];
	p0 =	sne.s32 s2, $0x0  }
0x555: {  	s3 =	rddreg [dreg:$0x2];
	[bflag:$0x3] =	sbarrier.arrive $0xFFFF;
	s2 =	simm.s32 @!p0 $0x1C04  }
0x556: {  	[timem:s3], [sflag:s2] =	dma.local @!p0 [hbm:s0], s1  }
0x557: {  	s0 =	simm.s32 @!p0 $0x4  }
0x558: {  	_ =	swait.ge @!p0 [sflag:s0], s1  }
0x559: {  	s1 =	ssub.s32 @!p0 $0x0, s1;
	[sflag:s0] =	ssyncset.done @!p0 $0x0  }
0x55a: {  	[sflag:s0] =	ssyncadd.s32 @!p0 s1  }
0x55b: {  	[bflag:$0x3] =	sbarrier.arrive $0xFFFF  }
0x55c: {  	_ =	shalt  }

</sc_bundles>
